<compile_context>
chip_gen: v7x
topology: tpu7x:2x2x1
jax: 0.10.2.dev20260603
libtpu: 0.0.44.dev20260713+nightly
codegen_flags: <defaults>
</compile_context>

<pallas_src>
import jax
import jax.numpy as jnp
from jax import lax
from jax.experimental import pallas as pl
from jax.experimental.pallas import tpu as pltpu
from jax.experimental.pallas import tpu_sc as plsc

N = 10000
D = 128
E = 320000
NC = 2
NS = 16
NW = NC * NS
CHUNK = 80
AR = 10240
RPT = AR // NS

_mesh = plsc.VectorSubcoreMesh(core_axis_name="c", subcore_axis_name="s")


def _fill(ref, nrows, val):
    v = jnp.full((16,), val, jnp.float32)

    def row(i, _):
        def col(j, _):
            ref[i, pl.ds(j * 16, 16)] = v
            return 0
        return lax.fori_loop(0, D // 16, col, 0)
    lax.fori_loop(0, nrows, row, 0)


def _make_agg(layer1):
    nchunk = (E // NS if layer1 else E // NW) // CHUNK

    def body(feat, srci, dsti, out, acc, *bufs):
        c = lax.axis_index("c")
        s = lax.axis_index("s")
        src_v = bufs[0:8]
        dst_v = bufs[8:16]
        rows = bufs[16:20]
        gsem = bufs[20:24]
        ssem = bufs[24:28]
        isem = bufs[28:36]
        base = (s * (E // NS)) if layer1 else ((c * NS + s) * (E // NW))

        _fill(rows[0], CHUNK, 0.0)
        for r in range(RPT // CHUNK):
            pltpu.sync_copy(rows[0], acc.at[pl.ds(s * RPT + r * CHUNK, CHUNK)])
        if layer1:
            for b in range(4):
                _fill(rows[b], CHUNK, 1.0)
        plsc.subcore_barrier()

        def load_idx(ci, i8):
            off = base + ci * CHUNK
            pltpu.async_copy(srci.at[pl.ds(off, CHUNK)], src_v[i8], isem[i8])
            pltpu.async_copy(dsti.at[pl.ds(off, CHUNK)], dst_v[i8], isem[i8])

        def wait_idx(ci, i8):
            off = base + ci * CHUNK
            pltpu.make_async_copy(srci.at[pl.ds(off, CHUNK)], src_v[i8],
                                  isem[i8]).wait()
            pltpu.make_async_copy(dsti.at[pl.ds(off, CHUNK)], dst_v[i8],
                                  isem[i8]).wait()

        def issue_gather(i8, b):
            def gath():
                pltpu.async_copy(feat.at[src_v[i8]], rows[b], gsem[b])
            if layer1:
                pl.when(c == 0)(gath)
            else:
                gath()

        def wait_gather(i8, b):
            def wait():
                pltpu.make_async_copy(feat.at[src_v[i8]], rows[b],
                                      gsem[b]).wait()
            if layer1:
                pl.when(c == 0)(wait)
            else:
                wait()

        def issue_scatter(i8, b):
            pltpu.async_copy(rows[b], acc.at[dst_v[i8]], ssem[b], add=True)

        def wait_scatter(i8, b):
            pltpu.make_async_copy(rows[b], acc.at[dst_v[i8]], ssem[b]).wait()

        for k in range(4):
            load_idx(k, k)
        for k in range(2):
            wait_idx(k, k)
            issue_gather(k, k)

        M = (nchunk // 8) * 8

        @pl.loop(0, M, step=8)
        def _(ci0):
            for b8 in range(8):
                ci = ci0 + b8
                b = b8 % 4

                @pl.when(ci >= 2)
                def _():
                    wait_scatter((b8 + 6) % 8, (b + 2) % 4)

                @pl.when(ci + 4 < nchunk)
                def _():
                    load_idx(ci + 4, (b8 + 4) % 8)

                @pl.when(ci + 2 < nchunk)
                def _():
                    wait_idx(ci + 2, (b8 + 2) % 8)
                    issue_gather((b8 + 2) % 8, (b + 2) % 4)

                wait_gather(b8, b)
                issue_scatter(b8, b)

        for k in range(M, nchunk):
            k8 = k % 8
            kb = k % 4
            if k >= 2:
                wait_scatter((k8 + 6) % 8, (kb + 2) % 4)
            if k + 4 < nchunk:
                load_idx(k + 4, (k8 + 4) % 8)
            if k + 2 < nchunk:
                wait_idx(k + 2, (k8 + 2) % 8)
                issue_gather((k8 + 2) % 8, (kb + 2) % 4)
            wait_gather(k8, kb)
            issue_scatter(k8, kb)
        for k in range(max(nchunk - 2, 0), nchunk):
            wait_scatter(k % 8, k % 4)

        plsc.subcore_barrier()
        pltpu.sync_copy(acc.at[pl.ds(s * RPT, RPT)],
                        out.at[c, pl.ds(s * RPT, RPT)])

    return pl.kernel(
        body,
        out_type=jax.ShapeDtypeStruct((NC, AR, D), jnp.float32),
        mesh=_mesh,
        scratch_types=(
            pltpu.VMEM_SHARED((AR, D), jnp.float32),
            *(pltpu.VMEM((CHUNK,), jnp.int32) for _ in range(16)),
            *(pltpu.VMEM((CHUNK, D), jnp.float32) for _ in range(4)),
            *(pltpu.SemaphoreType.DMA for _ in range(16)),
        ),
    )


_agg1 = _make_agg(True)
_agg2 = _make_agg(False)

_BLK = 1000


def _make_dense(two_partials, relu):
    def body(p_ref, c_ref, x_ref, wl_ref, wr_ref, b_ref, o_ref):
        if two_partials:
            psum = p_ref[0] + p_ref[1]
        else:
            psum = p_ref[0]
        cnt = jnp.maximum(c_ref[0, :, 0:1], 1.0)
        mean = psum / cnt
        acc = lax.dot_general(mean, wl_ref[...], (((1,), (1,)), ((), ())),
                              preferred_element_type=jnp.float32)
        acc = acc + lax.dot_general(x_ref[...], wr_ref[...],
                                    (((1,), (1,)), ((), ())),
                                    preferred_element_type=jnp.float32)
        acc = acc + b_ref[...]
        if relu:
            acc = jnp.maximum(acc, 0.0)
        o_ref[...] = acc

    np = NC if two_partials else 1
    return pl.pallas_call(
        body,
        grid=(N // _BLK,),
        in_specs=[
            pl.BlockSpec((np, _BLK, D), lambda i: (0, i, 0)),
            pl.BlockSpec((1, _BLK, D), lambda i: (1, i, 0)),
            pl.BlockSpec((_BLK, D), lambda i: (i, 0)),
            pl.BlockSpec((D, D), lambda i: (0, 0)),
            pl.BlockSpec((D, D), lambda i: (0, 0)),
            pl.BlockSpec((1, D), lambda i: (0, 0)),
        ],
        out_specs=pl.BlockSpec((_BLK, D), lambda i: (i, 0)),
        out_shape=jax.ShapeDtypeStruct((N, D), jnp.float32),
    )


_dense1 = _make_dense(False, True)
_dense2 = _make_dense(True, False)


@jax.jit
def kernel(x, edge_index, W1l, W1r, b1, W2l, W2r, b2):
    src = edge_index[0].astype(jnp.int32)
    dst = edge_index[1].astype(jnp.int32)
    p1 = _agg1(x, src, dst)
    h = _dense1(p1[0:1], p1, x, W1l, W1r, b1.reshape(1, D))
    p2 = _agg2(h, src, dst)
    return _dense2(p2, p1, h, W2l, W2r, b2.reshape(1, D))

# --- scband reference (transcript-rebuilt; emitter-appended) ---
"""Pipeline reference for scband-graph-sage-14010183320060 (READ-ONLY COPY).

The authoritative reference and input builder live on the scoring server;
editing this copy changes nothing except your own understanding.
"""

import jax, jax.numpy as jnp
import numpy as np

N_NODES = 10000
D_IN = 128
D_HID = 128
D_OUT = 128
N_EDGES = 320000


def _glorot(key, shape):
    fan_in, fan_out = shape[1], shape[0]
    limit = np.sqrt(6.0 / (fan_in + fan_out))
    return jax.random.uniform(key, shape, dtype=jnp.float32, minval=-limit, maxval=limit)


def setup_inputs(seed: int = 0) -> dict:
    key = jax.random.key(seed)
    ks = jax.random.split(key, 8)
    x = jax.random.normal(ks[0], (N_NODES, D_IN), dtype=jnp.float32)
    edge_index = jax.random.randint(ks[1], (2, N_EDGES), 0, N_NODES, dtype=jnp.int64)
    W1l = _glorot(ks[2], (D_HID, D_IN))
    W1r = _glorot(ks[3], (D_HID, D_IN))
    b1 = jnp.zeros((D_HID,), dtype=jnp.float32)
    W2l = _glorot(ks[4], (D_OUT, D_HID))
    W2r = _glorot(ks[5], (D_OUT, D_HID))
    b2 = jnp.zeros((D_OUT,), dtype=jnp.float32)
    return {"x": x, "edge_index": edge_index, "W1l": W1l, "W1r": W1r, "b1": b1, "W2l": W2l, "W2r": W2r, "b2": b2}


def _sage_conv(x, edge_index, Wl, Wr, b):
    # PyG SAGEConv with aggr='mean': out = lin_l(mean_{j in N(i)} x_j) + lin_r(x_i)
    src = edge_index[0]
    dst = edge_index[1]
    n = x.shape[0]
    msgs = jnp.take(x, src, axis=0)
    summed = jax.ops.segment_sum(msgs, dst, num_segments=n)
    counts = jax.ops.segment_sum(jnp.ones((edge_index.shape[1],), dtype=x.dtype), dst, num_segments=n)
    mean = summed / jnp.maximum(counts, 1.0)[:, None]
    return mean @ Wl.T + b + x @ Wr.T


def reference(x, edge_index, W1l, W1r, b1, W2l, W2r, b2):
    h = _sage_conv(x, edge_index, W1l, W1r, b1)
    h = jax.nn.relu(h)
    out = _sage_conv(h, edge_index, W2l, W2r, b2)
    return out

if __name__ == "__main__":
    import jax
    _d = setup_inputs()
    print(jax.jit(kernel)(*tuple(_d.values())))

</pallas_src>

<mosaic_0001>
#map = affine_map<(d0, d1) -> (0, 0)>
#map1 = affine_map<(d0, d1) -> (0)>
#map2 = affine_map<(d0, d1) -> (0, 0, 0)>
module attributes {stable_mosaic.version = 14 : i64} {
  func.func @body(%arg0: i32, %arg1: i32, %arg2: memref<10000x128xf32, #tpu.memory_space<hbm>>, %arg3: memref<320000xi32, #tpu.memory_space<hbm>>, %arg4: memref<320000xi32, #tpu.memory_space<hbm>>, %arg5: memref<2x10240x128xf32, #tpu.memory_space<hbm>>, %arg6: memref<10240x128xf32, #tpu.memory_space<vmem_shared>>, %arg7: memref<80xi32, #tpu.memory_space<vmem>>, %arg8: memref<80xi32, #tpu.memory_space<vmem>>, %arg9: memref<80xi32, #tpu.memory_space<vmem>>, %arg10: memref<80xi32, #tpu.memory_space<vmem>>, %arg11: memref<80xi32, #tpu.memory_space<vmem>>, %arg12: memref<80xi32, #tpu.memory_space<vmem>>, %arg13: memref<80xi32, #tpu.memory_space<vmem>>, %arg14: memref<80xi32, #tpu.memory_space<vmem>>, %arg15: memref<80xi32, #tpu.memory_space<vmem>>, %arg16: memref<80xi32, #tpu.memory_space<vmem>>, %arg17: memref<80xi32, #tpu.memory_space<vmem>>, %arg18: memref<80xi32, #tpu.memory_space<vmem>>, %arg19: memref<80xi32, #tpu.memory_space<vmem>>, %arg20: memref<80xi32, #tpu.memory_space<vmem>>, %arg21: memref<80xi32, #tpu.memory_space<vmem>>, %arg22: memref<80xi32, #tpu.memory_space<vmem>>, %arg23: memref<80x128xf32, #tpu.memory_space<vmem>>, %arg24: memref<80x128xf32, #tpu.memory_space<vmem>>, %arg25: memref<80x128xf32, #tpu.memory_space<vmem>>, %arg26: memref<80x128xf32, #tpu.memory_space<vmem>>, %arg27: memref<!tpu.dma_semaphore, #tpu.memory_space<semaphore_mem>>, %arg28: memref<!tpu.dma_semaphore, #tpu.memory_space<semaphore_mem>>, %arg29: memref<!tpu.dma_semaphore, #tpu.memory_space<semaphore_mem>>, %arg30: memref<!tpu.dma_semaphore, #tpu.memory_space<semaphore_mem>>, %arg31: memref<!tpu.dma_semaphore, #tpu.memory_space<semaphore_mem>>, %arg32: memref<!tpu.dma_semaphore, #tpu.memory_space<semaphore_mem>>, %arg33: memref<!tpu.dma_semaphore, #tpu.memory_space<semaphore_mem>>, %arg34: memref<!tpu.dma_semaphore, #tpu.memory_space<semaphore_mem>>, %arg35: memref<!tpu.dma_semaphore, #tpu.memory_space<semaphore_mem>>, %arg36: memref<!tpu.dma_semaphore, #tpu.memory_space<semaphore_mem>>, %arg37: memref<!tpu.dma_semaphore, #tpu.memory_space<semaphore_mem>>, %arg38: memref<!tpu.dma_semaphore, #tpu.memory_space<semaphore_mem>>, %arg39: memref<!tpu.dma_semaphore, #tpu.memory_space<semaphore_mem>>, %arg40: memref<!tpu.dma_semaphore, #tpu.memory_space<semaphore_mem>>, %arg41: memref<!tpu.dma_semaphore, #tpu.memory_space<semaphore_mem>>, %arg42: memref<!tpu.dma_semaphore, #tpu.memory_space<semaphore_mem>>) attributes {dimension_semantics = [#tpu.dimension_semantics<core_parallel>, #tpu.dimension_semantics<subcore_parallel>], iteration_bounds = array<i64: 2, 16>, scalar_prefetch = 0 : i64, scratch_operands = 37 : i64, tpu.core_type = #tpu.core_type<sc_vector_subcore>, window_params = [{transform_indices = #map}, {transform_indices = #map1}, {transform_indices = #map1}, {transform_indices = #map2}]} {
    %mul3A = arith.constant 20000 : i32
    %mul3A_0 = arith.muli %arg1, %mul3A : i32
    %broadcast_in_dim3A = arith.constant 0.000000e+00 : f32
    %broadcast_in_dim3A_1 = vector.broadcast %broadcast_in_dim3A : f32 to vector<16xf32>
    %scan3A = arith.constant 0 : i32
    %scan3A_2 = arith.constant 0 : i32
    %scan3A_3 = arith.constant 80 : i32
    %scan3A_4 = arith.addi %scan3A_2, %scan3A_3 : i32
    %scan3A_5 = arith.constant 1 : i32
    %scan3A_6 = scf.for %scan3A_154 = %scan3A_2 to %scan3A_4 step %scan3A_5 iter_args(%scan3A_155 = %scan3A) -> (i32)  : i32 {
      %scan3A_156 = arith.constant 0 : i32
      %scan3A_157 = arith.constant 0 : i32
      %scan3A_158 = arith.constant 8 : i32
      %scan3A_159 = arith.addi %scan3A_157, %scan3A_158 : i32
      %scan3A_160 = arith.constant 1 : i32
      %scan3A_161 = scf.for %scan3A_163 = %scan3A_157 to %scan3A_159 step %scan3A_160 iter_args(%scan3A_164 = %scan3A_156) -> (i32)  : i32 {
        %mul3A_165 = arith.constant 16 : i32
        %mul3A_166 = arith.muli %scan3A_163, %mul3A_165 : i32
        %swap3A = arith.index_cast %scan3A_154 : i32 to index
        %swap3A_167 = arith.index_cast %mul3A_166 : i32 to index
        %swap3A_168 = tpu.vector_load %arg23[%swap3A, %swap3A_167] {strides = array<i32>} : memref<80x128xf32, #tpu.memory_space<vmem>>, vector<1x16xf32>,
        %swap3A_169 = vector.shape_cast %swap3A_168 : vector<1x16xf32> to vector<16xf32>
        %swap3A_170 = vector.shape_cast %broadcast_in_dim3A_1 : vector<16xf32> to vector<1x16xf32>
        tpu.vector_store %arg23[%swap3A, %swap3A_167], %swap3A_170 {strides = array<i32>} : memref<80x128xf32, #tpu.memory_space<vmem>>, vector<1x16xf32>,
        %scan3A_171 = arith.constant 0 : i32
        scf.yield %scan3A_171 : i32
      }
      %scan3A_162 = arith.constant 8 : i32
      scf.yield %scan3A_161 : i32
    }
    %scan3A_7 = arith.constant 80 : i32
    %mul3A_8 = arith.constant 640 : i32
    %mul3A_9 = arith.muli %arg1, %mul3A_8 : i32
    %add3A = arith.constant 0 : i32
    %add3A_10 = arith.addi %mul3A_9, %add3A : i32
    "tpu.region"() ({
      %run_scoped3A = tpu.sem_alloc : memref<!tpu.dma_semaphore, #tpu.memory_space<semaphore_mem>>
      %dma_start3A_154 = arith.constant 0 : i32
      %dma_start3A_155 = tpu.memref_slice %arg6[%add3A_10, %dma_start3A_154] : memref<10240x128xf32, #tpu.memory_space<vmem_shared>> -> memref<80x128xf32, #tpu.memory_space<vmem_shared>>
      %dma_start3A_156 = arith.constant 0 : i32
      %dma_start3A_157 = tpu.memref_slice %arg6[%add3A_10, %dma_start3A_156] : memref<10240x128xf32, #tpu.memory_space<vmem_shared>> -> memref<80x128xf32, #tpu.memory_space<vmem_shared>>
      tpu.enqueue_dma source(%arg23 : memref<80x128xf32, #tpu.memory_space<vmem>>) target(%dma_start3A_157 : memref<80x128xf32, #tpu.memory_space<vmem_shared>>) target_semaphore(%run_scoped3A : memref<!tpu.dma_semaphore, #tpu.memory_space<semaphore_mem>>)
      %dma_wait3A_158 = arith.constant 0 : i32
      %dma_wait3A_159 = tpu.memref_slice %arg6[%add3A_10, %dma_wait3A_158] : memref<10240x128xf32, #tpu.memory_space<vmem_shared>> -> memref<80x128xf32, #tpu.memory_space<vmem_shared>>
      %dma_wait3A_160 = arith.constant 0 : i32
      %dma_wait3A_161 = tpu.memref_slice %arg6[%add3A_10, %dma_wait3A_160] : memref<10240x128xf32, #tpu.memory_space<vmem_shared>> -> memref<80x128xf32, #tpu.memory_space<vmem_shared>>
      tpu.wait_dma2 semaphore(%run_scoped3A : memref<!tpu.dma_semaphore, #tpu.memory_space<semaphore_mem>>) src(%arg23 : memref<80x128xf32, #tpu.memory_space<vmem>>) dst(%dma_wait3A_161 : memref<80x128xf32, #tpu.memory_space<vmem_shared>>)
      tpu.yield
    }) : () -> ()
    %mul3A_11 = arith.constant 640 : i32
    %mul3A_12 = arith.muli %arg1, %mul3A_11 : i32
    %add3A_13 = arith.constant 80 : i32
    %add3A_14 = arith.addi %mul3A_12, %add3A_13 : i32
    "tpu.region"() ({
      %run_scoped3A = tpu.sem_alloc : memref<!tpu.dma_semaphore, #tpu.memory_space<semaphore_mem>>
      %dma_start3A_154 = arith.constant 0 : i32
      %dma_start3A_155 = tpu.memref_slice %arg6[%add3A_14, %dma_start3A_154] : memref<10240x128xf32, #tpu.memory_space<vmem_shared>> -> memref<80x128xf32, #tpu.memory_space<vmem_shared>>
      %dma_start3A_156 = arith.constant 0 : i32
      %dma_start3A_157 = tpu.memref_slice %arg6[%add3A_14, %dma_start3A_156] : memref<10240x128xf32, #tpu.memory_space<vmem_shared>> -> memref<80x128xf32, #tpu.memory_space<vmem_shared>>
      tpu.enqueue_dma source(%arg23 : memref<80x128xf32, #tpu.memory_space<vmem>>) target(%dma_start3A_157 : memref<80x128xf32, #tpu.memory_space<vmem_shared>>) target_semaphore(%run_scoped3A : memref<!tpu.dma_semaphore, #tpu.memory_space<semaphore_mem>>)
      %dma_wait3A_158 = arith.constant 0 : i32
      %dma_wait3A_159 = tpu.memref_slice %arg6[%add3A_14, %dma_wait3A_158] : memref<10240x128xf32, #tpu.memory_space<vmem_shared>> -> memref<80x128xf32, #tpu.memory_space<vmem_shared>>
      %dma_wait3A_160 = arith.constant 0 : i32
      %dma_wait3A_161 = tpu.memref_slice %arg6[%add3A_14, %dma_wait3A_160] : memref<10240x128xf32, #tpu.memory_space<vmem_shared>> -> memref<80x128xf32, #tpu.memory_space<vmem_shared>>
      tpu.wait_dma2 semaphore(%run_scoped3A : memref<!tpu.dma_semaphore, #tpu.memory_space<semaphore_mem>>) src(%arg23 : memref<80x128xf32, #tpu.memory_space<vmem>>) dst(%dma_wait3A_161 : memref<80x128xf32, #tpu.memory_space<vmem_shared>>)
      tpu.yield
    }) : () -> ()
    %mul3A_15 = arith.constant 640 : i32
    %mul3A_16 = arith.muli %arg1, %mul3A_15 : i32
    %add3A_17 = arith.constant 160 : i32
    %add3A_18 = arith.addi %mul3A_16, %add3A_17 : i32
    "tpu.region"() ({
      %run_scoped3A = tpu.sem_alloc : memref<!tpu.dma_semaphore, #tpu.memory_space<semaphore_mem>>
      %dma_start3A_154 = arith.constant 0 : i32
      %dma_start3A_155 = tpu.memref_slice %arg6[%add3A_18, %dma_start3A_154] : memref<10240x128xf32, #tpu.memory_space<vmem_shared>> -> memref<80x128xf32, #tpu.memory_space<vmem_shared>>
      %dma_start3A_156 = arith.constant 0 : i32
      %dma_start3A_157 = tpu.memref_slice %arg6[%add3A_18, %dma_start3A_156] : memref<10240x128xf32, #tpu.memory_space<vmem_shared>> -> memref<80x128xf32, #tpu.memory_space<vmem_shared>>
      tpu.enqueue_dma source(%arg23 : memref<80x128xf32, #tpu.memory_space<vmem>>) target(%dma_start3A_157 : memref<80x128xf32, #tpu.memory_space<vmem_shared>>) target_semaphore(%run_scoped3A : memref<!tpu.dma_semaphore, #tpu.memory_space<semaphore_mem>>)
      %dma_wait3A_158 = arith.constant 0 : i32
      %dma_wait3A_159 = tpu.memref_slice %arg6[%add3A_18, %dma_wait3A_158] : memref<10240x128xf32, #tpu.memory_space<vmem_shared>> -> memref<80x128xf32, #tpu.memory_space<vmem_shared>>
      %dma_wait3A_160 = arith.constant 0 : i32
      %dma_wait3A_161 = tpu.memref_slice %arg6[%add3A_18, %dma_wait3A_160] : memref<10240x128xf32, #tpu.memory_space<vmem_shared>> -> memref<80x128xf32, #tpu.memory_space<vmem_shared>>
      tpu.wait_dma2 semaphore(%run_scoped3A : memref<!tpu.dma_semaphore, #tpu.memory_space<semaphore_mem>>) src(%arg23 : memref<80x128xf32, #tpu.memory_space<vmem>>) dst(%dma_wait3A_161 : memref<80x128xf32, #tpu.memory_space<vmem_shared>>)
      tpu.yield
    }) : () -> ()
    %mul3A_19 = arith.constant 640 : i32
    %mul3A_20 = arith.muli %arg1, %mul3A_19 : i32
    %add3A_21 = arith.constant 240 : i32
    %add3A_22 = arith.addi %mul3A_20, %add3A_21 : i32
    "tpu.region"() ({
      %run_scoped3A = tpu.sem_alloc : memref<!tpu.dma_semaphore, #tpu.memory_space<semaphore_mem>>
      %dma_start3A_154 = arith.constant 0 : i32
      %dma_start3A_155 = tpu.memref_slice %arg6[%add3A_22, %dma_start3A_154] : memref<10240x128xf32, #tpu.memory_space<vmem_shared>> -> memref<80x128xf32, #tpu.memory_space<vmem_shared>>
      %dma_start3A_156 = arith.constant 0 : i32
      %dma_start3A_157 = tpu.memref_slice %arg6[%add3A_22, %dma_start3A_156] : memref<10240x128xf32, #tpu.memory_space<vmem_shared>> -> memref<80x128xf32, #tpu.memory_space<vmem_shared>>
      tpu.enqueue_dma source(%arg23 : memref<80x128xf32, #tpu.memory_space<vmem>>) target(%dma_start3A_157 : memref<80x128xf32, #tpu.memory_space<vmem_shared>>) target_semaphore(%run_scoped3A : memref<!tpu.dma_semaphore, #tpu.memory_space<semaphore_mem>>)
      %dma_wait3A_158 = arith.constant 0 : i32
      %dma_wait3A_159 = tpu.memref_slice %arg6[%add3A_22, %dma_wait3A_158] : memref<10240x128xf32, #tpu.memory_space<vmem_shared>> -> memref<80x128xf32, #tpu.memory_space<vmem_shared>>
      %dma_wait3A_160 = arith.constant 0 : i32
      %dma_wait3A_161 = tpu.memref_slice %arg6[%add3A_22, %dma_wait3A_160] : memref<10240x128xf32, #tpu.memory_space<vmem_shared>> -> memref<80x128xf32, #tpu.memory_space<vmem_shared>>
      tpu.wait_dma2 semaphore(%run_scoped3A : memref<!tpu.dma_semaphore, #tpu.memory_space<semaphore_mem>>) src(%arg23 : memref<80x128xf32, #tpu.memory_space<vmem>>) dst(%dma_wait3A_161 : memref<80x128xf32, #tpu.memory_space<vmem_shared>>)
      tpu.yield
    }) : () -> ()
    %mul3A_23 = arith.constant 640 : i32
    %mul3A_24 = arith.muli %arg1, %mul3A_23 : i32
    %add3A_25 = arith.constant 320 : i32
    %add3A_26 = arith.addi %mul3A_24, %add3A_25 : i32
    "tpu.region"() ({
      %run_scoped3A = tpu.sem_alloc : memref<!tpu.dma_semaphore, #tpu.memory_space<semaphore_mem>>
      %dma_start3A_154 = arith.constant 0 : i32
      %dma_start3A_155 = tpu.memref_slice %arg6[%add3A_26, %dma_start3A_154] : memref<10240x128xf32, #tpu.memory_space<vmem_shared>> -> memref<80x128xf32, #tpu.memory_space<vmem_shared>>
      %dma_start3A_156 = arith.constant 0 : i32
      %dma_start3A_157 = tpu.memref_slice %arg6[%add3A_26, %dma_start3A_156] : memref<10240x128xf32, #tpu.memory_space<vmem_shared>> -> memref<80x128xf32, #tpu.memory_space<vmem_shared>>
      tpu.enqueue_dma source(%arg23 : memref<80x128xf32, #tpu.memory_space<vmem>>) target(%dma_start3A_157 : memref<80x128xf32, #tpu.memory_space<vmem_shared>>) target_semaphore(%run_scoped3A : memref<!tpu.dma_semaphore, #tpu.memory_space<semaphore_mem>>)
      %dma_wait3A_158 = arith.constant 0 : i32
      %dma_wait3A_159 = tpu.memref_slice %arg6[%add3A_26, %dma_wait3A_158] : memref<10240x128xf32, #tpu.memory_space<vmem_shared>> -> memref<80x128xf32, #tpu.memory_space<vmem_shared>>
      %dma_wait3A_160 = arith.constant 0 : i32
      %dma_wait3A_161 = tpu.memref_slice %arg6[%add3A_26, %dma_wait3A_160] : memref<10240x128xf32, #tpu.memory_space<vmem_shared>> -> memref<80x128xf32, #tpu.memory_space<vmem_shared>>
      tpu.wait_dma2 semaphore(%run_scoped3A : memref<!tpu.dma_semaphore, #tpu.memory_space<semaphore_mem>>) src(%arg23 : memref<80x128xf32, #tpu.memory_space<vmem>>) dst(%dma_wait3A_161 : memref<80x128xf32, #tpu.memory_space<vmem_shared>>)
      tpu.yield
    }) : () -> ()
    %mul3A_27 = arith.constant 640 : i32
    %mul3A_28 = arith.muli %arg1, %mul3A_27 : i32
    %add3A_29 = arith.constant 400 : i32
    %add3A_30 = arith.addi %mul3A_28, %add3A_29 : i32
    "tpu.region"() ({
      %run_scoped3A = tpu.sem_alloc : memref<!tpu.dma_semaphore, #tpu.memory_space<semaphore_mem>>
      %dma_start3A_154 = arith.constant 0 : i32
      %dma_start3A_155 = tpu.memref_slice %arg6[%add3A_30, %dma_start3A_154] : memref<10240x128xf32, #tpu.memory_space<vmem_shared>> -> memref<80x128xf32, #tpu.memory_space<vmem_shared>>
      %dma_start3A_156 = arith.constant 0 : i32
      %dma_start3A_157 = tpu.memref_slice %arg6[%add3A_30, %dma_start3A_156] : memref<10240x128xf32, #tpu.memory_space<vmem_shared>> -> memref<80x128xf32, #tpu.memory_space<vmem_shared>>
      tpu.enqueue_dma source(%arg23 : memref<80x128xf32, #tpu.memory_space<vmem>>) target(%dma_start3A_157 : memref<80x128xf32, #tpu.memory_space<vmem_shared>>) target_semaphore(%run_scoped3A : memref<!tpu.dma_semaphore, #tpu.memory_space<semaphore_mem>>)
      %dma_wait3A_158 = arith.constant 0 : i32
      %dma_wait3A_159 = tpu.memref_slice %arg6[%add3A_30, %dma_wait3A_158] : memref<10240x128xf32, #tpu.memory_space<vmem_shared>> -> memref<80x128xf32, #tpu.memory_space<vmem_shared>>
      %dma_wait3A_160 = arith.constant 0 : i32
      %dma_wait3A_161 = tpu.memref_slice %arg6[%add3A_30, %dma_wait3A_160] : memref<10240x128xf32, #tpu.memory_space<vmem_shared>> -> memref<80x128xf32, #tpu.memory_space<vmem_shared>>
      tpu.wait_dma2 semaphore(%run_scoped3A : memref<!tpu.dma_semaphore, #tpu.memory_space<semaphore_mem>>) src(%arg23 : memref<80x128xf32, #tpu.memory_space<vmem>>) dst(%dma_wait3A_161 : memref<80x128xf32, #tpu.memory_space<vmem_shared>>)
      tpu.yield
    }) : () -> ()
    %mul3A_31 = arith.constant 640 : i32
    %mul3A_32 = arith.muli %arg1, %mul3A_31 : i32
    %add3A_33 = arith.constant 480 : i32
    %add3A_34 = arith.addi %mul3A_32, %add3A_33 : i32
    "tpu.region"() ({
      %run_scoped3A = tpu.sem_alloc : memref<!tpu.dma_semaphore, #tpu.memory_space<semaphore_mem>>
      %dma_start3A_154 = arith.constant 0 : i32
      %dma_start3A_155 = tpu.memref_slice %arg6[%add3A_34, %dma_start3A_154] : memref<10240x128xf32, #tpu.memory_space<vmem_shared>> -> memref<80x128xf32, #tpu.memory_space<vmem_shared>>
      %dma_start3A_156 = arith.constant 0 : i32
      %dma_start3A_157 = tpu.memref_slice %arg6[%add3A_34, %dma_start3A_156] : memref<10240x128xf32, #tpu.memory_space<vmem_shared>> -> memref<80x128xf32, #tpu.memory_space<vmem_shared>>
      tpu.enqueue_dma source(%arg23 : memref<80x128xf32, #tpu.memory_space<vmem>>) target(%dma_start3A_157 : memref<80x128xf32, #tpu.memory_space<vmem_shared>>) target_semaphore(%run_scoped3A : memref<!tpu.dma_semaphore, #tpu.memory_space<semaphore_mem>>)
      %dma_wait3A_158 = arith.constant 0 : i32
      %dma_wait3A_159 = tpu.memref_slice %arg6[%add3A_34, %dma_wait3A_158] : memref<10240x128xf32, #tpu.memory_space<vmem_shared>> -> memref<80x128xf32, #tpu.memory_space<vmem_shared>>
      %dma_wait3A_160 = arith.constant 0 : i32
      %dma_wait3A_161 = tpu.memref_slice %arg6[%add3A_34, %dma_wait3A_160] : memref<10240x128xf32, #tpu.memory_space<vmem_shared>> -> memref<80x128xf32, #tpu.memory_space<vmem_shared>>
      tpu.wait_dma2 semaphore(%run_scoped3A : memref<!tpu.dma_semaphore, #tpu.memory_space<semaphore_mem>>) src(%arg23 : memref<80x128xf32, #tpu.memory_space<vmem>>) dst(%dma_wait3A_161 : memref<80x128xf32, #tpu.memory_space<vmem_shared>>)
      tpu.yield
    }) : () -> ()
    %mul3A_35 = arith.constant 640 : i32
    %mul3A_36 = arith.muli %arg1, %mul3A_35 : i32
    %add3A_37 = arith.constant 560 : i32
    %add3A_38 = arith.addi %mul3A_36, %add3A_37 : i32
    "tpu.region"() ({
      %run_scoped3A = tpu.sem_alloc : memref<!tpu.dma_semaphore, #tpu.memory_space<semaphore_mem>>
      %dma_start3A_154 = arith.constant 0 : i32
      %dma_start3A_155 = tpu.memref_slice %arg6[%add3A_38, %dma_start3A_154] : memref<10240x128xf32, #tpu.memory_space<vmem_shared>> -> memref<80x128xf32, #tpu.memory_space<vmem_shared>>
      %dma_start3A_156 = arith.constant 0 : i32
      %dma_start3A_157 = tpu.memref_slice %arg6[%add3A_38, %dma_start3A_156] : memref<10240x128xf32, #tpu.memory_space<vmem_shared>> -> memref<80x128xf32, #tpu.memory_space<vmem_shared>>
      tpu.enqueue_dma source(%arg23 : memref<80x128xf32, #tpu.memory_space<vmem>>) target(%dma_start3A_157 : memref<80x128xf32, #tpu.memory_space<vmem_shared>>) target_semaphore(%run_scoped3A : memref<!tpu.dma_semaphore, #tpu.memory_space<semaphore_mem>>)
      %dma_wait3A_158 = arith.constant 0 : i32
      %dma_wait3A_159 = tpu.memref_slice %arg6[%add3A_38, %dma_wait3A_158] : memref<10240x128xf32, #tpu.memory_space<vmem_shared>> -> memref<80x128xf32, #tpu.memory_space<vmem_shared>>
      %dma_wait3A_160 = arith.constant 0 : i32
      %dma_wait3A_161 = tpu.memref_slice %arg6[%add3A_38, %dma_wait3A_160] : memref<10240x128xf32, #tpu.memory_space<vmem_shared>> -> memref<80x128xf32, #tpu.memory_space<vmem_shared>>
      tpu.wait_dma2 semaphore(%run_scoped3A : memref<!tpu.dma_semaphore, #tpu.memory_space<semaphore_mem>>) src(%arg23 : memref<80x128xf32, #tpu.memory_space<vmem>>) dst(%dma_wait3A_161 : memref<80x128xf32, #tpu.memory_space<vmem_shared>>)
      tpu.yield
    }) : () -> ()
    %broadcast_in_dim3A_39 = arith.constant 1.000000e+00 : f32
    %broadcast_in_dim3A_40 = vector.broadcast %broadcast_in_dim3A_39 : f32 to vector<16xf32>
    %scan3A_41 = arith.constant 0 : i32
    %scan3A_42 = arith.constant 0 : i32
    %scan3A_43 = arith.constant 80 : i32
    %scan3A_44 = arith.addi %scan3A_42, %scan3A_43 : i32
    %scan3A_45 = arith.constant 1 : i32
    %scan3A_46 = scf.for %scan3A_154 = %scan3A_42 to %scan3A_44 step %scan3A_45 iter_args(%scan3A_155 = %scan3A_41) -> (i32)  : i32 {
      %scan3A_156 = arith.constant 0 : i32
      %scan3A_157 = arith.constant 0 : i32
      %scan3A_158 = arith.constant 8 : i32
      %scan3A_159 = arith.addi %scan3A_157, %scan3A_158 : i32
      %scan3A_160 = arith.constant 1 : i32
      %scan3A_161 = scf.for %scan3A_163 = %scan3A_157 to %scan3A_159 step %scan3A_160 iter_args(%scan3A_164 = %scan3A_156) -> (i32)  : i32 {
        %mul3A_165 = arith.constant 16 : i32
        %mul3A_166 = arith.muli %scan3A_163, %mul3A_165 : i32
        %swap3A = arith.index_cast %scan3A_154 : i32 to index
        %swap3A_167 = arith.index_cast %mul3A_166 : i32 to index
        %swap3A_168 = tpu.vector_load %arg23[%swap3A, %swap3A_167] {strides = array<i32>} : memref<80x128xf32, #tpu.memory_space<vmem>>, vector<1x16xf32>,
        %swap3A_169 = vector.shape_cast %swap3A_168 : vector<1x16xf32> to vector<16xf32>
        %swap3A_170 = vector.shape_cast %broadcast_in_dim3A_40 : vector<16xf32> to vector<1x16xf32>
        tpu.vector_store %arg23[%swap3A, %swap3A_167], %swap3A_170 {strides = array<i32>} : memref<80x128xf32, #tpu.memory_space<vmem>>, vector<1x16xf32>,
        %scan3A_171 = arith.constant 0 : i32
        scf.yield %scan3A_171 : i32
      }
      %scan3A_162 = arith.constant 8 : i32
      scf.yield %scan3A_161 : i32
    }
    %scan3A_47 = arith.constant 80 : i32
    %broadcast_in_dim3A_48 = arith.constant 1.000000e+00 : f32
    %broadcast_in_dim3A_49 = vector.broadcast %broadcast_in_dim3A_48 : f32 to vector<16xf32>
    %scan3A_50 = arith.constant 0 : i32
    %scan3A_51 = arith.constant 0 : i32
    %scan3A_52 = arith.constant 80 : i32
    %scan3A_53 = arith.addi %scan3A_51, %scan3A_52 : i32
    %scan3A_54 = arith.constant 1 : i32
    %scan3A_55 = scf.for %scan3A_154 = %scan3A_51 to %scan3A_53 step %scan3A_54 iter_args(%scan3A_155 = %scan3A_50) -> (i32)  : i32 {
      %scan3A_156 = arith.constant 0 : i32
      %scan3A_157 = arith.constant 0 : i32
      %scan3A_158 = arith.constant 8 : i32
      %scan3A_159 = arith.addi %scan3A_157, %scan3A_158 : i32
      %scan3A_160 = arith.constant 1 : i32
      %scan3A_161 = scf.for %scan3A_163 = %scan3A_157 to %scan3A_159 step %scan3A_160 iter_args(%scan3A_164 = %scan3A_156) -> (i32)  : i32 {
        %mul3A_165 = arith.constant 16 : i32
        %mul3A_166 = arith.muli %scan3A_163, %mul3A_165 : i32
        %swap3A = arith.index_cast %scan3A_154 : i32 to index
        %swap3A_167 = arith.index_cast %mul3A_166 : i32 to index
        %swap3A_168 = tpu.vector_load %arg24[%swap3A, %swap3A_167] {strides = array<i32>} : memref<80x128xf32, #tpu.memory_space<vmem>>, vector<1x16xf32>,
        %swap3A_169 = vector.shape_cast %swap3A_168 : vector<1x16xf32> to vector<16xf32>
        %swap3A_170 = vector.shape_cast %broadcast_in_dim3A_49 : vector<16xf32> to vector<1x16xf32>
        tpu.vector_store %arg24[%swap3A, %swap3A_167], %swap3A_170 {strides = array<i32>} : memref<80x128xf32, #tpu.memory_space<vmem>>, vector<1x16xf32>,
        %scan3A_171 = arith.constant 0 : i32
        scf.yield %scan3A_171 : i32
      }
      %scan3A_162 = arith.constant 8 : i32
      scf.yield %scan3A_161 : i32
    }
    %scan3A_56 = arith.constant 80 : i32
    %broadcast_in_dim3A_57 = arith.constant 1.000000e+00 : f32
    %broadcast_in_dim3A_58 = vector.broadcast %broadcast_in_dim3A_57 : f32 to vector<16xf32>
    %scan3A_59 = arith.constant 0 : i32
    %scan3A_60 = arith.constant 0 : i32
    %scan3A_61 = arith.constant 80 : i32
    %scan3A_62 = arith.addi %scan3A_60, %scan3A_61 : i32
    %scan3A_63 = arith.constant 1 : i32
    %scan3A_64 = scf.for %scan3A_154 = %scan3A_60 to %scan3A_62 step %scan3A_63 iter_args(%scan3A_155 = %scan3A_59) -> (i32)  : i32 {
      %scan3A_156 = arith.constant 0 : i32
      %scan3A_157 = arith.constant 0 : i32
      %scan3A_158 = arith.constant 8 : i32
      %scan3A_159 = arith.addi %scan3A_157, %scan3A_158 : i32
      %scan3A_160 = arith.constant 1 : i32
      %scan3A_161 = scf.for %scan3A_163 = %scan3A_157 to %scan3A_159 step %scan3A_160 iter_args(%scan3A_164 = %scan3A_156) -> (i32)  : i32 {
        %mul3A_165 = arith.constant 16 : i32
        %mul3A_166 = arith.muli %scan3A_163, %mul3A_165 : i32
        %swap3A = arith.index_cast %scan3A_154 : i32 to index
        %swap3A_167 = arith.index_cast %mul3A_166 : i32 to index
        %swap3A_168 = tpu.vector_load %arg25[%swap3A, %swap3A_167] {strides = array<i32>} : memref<80x128xf32, #tpu.memory_space<vmem>>, vector<1x16xf32>,
        %swap3A_169 = vector.shape_cast %swap3A_168 : vector<1x16xf32> to vector<16xf32>
        %swap3A_170 = vector.shape_cast %broadcast_in_dim3A_58 : vector<16xf32> to vector<1x16xf32>
        tpu.vector_store %arg25[%swap3A, %swap3A_167], %swap3A_170 {strides = array<i32>} : memref<80x128xf32, #tpu.memory_space<vmem>>, vector<1x16xf32>,
        %scan3A_171 = arith.constant 0 : i32
        scf.yield %scan3A_171 : i32
      }
      %scan3A_162 = arith.constant 8 : i32
      scf.yield %scan3A_161 : i32
    }
    %scan3A_65 = arith.constant 80 : i32
    %broadcast_in_dim3A_66 = arith.constant 1.000000e+00 : f32
    %broadcast_in_dim3A_67 = vector.broadcast %broadcast_in_dim3A_66 : f32 to vector<16xf32>
    %scan3A_68 = arith.constant 0 : i32
    %scan3A_69 = arith.constant 0 : i32
    %scan3A_70 = arith.constant 80 : i32
    %scan3A_71 = arith.addi %scan3A_69, %scan3A_70 : i32
    %scan3A_72 = arith.constant 1 : i32
    %scan3A_73 = scf.for %scan3A_154 = %scan3A_69 to %scan3A_71 step %scan3A_72 iter_args(%scan3A_155 = %scan3A_68) -> (i32)  : i32 {
      %scan3A_156 = arith.constant 0 : i32
      %scan3A_157 = arith.constant 0 : i32
      %scan3A_158 = arith.constant 8 : i32
      %scan3A_159 = arith.addi %scan3A_157, %scan3A_158 : i32
      %scan3A_160 = arith.constant 1 : i32
      %scan3A_161 = scf.for %scan3A_163 = %scan3A_157 to %scan3A_159 step %scan3A_160 iter_args(%scan3A_164 = %scan3A_156) -> (i32)  : i32 {
        %mul3A_165 = arith.constant 16 : i32
        %mul3A_166 = arith.muli %scan3A_163, %mul3A_165 : i32
        %swap3A = arith.index_cast %scan3A_154 : i32 to index
        %swap3A_167 = arith.index_cast %mul3A_166 : i32 to index
        %swap3A_168 = tpu.vector_load %arg26[%swap3A, %swap3A_167] {strides = array<i32>} : memref<80x128xf32, #tpu.memory_space<vmem>>, vector<1x16xf32>,
        %swap3A_169 = vector.shape_cast %swap3A_168 : vector<1x16xf32> to vector<16xf32>
        %swap3A_170 = vector.shape_cast %broadcast_in_dim3A_67 : vector<16xf32> to vector<1x16xf32>
        tpu.vector_store %arg26[%swap3A, %swap3A_167], %swap3A_170 {strides = array<i32>} : memref<80x128xf32, #tpu.memory_space<vmem>>, vector<1x16xf32>,
        %scan3A_171 = arith.constant 0 : i32
        scf.yield %scan3A_171 : i32
      }
      %scan3A_162 = arith.constant 8 : i32
      scf.yield %scan3A_161 : i32
    }
    %scan3A_74 = arith.constant 80 : i32
    %barrier3A = arith.constant 0 : index
    tpu.barrier barrier_id(%barrier3A)
    %add3A_75 = arith.constant 0 : i32
    %add3A_76 = arith.addi %mul3A_0, %add3A_75 : i32
    %dma_start3A = tpu.memref_slice %arg3[%add3A_76] : memref<320000xi32, #tpu.memory_space<hbm>> -> memref<80xi32, #tpu.memory_space<hbm>>
    %dma_start3A_77 = tpu.memref_slice %arg3[%add3A_76] : memref<320000xi32, #tpu.memory_space<hbm>> -> memref<80xi32, #tpu.memory_space<hbm>>
    tpu.enqueue_dma source(%dma_start3A_77 : memref<80xi32, #tpu.memory_space<hbm>>) target(%arg7 : memref<80xi32, #tpu.memory_space<vmem>>) target_semaphore(%arg35 : memref<!tpu.dma_semaphore, #tpu.memory_space<semaphore_mem>>)
    %dma_start3A_78 = tpu.memref_slice %arg4[%add3A_76] : memref<320000xi32, #tpu.memory_space<hbm>> -> memref<80xi32, #tpu.memory_space<hbm>>
    %dma_start3A_79 = tpu.memref_slice %arg4[%add3A_76] : memref<320000xi32, #tpu.memory_space<hbm>> -> memref<80xi32, #tpu.memory_space<hbm>>
    tpu.enqueue_dma source(%dma_start3A_79 : memref<80xi32, #tpu.memory_space<hbm>>) target(%arg15 : memref<80xi32, #tpu.memory_space<vmem>>) target_semaphore(%arg35 : memref<!tpu.dma_semaphore, #tpu.memory_space<semaphore_mem>>)
    %add3A_80 = arith.constant 80 : i32
    %add3A_81 = arith.addi %mul3A_0, %add3A_80 : i32
    %dma_start3A_82 = tpu.memref_slice %arg3[%add3A_81] : memref<320000xi32, #tpu.memory_space<hbm>> -> memref<80xi32, #tpu.memory_space<hbm>>
    %dma_start3A_83 = tpu.memref_slice %arg3[%add3A_81] : memref<320000xi32, #tpu.memory_space<hbm>> -> memref<80xi32, #tpu.memory_space<hbm>>
    tpu.enqueue_dma source(%dma_start3A_83 : memref<80xi32, #tpu.memory_space<hbm>>) target(%arg8 : memref<80xi32, #tpu.memory_space<vmem>>) target_semaphore(%arg36 : memref<!tpu.dma_semaphore, #tpu.memory_space<semaphore_mem>>)
    %dma_start3A_84 = tpu.memref_slice %arg4[%add3A_81] : memref<320000xi32, #tpu.memory_space<hbm>> -> memref<80xi32, #tpu.memory_space<hbm>>
    %dma_start3A_85 = tpu.memref_slice %arg4[%add3A_81] : memref<320000xi32, #tpu.memory_space<hbm>> -> memref<80xi32, #tpu.memory_space<hbm>>
    tpu.enqueue_dma source(%dma_start3A_85 : memref<80xi32, #tpu.memory_space<hbm>>) target(%arg16 : memref<80xi32, #tpu.memory_space<vmem>>) target_semaphore(%arg36 : memref<!tpu.dma_semaphore, #tpu.memory_space<semaphore_mem>>)
    %add3A_86 = arith.constant 160 : i32
    %add3A_87 = arith.addi %mul3A_0, %add3A_86 : i32
    %dma_start3A_88 = tpu.memref_slice %arg3[%add3A_87] : memref<320000xi32, #tpu.memory_space<hbm>> -> memref<80xi32, #tpu.memory_space<hbm>>
    %dma_start3A_89 = tpu.memref_slice %arg3[%add3A_87] : memref<320000xi32, #tpu.memory_space<hbm>> -> memref<80xi32, #tpu.memory_space<hbm>>
    tpu.enqueue_dma source(%dma_start3A_89 : memref<80xi32, #tpu.memory_space<hbm>>) target(%arg9 : memref<80xi32, #tpu.memory_space<vmem>>) target_semaphore(%arg37 : memref<!tpu.dma_semaphore, #tpu.memory_space<semaphore_mem>>)
    %dma_start3A_90 = tpu.memref_slice %arg4[%add3A_87] : memref<320000xi32, #tpu.memory_space<hbm>> -> memref<80xi32, #tpu.memory_space<hbm>>
    %dma_start3A_91 = tpu.memref_slice %arg4[%add3A_87] : memref<320000xi32, #tpu.memory_space<hbm>> -> memref<80xi32, #tpu.memory_space<hbm>>
    tpu.enqueue_dma source(%dma_start3A_91 : memref<80xi32, #tpu.memory_space<hbm>>) target(%arg17 : memref<80xi32, #tpu.memory_space<vmem>>) target_semaphore(%arg37 : memref<!tpu.dma_semaphore, #tpu.memory_space<semaphore_mem>>)
    %add3A_92 = arith.constant 240 : i32
    %add3A_93 = arith.addi %mul3A_0, %add3A_92 : i32
    %dma_start3A_94 = tpu.memref_slice %arg3[%add3A_93] : memref<320000xi32, #tpu.memory_space<hbm>> -> memref<80xi32, #tpu.memory_space<hbm>>
    %dma_start3A_95 = tpu.memref_slice %arg3[%add3A_93] : memref<320000xi32, #tpu.memory_space<hbm>> -> memref<80xi32, #tpu.memory_space<hbm>>
    tpu.enqueue_dma source(%dma_start3A_95 : memref<80xi32, #tpu.memory_space<hbm>>) target(%arg10 : memref<80xi32, #tpu.memory_space<vmem>>) target_semaphore(%arg38 : memref<!tpu.dma_semaphore, #tpu.memory_space<semaphore_mem>>)
    %dma_start3A_96 = tpu.memref_slice %arg4[%add3A_93] : memref<320000xi32, #tpu.memory_space<hbm>> -> memref<80xi32, #tpu.memory_space<hbm>>
    %dma_start3A_97 = tpu.memref_slice %arg4[%add3A_93] : memref<320000xi32, #tpu.memory_space<hbm>> -> memref<80xi32, #tpu.memory_space<hbm>>
    tpu.enqueue_dma source(%dma_start3A_97 : memref<80xi32, #tpu.memory_space<hbm>>) target(%arg18 : memref<80xi32, #tpu.memory_space<vmem>>) target_semaphore(%arg38 : memref<!tpu.dma_semaphore, #tpu.memory_space<semaphore_mem>>)
    %add3A_98 = arith.constant 0 : i32
    %add3A_99 = arith.addi %mul3A_0, %add3A_98 : i32
    %dma_wait3A = tpu.memref_slice %arg3[%add3A_99] : memref<320000xi32, #tpu.memory_space<hbm>> -> memref<80xi32, #tpu.memory_space<hbm>>
    %dma_wait3A_100 = tpu.memref_slice %arg3[%add3A_99] : memref<320000xi32, #tpu.memory_space<hbm>> -> memref<80xi32, #tpu.memory_space<hbm>>
    tpu.wait_dma2 semaphore(%arg35 : memref<!tpu.dma_semaphore, #tpu.memory_space<semaphore_mem>>) src(%dma_wait3A_100 : memref<80xi32, #tpu.memory_space<hbm>>) dst(%arg7 : memref<80xi32, #tpu.memory_space<vmem>>)
    %dma_wait3A_101 = tpu.memref_slice %arg4[%add3A_99] : memref<320000xi32, #tpu.memory_space<hbm>> -> memref<80xi32, #tpu.memory_space<hbm>>
    %dma_wait3A_102 = tpu.memref_slice %arg4[%add3A_99] : memref<320000xi32, #tpu.memory_space<hbm>> -> memref<80xi32, #tpu.memory_space<hbm>>
    tpu.wait_dma2 semaphore(%arg35 : memref<!tpu.dma_semaphore, #tpu.memory_space<semaphore_mem>>) src(%dma_wait3A_102 : memref<80xi32, #tpu.memory_space<hbm>>) dst(%arg15 : memref<80xi32, #tpu.memory_space<vmem>>)
    %eq3A = arith.constant 0 : i32
    %eq3A_103 = arith.cmpi eq, %arg0, %eq3A : i32
    %convert_element_type3A = arith.extui %eq3A_103 : i1 to i32
    %cond3A = arith.constant 0 : i32
    %cond3A_104 = arith.cmpi ne, %convert_element_type3A, %cond3A : i32
    scf.if %cond3A_104 {
      %dma_start3A_154 = arith.constant 0 : i32
      %dma_start3A_155 = arith.constant 0 : i32
      %dma_start3A_156 = tpu.memref_slice %arg2[%dma_start3A_154, %dma_start3A_155] : memref<10000x128xf32, #tpu.memory_space<hbm>> -> memref<10000x128xf32, #tpu.memory_space<hbm>>
      tpu.enqueue_indirect_dma source(%dma_start3A_156 : memref<10000x128xf32, #tpu.memory_space<hbm>>) target(%arg23 : memref<80x128xf32, #tpu.memory_space<vmem>>) offsets(%arg7 : memref<80xi32, #tpu.memory_space<vmem>>) semaphore(%arg27 : memref<!tpu.dma_semaphore, #tpu.memory_space<semaphore_mem>>)
    } else {
    }
    %add3A_105 = arith.constant 80 : i32
    %add3A_106 = arith.addi %mul3A_0, %add3A_105 : i32
    %dma_wait3A_107 = tpu.memref_slice %arg3[%add3A_106] : memref<320000xi32, #tpu.memory_space<hbm>> -> memref<80xi32, #tpu.memory_space<hbm>>
    %dma_wait3A_108 = tpu.memref_slice %arg3[%add3A_106] : memref<320000xi32, #tpu.memory_space<hbm>> -> memref<80xi32, #tpu.memory_space<hbm>>
    tpu.wait_dma2 semaphore(%arg36 : memref<!tpu.dma_semaphore, #tpu.memory_space<semaphore_mem>>) src(%dma_wait3A_108 : memref<80xi32, #tpu.memory_space<hbm>>) dst(%arg8 : memref<80xi32, #tpu.memory_space<vmem>>)
    %dma_wait3A_109 = tpu.memref_slice %arg4[%add3A_106] : memref<320000xi32, #tpu.memory_space<hbm>> -> memref<80xi32, #tpu.memory_space<hbm>>
    %dma_wait3A_110 = tpu.memref_slice %arg4[%add3A_106] : memref<320000xi32, #tpu.memory_space<hbm>> -> memref<80xi32, #tpu.memory_space<hbm>>
    tpu.wait_dma2 semaphore(%arg36 : memref<!tpu.dma_semaphore, #tpu.memory_space<semaphore_mem>>) src(%dma_wait3A_110 : memref<80xi32, #tpu.memory_space<hbm>>) dst(%arg16 : memref<80xi32, #tpu.memory_space<vmem>>)
    %eq3A_111 = arith.constant 0 : i32
    %eq3A_112 = arith.cmpi eq, %arg0, %eq3A_111 : i32
    %convert_element_type3A_113 = arith.extui %eq3A_112 : i1 to i32
    %cond3A_114 = arith.constant 0 : i32
    %cond3A_115 = arith.cmpi ne, %convert_element_type3A_113, %cond3A_114 : i32
    scf.if %cond3A_115 {
      %dma_start3A_154 = arith.constant 0 : i32
      %dma_start3A_155 = arith.constant 0 : i32
      %dma_start3A_156 = tpu.memref_slice %arg2[%dma_start3A_154, %dma_start3A_155] : memref<10000x128xf32, #tpu.memory_space<hbm>> -> memref<10000x128xf32, #tpu.memory_space<hbm>>
      tpu.enqueue_indirect_dma source(%dma_start3A_156 : memref<10000x128xf32, #tpu.memory_space<hbm>>) target(%arg24 : memref<80x128xf32, #tpu.memory_space<vmem>>) offsets(%arg8 : memref<80xi32, #tpu.memory_space<vmem>>) semaphore(%arg28 : memref<!tpu.dma_semaphore, #tpu.memory_space<semaphore_mem>>)
    } else {
    }
    %scan3A_116 = arith.constant 0 : i32
    %scan3A_117 = arith.constant 31 : i32
    %scan3A_118 = arith.addi %scan3A_116, %scan3A_117 : i32
    %scan3A_119 = arith.constant 1 : i32
    scf.for %scan3A_154 = %scan3A_116 to %scan3A_118 step %scan3A_119  : i32 {
      %mul3A_155 = arith.constant 8 : i32
      %mul3A_156 = arith.muli %scan3A_154, %mul3A_155 : i32
      %add3A_157 = arith.constant 0 : i32
      %add3A_158 = arith.addi %add3A_157, %mul3A_156 : i32
      %add3A_159 = arith.constant 0 : i32
      %add3A_160 = arith.addi %add3A_158, %add3A_159 : i32
      %ge3A = arith.constant 2 : i32
      %ge3A_161 = arith.cmpi sge, %add3A_160, %ge3A : i32
      %convert_element_type3A_162 = arith.extui %ge3A_161 : i1 to i32
      %cond3A_163 = arith.constant 0 : i32
      %cond3A_164 = arith.cmpi ne, %convert_element_type3A_162, %cond3A_163 : i32
      scf.if %cond3A_164 {
        %dma_wait3A_389 = arith.constant 0 : i32
        %dma_wait3A_390 = arith.constant 0 : i32
        %dma_wait3A_391 = tpu.memref_slice %arg6[%dma_wait3A_389, %dma_wait3A_390] : memref<10240x128xf32, #tpu.memory_space<vmem_shared>> -> memref<10240x128xf32, #tpu.memory_space<vmem_shared>>
        tpu.wait_indirect_dma semaphore(%arg33 : memref<!tpu.dma_semaphore, #tpu.memory_space<semaphore_mem>>) src(%arg25 : memref<80x128xf32, #tpu.memory_space<vmem>>) dst(%dma_wait3A_391 : memref<10240x128xf32, #tpu.memory_space<vmem_shared>>)
      } else {
      }
      %add3A_165 = arith.constant 4 : i32
      %add3A_166 = arith.addi %add3A_160, %add3A_165 : i32
      %lt3A = arith.constant 250 : i32
      %lt3A_167 = arith.cmpi slt, %add3A_166, %lt3A : i32
      %convert_element_type3A_168 = arith.extui %lt3A_167 : i1 to i32
      %cond3A_169 = arith.constant 0 : i32
      %cond3A_170 = arith.cmpi ne, %convert_element_type3A_168, %cond3A_169 : i32
      scf.if %cond3A_170 {
        %add3A_389 = arith.constant 4 : i32
        %add3A_390 = arith.addi %add3A_160, %add3A_389 : i32
        %mul3A_391 = arith.constant 80 : i32
        %mul3A_392 = arith.muli %add3A_390, %mul3A_391 : i32
        %add3A_393 = arith.addi %mul3A_0, %mul3A_392 : i32
        %dma_start3A_394 = tpu.memref_slice %arg3[%add3A_393] : memref<320000xi32, #tpu.memory_space<hbm>> -> memref<80xi32, #tpu.memory_space<hbm>>
        %dma_start3A_395 = tpu.memref_slice %arg3[%add3A_393] : memref<320000xi32, #tpu.memory_space<hbm>> -> memref<80xi32, #tpu.memory_space<hbm>>
        tpu.enqueue_dma source(%dma_start3A_395 : memref<80xi32, #tpu.memory_space<hbm>>) target(%arg11 : memref<80xi32, #tpu.memory_space<vmem>>) target_semaphore(%arg39 : memref<!tpu.dma_semaphore, #tpu.memory_space<semaphore_mem>>)
        %dma_start3A_396 = tpu.memref_slice %arg4[%add3A_393] : memref<320000xi32, #tpu.memory_space<hbm>> -> memref<80xi32, #tpu.memory_space<hbm>>
        %dma_start3A_397 = tpu.memref_slice %arg4[%add3A_393] : memref<320000xi32, #tpu.memory_space<hbm>> -> memref<80xi32, #tpu.memory_space<hbm>>
        tpu.enqueue_dma source(%dma_start3A_397 : memref<80xi32, #tpu.memory_space<hbm>>) target(%arg19 : memref<80xi32, #tpu.memory_space<vmem>>) target_semaphore(%arg39 : memref<!tpu.dma_semaphore, #tpu.memory_space<semaphore_mem>>)
      } else {
      }
      %add3A_171 = arith.constant 2 : i32
      %add3A_172 = arith.addi %add3A_160, %add3A_171 : i32
      %lt3A_173 = arith.constant 250 : i32
      %lt3A_174 = arith.cmpi slt, %add3A_172, %lt3A_173 : i32
      %convert_element_type3A_175 = arith.extui %lt3A_174 : i1 to i32
      %cond3A_176 = arith.constant 0 : i32
      %cond3A_177 = arith.cmpi ne, %convert_element_type3A_175, %cond3A_176 : i32
      scf.if %cond3A_177 {
        %add3A_389 = arith.constant 2 : i32
        %add3A_390 = arith.addi %add3A_160, %add3A_389 : i32
        %mul3A_391 = arith.constant 80 : i32
        %mul3A_392 = arith.muli %add3A_390, %mul3A_391 : i32
        %add3A_393 = arith.addi %mul3A_0, %mul3A_392 : i32
        %dma_wait3A_394 = tpu.memref_slice %arg3[%add3A_393] : memref<320000xi32, #tpu.memory_space<hbm>> -> memref<80xi32, #tpu.memory_space<hbm>>
        %dma_wait3A_395 = tpu.memref_slice %arg3[%add3A_393] : memref<320000xi32, #tpu.memory_space<hbm>> -> memref<80xi32, #tpu.memory_space<hbm>>
        tpu.wait_dma2 semaphore(%arg37 : memref<!tpu.dma_semaphore, #tpu.memory_space<semaphore_mem>>) src(%dma_wait3A_395 : memref<80xi32, #tpu.memory_space<hbm>>) dst(%arg9 : memref<80xi32, #tpu.memory_space<vmem>>)
        %dma_wait3A_396 = tpu.memref_slice %arg4[%add3A_393] : memref<320000xi32, #tpu.memory_space<hbm>> -> memref<80xi32, #tpu.memory_space<hbm>>
        %dma_wait3A_397 = tpu.memref_slice %arg4[%add3A_393] : memref<320000xi32, #tpu.memory_space<hbm>> -> memref<80xi32, #tpu.memory_space<hbm>>
        tpu.wait_dma2 semaphore(%arg37 : memref<!tpu.dma_semaphore, #tpu.memory_space<semaphore_mem>>) src(%dma_wait3A_397 : memref<80xi32, #tpu.memory_space<hbm>>) dst(%arg17 : memref<80xi32, #tpu.memory_space<vmem>>)
        %eq3A_398 = arith.constant 0 : i32
        %eq3A_399 = arith.cmpi eq, %arg0, %eq3A_398 : i32
        %convert_element_type3A_400 = arith.extui %eq3A_399 : i1 to i32
        %cond3A_401 = arith.constant 0 : i32
        %cond3A_402 = arith.cmpi ne, %convert_element_type3A_400, %cond3A_401 : i32
        scf.if %cond3A_402 {
          %dma_start3A_403 = arith.constant 0 : i32
          %dma_start3A_404 = arith.constant 0 : i32
          %dma_start3A_405 = tpu.memref_slice %arg2[%dma_start3A_403, %dma_start3A_404] : memref<10000x128xf32, #tpu.memory_space<hbm>> -> memref<10000x128xf32, #tpu.memory_space<hbm>>
          tpu.enqueue_indirect_dma source(%dma_start3A_405 : memref<10000x128xf32, #tpu.memory_space<hbm>>) target(%arg25 : memref<80x128xf32, #tpu.memory_space<vmem>>) offsets(%arg9 : memref<80xi32, #tpu.memory_space<vmem>>) semaphore(%arg29 : memref<!tpu.dma_semaphore, #tpu.memory_space<semaphore_mem>>)
        } else {
        }
      } else {
      }
      %eq3A_178 = arith.constant 0 : i32
      %eq3A_179 = arith.cmpi eq, %arg0, %eq3A_178 : i32
      %convert_element_type3A_180 = arith.extui %eq3A_179 : i1 to i32
      %cond3A_181 = arith.constant 0 : i32
      %cond3A_182 = arith.cmpi ne, %convert_element_type3A_180, %cond3A_181 : i32
      scf.if %cond3A_182 {
        %dma_wait3A_389 = arith.constant 0 : i32
        %dma_wait3A_390 = arith.constant 0 : i32
        %dma_wait3A_391 = tpu.memref_slice %arg2[%dma_wait3A_389, %dma_wait3A_390] : memref<10000x128xf32, #tpu.memory_space<hbm>> -> memref<10000x128xf32, #tpu.memory_space<hbm>>
        tpu.wait_indirect_dma semaphore(%arg27 : memref<!tpu.dma_semaphore, #tpu.memory_space<semaphore_mem>>) src(%dma_wait3A_391 : memref<10000x128xf32, #tpu.memory_space<hbm>>) dst(%arg23 : memref<80x128xf32, #tpu.memory_space<vmem>>)
      } else {
      }
      %dma_start3A_183 = arith.constant 0 : i32
      %dma_start3A_184 = arith.constant 0 : i32
      %dma_start3A_185 = tpu.memref_slice %arg6[%dma_start3A_183, %dma_start3A_184] : memref<10240x128xf32, #tpu.memory_space<vmem_shared>> -> memref<10240x128xf32, #tpu.memory_space<vmem_shared>>
      tpu.enqueue_indirect_dma source(%arg23 : memref<80x128xf32, #tpu.memory_space<vmem>>) target(%dma_start3A_185 : memref<10240x128xf32, #tpu.memory_space<vmem_shared>>) offsets(%arg15 : memref<80xi32, #tpu.memory_space<vmem>>) semaphore(%arg31 : memref<!tpu.dma_semaphore, #tpu.memory_space<semaphore_mem>>) {add = true}
      %add3A_186 = arith.constant 1 : i32
      %add3A_187 = arith.addi %add3A_158, %add3A_186 : i32
      %ge3A_188 = arith.constant 2 : i32
      %ge3A_189 = arith.cmpi sge, %add3A_187, %ge3A_188 : i32
      %convert_element_type3A_190 = arith.extui %ge3A_189 : i1 to i32
      %cond3A_191 = arith.constant 0 : i32
      %cond3A_192 = arith.cmpi ne, %convert_element_type3A_190, %cond3A_191 : i32
      scf.if %cond3A_192 {
        %dma_wait3A_389 = arith.constant 0 : i32
        %dma_wait3A_390 = arith.constant 0 : i32
        %dma_wait3A_391 = tpu.memref_slice %arg6[%dma_wait3A_389, %dma_wait3A_390] : memref<10240x128xf32, #tpu.memory_space<vmem_shared>> -> memref<10240x128xf32, #tpu.memory_space<vmem_shared>>
        tpu.wait_indirect_dma semaphore(%arg34 : memref<!tpu.dma_semaphore, #tpu.memory_space<semaphore_mem>>) src(%arg26 : memref<80x128xf32, #tpu.memory_space<vmem>>) dst(%dma_wait3A_391 : memref<10240x128xf32, #tpu.memory_space<vmem_shared>>)
      } else {
      }
      %add3A_193 = arith.constant 4 : i32
      %add3A_194 = arith.addi %add3A_187, %add3A_193 : i32
      %lt3A_195 = arith.constant 250 : i32
      %lt3A_196 = arith.cmpi slt, %add3A_194, %lt3A_195 : i32
      %convert_element_type3A_197 = arith.extui %lt3A_196 : i1 to i32
      %cond3A_198 = arith.constant 0 : i32
      %cond3A_199 = arith.cmpi ne, %convert_element_type3A_197, %cond3A_198 : i32
      scf.if %cond3A_199 {
        %add3A_389 = arith.constant 4 : i32
        %add3A_390 = arith.addi %add3A_187, %add3A_389 : i32
        %mul3A_391 = arith.constant 80 : i32
        %mul3A_392 = arith.muli %add3A_390, %mul3A_391 : i32
        %add3A_393 = arith.addi %mul3A_0, %mul3A_392 : i32
        %dma_start3A_394 = tpu.memref_slice %arg3[%add3A_393] : memref<320000xi32, #tpu.memory_space<hbm>> -> memref<80xi32, #tpu.memory_space<hbm>>
        %dma_start3A_395 = tpu.memref_slice %arg3[%add3A_393] : memref<320000xi32, #tpu.memory_space<hbm>> -> memref<80xi32, #tpu.memory_space<hbm>>
        tpu.enqueue_dma source(%dma_start3A_395 : memref<80xi32, #tpu.memory_space<hbm>>) target(%arg12 : memref<80xi32, #tpu.memory_space<vmem>>) target_semaphore(%arg40 : memref<!tpu.dma_semaphore, #tpu.memory_space<semaphore_mem>>)
        %dma_start3A_396 = tpu.memref_slice %arg4[%add3A_393] : memref<320000xi32, #tpu.memory_space<hbm>> -> memref<80xi32, #tpu.memory_space<hbm>>
        %dma_start3A_397 = tpu.memref_slice %arg4[%add3A_393] : memref<320000xi32, #tpu.memory_space<hbm>> -> memref<80xi32, #tpu.memory_space<hbm>>
        tpu.enqueue_dma source(%dma_start3A_397 : memref<80xi32, #tpu.memory_space<hbm>>) target(%arg20 : memref<80xi32, #tpu.memory_space<vmem>>) target_semaphore(%arg40 : memref<!tpu.dma_semaphore, #tpu.memory_space<semaphore_mem>>)
      } else {
      }
      %add3A_200 = arith.constant 2 : i32
      %add3A_201 = arith.addi %add3A_187, %add3A_200 : i32
      %lt3A_202 = arith.constant 250 : i32
      %lt3A_203 = arith.cmpi slt, %add3A_201, %lt3A_202 : i32
      %convert_element_type3A_204 = arith.extui %lt3A_203 : i1 to i32
      %cond3A_205 = arith.constant 0 : i32
      %cond3A_206 = arith.cmpi ne, %convert_element_type3A_204, %cond3A_205 : i32
      scf.if %cond3A_206 {
        %add3A_389 = arith.constant 2 : i32
        %add3A_390 = arith.addi %add3A_187, %add3A_389 : i32
        %mul3A_391 = arith.constant 80 : i32
        %mul3A_392 = arith.muli %add3A_390, %mul3A_391 : i32
        %add3A_393 = arith.addi %mul3A_0, %mul3A_392 : i32
        %dma_wait3A_394 = tpu.memref_slice %arg3[%add3A_393] : memref<320000xi32, #tpu.memory_space<hbm>> -> memref<80xi32, #tpu.memory_space<hbm>>
        %dma_wait3A_395 = tpu.memref_slice %arg3[%add3A_393] : memref<320000xi32, #tpu.memory_space<hbm>> -> memref<80xi32, #tpu.memory_space<hbm>>
        tpu.wait_dma2 semaphore(%arg38 : memref<!tpu.dma_semaphore, #tpu.memory_space<semaphore_mem>>) src(%dma_wait3A_395 : memref<80xi32, #tpu.memory_space<hbm>>) dst(%arg10 : memref<80xi32, #tpu.memory_space<vmem>>)
        %dma_wait3A_396 = tpu.memref_slice %arg4[%add3A_393] : memref<320000xi32, #tpu.memory_space<hbm>> -> memref<80xi32, #tpu.memory_space<hbm>>
        %dma_wait3A_397 = tpu.memref_slice %arg4[%add3A_393] : memref<320000xi32, #tpu.memory_space<hbm>> -> memref<80xi32, #tpu.memory_space<hbm>>
        tpu.wait_dma2 semaphore(%arg38 : memref<!tpu.dma_semaphore, #tpu.memory_space<semaphore_mem>>) src(%dma_wait3A_397 : memref<80xi32, #tpu.memory_space<hbm>>) dst(%arg18 : memref<80xi32, #tpu.memory_space<vmem>>)
        %eq3A_398 = arith.constant 0 : i32
        %eq3A_399 = arith.cmpi eq, %arg0, %eq3A_398 : i32
        %convert_element_type3A_400 = arith.extui %eq3A_399 : i1 to i32
        %cond3A_401 = arith.constant 0 : i32
        %cond3A_402 = arith.cmpi ne, %convert_element_type3A_400, %cond3A_401 : i32
        scf.if %cond3A_402 {
          %dma_start3A_403 = arith.constant 0 : i32
          %dma_start3A_404 = arith.constant 0 : i32
          %dma_start3A_405 = tpu.memref_slice %arg2[%dma_start3A_403, %dma_start3A_404] : memref<10000x128xf32, #tpu.memory_space<hbm>> -> memref<10000x128xf32, #tpu.memory_space<hbm>>
          tpu.enqueue_indirect_dma source(%dma_start3A_405 : memref<10000x128xf32, #tpu.memory_space<hbm>>) target(%arg26 : memref<80x128xf32, #tpu.memory_space<vmem>>) offsets(%arg10 : memref<80xi32, #tpu.memory_space<vmem>>) semaphore(%arg30 : memref<!tpu.dma_semaphore, #tpu.memory_space<semaphore_mem>>)
        } else {
        }
      } else {
      }
      %eq3A_207 = arith.constant 0 : i32
      %eq3A_208 = arith.cmpi eq, %arg0, %eq3A_207 : i32
      %convert_element_type3A_209 = arith.extui %eq3A_208 : i1 to i32
      %cond3A_210 = arith.constant 0 : i32
      %cond3A_211 = arith.cmpi ne, %convert_element_type3A_209, %cond3A_210 : i32
      scf.if %cond3A_211 {
        %dma_wait3A_389 = arith.constant 0 : i32
        %dma_wait3A_390 = arith.constant 0 : i32
        %dma_wait3A_391 = tpu.memref_slice %arg2[%dma_wait3A_389, %dma_wait3A_390] : memref<10000x128xf32, #tpu.memory_space<hbm>> -> memref<10000x128xf32, #tpu.memory_space<hbm>>
        tpu.wait_indirect_dma semaphore(%arg28 : memref<!tpu.dma_semaphore, #tpu.memory_space<semaphore_mem>>) src(%dma_wait3A_391 : memref<10000x128xf32, #tpu.memory_space<hbm>>) dst(%arg24 : memref<80x128xf32, #tpu.memory_space<vmem>>)
      } else {
      }
      %dma_start3A_212 = arith.constant 0 : i32
      %dma_start3A_213 = arith.constant 0 : i32
      %dma_start3A_214 = tpu.memref_slice %arg6[%dma_start3A_212, %dma_start3A_213] : memref<10240x128xf32, #tpu.memory_space<vmem_shared>> -> memref<10240x128xf32, #tpu.memory_space<vmem_shared>>
      tpu.enqueue_indirect_dma source(%arg24 : memref<80x128xf32, #tpu.memory_space<vmem>>) target(%dma_start3A_214 : memref<10240x128xf32, #tpu.memory_space<vmem_shared>>) offsets(%arg16 : memref<80xi32, #tpu.memory_space<vmem>>) semaphore(%arg32 : memref<!tpu.dma_semaphore, #tpu.memory_space<semaphore_mem>>) {add = true}
      %add3A_215 = arith.constant 2 : i32
      %add3A_216 = arith.addi %add3A_158, %add3A_215 : i32
      %ge3A_217 = arith.constant 2 : i32
      %ge3A_218 = arith.cmpi sge, %add3A_216, %ge3A_217 : i32
      %convert_element_type3A_219 = arith.extui %ge3A_218 : i1 to i32
      %cond3A_220 = arith.constant 0 : i32
      %cond3A_221 = arith.cmpi ne, %convert_element_type3A_219, %cond3A_220 : i32
      scf.if %cond3A_221 {
        %dma_wait3A_389 = arith.constant 0 : i32
        %dma_wait3A_390 = arith.constant 0 : i32
        %dma_wait3A_391 = tpu.memref_slice %arg6[%dma_wait3A_389, %dma_wait3A_390] : memref<10240x128xf32, #tpu.memory_space<vmem_shared>> -> memref<10240x128xf32, #tpu.memory_space<vmem_shared>>
        tpu.wait_indirect_dma semaphore(%arg31 : memref<!tpu.dma_semaphore, #tpu.memory_space<semaphore_mem>>) src(%arg23 : memref<80x128xf32, #tpu.memory_space<vmem>>) dst(%dma_wait3A_391 : memref<10240x128xf32, #tpu.memory_space<vmem_shared>>)
      } else {
      }
      %add3A_222 = arith.constant 4 : i32
      %add3A_223 = arith.addi %add3A_216, %add3A_222 : i32
      %lt3A_224 = arith.constant 250 : i32
      %lt3A_225 = arith.cmpi slt, %add3A_223, %lt3A_224 : i32
      %convert_element_type3A_226 = arith.extui %lt3A_225 : i1 to i32
      %cond3A_227 = arith.constant 0 : i32
      %cond3A_228 = arith.cmpi ne, %convert_element_type3A_226, %cond3A_227 : i32
      scf.if %cond3A_228 {
        %add3A_389 = arith.constant 4 : i32
        %add3A_390 = arith.addi %add3A_216, %add3A_389 : i32
        %mul3A_391 = arith.constant 80 : i32
        %mul3A_392 = arith.muli %add3A_390, %mul3A_391 : i32
        %add3A_393 = arith.addi %mul3A_0, %mul3A_392 : i32
        %dma_start3A_394 = tpu.memref_slice %arg3[%add3A_393] : memref<320000xi32, #tpu.memory_space<hbm>> -> memref<80xi32, #tpu.memory_space<hbm>>
        %dma_start3A_395 = tpu.memref_slice %arg3[%add3A_393] : memref<320000xi32, #tpu.memory_space<hbm>> -> memref<80xi32, #tpu.memory_space<hbm>>
        tpu.enqueue_dma source(%dma_start3A_395 : memref<80xi32, #tpu.memory_space<hbm>>) target(%arg13 : memref<80xi32, #tpu.memory_space<vmem>>) target_semaphore(%arg41 : memref<!tpu.dma_semaphore, #tpu.memory_space<semaphore_mem>>)
        %dma_start3A_396 = tpu.memref_slice %arg4[%add3A_393] : memref<320000xi32, #tpu.memory_space<hbm>> -> memref<80xi32, #tpu.memory_space<hbm>>
        %dma_start3A_397 = tpu.memref_slice %arg4[%add3A_393] : memref<320000xi32, #tpu.memory_space<hbm>> -> memref<80xi32, #tpu.memory_space<hbm>>
        tpu.enqueue_dma source(%dma_start3A_397 : memref<80xi32, #tpu.memory_space<hbm>>) target(%arg21 : memref<80xi32, #tpu.memory_space<vmem>>) target_semaphore(%arg41 : memref<!tpu.dma_semaphore, #tpu.memory_space<semaphore_mem>>)
      } else {
      }
      %add3A_229 = arith.constant 2 : i32
      %add3A_230 = arith.addi %add3A_216, %add3A_229 : i32
      %lt3A_231 = arith.constant 250 : i32
      %lt3A_232 = arith.cmpi slt, %add3A_230, %lt3A_231 : i32
      %convert_element_type3A_233 = arith.extui %lt3A_232 : i1 to i32
      %cond3A_234 = arith.constant 0 : i32
      %cond3A_235 = arith.cmpi ne, %convert_element_type3A_233, %cond3A_234 : i32
      scf.if %cond3A_235 {
        %add3A_389 = arith.constant 2 : i32
        %add3A_390 = arith.addi %add3A_216, %add3A_389 : i32
        %mul3A_391 = arith.constant 80 : i32
        %mul3A_392 = arith.muli %add3A_390, %mul3A_391 : i32
        %add3A_393 = arith.addi %mul3A_0, %mul3A_392 : i32
        %dma_wait3A_394 = tpu.memref_slice %arg3[%add3A_393] : memref<320000xi32, #tpu.memory_space<hbm>> -> memref<80xi32, #tpu.memory_space<hbm>>
        %dma_wait3A_395 = tpu.memref_slice %arg3[%add3A_393] : memref<320000xi32, #tpu.memory_space<hbm>> -> memref<80xi32, #tpu.memory_space<hbm>>
        tpu.wait_dma2 semaphore(%arg39 : memref<!tpu.dma_semaphore, #tpu.memory_space<semaphore_mem>>) src(%dma_wait3A_395 : memref<80xi32, #tpu.memory_space<hbm>>) dst(%arg11 : memref<80xi32, #tpu.memory_space<vmem>>)
        %dma_wait3A_396 = tpu.memref_slice %arg4[%add3A_393] : memref<320000xi32, #tpu.memory_space<hbm>> -> memref<80xi32, #tpu.memory_space<hbm>>
        %dma_wait3A_397 = tpu.memref_slice %arg4[%add3A_393] : memref<320000xi32, #tpu.memory_space<hbm>> -> memref<80xi32, #tpu.memory_space<hbm>>
        tpu.wait_dma2 semaphore(%arg39 : memref<!tpu.dma_semaphore, #tpu.memory_space<semaphore_mem>>) src(%dma_wait3A_397 : memref<80xi32, #tpu.memory_space<hbm>>) dst(%arg19 : memref<80xi32, #tpu.memory_space<vmem>>)
        %eq3A_398 = arith.constant 0 : i32
        %eq3A_399 = arith.cmpi eq, %arg0, %eq3A_398 : i32
        %convert_element_type3A_400 = arith.extui %eq3A_399 : i1 to i32
        %cond3A_401 = arith.constant 0 : i32
        %cond3A_402 = arith.cmpi ne, %convert_element_type3A_400, %cond3A_401 : i32
        scf.if %cond3A_402 {
          %dma_start3A_403 = arith.constant 0 : i32
          %dma_start3A_404 = arith.constant 0 : i32
          %dma_start3A_405 = tpu.memref_slice %arg2[%dma_start3A_403, %dma_start3A_404] : memref<10000x128xf32, #tpu.memory_space<hbm>> -> memref<10000x128xf32, #tpu.memory_space<hbm>>
          tpu.enqueue_indirect_dma source(%dma_start3A_405 : memref<10000x128xf32, #tpu.memory_space<hbm>>) target(%arg23 : memref<80x128xf32, #tpu.memory_space<vmem>>) offsets(%arg11 : memref<80xi32, #tpu.memory_space<vmem>>) semaphore(%arg27 : memref<!tpu.dma_semaphore, #tpu.memory_space<semaphore_mem>>)
        } else {
        }
      } else {
      }
      %eq3A_236 = arith.constant 0 : i32
      %eq3A_237 = arith.cmpi eq, %arg0, %eq3A_236 : i32
      %convert_element_type3A_238 = arith.extui %eq3A_237 : i1 to i32
      %cond3A_239 = arith.constant 0 : i32
      %cond3A_240 = arith.cmpi ne, %convert_element_type3A_238, %cond3A_239 : i32
      scf.if %cond3A_240 {
        %dma_wait3A_389 = arith.constant 0 : i32
        %dma_wait3A_390 = arith.constant 0 : i32
        %dma_wait3A_391 = tpu.memref_slice %arg2[%dma_wait3A_389, %dma_wait3A_390] : memref<10000x128xf32, #tpu.memory_space<hbm>> -> memref<10000x128xf32, #tpu.memory_space<hbm>>
        tpu.wait_indirect_dma semaphore(%arg29 : memref<!tpu.dma_semaphore, #tpu.memory_space<semaphore_mem>>) src(%dma_wait3A_391 : memref<10000x128xf32, #tpu.memory_space<hbm>>) dst(%arg25 : memref<80x128xf32, #tpu.memory_space<vmem>>)
      } else {
      }
      %dma_start3A_241 = arith.constant 0 : i32
      %dma_start3A_242 = arith.constant 0 : i32
      %dma_start3A_243 = tpu.memref_slice %arg6[%dma_start3A_241, %dma_start3A_242] : memref<10240x128xf32, #tpu.memory_space<vmem_shared>> -> memref<10240x128xf32, #tpu.memory_space<vmem_shared>>
      tpu.enqueue_indirect_dma source(%arg25 : memref<80x128xf32, #tpu.memory_space<vmem>>) target(%dma_start3A_243 : memref<10240x128xf32, #tpu.memory_space<vmem_shared>>) offsets(%arg17 : memref<80xi32, #tpu.memory_space<vmem>>) semaphore(%arg33 : memref<!tpu.dma_semaphore, #tpu.memory_space<semaphore_mem>>) {add = true}
      %add3A_244 = arith.constant 3 : i32
      %add3A_245 = arith.addi %add3A_158, %add3A_244 : i32
      %ge3A_246 = arith.constant 2 : i32
      %ge3A_247 = arith.cmpi sge, %add3A_245, %ge3A_246 : i32
      %convert_element_type3A_248 = arith.extui %ge3A_247 : i1 to i32
      %cond3A_249 = arith.constant 0 : i32
      %cond3A_250 = arith.cmpi ne, %convert_element_type3A_248, %cond3A_249 : i32
      scf.if %cond3A_250 {
        %dma_wait3A_389 = arith.constant 0 : i32
        %dma_wait3A_390 = arith.constant 0 : i32
        %dma_wait3A_391 = tpu.memref_slice %arg6[%dma_wait3A_389, %dma_wait3A_390] : memref<10240x128xf32, #tpu.memory_space<vmem_shared>> -> memref<10240x128xf32, #tpu.memory_space<vmem_shared>>
        tpu.wait_indirect_dma semaphore(%arg32 : memref<!tpu.dma_semaphore, #tpu.memory_space<semaphore_mem>>) src(%arg24 : memref<80x128xf32, #tpu.memory_space<vmem>>) dst(%dma_wait3A_391 : memref<10240x128xf32, #tpu.memory_space<vmem_shared>>)
      } else {
      }
      %add3A_251 = arith.constant 4 : i32
      %add3A_252 = arith.addi %add3A_245, %add3A_251 : i32
      %lt3A_253 = arith.constant 250 : i32
      %lt3A_254 = arith.cmpi slt, %add3A_252, %lt3A_253 : i32
      %convert_element_type3A_255 = arith.extui %lt3A_254 : i1 to i32
      %cond3A_256 = arith.constant 0 : i32
      %cond3A_257 = arith.cmpi ne, %convert_element_type3A_255, %cond3A_256 : i32
      scf.if %cond3A_257 {
        %add3A_389 = arith.constant 4 : i32
        %add3A_390 = arith.addi %add3A_245, %add3A_389 : i32
        %mul3A_391 = arith.constant 80 : i32
        %mul3A_392 = arith.muli %add3A_390, %mul3A_391 : i32
        %add3A_393 = arith.addi %mul3A_0, %mul3A_392 : i32
        %dma_start3A_394 = tpu.memref_slice %arg3[%add3A_393] : memref<320000xi32, #tpu.memory_space<hbm>> -> memref<80xi32, #tpu.memory_space<hbm>>
        %dma_start3A_395 = tpu.memref_slice %arg3[%add3A_393] : memref<320000xi32, #tpu.memory_space<hbm>> -> memref<80xi32, #tpu.memory_space<hbm>>
        tpu.enqueue_dma source(%dma_start3A_395 : memref<80xi32, #tpu.memory_space<hbm>>) target(%arg14 : memref<80xi32, #tpu.memory_space<vmem>>) target_semaphore(%arg42 : memref<!tpu.dma_semaphore, #tpu.memory_space<semaphore_mem>>)
        %dma_start3A_396 = tpu.memref_slice %arg4[%add3A_393] : memref<320000xi32, #tpu.memory_space<hbm>> -> memref<80xi32, #tpu.memory_space<hbm>>
        %dma_start3A_397 = tpu.memref_slice %arg4[%add3A_393] : memref<320000xi32, #tpu.memory_space<hbm>> -> memref<80xi32, #tpu.memory_space<hbm>>
        tpu.enqueue_dma source(%dma_start3A_397 : memref<80xi32, #tpu.memory_space<hbm>>) target(%arg22 : memref<80xi32, #tpu.memory_space<vmem>>) target_semaphore(%arg42 : memref<!tpu.dma_semaphore, #tpu.memory_space<semaphore_mem>>)
      } else {
      }
      %add3A_258 = arith.constant 2 : i32
      %add3A_259 = arith.addi %add3A_245, %add3A_258 : i32
      %lt3A_260 = arith.constant 250 : i32
      %lt3A_261 = arith.cmpi slt, %add3A_259, %lt3A_260 : i32
      %convert_element_type3A_262 = arith.extui %lt3A_261 : i1 to i32
      %cond3A_263 = arith.constant 0 : i32
      %cond3A_264 = arith.cmpi ne, %convert_element_type3A_262, %cond3A_263 : i32
      scf.if %cond3A_264 {
        %add3A_389 = arith.constant 2 : i32
        %add3A_390 = arith.addi %add3A_245, %add3A_389 : i32
        %mul3A_391 = arith.constant 80 : i32
        %mul3A_392 = arith.muli %add3A_390, %mul3A_391 : i32
        %add3A_393 = arith.addi %mul3A_0, %mul3A_392 : i32
        %dma_wait3A_394 = tpu.memref_slice %arg3[%add3A_393] : memref<320000xi32, #tpu.memory_space<hbm>> -> memref<80xi32, #tpu.memory_space<hbm>>
        %dma_wait3A_395 = tpu.memref_slice %arg3[%add3A_393] : memref<320000xi32, #tpu.memory_space<hbm>> -> memref<80xi32, #tpu.memory_space<hbm>>
        tpu.wait_dma2 semaphore(%arg40 : memref<!tpu.dma_semaphore, #tpu.memory_space<semaphore_mem>>) src(%dma_wait3A_395 : memref<80xi32, #tpu.memory_space<hbm>>) dst(%arg12 : memref<80xi32, #tpu.memory_space<vmem>>)
        %dma_wait3A_396 = tpu.memref_slice %arg4[%add3A_393] : memref<320000xi32, #tpu.memory_space<hbm>> -> memref<80xi32, #tpu.memory_space<hbm>>
        %dma_wait3A_397 = tpu.memref_slice %arg4[%add3A_393] : memref<320000xi32, #tpu.memory_space<hbm>> -> memref<80xi32, #tpu.memory_space<hbm>>
        tpu.wait_dma2 semaphore(%arg40 : memref<!tpu.dma_semaphore, #tpu.memory_space<semaphore_mem>>) src(%dma_wait3A_397 : memref<80xi32, #tpu.memory_space<hbm>>) dst(%arg20 : memref<80xi32, #tpu.memory_space<vmem>>)
        %eq3A_398 = arith.constant 0 : i32
        %eq3A_399 = arith.cmpi eq, %arg0, %eq3A_398 : i32
        %convert_element_type3A_400 = arith.extui %eq3A_399 : i1 to i32
        %cond3A_401 = arith.constant 0 : i32
        %cond3A_402 = arith.cmpi ne, %convert_element_type3A_400, %cond3A_401 : i32
        scf.if %cond3A_402 {
          %dma_start3A_403 = arith.constant 0 : i32
          %dma_start3A_404 = arith.constant 0 : i32
          %dma_start3A_405 = tpu.memref_slice %arg2[%dma_start3A_403, %dma_start3A_404] : memref<10000x128xf32, #tpu.memory_space<hbm>> -> memref<10000x128xf32, #tpu.memory_space<hbm>>
          tpu.enqueue_indirect_dma source(%dma_start3A_405 : memref<10000x128xf32, #tpu.memory_space<hbm>>) target(%arg24 : memref<80x128xf32, #tpu.memory_space<vmem>>) offsets(%arg12 : memref<80xi32, #tpu.memory_space<vmem>>) semaphore(%arg28 : memref<!tpu.dma_semaphore, #tpu.memory_space<semaphore_mem>>)
        } else {
        }
      } else {
      }
      %eq3A_265 = arith.constant 0 : i32
      %eq3A_266 = arith.cmpi eq, %arg0, %eq3A_265 : i32
      %convert_element_type3A_267 = arith.extui %eq3A_266 : i1 to i32
      %cond3A_268 = arith.constant 0 : i32
      %cond3A_269 = arith.cmpi ne, %convert_element_type3A_267, %cond3A_268 : i32
      scf.if %cond3A_269 {
        %dma_wait3A_389 = arith.constant 0 : i32
        %dma_wait3A_390 = arith.constant 0 : i32
        %dma_wait3A_391 = tpu.memref_slice %arg2[%dma_wait3A_389, %dma_wait3A_390] : memref<10000x128xf32, #tpu.memory_space<hbm>> -> memref<10000x128xf32, #tpu.memory_space<hbm>>
        tpu.wait_indirect_dma semaphore(%arg30 : memref<!tpu.dma_semaphore, #tpu.memory_space<semaphore_mem>>) src(%dma_wait3A_391 : memref<10000x128xf32, #tpu.memory_space<hbm>>) dst(%arg26 : memref<80x128xf32, #tpu.memory_space<vmem>>)
      } else {
      }
      %dma_start3A_270 = arith.constant 0 : i32
      %dma_start3A_271 = arith.constant 0 : i32
      %dma_start3A_272 = tpu.memref_slice %arg6[%dma_start3A_270, %dma_start3A_271] : memref<10240x128xf32, #tpu.memory_space<vmem_shared>> -> memref<10240x128xf32, #tpu.memory_space<vmem_shared>>
      tpu.enqueue_indirect_dma source(%arg26 : memref<80x128xf32, #tpu.memory_space<vmem>>) target(%dma_start3A_272 : memref<10240x128xf32, #tpu.memory_space<vmem_shared>>) offsets(%arg18 : memref<80xi32, #tpu.memory_space<vmem>>) semaphore(%arg34 : memref<!tpu.dma_semaphore, #tpu.memory_space<semaphore_mem>>) {add = true}
      %add3A_273 = arith.constant 4 : i32
      %add3A_274 = arith.addi %add3A_158, %add3A_273 : i32
      %ge3A_275 = arith.constant 2 : i32
      %ge3A_276 = arith.cmpi sge, %add3A_274, %ge3A_275 : i32
      %convert_element_type3A_277 = arith.extui %ge3A_276 : i1 to i32
      %cond3A_278 = arith.constant 0 : i32
      %cond3A_279 = arith.cmpi ne, %convert_element_type3A_277, %cond3A_278 : i32
      scf.if %cond3A_279 {
        %dma_wait3A_389 = arith.constant 0 : i32
        %dma_wait3A_390 = arith.constant 0 : i32
        %dma_wait3A_391 = tpu.memref_slice %arg6[%dma_wait3A_389, %dma_wait3A_390] : memref<10240x128xf32, #tpu.memory_space<vmem_shared>> -> memref<10240x128xf32, #tpu.memory_space<vmem_shared>>
        tpu.wait_indirect_dma semaphore(%arg33 : memref<!tpu.dma_semaphore, #tpu.memory_space<semaphore_mem>>) src(%arg25 : memref<80x128xf32, #tpu.memory_space<vmem>>) dst(%dma_wait3A_391 : memref<10240x128xf32, #tpu.memory_space<vmem_shared>>)
      } else {
      }
      %add3A_280 = arith.constant 4 : i32
      %add3A_281 = arith.addi %add3A_274, %add3A_280 : i32
      %lt3A_282 = arith.constant 250 : i32
      %lt3A_283 = arith.cmpi slt, %add3A_281, %lt3A_282 : i32
      %convert_element_type3A_284 = arith.extui %lt3A_283 : i1 to i32
      %cond3A_285 = arith.constant 0 : i32
      %cond3A_286 = arith.cmpi ne, %convert_element_type3A_284, %cond3A_285 : i32
      scf.if %cond3A_286 {
        %add3A_389 = arith.constant 4 : i32
        %add3A_390 = arith.addi %add3A_274, %add3A_389 : i32
        %mul3A_391 = arith.constant 80 : i32
        %mul3A_392 = arith.muli %add3A_390, %mul3A_391 : i32
        %add3A_393 = arith.addi %mul3A_0, %mul3A_392 : i32
        %dma_start3A_394 = tpu.memref_slice %arg3[%add3A_393] : memref<320000xi32, #tpu.memory_space<hbm>> -> memref<80xi32, #tpu.memory_space<hbm>>
        %dma_start3A_395 = tpu.memref_slice %arg3[%add3A_393] : memref<320000xi32, #tpu.memory_space<hbm>> -> memref<80xi32, #tpu.memory_space<hbm>>
        tpu.enqueue_dma source(%dma_start3A_395 : memref<80xi32, #tpu.memory_space<hbm>>) target(%arg7 : memref<80xi32, #tpu.memory_space<vmem>>) target_semaphore(%arg35 : memref<!tpu.dma_semaphore, #tpu.memory_space<semaphore_mem>>)
        %dma_start3A_396 = tpu.memref_slice %arg4[%add3A_393] : memref<320000xi32, #tpu.memory_space<hbm>> -> memref<80xi32, #tpu.memory_space<hbm>>
        %dma_start3A_397 = tpu.memref_slice %arg4[%add3A_393] : memref<320000xi32, #tpu.memory_space<hbm>> -> memref<80xi32, #tpu.memory_space<hbm>>
        tpu.enqueue_dma source(%dma_start3A_397 : memref<80xi32, #tpu.memory_space<hbm>>) target(%arg15 : memref<80xi32, #tpu.memory_space<vmem>>) target_semaphore(%arg35 : memref<!tpu.dma_semaphore, #tpu.memory_space<semaphore_mem>>)
      } else {
      }
      %add3A_287 = arith.constant 2 : i32
      %add3A_288 = arith.addi %add3A_274, %add3A_287 : i32
      %lt3A_289 = arith.constant 250 : i32
      %lt3A_290 = arith.cmpi slt, %add3A_288, %lt3A_289 : i32
      %convert_element_type3A_291 = arith.extui %lt3A_290 : i1 to i32
      %cond3A_292 = arith.constant 0 : i32
      %cond3A_293 = arith.cmpi ne, %convert_element_type3A_291, %cond3A_292 : i32
      scf.if %cond3A_293 {
        %add3A_389 = arith.constant 2 : i32
        %add3A_390 = arith.addi %add3A_274, %add3A_389 : i32
        %mul3A_391 = arith.constant 80 : i32
        %mul3A_392 = arith.muli %add3A_390, %mul3A_391 : i32
        %add3A_393 = arith.addi %mul3A_0, %mul3A_392 : i32
        %dma_wait3A_394 = tpu.memref_slice %arg3[%add3A_393] : memref<320000xi32, #tpu.memory_space<hbm>> -> memref<80xi32, #tpu.memory_space<hbm>>
        %dma_wait3A_395 = tpu.memref_slice %arg3[%add3A_393] : memref<320000xi32, #tpu.memory_space<hbm>> -> memref<80xi32, #tpu.memory_space<hbm>>
        tpu.wait_dma2 semaphore(%arg41 : memref<!tpu.dma_semaphore, #tpu.memory_space<semaphore_mem>>) src(%dma_wait3A_395 : memref<80xi32, #tpu.memory_space<hbm>>) dst(%arg13 : memref<80xi32, #tpu.memory_space<vmem>>)
        %dma_wait3A_396 = tpu.memref_slice %arg4[%add3A_393] : memref<320000xi32, #tpu.memory_space<hbm>> -> memref<80xi32, #tpu.memory_space<hbm>>
        %dma_wait3A_397 = tpu.memref_slice %arg4[%add3A_393] : memref<320000xi32, #tpu.memory_space<hbm>> -> memref<80xi32, #tpu.memory_space<hbm>>
        tpu.wait_dma2 semaphore(%arg41 : memref<!tpu.dma_semaphore, #tpu.memory_space<semaphore_mem>>) src(%dma_wait3A_397 : memref<80xi32, #tpu.memory_space<hbm>>) dst(%arg21 : memref<80xi32, #tpu.memory_space<vmem>>)
        %eq3A_398 = arith.constant 0 : i32
        %eq3A_399 = arith.cmpi eq, %arg0, %eq3A_398 : i32
        %convert_element_type3A_400 = arith.extui %eq3A_399 : i1 to i32
        %cond3A_401 = arith.constant 0 : i32
        %cond3A_402 = arith.cmpi ne, %convert_element_type3A_400, %cond3A_401 : i32
        scf.if %cond3A_402 {
          %dma_start3A_403 = arith.constant 0 : i32
          %dma_start3A_404 = arith.constant 0 : i32
          %dma_start3A_405 = tpu.memref_slice %arg2[%dma_start3A_403, %dma_start3A_404] : memref<10000x128xf32, #tpu.memory_space<hbm>> -> memref<10000x128xf32, #tpu.memory_space<hbm>>
          tpu.enqueue_indirect_dma source(%dma_start3A_405 : memref<10000x128xf32, #tpu.memory_space<hbm>>) target(%arg25 : memref<80x128xf32, #tpu.memory_space<vmem>>) offsets(%arg13 : memref<80xi32, #tpu.memory_space<vmem>>) semaphore(%arg29 : memref<!tpu.dma_semaphore, #tpu.memory_space<semaphore_mem>>)
        } else {
        }
      } else {
      }
      %eq3A_294 = arith.constant 0 : i32
      %eq3A_295 = arith.cmpi eq, %arg0, %eq3A_294 : i32
      %convert_element_type3A_296 = arith.extui %eq3A_295 : i1 to i32
      %cond3A_297 = arith.constant 0 : i32
      %cond3A_298 = arith.cmpi ne, %convert_element_type3A_296, %cond3A_297 : i32
      scf.if %cond3A_298 {
        %dma_wait3A_389 = arith.constant 0 : i32
        %dma_wait3A_390 = arith.constant 0 : i32
        %dma_wait3A_391 = tpu.memref_slice %arg2[%dma_wait3A_389, %dma_wait3A_390] : memref<10000x128xf32, #tpu.memory_space<hbm>> -> memref<10000x128xf32, #tpu.memory_space<hbm>>
        tpu.wait_indirect_dma semaphore(%arg27 : memref<!tpu.dma_semaphore, #tpu.memory_space<semaphore_mem>>) src(%dma_wait3A_391 : memref<10000x128xf32, #tpu.memory_space<hbm>>) dst(%arg23 : memref<80x128xf32, #tpu.memory_space<vmem>>)
      } else {
      }
      %dma_start3A_299 = arith.constant 0 : i32
      %dma_start3A_300 = arith.constant 0 : i32
      %dma_start3A_301 = tpu.memref_slice %arg6[%dma_start3A_299, %dma_start3A_300] : memref<10240x128xf32, #tpu.memory_space<vmem_shared>> -> memref<10240x128xf32, #tpu.memory_space<vmem_shared>>
      tpu.enqueue_indirect_dma source(%arg23 : memref<80x128xf32, #tpu.memory_space<vmem>>) target(%dma_start3A_301 : memref<10240x128xf32, #tpu.memory_space<vmem_shared>>) offsets(%arg19 : memref<80xi32, #tpu.memory_space<vmem>>) semaphore(%arg31 : memref<!tpu.dma_semaphore, #tpu.memory_space<semaphore_mem>>) {add = true}
      %add3A_302 = arith.constant 5 : i32
      %add3A_303 = arith.addi %add3A_158, %add3A_302 : i32
      %ge3A_304 = arith.constant 2 : i32
      %ge3A_305 = arith.cmpi sge, %add3A_303, %ge3A_304 : i32
      %convert_element_type3A_306 = arith.extui %ge3A_305 : i1 to i32
      %cond3A_307 = arith.constant 0 : i32
      %cond3A_308 = arith.cmpi ne, %convert_element_type3A_306, %cond3A_307 : i32
      scf.if %cond3A_308 {
        %dma_wait3A_389 = arith.constant 0 : i32
        %dma_wait3A_390 = arith.constant 0 : i32
        %dma_wait3A_391 = tpu.memref_slice %arg6[%dma_wait3A_389, %dma_wait3A_390] : memref<10240x128xf32, #tpu.memory_space<vmem_shared>> -> memref<10240x128xf32, #tpu.memory_space<vmem_shared>>
        tpu.wait_indirect_dma semaphore(%arg34 : memref<!tpu.dma_semaphore, #tpu.memory_space<semaphore_mem>>) src(%arg26 : memref<80x128xf32, #tpu.memory_space<vmem>>) dst(%dma_wait3A_391 : memref<10240x128xf32, #tpu.memory_space<vmem_shared>>)
      } else {
      }
      %add3A_309 = arith.constant 4 : i32
      %add3A_310 = arith.addi %add3A_303, %add3A_309 : i32
      %lt3A_311 = arith.constant 250 : i32
      %lt3A_312 = arith.cmpi slt, %add3A_310, %lt3A_311 : i32
      %convert_element_type3A_313 = arith.extui %lt3A_312 : i1 to i32
      %cond3A_314 = arith.constant 0 : i32
      %cond3A_315 = arith.cmpi ne, %convert_element_type3A_313, %cond3A_314 : i32
      scf.if %cond3A_315 {
        %add3A_389 = arith.constant 4 : i32
        %add3A_390 = arith.addi %add3A_303, %add3A_389 : i32
        %mul3A_391 = arith.constant 80 : i32
        %mul3A_392 = arith.muli %add3A_390, %mul3A_391 : i32
        %add3A_393 = arith.addi %mul3A_0, %mul3A_392 : i32
        %dma_start3A_394 = tpu.memref_slice %arg3[%add3A_393] : memref<320000xi32, #tpu.memory_space<hbm>> -> memref<80xi32, #tpu.memory_space<hbm>>
        %dma_start3A_395 = tpu.memref_slice %arg3[%add3A_393] : memref<320000xi32, #tpu.memory_space<hbm>> -> memref<80xi32, #tpu.memory_space<hbm>>
        tpu.enqueue_dma source(%dma_start3A_395 : memref<80xi32, #tpu.memory_space<hbm>>) target(%arg8 : memref<80xi32, #tpu.memory_space<vmem>>) target_semaphore(%arg36 : memref<!tpu.dma_semaphore, #tpu.memory_space<semaphore_mem>>)
        %dma_start3A_396 = tpu.memref_slice %arg4[%add3A_393] : memref<320000xi32, #tpu.memory_space<hbm>> -> memref<80xi32, #tpu.memory_space<hbm>>
        %dma_start3A_397 = tpu.memref_slice %arg4[%add3A_393] : memref<320000xi32, #tpu.memory_space<hbm>> -> memref<80xi32, #tpu.memory_space<hbm>>
        tpu.enqueue_dma source(%dma_start3A_397 : memref<80xi32, #tpu.memory_space<hbm>>) target(%arg16 : memref<80xi32, #tpu.memory_space<vmem>>) target_semaphore(%arg36 : memref<!tpu.dma_semaphore, #tpu.memory_space<semaphore_mem>>)
      } else {
      }
      %add3A_316 = arith.constant 2 : i32
      %add3A_317 = arith.addi %add3A_303, %add3A_316 : i32
      %lt3A_318 = arith.constant 250 : i32
      %lt3A_319 = arith.cmpi slt, %add3A_317, %lt3A_318 : i32
      %convert_element_type3A_320 = arith.extui %lt3A_319 : i1 to i32
      %cond3A_321 = arith.constant 0 : i32
      %cond3A_322 = arith.cmpi ne, %convert_element_type3A_320, %cond3A_321 : i32
      scf.if %cond3A_322 {
        %add3A_389 = arith.constant 2 : i32
        %add3A_390 = arith.addi %add3A_303, %add3A_389 : i32
        %mul3A_391 = arith.constant 80 : i32
        %mul3A_392 = arith.muli %add3A_390, %mul3A_391 : i32
        %add3A_393 = arith.addi %mul3A_0, %mul3A_392 : i32
        %dma_wait3A_394 = tpu.memref_slice %arg3[%add3A_393] : memref<320000xi32, #tpu.memory_space<hbm>> -> memref<80xi32, #tpu.memory_space<hbm>>
        %dma_wait3A_395 = tpu.memref_slice %arg3[%add3A_393] : memref<320000xi32, #tpu.memory_space<hbm>> -> memref<80xi32, #tpu.memory_space<hbm>>
        tpu.wait_dma2 semaphore(%arg42 : memref<!tpu.dma_semaphore, #tpu.memory_space<semaphore_mem>>) src(%dma_wait3A_395 : memref<80xi32, #tpu.memory_space<hbm>>) dst(%arg14 : memref<80xi32, #tpu.memory_space<vmem>>)
        %dma_wait3A_396 = tpu.memref_slice %arg4[%add3A_393] : memref<320000xi32, #tpu.memory_space<hbm>> -> memref<80xi32, #tpu.memory_space<hbm>>
        %dma_wait3A_397 = tpu.memref_slice %arg4[%add3A_393] : memref<320000xi32, #tpu.memory_space<hbm>> -> memref<80xi32, #tpu.memory_space<hbm>>
        tpu.wait_dma2 semaphore(%arg42 : memref<!tpu.dma_semaphore, #tpu.memory_space<semaphore_mem>>) src(%dma_wait3A_397 : memref<80xi32, #tpu.memory_space<hbm>>) dst(%arg22 : memref<80xi32, #tpu.memory_space<vmem>>)
        %eq3A_398 = arith.constant 0 : i32
        %eq3A_399 = arith.cmpi eq, %arg0, %eq3A_398 : i32
        %convert_element_type3A_400 = arith.extui %eq3A_399 : i1 to i32
        %cond3A_401 = arith.constant 0 : i32
        %cond3A_402 = arith.cmpi ne, %convert_element_type3A_400, %cond3A_401 : i32
        scf.if %cond3A_402 {
          %dma_start3A_403 = arith.constant 0 : i32
          %dma_start3A_404 = arith.constant 0 : i32
          %dma_start3A_405 = tpu.memref_slice %arg2[%dma_start3A_403, %dma_start3A_404] : memref<10000x128xf32, #tpu.memory_space<hbm>> -> memref<10000x128xf32, #tpu.memory_space<hbm>>
          tpu.enqueue_indirect_dma source(%dma_start3A_405 : memref<10000x128xf32, #tpu.memory_space<hbm>>) target(%arg26 : memref<80x128xf32, #tpu.memory_space<vmem>>) offsets(%arg14 : memref<80xi32, #tpu.memory_space<vmem>>) semaphore(%arg30 : memref<!tpu.dma_semaphore, #tpu.memory_space<semaphore_mem>>)
        } else {
        }
      } else {
      }
      %eq3A_323 = arith.constant 0 : i32
      %eq3A_324 = arith.cmpi eq, %arg0, %eq3A_323 : i32
      %convert_element_type3A_325 = arith.extui %eq3A_324 : i1 to i32
      %cond3A_326 = arith.constant 0 : i32
      %cond3A_327 = arith.cmpi ne, %convert_element_type3A_325, %cond3A_326 : i32
      scf.if %cond3A_327 {
        %dma_wait3A_389 = arith.constant 0 : i32
        %dma_wait3A_390 = arith.constant 0 : i32
        %dma_wait3A_391 = tpu.memref_slice %arg2[%dma_wait3A_389, %dma_wait3A_390] : memref<10000x128xf32, #tpu.memory_space<hbm>> -> memref<10000x128xf32, #tpu.memory_space<hbm>>
        tpu.wait_indirect_dma semaphore(%arg28 : memref<!tpu.dma_semaphore, #tpu.memory_space<semaphore_mem>>) src(%dma_wait3A_391 : memref<10000x128xf32, #tpu.memory_space<hbm>>) dst(%arg24 : memref<80x128xf32, #tpu.memory_space<vmem>>)
      } else {
      }
      %dma_start3A_328 = arith.constant 0 : i32
      %dma_start3A_329 = arith.constant 0 : i32
      %dma_start3A_330 = tpu.memref_slice %arg6[%dma_start3A_328, %dma_start3A_329] : memref<10240x128xf32, #tpu.memory_space<vmem_shared>> -> memref<10240x128xf32, #tpu.memory_space<vmem_shared>>
      tpu.enqueue_indirect_dma source(%arg24 : memref<80x128xf32, #tpu.memory_space<vmem>>) target(%dma_start3A_330 : memref<10240x128xf32, #tpu.memory_space<vmem_shared>>) offsets(%arg20 : memref<80xi32, #tpu.memory_space<vmem>>) semaphore(%arg32 : memref<!tpu.dma_semaphore, #tpu.memory_space<semaphore_mem>>) {add = true}
      %add3A_331 = arith.constant 6 : i32
      %add3A_332 = arith.addi %add3A_158, %add3A_331 : i32
      %ge3A_333 = arith.constant 2 : i32
      %ge3A_334 = arith.cmpi sge, %add3A_332, %ge3A_333 : i32
      %convert_element_type3A_335 = arith.extui %ge3A_334 : i1 to i32
      %cond3A_336 = arith.constant 0 : i32
      %cond3A_337 = arith.cmpi ne, %convert_element_type3A_335, %cond3A_336 : i32
      scf.if %cond3A_337 {
        %dma_wait3A_389 = arith.constant 0 : i32
        %dma_wait3A_390 = arith.constant 0 : i32
        %dma_wait3A_391 = tpu.memref_slice %arg6[%dma_wait3A_389, %dma_wait3A_390] : memref<10240x128xf32, #tpu.memory_space<vmem_shared>> -> memref<10240x128xf32, #tpu.memory_space<vmem_shared>>
        tpu.wait_indirect_dma semaphore(%arg31 : memref<!tpu.dma_semaphore, #tpu.memory_space<semaphore_mem>>) src(%arg23 : memref<80x128xf32, #tpu.memory_space<vmem>>) dst(%dma_wait3A_391 : memref<10240x128xf32, #tpu.memory_space<vmem_shared>>)
      } else {
      }
      %add3A_338 = arith.constant 4 : i32
      %add3A_339 = arith.addi %add3A_332, %add3A_338 : i32
      %lt3A_340 = arith.constant 250 : i32
      %lt3A_341 = arith.cmpi slt, %add3A_339, %lt3A_340 : i32
      %convert_element_type3A_342 = arith.extui %lt3A_341 : i1 to i32
      %cond3A_343 = arith.constant 0 : i32
      %cond3A_344 = arith.cmpi ne, %convert_element_type3A_342, %cond3A_343 : i32
      scf.if %cond3A_344 {
        %add3A_389 = arith.constant 4 : i32
        %add3A_390 = arith.addi %add3A_332, %add3A_389 : i32
        %mul3A_391 = arith.constant 80 : i32
        %mul3A_392 = arith.muli %add3A_390, %mul3A_391 : i32
        %add3A_393 = arith.addi %mul3A_0, %mul3A_392 : i32
        %dma_start3A_394 = tpu.memref_slice %arg3[%add3A_393] : memref<320000xi32, #tpu.memory_space<hbm>> -> memref<80xi32, #tpu.memory_space<hbm>>
        %dma_start3A_395 = tpu.memref_slice %arg3[%add3A_393] : memref<320000xi32, #tpu.memory_space<hbm>> -> memref<80xi32, #tpu.memory_space<hbm>>
        tpu.enqueue_dma source(%dma_start3A_395 : memref<80xi32, #tpu.memory_space<hbm>>) target(%arg9 : memref<80xi32, #tpu.memory_space<vmem>>) target_semaphore(%arg37 : memref<!tpu.dma_semaphore, #tpu.memory_space<semaphore_mem>>)
        %dma_start3A_396 = tpu.memref_slice %arg4[%add3A_393] : memref<320000xi32, #tpu.memory_space<hbm>> -> memref<80xi32, #tpu.memory_space<hbm>>
        %dma_start3A_397 = tpu.memref_slice %arg4[%add3A_393] : memref<320000xi32, #tpu.memory_space<hbm>> -> memref<80xi32, #tpu.memory_space<hbm>>
        tpu.enqueue_dma source(%dma_start3A_397 : memref<80xi32, #tpu.memory_space<hbm>>) target(%arg17 : memref<80xi32, #tpu.memory_space<vmem>>) target_semaphore(%arg37 : memref<!tpu.dma_semaphore, #tpu.memory_space<semaphore_mem>>)
      } else {
      }
      %add3A_345 = arith.constant 2 : i32
      %add3A_346 = arith.addi %add3A_332, %add3A_345 : i32
      %lt3A_347 = arith.constant 250 : i32
      %lt3A_348 = arith.cmpi slt, %add3A_346, %lt3A_347 : i32
      %convert_element_type3A_349 = arith.extui %lt3A_348 : i1 to i32
      %cond3A_350 = arith.constant 0 : i32
      %cond3A_351 = arith.cmpi ne, %convert_element_type3A_349, %cond3A_350 : i32
      scf.if %cond3A_351 {
        %add3A_389 = arith.constant 2 : i32
        %add3A_390 = arith.addi %add3A_332, %add3A_389 : i32
        %mul3A_391 = arith.constant 80 : i32
        %mul3A_392 = arith.muli %add3A_390, %mul3A_391 : i32
        %add3A_393 = arith.addi %mul3A_0, %mul3A_392 : i32
        %dma_wait3A_394 = tpu.memref_slice %arg3[%add3A_393] : memref<320000xi32, #tpu.memory_space<hbm>> -> memref<80xi32, #tpu.memory_space<hbm>>
        %dma_wait3A_395 = tpu.memref_slice %arg3[%add3A_393] : memref<320000xi32, #tpu.memory_space<hbm>> -> memref<80xi32, #tpu.memory_space<hbm>>
        tpu.wait_dma2 semaphore(%arg35 : memref<!tpu.dma_semaphore, #tpu.memory_space<semaphore_mem>>) src(%dma_wait3A_395 : memref<80xi32, #tpu.memory_space<hbm>>) dst(%arg7 : memref<80xi32, #tpu.memory_space<vmem>>)
        %dma_wait3A_396 = tpu.memref_slice %arg4[%add3A_393] : memref<320000xi32, #tpu.memory_space<hbm>> -> memref<80xi32, #tpu.memory_space<hbm>>
        %dma_wait3A_397 = tpu.memref_slice %arg4[%add3A_393] : memref<320000xi32, #tpu.memory_space<hbm>> -> memref<80xi32, #tpu.memory_space<hbm>>
        tpu.wait_dma2 semaphore(%arg35 : memref<!tpu.dma_semaphore, #tpu.memory_space<semaphore_mem>>) src(%dma_wait3A_397 : memref<80xi32, #tpu.memory_space<hbm>>) dst(%arg15 : memref<80xi32, #tpu.memory_space<vmem>>)
        %eq3A_398 = arith.constant 0 : i32
        %eq3A_399 = arith.cmpi eq, %arg0, %eq3A_398 : i32
        %convert_element_type3A_400 = arith.extui %eq3A_399 : i1 to i32
        %cond3A_401 = arith.constant 0 : i32
        %cond3A_402 = arith.cmpi ne, %convert_element_type3A_400, %cond3A_401 : i32
        scf.if %cond3A_402 {
          %dma_start3A_403 = arith.constant 0 : i32
          %dma_start3A_404 = arith.constant 0 : i32
          %dma_start3A_405 = tpu.memref_slice %arg2[%dma_start3A_403, %dma_start3A_404] : memref<10000x128xf32, #tpu.memory_space<hbm>> -> memref<10000x128xf32, #tpu.memory_space<hbm>>
          tpu.enqueue_indirect_dma source(%dma_start3A_405 : memref<10000x128xf32, #tpu.memory_space<hbm>>) target(%arg23 : memref<80x128xf32, #tpu.memory_space<vmem>>) offsets(%arg7 : memref<80xi32, #tpu.memory_space<vmem>>) semaphore(%arg27 : memref<!tpu.dma_semaphore, #tpu.memory_space<semaphore_mem>>)
        } else {
        }
      } else {
      }
      %eq3A_352 = arith.constant 0 : i32
      %eq3A_353 = arith.cmpi eq, %arg0, %eq3A_352 : i32
      %convert_element_type3A_354 = arith.extui %eq3A_353 : i1 to i32
      %cond3A_355 = arith.constant 0 : i32
      %cond3A_356 = arith.cmpi ne, %convert_element_type3A_354, %cond3A_355 : i32
      scf.if %cond3A_356 {
        %dma_wait3A_389 = arith.constant 0 : i32
        %dma_wait3A_390 = arith.constant 0 : i32
        %dma_wait3A_391 = tpu.memref_slice %arg2[%dma_wait3A_389, %dma_wait3A_390] : memref<10000x128xf32, #tpu.memory_space<hbm>> -> memref<10000x128xf32, #tpu.memory_space<hbm>>
        tpu.wait_indirect_dma semaphore(%arg29 : memref<!tpu.dma_semaphore, #tpu.memory_space<semaphore_mem>>) src(%dma_wait3A_391 : memref<10000x128xf32, #tpu.memory_space<hbm>>) dst(%arg25 : memref<80x128xf32, #tpu.memory_space<vmem>>)
      } else {
      }
      %dma_start3A_357 = arith.constant 0 : i32
      %dma_start3A_358 = arith.constant 0 : i32
      %dma_start3A_359 = tpu.memref_slice %arg6[%dma_start3A_357, %dma_start3A_358] : memref<10240x128xf32, #tpu.memory_space<vmem_shared>> -> memref<10240x128xf32, #tpu.memory_space<vmem_shared>>
      tpu.enqueue_indirect_dma source(%arg25 : memref<80x128xf32, #tpu.memory_space<vmem>>) target(%dma_start3A_359 : memref<10240x128xf32, #tpu.memory_space<vmem_shared>>) offsets(%arg21 : memref<80xi32, #tpu.memory_space<vmem>>) semaphore(%arg33 : memref<!tpu.dma_semaphore, #tpu.memory_space<semaphore_mem>>) {add = true}
      %add3A_360 = arith.constant 7 : i32
      %add3A_361 = arith.addi %add3A_158, %add3A_360 : i32
      %ge3A_362 = arith.constant 2 : i32
      %ge3A_363 = arith.cmpi sge, %add3A_361, %ge3A_362 : i32
      %convert_element_type3A_364 = arith.extui %ge3A_363 : i1 to i32
      %cond3A_365 = arith.constant 0 : i32
      %cond3A_366 = arith.cmpi ne, %convert_element_type3A_364, %cond3A_365 : i32
      scf.if %cond3A_366 {
        %dma_wait3A_389 = arith.constant 0 : i32
        %dma_wait3A_390 = arith.constant 0 : i32
        %dma_wait3A_391 = tpu.memref_slice %arg6[%dma_wait3A_389, %dma_wait3A_390] : memref<10240x128xf32, #tpu.memory_space<vmem_shared>> -> memref<10240x128xf32, #tpu.memory_space<vmem_shared>>
        tpu.wait_indirect_dma semaphore(%arg32 : memref<!tpu.dma_semaphore, #tpu.memory_space<semaphore_mem>>) src(%arg24 : memref<80x128xf32, #tpu.memory_space<vmem>>) dst(%dma_wait3A_391 : memref<10240x128xf32, #tpu.memory_space<vmem_shared>>)
      } else {
      }
      %add3A_367 = arith.constant 4 : i32
      %add3A_368 = arith.addi %add3A_361, %add3A_367 : i32
      %lt3A_369 = arith.constant 250 : i32
      %lt3A_370 = arith.cmpi slt, %add3A_368, %lt3A_369 : i32
      %convert_element_type3A_371 = arith.extui %lt3A_370 : i1 to i32
      %cond3A_372 = arith.constant 0 : i32
      %cond3A_373 = arith.cmpi ne, %convert_element_type3A_371, %cond3A_372 : i32
      scf.if %cond3A_373 {
        %add3A_389 = arith.constant 4 : i32
        %add3A_390 = arith.addi %add3A_361, %add3A_389 : i32
        %mul3A_391 = arith.constant 80 : i32
        %mul3A_392 = arith.muli %add3A_390, %mul3A_391 : i32
        %add3A_393 = arith.addi %mul3A_0, %mul3A_392 : i32
        %dma_start3A_394 = tpu.memref_slice %arg3[%add3A_393] : memref<320000xi32, #tpu.memory_space<hbm>> -> memref<80xi32, #tpu.memory_space<hbm>>
        %dma_start3A_395 = tpu.memref_slice %arg3[%add3A_393] : memref<320000xi32, #tpu.memory_space<hbm>> -> memref<80xi32, #tpu.memory_space<hbm>>
        tpu.enqueue_dma source(%dma_start3A_395 : memref<80xi32, #tpu.memory_space<hbm>>) target(%arg10 : memref<80xi32, #tpu.memory_space<vmem>>) target_semaphore(%arg38 : memref<!tpu.dma_semaphore, #tpu.memory_space<semaphore_mem>>)
        %dma_start3A_396 = tpu.memref_slice %arg4[%add3A_393] : memref<320000xi32, #tpu.memory_space<hbm>> -> memref<80xi32, #tpu.memory_space<hbm>>
        %dma_start3A_397 = tpu.memref_slice %arg4[%add3A_393] : memref<320000xi32, #tpu.memory_space<hbm>> -> memref<80xi32, #tpu.memory_space<hbm>>
        tpu.enqueue_dma source(%dma_start3A_397 : memref<80xi32, #tpu.memory_space<hbm>>) target(%arg18 : memref<80xi32, #tpu.memory_space<vmem>>) target_semaphore(%arg38 : memref<!tpu.dma_semaphore, #tpu.memory_space<semaphore_mem>>)
      } else {
      }
      %add3A_374 = arith.constant 2 : i32
      %add3A_375 = arith.addi %add3A_361, %add3A_374 : i32
      %lt3A_376 = arith.constant 250 : i32
      %lt3A_377 = arith.cmpi slt, %add3A_375, %lt3A_376 : i32
      %convert_element_type3A_378 = arith.extui %lt3A_377 : i1 to i32
      %cond3A_379 = arith.constant 0 : i32
      %cond3A_380 = arith.cmpi ne, %convert_element_type3A_378, %cond3A_379 : i32
      scf.if %cond3A_380 {
        %add3A_389 = arith.constant 2 : i32
        %add3A_390 = arith.addi %add3A_361, %add3A_389 : i32
        %mul3A_391 = arith.constant 80 : i32
        %mul3A_392 = arith.muli %add3A_390, %mul3A_391 : i32
        %add3A_393 = arith.addi %mul3A_0, %mul3A_392 : i32
        %dma_wait3A_394 = tpu.memref_slice %arg3[%add3A_393] : memref<320000xi32, #tpu.memory_space<hbm>> -> memref<80xi32, #tpu.memory_space<hbm>>
        %dma_wait3A_395 = tpu.memref_slice %arg3[%add3A_393] : memref<320000xi32, #tpu.memory_space<hbm>> -> memref<80xi32, #tpu.memory_space<hbm>>
        tpu.wait_dma2 semaphore(%arg36 : memref<!tpu.dma_semaphore, #tpu.memory_space<semaphore_mem>>) src(%dma_wait3A_395 : memref<80xi32, #tpu.memory_space<hbm>>) dst(%arg8 : memref<80xi32, #tpu.memory_space<vmem>>)
        %dma_wait3A_396 = tpu.memref_slice %arg4[%add3A_393] : memref<320000xi32, #tpu.memory_space<hbm>> -> memref<80xi32, #tpu.memory_space<hbm>>
        %dma_wait3A_397 = tpu.memref_slice %arg4[%add3A_393] : memref<320000xi32, #tpu.memory_space<hbm>> -> memref<80xi32, #tpu.memory_space<hbm>>
        tpu.wait_dma2 semaphore(%arg36 : memref<!tpu.dma_semaphore, #tpu.memory_space<semaphore_mem>>) src(%dma_wait3A_397 : memref<80xi32, #tpu.memory_space<hbm>>) dst(%arg16 : memref<80xi32, #tpu.memory_space<vmem>>)
        %eq3A_398 = arith.constant 0 : i32
        %eq3A_399 = arith.cmpi eq, %arg0, %eq3A_398 : i32
        %convert_element_type3A_400 = arith.extui %eq3A_399 : i1 to i32
        %cond3A_401 = arith.constant 0 : i32
        %cond3A_402 = arith.cmpi ne, %convert_element_type3A_400, %cond3A_401 : i32
        scf.if %cond3A_402 {
          %dma_start3A_403 = arith.constant 0 : i32
          %dma_start3A_404 = arith.constant 0 : i32
          %dma_start3A_405 = tpu.memref_slice %arg2[%dma_start3A_403, %dma_start3A_404] : memref<10000x128xf32, #tpu.memory_space<hbm>> -> memref<10000x128xf32, #tpu.memory_space<hbm>>
          tpu.enqueue_indirect_dma source(%dma_start3A_405 : memref<10000x128xf32, #tpu.memory_space<hbm>>) target(%arg24 : memref<80x128xf32, #tpu.memory_space<vmem>>) offsets(%arg8 : memref<80xi32, #tpu.memory_space<vmem>>) semaphore(%arg28 : memref<!tpu.dma_semaphore, #tpu.memory_space<semaphore_mem>>)
        } else {
        }
      } else {
      }
      %eq3A_381 = arith.constant 0 : i32
      %eq3A_382 = arith.cmpi eq, %arg0, %eq3A_381 : i32
      %convert_element_type3A_383 = arith.extui %eq3A_382 : i1 to i32
      %cond3A_384 = arith.constant 0 : i32
      %cond3A_385 = arith.cmpi ne, %convert_element_type3A_383, %cond3A_384 : i32
      scf.if %cond3A_385 {
        %dma_wait3A_389 = arith.constant 0 : i32
        %dma_wait3A_390 = arith.constant 0 : i32
        %dma_wait3A_391 = tpu.memref_slice %arg2[%dma_wait3A_389, %dma_wait3A_390] : memref<10000x128xf32, #tpu.memory_space<hbm>> -> memref<10000x128xf32, #tpu.memory_space<hbm>>
        tpu.wait_indirect_dma semaphore(%arg30 : memref<!tpu.dma_semaphore, #tpu.memory_space<semaphore_mem>>) src(%dma_wait3A_391 : memref<10000x128xf32, #tpu.memory_space<hbm>>) dst(%arg26 : memref<80x128xf32, #tpu.memory_space<vmem>>)
      } else {
      }
      %dma_start3A_386 = arith.constant 0 : i32
      %dma_start3A_387 = arith.constant 0 : i32
      %dma_start3A_388 = tpu.memref_slice %arg6[%dma_start3A_386, %dma_start3A_387] : memref<10240x128xf32, #tpu.memory_space<vmem_shared>> -> memref<10240x128xf32, #tpu.memory_space<vmem_shared>>
      tpu.enqueue_indirect_dma source(%arg26 : memref<80x128xf32, #tpu.memory_space<vmem>>) target(%dma_start3A_388 : memref<10240x128xf32, #tpu.memory_space<vmem_shared>>) offsets(%arg22 : memref<80xi32, #tpu.memory_space<vmem>>) semaphore(%arg34 : memref<!tpu.dma_semaphore, #tpu.memory_space<semaphore_mem>>) {add = true}
    }
    %scan3A_120 = arith.constant 31 : i32
    %dma_wait3A_121 = arith.constant 0 : i32
    %dma_wait3A_122 = arith.constant 0 : i32
    %dma_wait3A_123 = tpu.memref_slice %arg6[%dma_wait3A_121, %dma_wait3A_122] : memref<10240x128xf32, #tpu.memory_space<vmem_shared>> -> memref<10240x128xf32, #tpu.memory_space<vmem_shared>>
    tpu.wait_indirect_dma semaphore(%arg33 : memref<!tpu.dma_semaphore, #tpu.memory_space<semaphore_mem>>) src(%arg25 : memref<80x128xf32, #tpu.memory_space<vmem>>) dst(%dma_wait3A_123 : memref<10240x128xf32, #tpu.memory_space<vmem_shared>>)
    %eq3A_124 = arith.constant 0 : i32
    %eq3A_125 = arith.cmpi eq, %arg0, %eq3A_124 : i32
    %convert_element_type3A_126 = arith.extui %eq3A_125 : i1 to i32
    %cond3A_127 = arith.constant 0 : i32
    %cond3A_128 = arith.cmpi ne, %convert_element_type3A_126, %cond3A_127 : i32
    scf.if %cond3A_128 {
      %dma_wait3A_154 = arith.constant 0 : i32
      %dma_wait3A_155 = arith.constant 0 : i32
      %dma_wait3A_156 = tpu.memref_slice %arg2[%dma_wait3A_154, %dma_wait3A_155] : memref<10000x128xf32, #tpu.memory_space<hbm>> -> memref<10000x128xf32, #tpu.memory_space<hbm>>
      tpu.wait_indirect_dma semaphore(%arg27 : memref<!tpu.dma_semaphore, #tpu.memory_space<semaphore_mem>>) src(%dma_wait3A_156 : memref<10000x128xf32, #tpu.memory_space<hbm>>) dst(%arg23 : memref<80x128xf32, #tpu.memory_space<vmem>>)
    } else {
    }
    %dma_start3A_129 = arith.constant 0 : i32
    %dma_start3A_130 = arith.constant 0 : i32
    %dma_start3A_131 = tpu.memref_slice %arg6[%dma_start3A_129, %dma_start3A_130] : memref<10240x128xf32, #tpu.memory_space<vmem_shared>> -> memref<10240x128xf32, #tpu.memory_space<vmem_shared>>
    tpu.enqueue_indirect_dma source(%arg23 : memref<80x128xf32, #tpu.memory_space<vmem>>) target(%dma_start3A_131 : memref<10240x128xf32, #tpu.memory_space<vmem_shared>>) offsets(%arg15 : memref<80xi32, #tpu.memory_space<vmem>>) semaphore(%arg31 : memref<!tpu.dma_semaphore, #tpu.memory_space<semaphore_mem>>) {add = true}
    %dma_wait3A_132 = arith.constant 0 : i32
    %dma_wait3A_133 = arith.constant 0 : i32
    %dma_wait3A_134 = tpu.memref_slice %arg6[%dma_wait3A_132, %dma_wait3A_133] : memref<10240x128xf32, #tpu.memory_space<vmem_shared>> -> memref<10240x128xf32, #tpu.memory_space<vmem_shared>>
    tpu.wait_indirect_dma semaphore(%arg34 : memref<!tpu.dma_semaphore, #tpu.memory_space<semaphore_mem>>) src(%arg26 : memref<80x128xf32, #tpu.memory_space<vmem>>) dst(%dma_wait3A_134 : memref<10240x128xf32, #tpu.memory_space<vmem_shared>>)
    %eq3A_135 = arith.constant 0 : i32
    %eq3A_136 = arith.cmpi eq, %arg0, %eq3A_135 : i32
    %convert_element_type3A_137 = arith.extui %eq3A_136 : i1 to i32
    %cond3A_138 = arith.constant 0 : i32
    %cond3A_139 = arith.cmpi ne, %convert_element_type3A_137, %cond3A_138 : i32
    scf.if %cond3A_139 {
      %dma_wait3A_154 = arith.constant 0 : i32
      %dma_wait3A_155 = arith.constant 0 : i32
      %dma_wait3A_156 = tpu.memref_slice %arg2[%dma_wait3A_154, %dma_wait3A_155] : memref<10000x128xf32, #tpu.memory_space<hbm>> -> memref<10000x128xf32, #tpu.memory_space<hbm>>
      tpu.wait_indirect_dma semaphore(%arg28 : memref<!tpu.dma_semaphore, #tpu.memory_space<semaphore_mem>>) src(%dma_wait3A_156 : memref<10000x128xf32, #tpu.memory_space<hbm>>) dst(%arg24 : memref<80x128xf32, #tpu.memory_space<vmem>>)
    } else {
    }
    %dma_start3A_140 = arith.constant 0 : i32
    %dma_start3A_141 = arith.constant 0 : i32
    %dma_start3A_142 = tpu.memref_slice %arg6[%dma_start3A_140, %dma_start3A_141] : memref<10240x128xf32, #tpu.memory_space<vmem_shared>> -> memref<10240x128xf32, #tpu.memory_space<vmem_shared>>
    tpu.enqueue_indirect_dma source(%arg24 : memref<80x128xf32, #tpu.memory_space<vmem>>) target(%dma_start3A_142 : memref<10240x128xf32, #tpu.memory_space<vmem_shared>>) offsets(%arg16 : memref<80xi32, #tpu.memory_space<vmem>>) semaphore(%arg32 : memref<!tpu.dma_semaphore, #tpu.memory_space<semaphore_mem>>) {add = true}
    %dma_wait3A_143 = arith.constant 0 : i32
    %dma_wait3A_144 = arith.constant 0 : i32
    %dma_wait3A_145 = tpu.memref_slice %arg6[%dma_wait3A_143, %dma_wait3A_144] : memref<10240x128xf32, #tpu.memory_space<vmem_shared>> -> memref<10240x128xf32, #tpu.memory_space<vmem_shared>>
    tpu.wait_indirect_dma semaphore(%arg31 : memref<!tpu.dma_semaphore, #tpu.memory_space<semaphore_mem>>) src(%arg23 : memref<80x128xf32, #tpu.memory_space<vmem>>) dst(%dma_wait3A_145 : memref<10240x128xf32, #tpu.memory_space<vmem_shared>>)
    %dma_wait3A_146 = arith.constant 0 : i32
    %dma_wait3A_147 = arith.constant 0 : i32
    %dma_wait3A_148 = tpu.memref_slice %arg6[%dma_wait3A_146, %dma_wait3A_147] : memref<10240x128xf32, #tpu.memory_space<vmem_shared>> -> memref<10240x128xf32, #tpu.memory_space<vmem_shared>>
    tpu.wait_indirect_dma semaphore(%arg32 : memref<!tpu.dma_semaphore, #tpu.memory_space<semaphore_mem>>) src(%arg24 : memref<80x128xf32, #tpu.memory_space<vmem>>) dst(%dma_wait3A_148 : memref<10240x128xf32, #tpu.memory_space<vmem_shared>>)
    %barrier3A_149 = arith.constant 0 : index
    tpu.barrier barrier_id(%barrier3A_149)
    %mul3A_150 = arith.constant 640 : i32
    %mul3A_151 = arith.muli %arg1, %mul3A_150 : i32
    %mul3A_152 = arith.constant 640 : i32
    %mul3A_153 = arith.muli %arg1, %mul3A_152 : i32
    "tpu.region"() ({
      %run_scoped3A = tpu.sem_alloc : memref<!tpu.dma_semaphore, #tpu.memory_space<semaphore_mem>>
      %dma_start3A_154 = arith.constant 0 : i32
      %dma_start3A_155 = tpu.memref_slice %arg5[%arg0, %mul3A_153, %dma_start3A_154] : memref<2x10240x128xf32, #tpu.memory_space<hbm>> -> memref<1x640x128xf32, #tpu.memory_space<hbm>>
      %dma_start3A_156 = tpu.memref_squeeze %dma_start3A_155 : memref<1x640x128xf32, #tpu.memory_space<hbm>> -> memref<640x128xf32, #tpu.memory_space<hbm>>
      %dma_start3A_157 = arith.constant 0 : i32
      %dma_start3A_158 = tpu.memref_slice %arg6[%mul3A_151, %dma_start3A_157] : memref<10240x128xf32, #tpu.memory_space<vmem_shared>> -> memref<640x128xf32, #tpu.memory_space<vmem_shared>>
      tpu.enqueue_dma source(%dma_start3A_158 : memref<640x128xf32, #tpu.memory_space<vmem_shared>>) target(%dma_start3A_156 : memref<640x128xf32, #tpu.memory_space<hbm>>) target_semaphore(%run_scoped3A : memref<!tpu.dma_semaphore, #tpu.memory_space<semaphore_mem>>)
      %dma_wait3A_159 = arith.constant 0 : i32
      %dma_wait3A_160 = tpu.memref_slice %arg5[%arg0, %mul3A_153, %dma_wait3A_159] : memref<2x10240x128xf32, #tpu.memory_space<hbm>> -> memref<1x640x128xf32, #tpu.memory_space<hbm>>
      %dma_wait3A_161 = tpu.memref_squeeze %dma_wait3A_160 : memref<1x640x128xf32, #tpu.memory_space<hbm>> -> memref<640x128xf32, #tpu.memory_space<hbm>>
      %dma_wait3A_162 = arith.constant 0 : i32
      %dma_wait3A_163 = tpu.memref_slice %arg6[%mul3A_151, %dma_wait3A_162] : memref<10240x128xf32, #tpu.memory_space<vmem_shared>> -> memref<640x128xf32, #tpu.memory_space<vmem_shared>>
      tpu.wait_dma2 semaphore(%run_scoped3A : memref<!tpu.dma_semaphore, #tpu.memory_space<semaphore_mem>>) src(%dma_wait3A_163 : memref<640x128xf32, #tpu.memory_space<vmem_shared>>) dst(%dma_wait3A_161 : memref<640x128xf32, #tpu.memory_space<hbm>>)
      tpu.yield
    }) : () -> ()
    return
  }
}

#map = affine_map<(d0, d1) -> (0, 0)>
#map1 = affine_map<(d0, d1) -> (0)>
#map2 = affine_map<(d0, d1) -> (0, 0, 0)>
module attributes {stable_mosaic.version = 14 : i64} {
  func.func @body(%arg0: i32, %arg1: i32, %arg2: memref<10000x128xf32, #tpu.memory_space<hbm>>, %arg3: memref<320000xi32, #tpu.memory_space<hbm>>, %arg4: memref<320000xi32, #tpu.memory_space<hbm>>, %arg5: memref<2x10240x128xf32, #tpu.memory_space<hbm>>, %arg6: memref<10240x128xf32, #tpu.memory_space<vmem_shared>>, %arg7: memref<80xi32, #tpu.memory_space<vmem>>, %arg8: memref<80xi32, #tpu.memory_space<vmem>>, %arg9: memref<80xi32, #tpu.memory_space<vmem>>, %arg10: memref<80xi32, #tpu.memory_space<vmem>>, %arg11: memref<80xi32, #tpu.memory_space<vmem>>, %arg12: memref<80xi32, #tpu.memory_space<vmem>>, %arg13: memref<80xi32, #tpu.memory_space<vmem>>, %arg14: memref<80xi32, #tpu.memory_space<vmem>>, %arg15: memref<80xi32, #tpu.memory_space<vmem>>, %arg16: memref<80xi32, #tpu.memory_space<vmem>>, %arg17: memref<80xi32, #tpu.memory_space<vmem>>, %arg18: memref<80xi32, #tpu.memory_space<vmem>>, %arg19: memref<80xi32, #tpu.memory_space<vmem>>, %arg20: memref<80xi32, #tpu.memory_space<vmem>>, %arg21: memref<80xi32, #tpu.memory_space<vmem>>, %arg22: memref<80xi32, #tpu.memory_space<vmem>>, %arg23: memref<80x128xf32, #tpu.memory_space<vmem>>, %arg24: memref<80x128xf32, #tpu.memory_space<vmem>>, %arg25: memref<80x128xf32, #tpu.memory_space<vmem>>, %arg26: memref<80x128xf32, #tpu.memory_space<vmem>>, %arg27: memref<!tpu.dma_semaphore, #tpu.memory_space<semaphore_mem>>, %arg28: memref<!tpu.dma_semaphore, #tpu.memory_space<semaphore_mem>>, %arg29: memref<!tpu.dma_semaphore, #tpu.memory_space<semaphore_mem>>, %arg30: memref<!tpu.dma_semaphore, #tpu.memory_space<semaphore_mem>>, %arg31: memref<!tpu.dma_semaphore, #tpu.memory_space<semaphore_mem>>, %arg32: memref<!tpu.dma_semaphore, #tpu.memory_space<semaphore_mem>>, %arg33: memref<!tpu.dma_semaphore, #tpu.memory_space<semaphore_mem>>, %arg34: memref<!tpu.dma_semaphore, #tpu.memory_space<semaphore_mem>>, %arg35: memref<!tpu.dma_semaphore, #tpu.memory_space<semaphore_mem>>, %arg36: memref<!tpu.dma_semaphore, #tpu.memory_space<semaphore_mem>>, %arg37: memref<!tpu.dma_semaphore, #tpu.memory_space<semaphore_mem>>, %arg38: memref<!tpu.dma_semaphore, #tpu.memory_space<semaphore_mem>>, %arg39: memref<!tpu.dma_semaphore, #tpu.memory_space<semaphore_mem>>, %arg40: memref<!tpu.dma_semaphore, #tpu.memory_space<semaphore_mem>>, %arg41: memref<!tpu.dma_semaphore, #tpu.memory_space<semaphore_mem>>, %arg42: memref<!tpu.dma_semaphore, #tpu.memory_space<semaphore_mem>>) attributes {dimension_semantics = [#tpu.dimension_semantics<core_parallel>, #tpu.dimension_semantics<subcore_parallel>], iteration_bounds = array<i64: 2, 16>, scalar_prefetch = 0 : i64, scratch_operands = 37 : i64, tpu.core_type = #tpu.core_type<sc_vector_subcore>, window_params = [{transform_indices = #map}, {transform_indices = #map1}, {transform_indices = #map1}, {transform_indices = #map2}]} {
    %mul3A = arith.constant 16 : i32
    %mul3A_0 = arith.muli %arg0, %mul3A : i32
    %add3A = arith.addi %mul3A_0, %arg1 : i32
    %mul3A_1 = arith.constant 10000 : i32
    %mul3A_2 = arith.muli %add3A, %mul3A_1 : i32
    %broadcast_in_dim3A = arith.constant 0.000000e+00 : f32
    %broadcast_in_dim3A_3 = vector.broadcast %broadcast_in_dim3A : f32 to vector<16xf32>
    %scan3A = arith.constant 0 : i32
    %scan3A_4 = arith.constant 0 : i32
    %scan3A_5 = arith.constant 80 : i32
    %scan3A_6 = arith.addi %scan3A_4, %scan3A_5 : i32
    %scan3A_7 = arith.constant 1 : i32
    %scan3A_8 = scf.for %scan3A_176 = %scan3A_4 to %scan3A_6 step %scan3A_7 iter_args(%scan3A_177 = %scan3A) -> (i32)  : i32 {
      %scan3A_178 = arith.constant 0 : i32
      %scan3A_179 = arith.constant 0 : i32
      %scan3A_180 = arith.constant 8 : i32
      %scan3A_181 = arith.addi %scan3A_179, %scan3A_180 : i32
      %scan3A_182 = arith.constant 1 : i32
      %scan3A_183 = scf.for %scan3A_185 = %scan3A_179 to %scan3A_181 step %scan3A_182 iter_args(%scan3A_186 = %scan3A_178) -> (i32)  : i32 {
        %mul3A_187 = arith.constant 16 : i32
        %mul3A_188 = arith.muli %scan3A_185, %mul3A_187 : i32
        %swap3A = arith.index_cast %scan3A_176 : i32 to index
        %swap3A_189 = arith.index_cast %mul3A_188 : i32 to index
        %swap3A_190 = tpu.vector_load %arg23[%swap3A, %swap3A_189] {strides = array<i32>} : memref<80x128xf32, #tpu.memory_space<vmem>>, vector<1x16xf32>,
        %swap3A_191 = vector.shape_cast %swap3A_190 : vector<1x16xf32> to vector<16xf32>
        %swap3A_192 = vector.shape_cast %broadcast_in_dim3A_3 : vector<16xf32> to vector<1x16xf32>
        tpu.vector_store %arg23[%swap3A, %swap3A_189], %swap3A_192 {strides = array<i32>} : memref<80x128xf32, #tpu.memory_space<vmem>>, vector<1x16xf32>,
        %scan3A_193 = arith.constant 0 : i32
        scf.yield %scan3A_193 : i32
      }
      %scan3A_184 = arith.constant 8 : i32
      scf.yield %scan3A_183 : i32
    }
    %scan3A_9 = arith.constant 80 : i32
    %mul3A_10 = arith.constant 640 : i32
    %mul3A_11 = arith.muli %arg1, %mul3A_10 : i32
    %add3A_12 = arith.constant 0 : i32
    %add3A_13 = arith.addi %mul3A_11, %add3A_12 : i32
    "tpu.region"() ({
      %run_scoped3A = tpu.sem_alloc : memref<!tpu.dma_semaphore, #tpu.memory_space<semaphore_mem>>
      %dma_start3A_176 = arith.constant 0 : i32
      %dma_start3A_177 = tpu.memref_slice %arg6[%add3A_13, %dma_start3A_176] : memref<10240x128xf32, #tpu.memory_space<vmem_shared>> -> memref<80x128xf32, #tpu.memory_space<vmem_shared>>
      %dma_start3A_178 = arith.constant 0 : i32
      %dma_start3A_179 = tpu.memref_slice %arg6[%add3A_13, %dma_start3A_178] : memref<10240x128xf32, #tpu.memory_space<vmem_shared>> -> memref<80x128xf32, #tpu.memory_space<vmem_shared>>
      tpu.enqueue_dma source(%arg23 : memref<80x128xf32, #tpu.memory_space<vmem>>) target(%dma_start3A_179 : memref<80x128xf32, #tpu.memory_space<vmem_shared>>) target_semaphore(%run_scoped3A : memref<!tpu.dma_semaphore, #tpu.memory_space<semaphore_mem>>)
      %dma_wait3A_180 = arith.constant 0 : i32
      %dma_wait3A_181 = tpu.memref_slice %arg6[%add3A_13, %dma_wait3A_180] : memref<10240x128xf32, #tpu.memory_space<vmem_shared>> -> memref<80x128xf32, #tpu.memory_space<vmem_shared>>
      %dma_wait3A_182 = arith.constant 0 : i32
      %dma_wait3A_183 = tpu.memref_slice %arg6[%add3A_13, %dma_wait3A_182] : memref<10240x128xf32, #tpu.memory_space<vmem_shared>> -> memref<80x128xf32, #tpu.memory_space<vmem_shared>>
      tpu.wait_dma2 semaphore(%run_scoped3A : memref<!tpu.dma_semaphore, #tpu.memory_space<semaphore_mem>>) src(%arg23 : memref<80x128xf32, #tpu.memory_space<vmem>>) dst(%dma_wait3A_183 : memref<80x128xf32, #tpu.memory_space<vmem_shared>>)
      tpu.yield
    }) : () -> ()
    %mul3A_14 = arith.constant 640 : i32
    %mul3A_15 = arith.muli %arg1, %mul3A_14 : i32
    %add3A_16 = arith.constant 80 : i32
    %add3A_17 = arith.addi %mul3A_15, %add3A_16 : i32
    "tpu.region"() ({
      %run_scoped3A = tpu.sem_alloc : memref<!tpu.dma_semaphore, #tpu.memory_space<semaphore_mem>>
      %dma_start3A_176 = arith.constant 0 : i32
      %dma_start3A_177 = tpu.memref_slice %arg6[%add3A_17, %dma_start3A_176] : memref<10240x128xf32, #tpu.memory_space<vmem_shared>> -> memref<80x128xf32, #tpu.memory_space<vmem_shared>>
      %dma_start3A_178 = arith.constant 0 : i32
      %dma_start3A_179 = tpu.memref_slice %arg6[%add3A_17, %dma_start3A_178] : memref<10240x128xf32, #tpu.memory_space<vmem_shared>> -> memref<80x128xf32, #tpu.memory_space<vmem_shared>>
      tpu.enqueue_dma source(%arg23 : memref<80x128xf32, #tpu.memory_space<vmem>>) target(%dma_start3A_179 : memref<80x128xf32, #tpu.memory_space<vmem_shared>>) target_semaphore(%run_scoped3A : memref<!tpu.dma_semaphore, #tpu.memory_space<semaphore_mem>>)
      %dma_wait3A_180 = arith.constant 0 : i32
      %dma_wait3A_181 = tpu.memref_slice %arg6[%add3A_17, %dma_wait3A_180] : memref<10240x128xf32, #tpu.memory_space<vmem_shared>> -> memref<80x128xf32, #tpu.memory_space<vmem_shared>>
      %dma_wait3A_182 = arith.constant 0 : i32
      %dma_wait3A_183 = tpu.memref_slice %arg6[%add3A_17, %dma_wait3A_182] : memref<10240x128xf32, #tpu.memory_space<vmem_shared>> -> memref<80x128xf32, #tpu.memory_space<vmem_shared>>
      tpu.wait_dma2 semaphore(%run_scoped3A : memref<!tpu.dma_semaphore, #tpu.memory_space<semaphore_mem>>) src(%arg23 : memref<80x128xf32, #tpu.memory_space<vmem>>) dst(%dma_wait3A_183 : memref<80x128xf32, #tpu.memory_space<vmem_shared>>)
      tpu.yield
    }) : () -> ()
    %mul3A_18 = arith.constant 640 : i32
    %mul3A_19 = arith.muli %arg1, %mul3A_18 : i32
    %add3A_20 = arith.constant 160 : i32
    %add3A_21 = arith.addi %mul3A_19, %add3A_20 : i32
    "tpu.region"() ({
      %run_scoped3A = tpu.sem_alloc : memref<!tpu.dma_semaphore, #tpu.memory_space<semaphore_mem>>
      %dma_start3A_176 = arith.constant 0 : i32
      %dma_start3A_177 = tpu.memref_slice %arg6[%add3A_21, %dma_start3A_176] : memref<10240x128xf32, #tpu.memory_space<vmem_shared>> -> memref<80x128xf32, #tpu.memory_space<vmem_shared>>
      %dma_start3A_178 = arith.constant 0 : i32
      %dma_start3A_179 = tpu.memref_slice %arg6[%add3A_21, %dma_start3A_178] : memref<10240x128xf32, #tpu.memory_space<vmem_shared>> -> memref<80x128xf32, #tpu.memory_space<vmem_shared>>
      tpu.enqueue_dma source(%arg23 : memref<80x128xf32, #tpu.memory_space<vmem>>) target(%dma_start3A_179 : memref<80x128xf32, #tpu.memory_space<vmem_shared>>) target_semaphore(%run_scoped3A : memref<!tpu.dma_semaphore, #tpu.memory_space<semaphore_mem>>)
      %dma_wait3A_180 = arith.constant 0 : i32
      %dma_wait3A_181 = tpu.memref_slice %arg6[%add3A_21, %dma_wait3A_180] : memref<10240x128xf32, #tpu.memory_space<vmem_shared>> -> memref<80x128xf32, #tpu.memory_space<vmem_shared>>
      %dma_wait3A_182 = arith.constant 0 : i32
      %dma_wait3A_183 = tpu.memref_slice %arg6[%add3A_21, %dma_wait3A_182] : memref<10240x128xf32, #tpu.memory_space<vmem_shared>> -> memref<80x128xf32, #tpu.memory_space<vmem_shared>>
      tpu.wait_dma2 semaphore(%run_scoped3A : memref<!tpu.dma_semaphore, #tpu.memory_space<semaphore_mem>>) src(%arg23 : memref<80x128xf32, #tpu.memory_space<vmem>>) dst(%dma_wait3A_183 : memref<80x128xf32, #tpu.memory_space<vmem_shared>>)
      tpu.yield
    }) : () -> ()
    %mul3A_22 = arith.constant 640 : i32
    %mul3A_23 = arith.muli %arg1, %mul3A_22 : i32
    %add3A_24 = arith.constant 240 : i32
    %add3A_25 = arith.addi %mul3A_23, %add3A_24 : i32
    "tpu.region"() ({
      %run_scoped3A = tpu.sem_alloc : memref<!tpu.dma_semaphore, #tpu.memory_space<semaphore_mem>>
      %dma_start3A_176 = arith.constant 0 : i32
      %dma_start3A_177 = tpu.memref_slice %arg6[%add3A_25, %dma_start3A_176] : memref<10240x128xf32, #tpu.memory_space<vmem_shared>> -> memref<80x128xf32, #tpu.memory_space<vmem_shared>>
      %dma_start3A_178 = arith.constant 0 : i32
      %dma_start3A_179 = tpu.memref_slice %arg6[%add3A_25, %dma_start3A_178] : memref<10240x128xf32, #tpu.memory_space<vmem_shared>> -> memref<80x128xf32, #tpu.memory_space<vmem_shared>>
      tpu.enqueue_dma source(%arg23 : memref<80x128xf32, #tpu.memory_space<vmem>>) target(%dma_start3A_179 : memref<80x128xf32, #tpu.memory_space<vmem_shared>>) target_semaphore(%run_scoped3A : memref<!tpu.dma_semaphore, #tpu.memory_space<semaphore_mem>>)
      %dma_wait3A_180 = arith.constant 0 : i32
      %dma_wait3A_181 = tpu.memref_slice %arg6[%add3A_25, %dma_wait3A_180] : memref<10240x128xf32, #tpu.memory_space<vmem_shared>> -> memref<80x128xf32, #tpu.memory_space<vmem_shared>>
      %dma_wait3A_182 = arith.constant 0 : i32
      %dma_wait3A_183 = tpu.memref_slice %arg6[%add3A_25, %dma_wait3A_182] : memref<10240x128xf32, #tpu.memory_space<vmem_shared>> -> memref<80x128xf32, #tpu.memory_space<vmem_shared>>
      tpu.wait_dma2 semaphore(%run_scoped3A : memref<!tpu.dma_semaphore, #tpu.memory_space<semaphore_mem>>) src(%arg23 : memref<80x128xf32, #tpu.memory_space<vmem>>) dst(%dma_wait3A_183 : memref<80x128xf32, #tpu.memory_space<vmem_shared>>)
      tpu.yield
    }) : () -> ()
    %mul3A_26 = arith.constant 640 : i32
    %mul3A_27 = arith.muli %arg1, %mul3A_26 : i32
    %add3A_28 = arith.constant 320 : i32
    %add3A_29 = arith.addi %mul3A_27, %add3A_28 : i32
    "tpu.region"() ({
      %run_scoped3A = tpu.sem_alloc : memref<!tpu.dma_semaphore, #tpu.memory_space<semaphore_mem>>
      %dma_start3A_176 = arith.constant 0 : i32
      %dma_start3A_177 = tpu.memref_slice %arg6[%add3A_29, %dma_start3A_176] : memref<10240x128xf32, #tpu.memory_space<vmem_shared>> -> memref<80x128xf32, #tpu.memory_space<vmem_shared>>
      %dma_start3A_178 = arith.constant 0 : i32
      %dma_start3A_179 = tpu.memref_slice %arg6[%add3A_29, %dma_start3A_178] : memref<10240x128xf32, #tpu.memory_space<vmem_shared>> -> memref<80x128xf32, #tpu.memory_space<vmem_shared>>
      tpu.enqueue_dma source(%arg23 : memref<80x128xf32, #tpu.memory_space<vmem>>) target(%dma_start3A_179 : memref<80x128xf32, #tpu.memory_space<vmem_shared>>) target_semaphore(%run_scoped3A : memref<!tpu.dma_semaphore, #tpu.memory_space<semaphore_mem>>)
      %dma_wait3A_180 = arith.constant 0 : i32
      %dma_wait3A_181 = tpu.memref_slice %arg6[%add3A_29, %dma_wait3A_180] : memref<10240x128xf32, #tpu.memory_space<vmem_shared>> -> memref<80x128xf32, #tpu.memory_space<vmem_shared>>
      %dma_wait3A_182 = arith.constant 0 : i32
      %dma_wait3A_183 = tpu.memref_slice %arg6[%add3A_29, %dma_wait3A_182] : memref<10240x128xf32, #tpu.memory_space<vmem_shared>> -> memref<80x128xf32, #tpu.memory_space<vmem_shared>>
      tpu.wait_dma2 semaphore(%run_scoped3A : memref<!tpu.dma_semaphore, #tpu.memory_space<semaphore_mem>>) src(%arg23 : memref<80x128xf32, #tpu.memory_space<vmem>>) dst(%dma_wait3A_183 : memref<80x128xf32, #tpu.memory_space<vmem_shared>>)
      tpu.yield
    }) : () -> ()
    %mul3A_30 = arith.constant 640 : i32
    %mul3A_31 = arith.muli %arg1, %mul3A_30 : i32
    %add3A_32 = arith.constant 400 : i32
    %add3A_33 = arith.addi %mul3A_31, %add3A_32 : i32
    "tpu.region"() ({
      %run_scoped3A = tpu.sem_alloc : memref<!tpu.dma_semaphore, #tpu.memory_space<semaphore_mem>>
      %dma_start3A_176 = arith.constant 0 : i32
      %dma_start3A_177 = tpu.memref_slice %arg6[%add3A_33, %dma_start3A_176] : memref<10240x128xf32, #tpu.memory_space<vmem_shared>> -> memref<80x128xf32, #tpu.memory_space<vmem_shared>>
      %dma_start3A_178 = arith.constant 0 : i32
      %dma_start3A_179 = tpu.memref_slice %arg6[%add3A_33, %dma_start3A_178] : memref<10240x128xf32, #tpu.memory_space<vmem_shared>> -> memref<80x128xf32, #tpu.memory_space<vmem_shared>>
      tpu.enqueue_dma source(%arg23 : memref<80x128xf32, #tpu.memory_space<vmem>>) target(%dma_start3A_179 : memref<80x128xf32, #tpu.memory_space<vmem_shared>>) target_semaphore(%run_scoped3A : memref<!tpu.dma_semaphore, #tpu.memory_space<semaphore_mem>>)
      %dma_wait3A_180 = arith.constant 0 : i32
      %dma_wait3A_181 = tpu.memref_slice %arg6[%add3A_33, %dma_wait3A_180] : memref<10240x128xf32, #tpu.memory_space<vmem_shared>> -> memref<80x128xf32, #tpu.memory_space<vmem_shared>>
      %dma_wait3A_182 = arith.constant 0 : i32
      %dma_wait3A_183 = tpu.memref_slice %arg6[%add3A_33, %dma_wait3A_182] : memref<10240x128xf32, #tpu.memory_space<vmem_shared>> -> memref<80x128xf32, #tpu.memory_space<vmem_shared>>
      tpu.wait_dma2 semaphore(%run_scoped3A : memref<!tpu.dma_semaphore, #tpu.memory_space<semaphore_mem>>) src(%arg23 : memref<80x128xf32, #tpu.memory_space<vmem>>) dst(%dma_wait3A_183 : memref<80x128xf32, #tpu.memory_space<vmem_shared>>)
      tpu.yield
    }) : () -> ()
    %mul3A_34 = arith.constant 640 : i32
    %mul3A_35 = arith.muli %arg1, %mul3A_34 : i32
    %add3A_36 = arith.constant 480 : i32
    %add3A_37 = arith.addi %mul3A_35, %add3A_36 : i32
    "tpu.region"() ({
      %run_scoped3A = tpu.sem_alloc : memref<!tpu.dma_semaphore, #tpu.memory_space<semaphore_mem>>
      %dma_start3A_176 = arith.constant 0 : i32
      %dma_start3A_177 = tpu.memref_slice %arg6[%add3A_37, %dma_start3A_176] : memref<10240x128xf32, #tpu.memory_space<vmem_shared>> -> memref<80x128xf32, #tpu.memory_space<vmem_shared>>
      %dma_start3A_178 = arith.constant 0 : i32
      %dma_start3A_179 = tpu.memref_slice %arg6[%add3A_37, %dma_start3A_178] : memref<10240x128xf32, #tpu.memory_space<vmem_shared>> -> memref<80x128xf32, #tpu.memory_space<vmem_shared>>
      tpu.enqueue_dma source(%arg23 : memref<80x128xf32, #tpu.memory_space<vmem>>) target(%dma_start3A_179 : memref<80x128xf32, #tpu.memory_space<vmem_shared>>) target_semaphore(%run_scoped3A : memref<!tpu.dma_semaphore, #tpu.memory_space<semaphore_mem>>)
      %dma_wait3A_180 = arith.constant 0 : i32
      %dma_wait3A_181 = tpu.memref_slice %arg6[%add3A_37, %dma_wait3A_180] : memref<10240x128xf32, #tpu.memory_space<vmem_shared>> -> memref<80x128xf32, #tpu.memory_space<vmem_shared>>
      %dma_wait3A_182 = arith.constant 0 : i32
      %dma_wait3A_183 = tpu.memref_slice %arg6[%add3A_37, %dma_wait3A_182] : memref<10240x128xf32, #tpu.memory_space<vmem_shared>> -> memref<80x128xf32, #tpu.memory_space<vmem_shared>>
      tpu.wait_dma2 semaphore(%run_scoped3A : memref<!tpu.dma_semaphore, #tpu.memory_space<semaphore_mem>>) src(%arg23 : memref<80x128xf32, #tpu.memory_space<vmem>>) dst(%dma_wait3A_183 : memref<80x128xf32, #tpu.memory_space<vmem_shared>>)
      tpu.yield
    }) : () -> ()
    %mul3A_38 = arith.constant 640 : i32
    %mul3A_39 = arith.muli %arg1, %mul3A_38 : i32
    %add3A_40 = arith.constant 560 : i32
    %add3A_41 = arith.addi %mul3A_39, %add3A_40 : i32
    "tpu.region"() ({
      %run_scoped3A = tpu.sem_alloc : memref<!tpu.dma_semaphore, #tpu.memory_space<semaphore_mem>>
      %dma_start3A_176 = arith.constant 0 : i32
      %dma_start3A_177 = tpu.memref_slice %arg6[%add3A_41, %dma_start3A_176] : memref<10240x128xf32, #tpu.memory_space<vmem_shared>> -> memref<80x128xf32, #tpu.memory_space<vmem_shared>>
      %dma_start3A_178 = arith.constant 0 : i32
      %dma_start3A_179 = tpu.memref_slice %arg6[%add3A_41, %dma_start3A_178] : memref<10240x128xf32, #tpu.memory_space<vmem_shared>> -> memref<80x128xf32, #tpu.memory_space<vmem_shared>>
      tpu.enqueue_dma source(%arg23 : memref<80x128xf32, #tpu.memory_space<vmem>>) target(%dma_start3A_179 : memref<80x128xf32, #tpu.memory_space<vmem_shared>>) target_semaphore(%run_scoped3A : memref<!tpu.dma_semaphore, #tpu.memory_space<semaphore_mem>>)
      %dma_wait3A_180 = arith.constant 0 : i32
      %dma_wait3A_181 = tpu.memref_slice %arg6[%add3A_41, %dma_wait3A_180] : memref<10240x128xf32, #tpu.memory_space<vmem_shared>> -> memref<80x128xf32, #tpu.memory_space<vmem_shared>>
      %dma_wait3A_182 = arith.constant 0 : i32
      %dma_wait3A_183 = tpu.memref_slice %arg6[%add3A_41, %dma_wait3A_182] : memref<10240x128xf32, #tpu.memory_space<vmem_shared>> -> memref<80x128xf32, #tpu.memory_space<vmem_shared>>
      tpu.wait_dma2 semaphore(%run_scoped3A : memref<!tpu.dma_semaphore, #tpu.memory_space<semaphore_mem>>) src(%arg23 : memref<80x128xf32, #tpu.memory_space<vmem>>) dst(%dma_wait3A_183 : memref<80x128xf32, #tpu.memory_space<vmem_shared>>)
      tpu.yield
    }) : () -> ()
    %barrier3A = arith.constant 0 : index
    tpu.barrier barrier_id(%barrier3A)
    %add3A_42 = arith.constant 0 : i32
    %add3A_43 = arith.addi %mul3A_2, %add3A_42 : i32
    %dma_start3A = tpu.memref_slice %arg3[%add3A_43] : memref<320000xi32, #tpu.memory_space<hbm>> -> memref<80xi32, #tpu.memory_space<hbm>>
    %dma_start3A_44 = tpu.memref_slice %arg3[%add3A_43] : memref<320000xi32, #tpu.memory_space<hbm>> -> memref<80xi32, #tpu.memory_space<hbm>>
    tpu.enqueue_dma source(%dma_start3A_44 : memref<80xi32, #tpu.memory_space<hbm>>) target(%arg7 : memref<80xi32, #tpu.memory_space<vmem>>) target_semaphore(%arg35 : memref<!tpu.dma_semaphore, #tpu.memory_space<semaphore_mem>>)
    %dma_start3A_45 = tpu.memref_slice %arg4[%add3A_43] : memref<320000xi32, #tpu.memory_space<hbm>> -> memref<80xi32, #tpu.memory_space<hbm>>
    %dma_start3A_46 = tpu.memref_slice %arg4[%add3A_43] : memref<320000xi32, #tpu.memory_space<hbm>> -> memref<80xi32, #tpu.memory_space<hbm>>
    tpu.enqueue_dma source(%dma_start3A_46 : memref<80xi32, #tpu.memory_space<hbm>>) target(%arg15 : memref<80xi32, #tpu.memory_space<vmem>>) target_semaphore(%arg35 : memref<!tpu.dma_semaphore, #tpu.memory_space<semaphore_mem>>)
    %add3A_47 = arith.constant 80 : i32
    %add3A_48 = arith.addi %mul3A_2, %add3A_47 : i32
    %dma_start3A_49 = tpu.memref_slice %arg3[%add3A_48] : memref<320000xi32, #tpu.memory_space<hbm>> -> memref<80xi32, #tpu.memory_space<hbm>>
    %dma_start3A_50 = tpu.memref_slice %arg3[%add3A_48] : memref<320000xi32, #tpu.memory_space<hbm>> -> memref<80xi32, #tpu.memory_space<hbm>>
    tpu.enqueue_dma source(%dma_start3A_50 : memref<80xi32, #tpu.memory_space<hbm>>) target(%arg8 : memref<80xi32, #tpu.memory_space<vmem>>) target_semaphore(%arg36 : memref<!tpu.dma_semaphore, #tpu.memory_space<semaphore_mem>>)
    %dma_start3A_51 = tpu.memref_slice %arg4[%add3A_48] : memref<320000xi32, #tpu.memory_space<hbm>> -> memref<80xi32, #tpu.memory_space<hbm>>
    %dma_start3A_52 = tpu.memref_slice %arg4[%add3A_48] : memref<320000xi32, #tpu.memory_space<hbm>> -> memref<80xi32, #tpu.memory_space<hbm>>
    tpu.enqueue_dma source(%dma_start3A_52 : memref<80xi32, #tpu.memory_space<hbm>>) target(%arg16 : memref<80xi32, #tpu.memory_space<vmem>>) target_semaphore(%arg36 : memref<!tpu.dma_semaphore, #tpu.memory_space<semaphore_mem>>)
    %add3A_53 = arith.constant 160 : i32
    %add3A_54 = arith.addi %mul3A_2, %add3A_53 : i32
    %dma_start3A_55 = tpu.memref_slice %arg3[%add3A_54] : memref<320000xi32, #tpu.memory_space<hbm>> -> memref<80xi32, #tpu.memory_space<hbm>>
    %dma_start3A_56 = tpu.memref_slice %arg3[%add3A_54] : memref<320000xi32, #tpu.memory_space<hbm>> -> memref<80xi32, #tpu.memory_space<hbm>>
    tpu.enqueue_dma source(%dma_start3A_56 : memref<80xi32, #tpu.memory_space<hbm>>) target(%arg9 : memref<80xi32, #tpu.memory_space<vmem>>) target_semaphore(%arg37 : memref<!tpu.dma_semaphore, #tpu.memory_space<semaphore_mem>>)
    %dma_start3A_57 = tpu.memref_slice %arg4[%add3A_54] : memref<320000xi32, #tpu.memory_space<hbm>> -> memref<80xi32, #tpu.memory_space<hbm>>
    %dma_start3A_58 = tpu.memref_slice %arg4[%add3A_54] : memref<320000xi32, #tpu.memory_space<hbm>> -> memref<80xi32, #tpu.memory_space<hbm>>
    tpu.enqueue_dma source(%dma_start3A_58 : memref<80xi32, #tpu.memory_space<hbm>>) target(%arg17 : memref<80xi32, #tpu.memory_space<vmem>>) target_semaphore(%arg37 : memref<!tpu.dma_semaphore, #tpu.memory_space<semaphore_mem>>)
    %add3A_59 = arith.constant 240 : i32
    %add3A_60 = arith.addi %mul3A_2, %add3A_59 : i32
    %dma_start3A_61 = tpu.memref_slice %arg3[%add3A_60] : memref<320000xi32, #tpu.memory_space<hbm>> -> memref<80xi32, #tpu.memory_space<hbm>>
    %dma_start3A_62 = tpu.memref_slice %arg3[%add3A_60] : memref<320000xi32, #tpu.memory_space<hbm>> -> memref<80xi32, #tpu.memory_space<hbm>>
    tpu.enqueue_dma source(%dma_start3A_62 : memref<80xi32, #tpu.memory_space<hbm>>) target(%arg10 : memref<80xi32, #tpu.memory_space<vmem>>) target_semaphore(%arg38 : memref<!tpu.dma_semaphore, #tpu.memory_space<semaphore_mem>>)
    %dma_start3A_63 = tpu.memref_slice %arg4[%add3A_60] : memref<320000xi32, #tpu.memory_space<hbm>> -> memref<80xi32, #tpu.memory_space<hbm>>
    %dma_start3A_64 = tpu.memref_slice %arg4[%add3A_60] : memref<320000xi32, #tpu.memory_space<hbm>> -> memref<80xi32, #tpu.memory_space<hbm>>
    tpu.enqueue_dma source(%dma_start3A_64 : memref<80xi32, #tpu.memory_space<hbm>>) target(%arg18 : memref<80xi32, #tpu.memory_space<vmem>>) target_semaphore(%arg38 : memref<!tpu.dma_semaphore, #tpu.memory_space<semaphore_mem>>)
    %add3A_65 = arith.constant 0 : i32
    %add3A_66 = arith.addi %mul3A_2, %add3A_65 : i32
    %dma_wait3A = tpu.memref_slice %arg3[%add3A_66] : memref<320000xi32, #tpu.memory_space<hbm>> -> memref<80xi32, #tpu.memory_space<hbm>>
    %dma_wait3A_67 = tpu.memref_slice %arg3[%add3A_66] : memref<320000xi32, #tpu.memory_space<hbm>> -> memref<80xi32, #tpu.memory_space<hbm>>
    tpu.wait_dma2 semaphore(%arg35 : memref<!tpu.dma_semaphore, #tpu.memory_space<semaphore_mem>>) src(%dma_wait3A_67 : memref<80xi32, #tpu.memory_space<hbm>>) dst(%arg7 : memref<80xi32, #tpu.memory_space<vmem>>)
    %dma_wait3A_68 = tpu.memref_slice %arg4[%add3A_66] : memref<320000xi32, #tpu.memory_space<hbm>> -> memref<80xi32, #tpu.memory_space<hbm>>
    %dma_wait3A_69 = tpu.memref_slice %arg4[%add3A_66] : memref<320000xi32, #tpu.memory_space<hbm>> -> memref<80xi32, #tpu.memory_space<hbm>>
    tpu.wait_dma2 semaphore(%arg35 : memref<!tpu.dma_semaphore, #tpu.memory_space<semaphore_mem>>) src(%dma_wait3A_69 : memref<80xi32, #tpu.memory_space<hbm>>) dst(%arg15 : memref<80xi32, #tpu.memory_space<vmem>>)
    %dma_start3A_70 = arith.constant 0 : i32
    %dma_start3A_71 = arith.constant 0 : i32
    %dma_start3A_72 = tpu.memref_slice %arg2[%dma_start3A_70, %dma_start3A_71] : memref<10000x128xf32, #tpu.memory_space<hbm>> -> memref<10000x128xf32, #tpu.memory_space<hbm>>
    tpu.enqueue_indirect_dma source(%dma_start3A_72 : memref<10000x128xf32, #tpu.memory_space<hbm>>) target(%arg23 : memref<80x128xf32, #tpu.memory_space<vmem>>) offsets(%arg7 : memref<80xi32, #tpu.memory_space<vmem>>) semaphore(%arg27 : memref<!tpu.dma_semaphore, #tpu.memory_space<semaphore_mem>>)
    %add3A_73 = arith.constant 80 : i32
    %add3A_74 = arith.addi %mul3A_2, %add3A_73 : i32
    %dma_wait3A_75 = tpu.memref_slice %arg3[%add3A_74] : memref<320000xi32, #tpu.memory_space<hbm>> -> memref<80xi32, #tpu.memory_space<hbm>>
    %dma_wait3A_76 = tpu.memref_slice %arg3[%add3A_74] : memref<320000xi32, #tpu.memory_space<hbm>> -> memref<80xi32, #tpu.memory_space<hbm>>
    tpu.wait_dma2 semaphore(%arg36 : memref<!tpu.dma_semaphore, #tpu.memory_space<semaphore_mem>>) src(%dma_wait3A_76 : memref<80xi32, #tpu.memory_space<hbm>>) dst(%arg8 : memref<80xi32, #tpu.memory_space<vmem>>)
    %dma_wait3A_77 = tpu.memref_slice %arg4[%add3A_74] : memref<320000xi32, #tpu.memory_space<hbm>> -> memref<80xi32, #tpu.memory_space<hbm>>
    %dma_wait3A_78 = tpu.memref_slice %arg4[%add3A_74] : memref<320000xi32, #tpu.memory_space<hbm>> -> memref<80xi32, #tpu.memory_space<hbm>>
    tpu.wait_dma2 semaphore(%arg36 : memref<!tpu.dma_semaphore, #tpu.memory_space<semaphore_mem>>) src(%dma_wait3A_78 : memref<80xi32, #tpu.memory_space<hbm>>) dst(%arg16 : memref<80xi32, #tpu.memory_space<vmem>>)
    %dma_start3A_79 = arith.constant 0 : i32
    %dma_start3A_80 = arith.constant 0 : i32
    %dma_start3A_81 = tpu.memref_slice %arg2[%dma_start3A_79, %dma_start3A_80] : memref<10000x128xf32, #tpu.memory_space<hbm>> -> memref<10000x128xf32, #tpu.memory_space<hbm>>
    tpu.enqueue_indirect_dma source(%dma_start3A_81 : memref<10000x128xf32, #tpu.memory_space<hbm>>) target(%arg24 : memref<80x128xf32, #tpu.memory_space<vmem>>) offsets(%arg8 : memref<80xi32, #tpu.memory_space<vmem>>) semaphore(%arg28 : memref<!tpu.dma_semaphore, #tpu.memory_space<semaphore_mem>>)
    %scan3A_82 = arith.constant 0 : i32
    %scan3A_83 = arith.constant 15 : i32
    %scan3A_84 = arith.addi %scan3A_82, %scan3A_83 : i32
    %scan3A_85 = arith.constant 1 : i32
    scf.for %scan3A_176 = %scan3A_82 to %scan3A_84 step %scan3A_85  : i32 {
      %mul3A_177 = arith.constant 8 : i32
      %mul3A_178 = arith.muli %scan3A_176, %mul3A_177 : i32
      %add3A_179 = arith.constant 0 : i32
      %add3A_180 = arith.addi %add3A_179, %mul3A_178 : i32
      %add3A_181 = arith.constant 0 : i32
      %add3A_182 = arith.addi %add3A_180, %add3A_181 : i32
      %ge3A = arith.constant 2 : i32
      %ge3A_183 = arith.cmpi sge, %add3A_182, %ge3A : i32
      %convert_element_type3A = arith.extui %ge3A_183 : i1 to i32
      %cond3A = arith.constant 0 : i32
      %cond3A_184 = arith.cmpi ne, %convert_element_type3A, %cond3A : i32
      scf.if %cond3A_184 {
        %dma_wait3A_393 = arith.constant 0 : i32
        %dma_wait3A_394 = arith.constant 0 : i32
        %dma_wait3A_395 = tpu.memref_slice %arg6[%dma_wait3A_393, %dma_wait3A_394] : memref<10240x128xf32, #tpu.memory_space<vmem_shared>> -> memref<10240x128xf32, #tpu.memory_space<vmem_shared>>
        tpu.wait_indirect_dma semaphore(%arg33 : memref<!tpu.dma_semaphore, #tpu.memory_space<semaphore_mem>>) src(%arg25 : memref<80x128xf32, #tpu.memory_space<vmem>>) dst(%dma_wait3A_395 : memref<10240x128xf32, #tpu.memory_space<vmem_shared>>)
      } else {
      }
      %add3A_185 = arith.constant 4 : i32
      %add3A_186 = arith.addi %add3A_182, %add3A_185 : i32
      %lt3A = arith.constant 125 : i32
      %lt3A_187 = arith.cmpi slt, %add3A_186, %lt3A : i32
      %convert_element_type3A_188 = arith.extui %lt3A_187 : i1 to i32
      %cond3A_189 = arith.constant 0 : i32
      %cond3A_190 = arith.cmpi ne, %convert_element_type3A_188, %cond3A_189 : i32
      scf.if %cond3A_190 {
        %add3A_393 = arith.constant 4 : i32
        %add3A_394 = arith.addi %add3A_182, %add3A_393 : i32
        %mul3A_395 = arith.constant 80 : i32
        %mul3A_396 = arith.muli %add3A_394, %mul3A_395 : i32
        %add3A_397 = arith.addi %mul3A_2, %mul3A_396 : i32
        %dma_start3A_398 = tpu.memref_slice %arg3[%add3A_397] : memref<320000xi32, #tpu.memory_space<hbm>> -> memref<80xi32, #tpu.memory_space<hbm>>
        %dma_start3A_399 = tpu.memref_slice %arg3[%add3A_397] : memref<320000xi32, #tpu.memory_space<hbm>> -> memref<80xi32, #tpu.memory_space<hbm>>
        tpu.enqueue_dma source(%dma_start3A_399 : memref<80xi32, #tpu.memory_space<hbm>>) target(%arg11 : memref<80xi32, #tpu.memory_space<vmem>>) target_semaphore(%arg39 : memref<!tpu.dma_semaphore, #tpu.memory_space<semaphore_mem>>)
        %dma_start3A_400 = tpu.memref_slice %arg4[%add3A_397] : memref<320000xi32, #tpu.memory_space<hbm>> -> memref<80xi32, #tpu.memory_space<hbm>>
        %dma_start3A_401 = tpu.memref_slice %arg4[%add3A_397] : memref<320000xi32, #tpu.memory_space<hbm>> -> memref<80xi32, #tpu.memory_space<hbm>>
        tpu.enqueue_dma source(%dma_start3A_401 : memref<80xi32, #tpu.memory_space<hbm>>) target(%arg19 : memref<80xi32, #tpu.memory_space<vmem>>) target_semaphore(%arg39 : memref<!tpu.dma_semaphore, #tpu.memory_space<semaphore_mem>>)
      } else {
      }
      %add3A_191 = arith.constant 2 : i32
      %add3A_192 = arith.addi %add3A_182, %add3A_191 : i32
      %lt3A_193 = arith.constant 125 : i32
      %lt3A_194 = arith.cmpi slt, %add3A_192, %lt3A_193 : i32
      %convert_element_type3A_195 = arith.extui %lt3A_194 : i1 to i32
      %cond3A_196 = arith.constant 0 : i32
      %cond3A_197 = arith.cmpi ne, %convert_element_type3A_195, %cond3A_196 : i32
      scf.if %cond3A_197 {
        %add3A_393 = arith.constant 2 : i32
        %add3A_394 = arith.addi %add3A_182, %add3A_393 : i32
        %mul3A_395 = arith.constant 80 : i32
        %mul3A_396 = arith.muli %add3A_394, %mul3A_395 : i32
        %add3A_397 = arith.addi %mul3A_2, %mul3A_396 : i32
        %dma_wait3A_398 = tpu.memref_slice %arg3[%add3A_397] : memref<320000xi32, #tpu.memory_space<hbm>> -> memref<80xi32, #tpu.memory_space<hbm>>
        %dma_wait3A_399 = tpu.memref_slice %arg3[%add3A_397] : memref<320000xi32, #tpu.memory_space<hbm>> -> memref<80xi32, #tpu.memory_space<hbm>>
        tpu.wait_dma2 semaphore(%arg37 : memref<!tpu.dma_semaphore, #tpu.memory_space<semaphore_mem>>) src(%dma_wait3A_399 : memref<80xi32, #tpu.memory_space<hbm>>) dst(%arg9 : memref<80xi32, #tpu.memory_space<vmem>>)
        %dma_wait3A_400 = tpu.memref_slice %arg4[%add3A_397] : memref<320000xi32, #tpu.memory_space<hbm>> -> memref<80xi32, #tpu.memory_space<hbm>>
        %dma_wait3A_401 = tpu.memref_slice %arg4[%add3A_397] : memref<320000xi32, #tpu.memory_space<hbm>> -> memref<80xi32, #tpu.memory_space<hbm>>
        tpu.wait_dma2 semaphore(%arg37 : memref<!tpu.dma_semaphore, #tpu.memory_space<semaphore_mem>>) src(%dma_wait3A_401 : memref<80xi32, #tpu.memory_space<hbm>>) dst(%arg17 : memref<80xi32, #tpu.memory_space<vmem>>)
        %dma_start3A_402 = arith.constant 0 : i32
        %dma_start3A_403 = arith.constant 0 : i32
        %dma_start3A_404 = tpu.memref_slice %arg2[%dma_start3A_402, %dma_start3A_403] : memref<10000x128xf32, #tpu.memory_space<hbm>> -> memref<10000x128xf32, #tpu.memory_space<hbm>>
        tpu.enqueue_indirect_dma source(%dma_start3A_404 : memref<10000x128xf32, #tpu.memory_space<hbm>>) target(%arg25 : memref<80x128xf32, #tpu.memory_space<vmem>>) offsets(%arg9 : memref<80xi32, #tpu.memory_space<vmem>>) semaphore(%arg29 : memref<!tpu.dma_semaphore, #tpu.memory_space<semaphore_mem>>)
      } else {
      }
      %dma_wait3A_198 = arith.constant 0 : i32
      %dma_wait3A_199 = arith.constant 0 : i32
      %dma_wait3A_200 = tpu.memref_slice %arg2[%dma_wait3A_198, %dma_wait3A_199] : memref<10000x128xf32, #tpu.memory_space<hbm>> -> memref<10000x128xf32, #tpu.memory_space<hbm>>
      tpu.wait_indirect_dma semaphore(%arg27 : memref<!tpu.dma_semaphore, #tpu.memory_space<semaphore_mem>>) src(%dma_wait3A_200 : memref<10000x128xf32, #tpu.memory_space<hbm>>) dst(%arg23 : memref<80x128xf32, #tpu.memory_space<vmem>>)
      %dma_start3A_201 = arith.constant 0 : i32
      %dma_start3A_202 = arith.constant 0 : i32
      %dma_start3A_203 = tpu.memref_slice %arg6[%dma_start3A_201, %dma_start3A_202] : memref<10240x128xf32, #tpu.memory_space<vmem_shared>> -> memref<10240x128xf32, #tpu.memory_space<vmem_shared>>
      tpu.enqueue_indirect_dma source(%arg23 : memref<80x128xf32, #tpu.memory_space<vmem>>) target(%dma_start3A_203 : memref<10240x128xf32, #tpu.memory_space<vmem_shared>>) offsets(%arg15 : memref<80xi32, #tpu.memory_space<vmem>>) semaphore(%arg31 : memref<!tpu.dma_semaphore, #tpu.memory_space<semaphore_mem>>) {add = true}
      %add3A_204 = arith.constant 1 : i32
      %add3A_205 = arith.addi %add3A_180, %add3A_204 : i32
      %ge3A_206 = arith.constant 2 : i32
      %ge3A_207 = arith.cmpi sge, %add3A_205, %ge3A_206 : i32
      %convert_element_type3A_208 = arith.extui %ge3A_207 : i1 to i32
      %cond3A_209 = arith.constant 0 : i32
      %cond3A_210 = arith.cmpi ne, %convert_element_type3A_208, %cond3A_209 : i32
      scf.if %cond3A_210 {
        %dma_wait3A_393 = arith.constant 0 : i32
        %dma_wait3A_394 = arith.constant 0 : i32
        %dma_wait3A_395 = tpu.memref_slice %arg6[%dma_wait3A_393, %dma_wait3A_394] : memref<10240x128xf32, #tpu.memory_space<vmem_shared>> -> memref<10240x128xf32, #tpu.memory_space<vmem_shared>>
        tpu.wait_indirect_dma semaphore(%arg34 : memref<!tpu.dma_semaphore, #tpu.memory_space<semaphore_mem>>) src(%arg26 : memref<80x128xf32, #tpu.memory_space<vmem>>) dst(%dma_wait3A_395 : memref<10240x128xf32, #tpu.memory_space<vmem_shared>>)
      } else {
      }
      %add3A_211 = arith.constant 4 : i32
      %add3A_212 = arith.addi %add3A_205, %add3A_211 : i32
      %lt3A_213 = arith.constant 125 : i32
      %lt3A_214 = arith.cmpi slt, %add3A_212, %lt3A_213 : i32
      %convert_element_type3A_215 = arith.extui %lt3A_214 : i1 to i32
      %cond3A_216 = arith.constant 0 : i32
      %cond3A_217 = arith.cmpi ne, %convert_element_type3A_215, %cond3A_216 : i32
      scf.if %cond3A_217 {
        %add3A_393 = arith.constant 4 : i32
        %add3A_394 = arith.addi %add3A_205, %add3A_393 : i32
        %mul3A_395 = arith.constant 80 : i32
        %mul3A_396 = arith.muli %add3A_394, %mul3A_395 : i32
        %add3A_397 = arith.addi %mul3A_2, %mul3A_396 : i32
        %dma_start3A_398 = tpu.memref_slice %arg3[%add3A_397] : memref<320000xi32, #tpu.memory_space<hbm>> -> memref<80xi32, #tpu.memory_space<hbm>>
        %dma_start3A_399 = tpu.memref_slice %arg3[%add3A_397] : memref<320000xi32, #tpu.memory_space<hbm>> -> memref<80xi32, #tpu.memory_space<hbm>>
        tpu.enqueue_dma source(%dma_start3A_399 : memref<80xi32, #tpu.memory_space<hbm>>) target(%arg12 : memref<80xi32, #tpu.memory_space<vmem>>) target_semaphore(%arg40 : memref<!tpu.dma_semaphore, #tpu.memory_space<semaphore_mem>>)
        %dma_start3A_400 = tpu.memref_slice %arg4[%add3A_397] : memref<320000xi32, #tpu.memory_space<hbm>> -> memref<80xi32, #tpu.memory_space<hbm>>
        %dma_start3A_401 = tpu.memref_slice %arg4[%add3A_397] : memref<320000xi32, #tpu.memory_space<hbm>> -> memref<80xi32, #tpu.memory_space<hbm>>
        tpu.enqueue_dma source(%dma_start3A_401 : memref<80xi32, #tpu.memory_space<hbm>>) target(%arg20 : memref<80xi32, #tpu.memory_space<vmem>>) target_semaphore(%arg40 : memref<!tpu.dma_semaphore, #tpu.memory_space<semaphore_mem>>)
      } else {
      }
      %add3A_218 = arith.constant 2 : i32
      %add3A_219 = arith.addi %add3A_205, %add3A_218 : i32
      %lt3A_220 = arith.constant 125 : i32
      %lt3A_221 = arith.cmpi slt, %add3A_219, %lt3A_220 : i32
      %convert_element_type3A_222 = arith.extui %lt3A_221 : i1 to i32
      %cond3A_223 = arith.constant 0 : i32
      %cond3A_224 = arith.cmpi ne, %convert_element_type3A_222, %cond3A_223 : i32
      scf.if %cond3A_224 {
        %add3A_393 = arith.constant 2 : i32
        %add3A_394 = arith.addi %add3A_205, %add3A_393 : i32
        %mul3A_395 = arith.constant 80 : i32
        %mul3A_396 = arith.muli %add3A_394, %mul3A_395 : i32
        %add3A_397 = arith.addi %mul3A_2, %mul3A_396 : i32
        %dma_wait3A_398 = tpu.memref_slice %arg3[%add3A_397] : memref<320000xi32, #tpu.memory_space<hbm>> -> memref<80xi32, #tpu.memory_space<hbm>>
        %dma_wait3A_399 = tpu.memref_slice %arg3[%add3A_397] : memref<320000xi32, #tpu.memory_space<hbm>> -> memref<80xi32, #tpu.memory_space<hbm>>
        tpu.wait_dma2 semaphore(%arg38 : memref<!tpu.dma_semaphore, #tpu.memory_space<semaphore_mem>>) src(%dma_wait3A_399 : memref<80xi32, #tpu.memory_space<hbm>>) dst(%arg10 : memref<80xi32, #tpu.memory_space<vmem>>)
        %dma_wait3A_400 = tpu.memref_slice %arg4[%add3A_397] : memref<320000xi32, #tpu.memory_space<hbm>> -> memref<80xi32, #tpu.memory_space<hbm>>
        %dma_wait3A_401 = tpu.memref_slice %arg4[%add3A_397] : memref<320000xi32, #tpu.memory_space<hbm>> -> memref<80xi32, #tpu.memory_space<hbm>>
        tpu.wait_dma2 semaphore(%arg38 : memref<!tpu.dma_semaphore, #tpu.memory_space<semaphore_mem>>) src(%dma_wait3A_401 : memref<80xi32, #tpu.memory_space<hbm>>) dst(%arg18 : memref<80xi32, #tpu.memory_space<vmem>>)
        %dma_start3A_402 = arith.constant 0 : i32
        %dma_start3A_403 = arith.constant 0 : i32
        %dma_start3A_404 = tpu.memref_slice %arg2[%dma_start3A_402, %dma_start3A_403] : memref<10000x128xf32, #tpu.memory_space<hbm>> -> memref<10000x128xf32, #tpu.memory_space<hbm>>
        tpu.enqueue_indirect_dma source(%dma_start3A_404 : memref<10000x128xf32, #tpu.memory_space<hbm>>) target(%arg26 : memref<80x128xf32, #tpu.memory_space<vmem>>) offsets(%arg10 : memref<80xi32, #tpu.memory_space<vmem>>) semaphore(%arg30 : memref<!tpu.dma_semaphore, #tpu.memory_space<semaphore_mem>>)
      } else {
      }
      %dma_wait3A_225 = arith.constant 0 : i32
      %dma_wait3A_226 = arith.constant 0 : i32
      %dma_wait3A_227 = tpu.memref_slice %arg2[%dma_wait3A_225, %dma_wait3A_226] : memref<10000x128xf32, #tpu.memory_space<hbm>> -> memref<10000x128xf32, #tpu.memory_space<hbm>>
      tpu.wait_indirect_dma semaphore(%arg28 : memref<!tpu.dma_semaphore, #tpu.memory_space<semaphore_mem>>) src(%dma_wait3A_227 : memref<10000x128xf32, #tpu.memory_space<hbm>>) dst(%arg24 : memref<80x128xf32, #tpu.memory_space<vmem>>)
      %dma_start3A_228 = arith.constant 0 : i32
      %dma_start3A_229 = arith.constant 0 : i32
      %dma_start3A_230 = tpu.memref_slice %arg6[%dma_start3A_228, %dma_start3A_229] : memref<10240x128xf32, #tpu.memory_space<vmem_shared>> -> memref<10240x128xf32, #tpu.memory_space<vmem_shared>>
      tpu.enqueue_indirect_dma source(%arg24 : memref<80x128xf32, #tpu.memory_space<vmem>>) target(%dma_start3A_230 : memref<10240x128xf32, #tpu.memory_space<vmem_shared>>) offsets(%arg16 : memref<80xi32, #tpu.memory_space<vmem>>) semaphore(%arg32 : memref<!tpu.dma_semaphore, #tpu.memory_space<semaphore_mem>>) {add = true}
      %add3A_231 = arith.constant 2 : i32
      %add3A_232 = arith.addi %add3A_180, %add3A_231 : i32
      %ge3A_233 = arith.constant 2 : i32
      %ge3A_234 = arith.cmpi sge, %add3A_232, %ge3A_233 : i32
      %convert_element_type3A_235 = arith.extui %ge3A_234 : i1 to i32
      %cond3A_236 = arith.constant 0 : i32
      %cond3A_237 = arith.cmpi ne, %convert_element_type3A_235, %cond3A_236 : i32
      scf.if %cond3A_237 {
        %dma_wait3A_393 = arith.constant 0 : i32
        %dma_wait3A_394 = arith.constant 0 : i32
        %dma_wait3A_395 = tpu.memref_slice %arg6[%dma_wait3A_393, %dma_wait3A_394] : memref<10240x128xf32, #tpu.memory_space<vmem_shared>> -> memref<10240x128xf32, #tpu.memory_space<vmem_shared>>
        tpu.wait_indirect_dma semaphore(%arg31 : memref<!tpu.dma_semaphore, #tpu.memory_space<semaphore_mem>>) src(%arg23 : memref<80x128xf32, #tpu.memory_space<vmem>>) dst(%dma_wait3A_395 : memref<10240x128xf32, #tpu.memory_space<vmem_shared>>)
      } else {
      }
      %add3A_238 = arith.constant 4 : i32
      %add3A_239 = arith.addi %add3A_232, %add3A_238 : i32
      %lt3A_240 = arith.constant 125 : i32
      %lt3A_241 = arith.cmpi slt, %add3A_239, %lt3A_240 : i32
      %convert_element_type3A_242 = arith.extui %lt3A_241 : i1 to i32
      %cond3A_243 = arith.constant 0 : i32
      %cond3A_244 = arith.cmpi ne, %convert_element_type3A_242, %cond3A_243 : i32
      scf.if %cond3A_244 {
        %add3A_393 = arith.constant 4 : i32
        %add3A_394 = arith.addi %add3A_232, %add3A_393 : i32
        %mul3A_395 = arith.constant 80 : i32
        %mul3A_396 = arith.muli %add3A_394, %mul3A_395 : i32
        %add3A_397 = arith.addi %mul3A_2, %mul3A_396 : i32
        %dma_start3A_398 = tpu.memref_slice %arg3[%add3A_397] : memref<320000xi32, #tpu.memory_space<hbm>> -> memref<80xi32, #tpu.memory_space<hbm>>
        %dma_start3A_399 = tpu.memref_slice %arg3[%add3A_397] : memref<320000xi32, #tpu.memory_space<hbm>> -> memref<80xi32, #tpu.memory_space<hbm>>
        tpu.enqueue_dma source(%dma_start3A_399 : memref<80xi32, #tpu.memory_space<hbm>>) target(%arg13 : memref<80xi32, #tpu.memory_space<vmem>>) target_semaphore(%arg41 : memref<!tpu.dma_semaphore, #tpu.memory_space<semaphore_mem>>)
        %dma_start3A_400 = tpu.memref_slice %arg4[%add3A_397] : memref<320000xi32, #tpu.memory_space<hbm>> -> memref<80xi32, #tpu.memory_space<hbm>>
        %dma_start3A_401 = tpu.memref_slice %arg4[%add3A_397] : memref<320000xi32, #tpu.memory_space<hbm>> -> memref<80xi32, #tpu.memory_space<hbm>>
        tpu.enqueue_dma source(%dma_start3A_401 : memref<80xi32, #tpu.memory_space<hbm>>) target(%arg21 : memref<80xi32, #tpu.memory_space<vmem>>) target_semaphore(%arg41 : memref<!tpu.dma_semaphore, #tpu.memory_space<semaphore_mem>>)
      } else {
      }
      %add3A_245 = arith.constant 2 : i32
      %add3A_246 = arith.addi %add3A_232, %add3A_245 : i32
      %lt3A_247 = arith.constant 125 : i32
      %lt3A_248 = arith.cmpi slt, %add3A_246, %lt3A_247 : i32
      %convert_element_type3A_249 = arith.extui %lt3A_248 : i1 to i32
      %cond3A_250 = arith.constant 0 : i32
      %cond3A_251 = arith.cmpi ne, %convert_element_type3A_249, %cond3A_250 : i32
      scf.if %cond3A_251 {
        %add3A_393 = arith.constant 2 : i32
        %add3A_394 = arith.addi %add3A_232, %add3A_393 : i32
        %mul3A_395 = arith.constant 80 : i32
        %mul3A_396 = arith.muli %add3A_394, %mul3A_395 : i32
        %add3A_397 = arith.addi %mul3A_2, %mul3A_396 : i32
        %dma_wait3A_398 = tpu.memref_slice %arg3[%add3A_397] : memref<320000xi32, #tpu.memory_space<hbm>> -> memref<80xi32, #tpu.memory_space<hbm>>
        %dma_wait3A_399 = tpu.memref_slice %arg3[%add3A_397] : memref<320000xi32, #tpu.memory_space<hbm>> -> memref<80xi32, #tpu.memory_space<hbm>>
        tpu.wait_dma2 semaphore(%arg39 : memref<!tpu.dma_semaphore, #tpu.memory_space<semaphore_mem>>) src(%dma_wait3A_399 : memref<80xi32, #tpu.memory_space<hbm>>) dst(%arg11 : memref<80xi32, #tpu.memory_space<vmem>>)
        %dma_wait3A_400 = tpu.memref_slice %arg4[%add3A_397] : memref<320000xi32, #tpu.memory_space<hbm>> -> memref<80xi32, #tpu.memory_space<hbm>>
        %dma_wait3A_401 = tpu.memref_slice %arg4[%add3A_397] : memref<320000xi32, #tpu.memory_space<hbm>> -> memref<80xi32, #tpu.memory_space<hbm>>
        tpu.wait_dma2 semaphore(%arg39 : memref<!tpu.dma_semaphore, #tpu.memory_space<semaphore_mem>>) src(%dma_wait3A_401 : memref<80xi32, #tpu.memory_space<hbm>>) dst(%arg19 : memref<80xi32, #tpu.memory_space<vmem>>)
        %dma_start3A_402 = arith.constant 0 : i32
        %dma_start3A_403 = arith.constant 0 : i32
        %dma_start3A_404 = tpu.memref_slice %arg2[%dma_start3A_402, %dma_start3A_403] : memref<10000x128xf32, #tpu.memory_space<hbm>> -> memref<10000x128xf32, #tpu.memory_space<hbm>>
        tpu.enqueue_indirect_dma source(%dma_start3A_404 : memref<10000x128xf32, #tpu.memory_space<hbm>>) target(%arg23 : memref<80x128xf32, #tpu.memory_space<vmem>>) offsets(%arg11 : memref<80xi32, #tpu.memory_space<vmem>>) semaphore(%arg27 : memref<!tpu.dma_semaphore, #tpu.memory_space<semaphore_mem>>)
      } else {
      }
      %dma_wait3A_252 = arith.constant 0 : i32
      %dma_wait3A_253 = arith.constant 0 : i32
      %dma_wait3A_254 = tpu.memref_slice %arg2[%dma_wait3A_252, %dma_wait3A_253] : memref<10000x128xf32, #tpu.memory_space<hbm>> -> memref<10000x128xf32, #tpu.memory_space<hbm>>
      tpu.wait_indirect_dma semaphore(%arg29 : memref<!tpu.dma_semaphore, #tpu.memory_space<semaphore_mem>>) src(%dma_wait3A_254 : memref<10000x128xf32, #tpu.memory_space<hbm>>) dst(%arg25 : memref<80x128xf32, #tpu.memory_space<vmem>>)
      %dma_start3A_255 = arith.constant 0 : i32
      %dma_start3A_256 = arith.constant 0 : i32
      %dma_start3A_257 = tpu.memref_slice %arg6[%dma_start3A_255, %dma_start3A_256] : memref<10240x128xf32, #tpu.memory_space<vmem_shared>> -> memref<10240x128xf32, #tpu.memory_space<vmem_shared>>
      tpu.enqueue_indirect_dma source(%arg25 : memref<80x128xf32, #tpu.memory_space<vmem>>) target(%dma_start3A_257 : memref<10240x128xf32, #tpu.memory_space<vmem_shared>>) offsets(%arg17 : memref<80xi32, #tpu.memory_space<vmem>>) semaphore(%arg33 : memref<!tpu.dma_semaphore, #tpu.memory_space<semaphore_mem>>) {add = true}
      %add3A_258 = arith.constant 3 : i32
      %add3A_259 = arith.addi %add3A_180, %add3A_258 : i32
      %ge3A_260 = arith.constant 2 : i32
      %ge3A_261 = arith.cmpi sge, %add3A_259, %ge3A_260 : i32
      %convert_element_type3A_262 = arith.extui %ge3A_261 : i1 to i32
      %cond3A_263 = arith.constant 0 : i32
      %cond3A_264 = arith.cmpi ne, %convert_element_type3A_262, %cond3A_263 : i32
      scf.if %cond3A_264 {
        %dma_wait3A_393 = arith.constant 0 : i32
        %dma_wait3A_394 = arith.constant 0 : i32
        %dma_wait3A_395 = tpu.memref_slice %arg6[%dma_wait3A_393, %dma_wait3A_394] : memref<10240x128xf32, #tpu.memory_space<vmem_shared>> -> memref<10240x128xf32, #tpu.memory_space<vmem_shared>>
        tpu.wait_indirect_dma semaphore(%arg32 : memref<!tpu.dma_semaphore, #tpu.memory_space<semaphore_mem>>) src(%arg24 : memref<80x128xf32, #tpu.memory_space<vmem>>) dst(%dma_wait3A_395 : memref<10240x128xf32, #tpu.memory_space<vmem_shared>>)
      } else {
      }
      %add3A_265 = arith.constant 4 : i32
      %add3A_266 = arith.addi %add3A_259, %add3A_265 : i32
      %lt3A_267 = arith.constant 125 : i32
      %lt3A_268 = arith.cmpi slt, %add3A_266, %lt3A_267 : i32
      %convert_element_type3A_269 = arith.extui %lt3A_268 : i1 to i32
      %cond3A_270 = arith.constant 0 : i32
      %cond3A_271 = arith.cmpi ne, %convert_element_type3A_269, %cond3A_270 : i32
      scf.if %cond3A_271 {
        %add3A_393 = arith.constant 4 : i32
        %add3A_394 = arith.addi %add3A_259, %add3A_393 : i32
        %mul3A_395 = arith.constant 80 : i32
        %mul3A_396 = arith.muli %add3A_394, %mul3A_395 : i32
        %add3A_397 = arith.addi %mul3A_2, %mul3A_396 : i32
        %dma_start3A_398 = tpu.memref_slice %arg3[%add3A_397] : memref<320000xi32, #tpu.memory_space<hbm>> -> memref<80xi32, #tpu.memory_space<hbm>>
        %dma_start3A_399 = tpu.memref_slice %arg3[%add3A_397] : memref<320000xi32, #tpu.memory_space<hbm>> -> memref<80xi32, #tpu.memory_space<hbm>>
        tpu.enqueue_dma source(%dma_start3A_399 : memref<80xi32, #tpu.memory_space<hbm>>) target(%arg14 : memref<80xi32, #tpu.memory_space<vmem>>) target_semaphore(%arg42 : memref<!tpu.dma_semaphore, #tpu.memory_space<semaphore_mem>>)
        %dma_start3A_400 = tpu.memref_slice %arg4[%add3A_397] : memref<320000xi32, #tpu.memory_space<hbm>> -> memref<80xi32, #tpu.memory_space<hbm>>
        %dma_start3A_401 = tpu.memref_slice %arg4[%add3A_397] : memref<320000xi32, #tpu.memory_space<hbm>> -> memref<80xi32, #tpu.memory_space<hbm>>
        tpu.enqueue_dma source(%dma_start3A_401 : memref<80xi32, #tpu.memory_space<hbm>>) target(%arg22 : memref<80xi32, #tpu.memory_space<vmem>>) target_semaphore(%arg42 : memref<!tpu.dma_semaphore, #tpu.memory_space<semaphore_mem>>)
      } else {
      }
      %add3A_272 = arith.constant 2 : i32
      %add3A_273 = arith.addi %add3A_259, %add3A_272 : i32
      %lt3A_274 = arith.constant 125 : i32
      %lt3A_275 = arith.cmpi slt, %add3A_273, %lt3A_274 : i32
      %convert_element_type3A_276 = arith.extui %lt3A_275 : i1 to i32
      %cond3A_277 = arith.constant 0 : i32
      %cond3A_278 = arith.cmpi ne, %convert_element_type3A_276, %cond3A_277 : i32
      scf.if %cond3A_278 {
        %add3A_393 = arith.constant 2 : i32
        %add3A_394 = arith.addi %add3A_259, %add3A_393 : i32
        %mul3A_395 = arith.constant 80 : i32
        %mul3A_396 = arith.muli %add3A_394, %mul3A_395 : i32
        %add3A_397 = arith.addi %mul3A_2, %mul3A_396 : i32
        %dma_wait3A_398 = tpu.memref_slice %arg3[%add3A_397] : memref<320000xi32, #tpu.memory_space<hbm>> -> memref<80xi32, #tpu.memory_space<hbm>>
        %dma_wait3A_399 = tpu.memref_slice %arg3[%add3A_397] : memref<320000xi32, #tpu.memory_space<hbm>> -> memref<80xi32, #tpu.memory_space<hbm>>
        tpu.wait_dma2 semaphore(%arg40 : memref<!tpu.dma_semaphore, #tpu.memory_space<semaphore_mem>>) src(%dma_wait3A_399 : memref<80xi32, #tpu.memory_space<hbm>>) dst(%arg12 : memref<80xi32, #tpu.memory_space<vmem>>)
        %dma_wait3A_400 = tpu.memref_slice %arg4[%add3A_397] : memref<320000xi32, #tpu.memory_space<hbm>> -> memref<80xi32, #tpu.memory_space<hbm>>
        %dma_wait3A_401 = tpu.memref_slice %arg4[%add3A_397] : memref<320000xi32, #tpu.memory_space<hbm>> -> memref<80xi32, #tpu.memory_space<hbm>>
        tpu.wait_dma2 semaphore(%arg40 : memref<!tpu.dma_semaphore, #tpu.memory_space<semaphore_mem>>) src(%dma_wait3A_401 : memref<80xi32, #tpu.memory_space<hbm>>) dst(%arg20 : memref<80xi32, #tpu.memory_space<vmem>>)
        %dma_start3A_402 = arith.constant 0 : i32
        %dma_start3A_403 = arith.constant 0 : i32
        %dma_start3A_404 = tpu.memref_slice %arg2[%dma_start3A_402, %dma_start3A_403] : memref<10000x128xf32, #tpu.memory_space<hbm>> -> memref<10000x128xf32, #tpu.memory_space<hbm>>
        tpu.enqueue_indirect_dma source(%dma_start3A_404 : memref<10000x128xf32, #tpu.memory_space<hbm>>) target(%arg24 : memref<80x128xf32, #tpu.memory_space<vmem>>) offsets(%arg12 : memref<80xi32, #tpu.memory_space<vmem>>) semaphore(%arg28 : memref<!tpu.dma_semaphore, #tpu.memory_space<semaphore_mem>>)
      } else {
      }
      %dma_wait3A_279 = arith.constant 0 : i32
      %dma_wait3A_280 = arith.constant 0 : i32
      %dma_wait3A_281 = tpu.memref_slice %arg2[%dma_wait3A_279, %dma_wait3A_280] : memref<10000x128xf32, #tpu.memory_space<hbm>> -> memref<10000x128xf32, #tpu.memory_space<hbm>>
      tpu.wait_indirect_dma semaphore(%arg30 : memref<!tpu.dma_semaphore, #tpu.memory_space<semaphore_mem>>) src(%dma_wait3A_281 : memref<10000x128xf32, #tpu.memory_space<hbm>>) dst(%arg26 : memref<80x128xf32, #tpu.memory_space<vmem>>)
      %dma_start3A_282 = arith.constant 0 : i32
      %dma_start3A_283 = arith.constant 0 : i32
      %dma_start3A_284 = tpu.memref_slice %arg6[%dma_start3A_282, %dma_start3A_283] : memref<10240x128xf32, #tpu.memory_space<vmem_shared>> -> memref<10240x128xf32, #tpu.memory_space<vmem_shared>>
      tpu.enqueue_indirect_dma source(%arg26 : memref<80x128xf32, #tpu.memory_space<vmem>>) target(%dma_start3A_284 : memref<10240x128xf32, #tpu.memory_space<vmem_shared>>) offsets(%arg18 : memref<80xi32, #tpu.memory_space<vmem>>) semaphore(%arg34 : memref<!tpu.dma_semaphore, #tpu.memory_space<semaphore_mem>>) {add = true}
      %add3A_285 = arith.constant 4 : i32
      %add3A_286 = arith.addi %add3A_180, %add3A_285 : i32
      %ge3A_287 = arith.constant 2 : i32
      %ge3A_288 = arith.cmpi sge, %add3A_286, %ge3A_287 : i32
      %convert_element_type3A_289 = arith.extui %ge3A_288 : i1 to i32
      %cond3A_290 = arith.constant 0 : i32
      %cond3A_291 = arith.cmpi ne, %convert_element_type3A_289, %cond3A_290 : i32
      scf.if %cond3A_291 {
        %dma_wait3A_393 = arith.constant 0 : i32
        %dma_wait3A_394 = arith.constant 0 : i32
        %dma_wait3A_395 = tpu.memref_slice %arg6[%dma_wait3A_393, %dma_wait3A_394] : memref<10240x128xf32, #tpu.memory_space<vmem_shared>> -> memref<10240x128xf32, #tpu.memory_space<vmem_shared>>
        tpu.wait_indirect_dma semaphore(%arg33 : memref<!tpu.dma_semaphore, #tpu.memory_space<semaphore_mem>>) src(%arg25 : memref<80x128xf32, #tpu.memory_space<vmem>>) dst(%dma_wait3A_395 : memref<10240x128xf32, #tpu.memory_space<vmem_shared>>)
      } else {
      }
      %add3A_292 = arith.constant 4 : i32
      %add3A_293 = arith.addi %add3A_286, %add3A_292 : i32
      %lt3A_294 = arith.constant 125 : i32
      %lt3A_295 = arith.cmpi slt, %add3A_293, %lt3A_294 : i32
      %convert_element_type3A_296 = arith.extui %lt3A_295 : i1 to i32
      %cond3A_297 = arith.constant 0 : i32
      %cond3A_298 = arith.cmpi ne, %convert_element_type3A_296, %cond3A_297 : i32
      scf.if %cond3A_298 {
        %add3A_393 = arith.constant 4 : i32
        %add3A_394 = arith.addi %add3A_286, %add3A_393 : i32
        %mul3A_395 = arith.constant 80 : i32
        %mul3A_396 = arith.muli %add3A_394, %mul3A_395 : i32
        %add3A_397 = arith.addi %mul3A_2, %mul3A_396 : i32
        %dma_start3A_398 = tpu.memref_slice %arg3[%add3A_397] : memref<320000xi32, #tpu.memory_space<hbm>> -> memref<80xi32, #tpu.memory_space<hbm>>
        %dma_start3A_399 = tpu.memref_slice %arg3[%add3A_397] : memref<320000xi32, #tpu.memory_space<hbm>> -> memref<80xi32, #tpu.memory_space<hbm>>
        tpu.enqueue_dma source(%dma_start3A_399 : memref<80xi32, #tpu.memory_space<hbm>>) target(%arg7 : memref<80xi32, #tpu.memory_space<vmem>>) target_semaphore(%arg35 : memref<!tpu.dma_semaphore, #tpu.memory_space<semaphore_mem>>)
        %dma_start3A_400 = tpu.memref_slice %arg4[%add3A_397] : memref<320000xi32, #tpu.memory_space<hbm>> -> memref<80xi32, #tpu.memory_space<hbm>>
        %dma_start3A_401 = tpu.memref_slice %arg4[%add3A_397] : memref<320000xi32, #tpu.memory_space<hbm>> -> memref<80xi32, #tpu.memory_space<hbm>>
        tpu.enqueue_dma source(%dma_start3A_401 : memref<80xi32, #tpu.memory_space<hbm>>) target(%arg15 : memref<80xi32, #tpu.memory_space<vmem>>) target_semaphore(%arg35 : memref<!tpu.dma_semaphore, #tpu.memory_space<semaphore_mem>>)
      } else {
      }
      %add3A_299 = arith.constant 2 : i32
      %add3A_300 = arith.addi %add3A_286, %add3A_299 : i32
      %lt3A_301 = arith.constant 125 : i32
      %lt3A_302 = arith.cmpi slt, %add3A_300, %lt3A_301 : i32
      %convert_element_type3A_303 = arith.extui %lt3A_302 : i1 to i32
      %cond3A_304 = arith.constant 0 : i32
      %cond3A_305 = arith.cmpi ne, %convert_element_type3A_303, %cond3A_304 : i32
      scf.if %cond3A_305 {
        %add3A_393 = arith.constant 2 : i32
        %add3A_394 = arith.addi %add3A_286, %add3A_393 : i32
        %mul3A_395 = arith.constant 80 : i32
        %mul3A_396 = arith.muli %add3A_394, %mul3A_395 : i32
        %add3A_397 = arith.addi %mul3A_2, %mul3A_396 : i32
        %dma_wait3A_398 = tpu.memref_slice %arg3[%add3A_397] : memref<320000xi32, #tpu.memory_space<hbm>> -> memref<80xi32, #tpu.memory_space<hbm>>
        %dma_wait3A_399 = tpu.memref_slice %arg3[%add3A_397] : memref<320000xi32, #tpu.memory_space<hbm>> -> memref<80xi32, #tpu.memory_space<hbm>>
        tpu.wait_dma2 semaphore(%arg41 : memref<!tpu.dma_semaphore, #tpu.memory_space<semaphore_mem>>) src(%dma_wait3A_399 : memref<80xi32, #tpu.memory_space<hbm>>) dst(%arg13 : memref<80xi32, #tpu.memory_space<vmem>>)
        %dma_wait3A_400 = tpu.memref_slice %arg4[%add3A_397] : memref<320000xi32, #tpu.memory_space<hbm>> -> memref<80xi32, #tpu.memory_space<hbm>>
        %dma_wait3A_401 = tpu.memref_slice %arg4[%add3A_397] : memref<320000xi32, #tpu.memory_space<hbm>> -> memref<80xi32, #tpu.memory_space<hbm>>
        tpu.wait_dma2 semaphore(%arg41 : memref<!tpu.dma_semaphore, #tpu.memory_space<semaphore_mem>>) src(%dma_wait3A_401 : memref<80xi32, #tpu.memory_space<hbm>>) dst(%arg21 : memref<80xi32, #tpu.memory_space<vmem>>)
        %dma_start3A_402 = arith.constant 0 : i32
        %dma_start3A_403 = arith.constant 0 : i32
        %dma_start3A_404 = tpu.memref_slice %arg2[%dma_start3A_402, %dma_start3A_403] : memref<10000x128xf32, #tpu.memory_space<hbm>> -> memref<10000x128xf32, #tpu.memory_space<hbm>>
        tpu.enqueue_indirect_dma source(%dma_start3A_404 : memref<10000x128xf32, #tpu.memory_space<hbm>>) target(%arg25 : memref<80x128xf32, #tpu.memory_space<vmem>>) offsets(%arg13 : memref<80xi32, #tpu.memory_space<vmem>>) semaphore(%arg29 : memref<!tpu.dma_semaphore, #tpu.memory_space<semaphore_mem>>)
      } else {
      }
      %dma_wait3A_306 = arith.constant 0 : i32
      %dma_wait3A_307 = arith.constant 0 : i32
      %dma_wait3A_308 = tpu.memref_slice %arg2[%dma_wait3A_306, %dma_wait3A_307] : memref<10000x128xf32, #tpu.memory_space<hbm>> -> memref<10000x128xf32, #tpu.memory_space<hbm>>
      tpu.wait_indirect_dma semaphore(%arg27 : memref<!tpu.dma_semaphore, #tpu.memory_space<semaphore_mem>>) src(%dma_wait3A_308 : memref<10000x128xf32, #tpu.memory_space<hbm>>) dst(%arg23 : memref<80x128xf32, #tpu.memory_space<vmem>>)
      %dma_start3A_309 = arith.constant 0 : i32
      %dma_start3A_310 = arith.constant 0 : i32
      %dma_start3A_311 = tpu.memref_slice %arg6[%dma_start3A_309, %dma_start3A_310] : memref<10240x128xf32, #tpu.memory_space<vmem_shared>> -> memref<10240x128xf32, #tpu.memory_space<vmem_shared>>
      tpu.enqueue_indirect_dma source(%arg23 : memref<80x128xf32, #tpu.memory_space<vmem>>) target(%dma_start3A_311 : memref<10240x128xf32, #tpu.memory_space<vmem_shared>>) offsets(%arg19 : memref<80xi32, #tpu.memory_space<vmem>>) semaphore(%arg31 : memref<!tpu.dma_semaphore, #tpu.memory_space<semaphore_mem>>) {add = true}
      %add3A_312 = arith.constant 5 : i32
      %add3A_313 = arith.addi %add3A_180, %add3A_312 : i32
      %ge3A_314 = arith.constant 2 : i32
      %ge3A_315 = arith.cmpi sge, %add3A_313, %ge3A_314 : i32
      %convert_element_type3A_316 = arith.extui %ge3A_315 : i1 to i32
      %cond3A_317 = arith.constant 0 : i32
      %cond3A_318 = arith.cmpi ne, %convert_element_type3A_316, %cond3A_317 : i32
      scf.if %cond3A_318 {
        %dma_wait3A_393 = arith.constant 0 : i32
        %dma_wait3A_394 = arith.constant 0 : i32
        %dma_wait3A_395 = tpu.memref_slice %arg6[%dma_wait3A_393, %dma_wait3A_394] : memref<10240x128xf32, #tpu.memory_space<vmem_shared>> -> memref<10240x128xf32, #tpu.memory_space<vmem_shared>>
        tpu.wait_indirect_dma semaphore(%arg34 : memref<!tpu.dma_semaphore, #tpu.memory_space<semaphore_mem>>) src(%arg26 : memref<80x128xf32, #tpu.memory_space<vmem>>) dst(%dma_wait3A_395 : memref<10240x128xf32, #tpu.memory_space<vmem_shared>>)
      } else {
      }
      %add3A_319 = arith.constant 4 : i32
      %add3A_320 = arith.addi %add3A_313, %add3A_319 : i32
      %lt3A_321 = arith.constant 125 : i32
      %lt3A_322 = arith.cmpi slt, %add3A_320, %lt3A_321 : i32
      %convert_element_type3A_323 = arith.extui %lt3A_322 : i1 to i32
      %cond3A_324 = arith.constant 0 : i32
      %cond3A_325 = arith.cmpi ne, %convert_element_type3A_323, %cond3A_324 : i32
      scf.if %cond3A_325 {
        %add3A_393 = arith.constant 4 : i32
        %add3A_394 = arith.addi %add3A_313, %add3A_393 : i32
        %mul3A_395 = arith.constant 80 : i32
        %mul3A_396 = arith.muli %add3A_394, %mul3A_395 : i32
        %add3A_397 = arith.addi %mul3A_2, %mul3A_396 : i32
        %dma_start3A_398 = tpu.memref_slice %arg3[%add3A_397] : memref<320000xi32, #tpu.memory_space<hbm>> -> memref<80xi32, #tpu.memory_space<hbm>>
        %dma_start3A_399 = tpu.memref_slice %arg3[%add3A_397] : memref<320000xi32, #tpu.memory_space<hbm>> -> memref<80xi32, #tpu.memory_space<hbm>>
        tpu.enqueue_dma source(%dma_start3A_399 : memref<80xi32, #tpu.memory_space<hbm>>) target(%arg8 : memref<80xi32, #tpu.memory_space<vmem>>) target_semaphore(%arg36 : memref<!tpu.dma_semaphore, #tpu.memory_space<semaphore_mem>>)
        %dma_start3A_400 = tpu.memref_slice %arg4[%add3A_397] : memref<320000xi32, #tpu.memory_space<hbm>> -> memref<80xi32, #tpu.memory_space<hbm>>
        %dma_start3A_401 = tpu.memref_slice %arg4[%add3A_397] : memref<320000xi32, #tpu.memory_space<hbm>> -> memref<80xi32, #tpu.memory_space<hbm>>
        tpu.enqueue_dma source(%dma_start3A_401 : memref<80xi32, #tpu.memory_space<hbm>>) target(%arg16 : memref<80xi32, #tpu.memory_space<vmem>>) target_semaphore(%arg36 : memref<!tpu.dma_semaphore, #tpu.memory_space<semaphore_mem>>)
      } else {
      }
      %add3A_326 = arith.constant 2 : i32
      %add3A_327 = arith.addi %add3A_313, %add3A_326 : i32
      %lt3A_328 = arith.constant 125 : i32
      %lt3A_329 = arith.cmpi slt, %add3A_327, %lt3A_328 : i32
      %convert_element_type3A_330 = arith.extui %lt3A_329 : i1 to i32
      %cond3A_331 = arith.constant 0 : i32
      %cond3A_332 = arith.cmpi ne, %convert_element_type3A_330, %cond3A_331 : i32
      scf.if %cond3A_332 {
        %add3A_393 = arith.constant 2 : i32
        %add3A_394 = arith.addi %add3A_313, %add3A_393 : i32
        %mul3A_395 = arith.constant 80 : i32
        %mul3A_396 = arith.muli %add3A_394, %mul3A_395 : i32
        %add3A_397 = arith.addi %mul3A_2, %mul3A_396 : i32
        %dma_wait3A_398 = tpu.memref_slice %arg3[%add3A_397] : memref<320000xi32, #tpu.memory_space<hbm>> -> memref<80xi32, #tpu.memory_space<hbm>>
        %dma_wait3A_399 = tpu.memref_slice %arg3[%add3A_397] : memref<320000xi32, #tpu.memory_space<hbm>> -> memref<80xi32, #tpu.memory_space<hbm>>
        tpu.wait_dma2 semaphore(%arg42 : memref<!tpu.dma_semaphore, #tpu.memory_space<semaphore_mem>>) src(%dma_wait3A_399 : memref<80xi32, #tpu.memory_space<hbm>>) dst(%arg14 : memref<80xi32, #tpu.memory_space<vmem>>)
        %dma_wait3A_400 = tpu.memref_slice %arg4[%add3A_397] : memref<320000xi32, #tpu.memory_space<hbm>> -> memref<80xi32, #tpu.memory_space<hbm>>
        %dma_wait3A_401 = tpu.memref_slice %arg4[%add3A_397] : memref<320000xi32, #tpu.memory_space<hbm>> -> memref<80xi32, #tpu.memory_space<hbm>>
        tpu.wait_dma2 semaphore(%arg42 : memref<!tpu.dma_semaphore, #tpu.memory_space<semaphore_mem>>) src(%dma_wait3A_401 : memref<80xi32, #tpu.memory_space<hbm>>) dst(%arg22 : memref<80xi32, #tpu.memory_space<vmem>>)
        %dma_start3A_402 = arith.constant 0 : i32
        %dma_start3A_403 = arith.constant 0 : i32
        %dma_start3A_404 = tpu.memref_slice %arg2[%dma_start3A_402, %dma_start3A_403] : memref<10000x128xf32, #tpu.memory_space<hbm>> -> memref<10000x128xf32, #tpu.memory_space<hbm>>
        tpu.enqueue_indirect_dma source(%dma_start3A_404 : memref<10000x128xf32, #tpu.memory_space<hbm>>) target(%arg26 : memref<80x128xf32, #tpu.memory_space<vmem>>) offsets(%arg14 : memref<80xi32, #tpu.memory_space<vmem>>) semaphore(%arg30 : memref<!tpu.dma_semaphore, #tpu.memory_space<semaphore_mem>>)
      } else {
      }
      %dma_wait3A_333 = arith.constant 0 : i32
      %dma_wait3A_334 = arith.constant 0 : i32
      %dma_wait3A_335 = tpu.memref_slice %arg2[%dma_wait3A_333, %dma_wait3A_334] : memref<10000x128xf32, #tpu.memory_space<hbm>> -> memref<10000x128xf32, #tpu.memory_space<hbm>>
      tpu.wait_indirect_dma semaphore(%arg28 : memref<!tpu.dma_semaphore, #tpu.memory_space<semaphore_mem>>) src(%dma_wait3A_335 : memref<10000x128xf32, #tpu.memory_space<hbm>>) dst(%arg24 : memref<80x128xf32, #tpu.memory_space<vmem>>)
      %dma_start3A_336 = arith.constant 0 : i32
      %dma_start3A_337 = arith.constant 0 : i32
      %dma_start3A_338 = tpu.memref_slice %arg6[%dma_start3A_336, %dma_start3A_337] : memref<10240x128xf32, #tpu.memory_space<vmem_shared>> -> memref<10240x128xf32, #tpu.memory_space<vmem_shared>>
      tpu.enqueue_indirect_dma source(%arg24 : memref<80x128xf32, #tpu.memory_space<vmem>>) target(%dma_start3A_338 : memref<10240x128xf32, #tpu.memory_space<vmem_shared>>) offsets(%arg20 : memref<80xi32, #tpu.memory_space<vmem>>) semaphore(%arg32 : memref<!tpu.dma_semaphore, #tpu.memory_space<semaphore_mem>>) {add = true}
      %add3A_339 = arith.constant 6 : i32
      %add3A_340 = arith.addi %add3A_180, %add3A_339 : i32
      %ge3A_341 = arith.constant 2 : i32
      %ge3A_342 = arith.cmpi sge, %add3A_340, %ge3A_341 : i32
      %convert_element_type3A_343 = arith.extui %ge3A_342 : i1 to i32
      %cond3A_344 = arith.constant 0 : i32
      %cond3A_345 = arith.cmpi ne, %convert_element_type3A_343, %cond3A_344 : i32
      scf.if %cond3A_345 {
        %dma_wait3A_393 = arith.constant 0 : i32
        %dma_wait3A_394 = arith.constant 0 : i32
        %dma_wait3A_395 = tpu.memref_slice %arg6[%dma_wait3A_393, %dma_wait3A_394] : memref<10240x128xf32, #tpu.memory_space<vmem_shared>> -> memref<10240x128xf32, #tpu.memory_space<vmem_shared>>
        tpu.wait_indirect_dma semaphore(%arg31 : memref<!tpu.dma_semaphore, #tpu.memory_space<semaphore_mem>>) src(%arg23 : memref<80x128xf32, #tpu.memory_space<vmem>>) dst(%dma_wait3A_395 : memref<10240x128xf32, #tpu.memory_space<vmem_shared>>)
      } else {
      }
      %add3A_346 = arith.constant 4 : i32
      %add3A_347 = arith.addi %add3A_340, %add3A_346 : i32
      %lt3A_348 = arith.constant 125 : i32
      %lt3A_349 = arith.cmpi slt, %add3A_347, %lt3A_348 : i32
      %convert_element_type3A_350 = arith.extui %lt3A_349 : i1 to i32
      %cond3A_351 = arith.constant 0 : i32
      %cond3A_352 = arith.cmpi ne, %convert_element_type3A_350, %cond3A_351 : i32
      scf.if %cond3A_352 {
        %add3A_393 = arith.constant 4 : i32
        %add3A_394 = arith.addi %add3A_340, %add3A_393 : i32
        %mul3A_395 = arith.constant 80 : i32
        %mul3A_396 = arith.muli %add3A_394, %mul3A_395 : i32
        %add3A_397 = arith.addi %mul3A_2, %mul3A_396 : i32
        %dma_start3A_398 = tpu.memref_slice %arg3[%add3A_397] : memref<320000xi32, #tpu.memory_space<hbm>> -> memref<80xi32, #tpu.memory_space<hbm>>
        %dma_start3A_399 = tpu.memref_slice %arg3[%add3A_397] : memref<320000xi32, #tpu.memory_space<hbm>> -> memref<80xi32, #tpu.memory_space<hbm>>
        tpu.enqueue_dma source(%dma_start3A_399 : memref<80xi32, #tpu.memory_space<hbm>>) target(%arg9 : memref<80xi32, #tpu.memory_space<vmem>>) target_semaphore(%arg37 : memref<!tpu.dma_semaphore, #tpu.memory_space<semaphore_mem>>)
        %dma_start3A_400 = tpu.memref_slice %arg4[%add3A_397] : memref<320000xi32, #tpu.memory_space<hbm>> -> memref<80xi32, #tpu.memory_space<hbm>>
        %dma_start3A_401 = tpu.memref_slice %arg4[%add3A_397] : memref<320000xi32, #tpu.memory_space<hbm>> -> memref<80xi32, #tpu.memory_space<hbm>>
        tpu.enqueue_dma source(%dma_start3A_401 : memref<80xi32, #tpu.memory_space<hbm>>) target(%arg17 : memref<80xi32, #tpu.memory_space<vmem>>) target_semaphore(%arg37 : memref<!tpu.dma_semaphore, #tpu.memory_space<semaphore_mem>>)
      } else {
      }
      %add3A_353 = arith.constant 2 : i32
      %add3A_354 = arith.addi %add3A_340, %add3A_353 : i32
      %lt3A_355 = arith.constant 125 : i32
      %lt3A_356 = arith.cmpi slt, %add3A_354, %lt3A_355 : i32
      %convert_element_type3A_357 = arith.extui %lt3A_356 : i1 to i32
      %cond3A_358 = arith.constant 0 : i32
      %cond3A_359 = arith.cmpi ne, %convert_element_type3A_357, %cond3A_358 : i32
      scf.if %cond3A_359 {
        %add3A_393 = arith.constant 2 : i32
        %add3A_394 = arith.addi %add3A_340, %add3A_393 : i32
        %mul3A_395 = arith.constant 80 : i32
        %mul3A_396 = arith.muli %add3A_394, %mul3A_395 : i32
        %add3A_397 = arith.addi %mul3A_2, %mul3A_396 : i32
        %dma_wait3A_398 = tpu.memref_slice %arg3[%add3A_397] : memref<320000xi32, #tpu.memory_space<hbm>> -> memref<80xi32, #tpu.memory_space<hbm>>
        %dma_wait3A_399 = tpu.memref_slice %arg3[%add3A_397] : memref<320000xi32, #tpu.memory_space<hbm>> -> memref<80xi32, #tpu.memory_space<hbm>>
        tpu.wait_dma2 semaphore(%arg35 : memref<!tpu.dma_semaphore, #tpu.memory_space<semaphore_mem>>) src(%dma_wait3A_399 : memref<80xi32, #tpu.memory_space<hbm>>) dst(%arg7 : memref<80xi32, #tpu.memory_space<vmem>>)
        %dma_wait3A_400 = tpu.memref_slice %arg4[%add3A_397] : memref<320000xi32, #tpu.memory_space<hbm>> -> memref<80xi32, #tpu.memory_space<hbm>>
        %dma_wait3A_401 = tpu.memref_slice %arg4[%add3A_397] : memref<320000xi32, #tpu.memory_space<hbm>> -> memref<80xi32, #tpu.memory_space<hbm>>
        tpu.wait_dma2 semaphore(%arg35 : memref<!tpu.dma_semaphore, #tpu.memory_space<semaphore_mem>>) src(%dma_wait3A_401 : memref<80xi32, #tpu.memory_space<hbm>>) dst(%arg15 : memref<80xi32, #tpu.memory_space<vmem>>)
        %dma_start3A_402 = arith.constant 0 : i32
        %dma_start3A_403 = arith.constant 0 : i32
        %dma_start3A_404 = tpu.memref_slice %arg2[%dma_start3A_402, %dma_start3A_403] : memref<10000x128xf32, #tpu.memory_space<hbm>> -> memref<10000x128xf32, #tpu.memory_space<hbm>>
        tpu.enqueue_indirect_dma source(%dma_start3A_404 : memref<10000x128xf32, #tpu.memory_space<hbm>>) target(%arg23 : memref<80x128xf32, #tpu.memory_space<vmem>>) offsets(%arg7 : memref<80xi32, #tpu.memory_space<vmem>>) semaphore(%arg27 : memref<!tpu.dma_semaphore, #tpu.memory_space<semaphore_mem>>)
      } else {
      }
      %dma_wait3A_360 = arith.constant 0 : i32
      %dma_wait3A_361 = arith.constant 0 : i32
      %dma_wait3A_362 = tpu.memref_slice %arg2[%dma_wait3A_360, %dma_wait3A_361] : memref<10000x128xf32, #tpu.memory_space<hbm>> -> memref<10000x128xf32, #tpu.memory_space<hbm>>
      tpu.wait_indirect_dma semaphore(%arg29 : memref<!tpu.dma_semaphore, #tpu.memory_space<semaphore_mem>>) src(%dma_wait3A_362 : memref<10000x128xf32, #tpu.memory_space<hbm>>) dst(%arg25 : memref<80x128xf32, #tpu.memory_space<vmem>>)
      %dma_start3A_363 = arith.constant 0 : i32
      %dma_start3A_364 = arith.constant 0 : i32
      %dma_start3A_365 = tpu.memref_slice %arg6[%dma_start3A_363, %dma_start3A_364] : memref<10240x128xf32, #tpu.memory_space<vmem_shared>> -> memref<10240x128xf32, #tpu.memory_space<vmem_shared>>
      tpu.enqueue_indirect_dma source(%arg25 : memref<80x128xf32, #tpu.memory_space<vmem>>) target(%dma_start3A_365 : memref<10240x128xf32, #tpu.memory_space<vmem_shared>>) offsets(%arg21 : memref<80xi32, #tpu.memory_space<vmem>>) semaphore(%arg33 : memref<!tpu.dma_semaphore, #tpu.memory_space<semaphore_mem>>) {add = true}
      %add3A_366 = arith.constant 7 : i32
      %add3A_367 = arith.addi %add3A_180, %add3A_366 : i32
      %ge3A_368 = arith.constant 2 : i32
      %ge3A_369 = arith.cmpi sge, %add3A_367, %ge3A_368 : i32
      %convert_element_type3A_370 = arith.extui %ge3A_369 : i1 to i32
      %cond3A_371 = arith.constant 0 : i32
      %cond3A_372 = arith.cmpi ne, %convert_element_type3A_370, %cond3A_371 : i32
      scf.if %cond3A_372 {
        %dma_wait3A_393 = arith.constant 0 : i32
        %dma_wait3A_394 = arith.constant 0 : i32
        %dma_wait3A_395 = tpu.memref_slice %arg6[%dma_wait3A_393, %dma_wait3A_394] : memref<10240x128xf32, #tpu.memory_space<vmem_shared>> -> memref<10240x128xf32, #tpu.memory_space<vmem_shared>>
        tpu.wait_indirect_dma semaphore(%arg32 : memref<!tpu.dma_semaphore, #tpu.memory_space<semaphore_mem>>) src(%arg24 : memref<80x128xf32, #tpu.memory_space<vmem>>) dst(%dma_wait3A_395 : memref<10240x128xf32, #tpu.memory_space<vmem_shared>>)
      } else {
      }
      %add3A_373 = arith.constant 4 : i32
      %add3A_374 = arith.addi %add3A_367, %add3A_373 : i32
      %lt3A_375 = arith.constant 125 : i32
      %lt3A_376 = arith.cmpi slt, %add3A_374, %lt3A_375 : i32
      %convert_element_type3A_377 = arith.extui %lt3A_376 : i1 to i32
      %cond3A_378 = arith.constant 0 : i32
      %cond3A_379 = arith.cmpi ne, %convert_element_type3A_377, %cond3A_378 : i32
      scf.if %cond3A_379 {
        %add3A_393 = arith.constant 4 : i32
        %add3A_394 = arith.addi %add3A_367, %add3A_393 : i32
        %mul3A_395 = arith.constant 80 : i32
        %mul3A_396 = arith.muli %add3A_394, %mul3A_395 : i32
        %add3A_397 = arith.addi %mul3A_2, %mul3A_396 : i32
        %dma_start3A_398 = tpu.memref_slice %arg3[%add3A_397] : memref<320000xi32, #tpu.memory_space<hbm>> -> memref<80xi32, #tpu.memory_space<hbm>>
        %dma_start3A_399 = tpu.memref_slice %arg3[%add3A_397] : memref<320000xi32, #tpu.memory_space<hbm>> -> memref<80xi32, #tpu.memory_space<hbm>>
        tpu.enqueue_dma source(%dma_start3A_399 : memref<80xi32, #tpu.memory_space<hbm>>) target(%arg10 : memref<80xi32, #tpu.memory_space<vmem>>) target_semaphore(%arg38 : memref<!tpu.dma_semaphore, #tpu.memory_space<semaphore_mem>>)
        %dma_start3A_400 = tpu.memref_slice %arg4[%add3A_397] : memref<320000xi32, #tpu.memory_space<hbm>> -> memref<80xi32, #tpu.memory_space<hbm>>
        %dma_start3A_401 = tpu.memref_slice %arg4[%add3A_397] : memref<320000xi32, #tpu.memory_space<hbm>> -> memref<80xi32, #tpu.memory_space<hbm>>
        tpu.enqueue_dma source(%dma_start3A_401 : memref<80xi32, #tpu.memory_space<hbm>>) target(%arg18 : memref<80xi32, #tpu.memory_space<vmem>>) target_semaphore(%arg38 : memref<!tpu.dma_semaphore, #tpu.memory_space<semaphore_mem>>)
      } else {
      }
      %add3A_380 = arith.constant 2 : i32
      %add3A_381 = arith.addi %add3A_367, %add3A_380 : i32
      %lt3A_382 = arith.constant 125 : i32
      %lt3A_383 = arith.cmpi slt, %add3A_381, %lt3A_382 : i32
      %convert_element_type3A_384 = arith.extui %lt3A_383 : i1 to i32
      %cond3A_385 = arith.constant 0 : i32
      %cond3A_386 = arith.cmpi ne, %convert_element_type3A_384, %cond3A_385 : i32
      scf.if %cond3A_386 {
        %add3A_393 = arith.constant 2 : i32
        %add3A_394 = arith.addi %add3A_367, %add3A_393 : i32
        %mul3A_395 = arith.constant 80 : i32
        %mul3A_396 = arith.muli %add3A_394, %mul3A_395 : i32
        %add3A_397 = arith.addi %mul3A_2, %mul3A_396 : i32
        %dma_wait3A_398 = tpu.memref_slice %arg3[%add3A_397] : memref<320000xi32, #tpu.memory_space<hbm>> -> memref<80xi32, #tpu.memory_space<hbm>>
        %dma_wait3A_399 = tpu.memref_slice %arg3[%add3A_397] : memref<320000xi32, #tpu.memory_space<hbm>> -> memref<80xi32, #tpu.memory_space<hbm>>
        tpu.wait_dma2 semaphore(%arg36 : memref<!tpu.dma_semaphore, #tpu.memory_space<semaphore_mem>>) src(%dma_wait3A_399 : memref<80xi32, #tpu.memory_space<hbm>>) dst(%arg8 : memref<80xi32, #tpu.memory_space<vmem>>)
        %dma_wait3A_400 = tpu.memref_slice %arg4[%add3A_397] : memref<320000xi32, #tpu.memory_space<hbm>> -> memref<80xi32, #tpu.memory_space<hbm>>
        %dma_wait3A_401 = tpu.memref_slice %arg4[%add3A_397] : memref<320000xi32, #tpu.memory_space<hbm>> -> memref<80xi32, #tpu.memory_space<hbm>>
        tpu.wait_dma2 semaphore(%arg36 : memref<!tpu.dma_semaphore, #tpu.memory_space<semaphore_mem>>) src(%dma_wait3A_401 : memref<80xi32, #tpu.memory_space<hbm>>) dst(%arg16 : memref<80xi32, #tpu.memory_space<vmem>>)
        %dma_start3A_402 = arith.constant 0 : i32
        %dma_start3A_403 = arith.constant 0 : i32
        %dma_start3A_404 = tpu.memref_slice %arg2[%dma_start3A_402, %dma_start3A_403] : memref<10000x128xf32, #tpu.memory_space<hbm>> -> memref<10000x128xf32, #tpu.memory_space<hbm>>
        tpu.enqueue_indirect_dma source(%dma_start3A_404 : memref<10000x128xf32, #tpu.memory_space<hbm>>) target(%arg24 : memref<80x128xf32, #tpu.memory_space<vmem>>) offsets(%arg8 : memref<80xi32, #tpu.memory_space<vmem>>) semaphore(%arg28 : memref<!tpu.dma_semaphore, #tpu.memory_space<semaphore_mem>>)
      } else {
      }
      %dma_wait3A_387 = arith.constant 0 : i32
      %dma_wait3A_388 = arith.constant 0 : i32
      %dma_wait3A_389 = tpu.memref_slice %arg2[%dma_wait3A_387, %dma_wait3A_388] : memref<10000x128xf32, #tpu.memory_space<hbm>> -> memref<10000x128xf32, #tpu.memory_space<hbm>>
      tpu.wait_indirect_dma semaphore(%arg30 : memref<!tpu.dma_semaphore, #tpu.memory_space<semaphore_mem>>) src(%dma_wait3A_389 : memref<10000x128xf32, #tpu.memory_space<hbm>>) dst(%arg26 : memref<80x128xf32, #tpu.memory_space<vmem>>)
      %dma_start3A_390 = arith.constant 0 : i32
      %dma_start3A_391 = arith.constant 0 : i32
      %dma_start3A_392 = tpu.memref_slice %arg6[%dma_start3A_390, %dma_start3A_391] : memref<10240x128xf32, #tpu.memory_space<vmem_shared>> -> memref<10240x128xf32, #tpu.memory_space<vmem_shared>>
      tpu.enqueue_indirect_dma source(%arg26 : memref<80x128xf32, #tpu.memory_space<vmem>>) target(%dma_start3A_392 : memref<10240x128xf32, #tpu.memory_space<vmem_shared>>) offsets(%arg22 : memref<80xi32, #tpu.memory_space<vmem>>) semaphore(%arg34 : memref<!tpu.dma_semaphore, #tpu.memory_space<semaphore_mem>>) {add = true}
    }
    %scan3A_86 = arith.constant 15 : i32
    %dma_wait3A_87 = arith.constant 0 : i32
    %dma_wait3A_88 = arith.constant 0 : i32
    %dma_wait3A_89 = tpu.memref_slice %arg6[%dma_wait3A_87, %dma_wait3A_88] : memref<10240x128xf32, #tpu.memory_space<vmem_shared>> -> memref<10240x128xf32, #tpu.memory_space<vmem_shared>>
    tpu.wait_indirect_dma semaphore(%arg33 : memref<!tpu.dma_semaphore, #tpu.memory_space<semaphore_mem>>) src(%arg25 : memref<80x128xf32, #tpu.memory_space<vmem>>) dst(%dma_wait3A_89 : memref<10240x128xf32, #tpu.memory_space<vmem_shared>>)
    %add3A_90 = arith.constant 9920 : i32
    %add3A_91 = arith.addi %mul3A_2, %add3A_90 : i32
    %dma_start3A_92 = tpu.memref_slice %arg3[%add3A_91] : memref<320000xi32, #tpu.memory_space<hbm>> -> memref<80xi32, #tpu.memory_space<hbm>>
    %dma_start3A_93 = tpu.memref_slice %arg3[%add3A_91] : memref<320000xi32, #tpu.memory_space<hbm>> -> memref<80xi32, #tpu.memory_space<hbm>>
    tpu.enqueue_dma source(%dma_start3A_93 : memref<80xi32, #tpu.memory_space<hbm>>) target(%arg11 : memref<80xi32, #tpu.memory_space<vmem>>) target_semaphore(%arg39 : memref<!tpu.dma_semaphore, #tpu.memory_space<semaphore_mem>>)
    %dma_start3A_94 = tpu.memref_slice %arg4[%add3A_91] : memref<320000xi32, #tpu.memory_space<hbm>> -> memref<80xi32, #tpu.memory_space<hbm>>
    %dma_start3A_95 = tpu.memref_slice %arg4[%add3A_91] : memref<320000xi32, #tpu.memory_space<hbm>> -> memref<80xi32, #tpu.memory_space<hbm>>
    tpu.enqueue_dma source(%dma_start3A_95 : memref<80xi32, #tpu.memory_space<hbm>>) target(%arg19 : memref<80xi32, #tpu.memory_space<vmem>>) target_semaphore(%arg39 : memref<!tpu.dma_semaphore, #tpu.memory_space<semaphore_mem>>)
    %add3A_96 = arith.constant 9760 : i32
    %add3A_97 = arith.addi %mul3A_2, %add3A_96 : i32
    %dma_wait3A_98 = tpu.memref_slice %arg3[%add3A_97] : memref<320000xi32, #tpu.memory_space<hbm>> -> memref<80xi32, #tpu.memory_space<hbm>>
    %dma_wait3A_99 = tpu.memref_slice %arg3[%add3A_97] : memref<320000xi32, #tpu.memory_space<hbm>> -> memref<80xi32, #tpu.memory_space<hbm>>
    tpu.wait_dma2 semaphore(%arg37 : memref<!tpu.dma_semaphore, #tpu.memory_space<semaphore_mem>>) src(%dma_wait3A_99 : memref<80xi32, #tpu.memory_space<hbm>>) dst(%arg9 : memref<80xi32, #tpu.memory_space<vmem>>)
    %dma_wait3A_100 = tpu.memref_slice %arg4[%add3A_97] : memref<320000xi32, #tpu.memory_space<hbm>> -> memref<80xi32, #tpu.memory_space<hbm>>
    %dma_wait3A_101 = tpu.memref_slice %arg4[%add3A_97] : memref<320000xi32, #tpu.memory_space<hbm>> -> memref<80xi32, #tpu.memory_space<hbm>>
    tpu.wait_dma2 semaphore(%arg37 : memref<!tpu.dma_semaphore, #tpu.memory_space<semaphore_mem>>) src(%dma_wait3A_101 : memref<80xi32, #tpu.memory_space<hbm>>) dst(%arg17 : memref<80xi32, #tpu.memory_space<vmem>>)
    %dma_start3A_102 = arith.constant 0 : i32
    %dma_start3A_103 = arith.constant 0 : i32
    %dma_start3A_104 = tpu.memref_slice %arg2[%dma_start3A_102, %dma_start3A_103] : memref<10000x128xf32, #tpu.memory_space<hbm>> -> memref<10000x128xf32, #tpu.memory_space<hbm>>
    tpu.enqueue_indirect_dma source(%dma_start3A_104 : memref<10000x128xf32, #tpu.memory_space<hbm>>) target(%arg25 : memref<80x128xf32, #tpu.memory_space<vmem>>) offsets(%arg9 : memref<80xi32, #tpu.memory_space<vmem>>) semaphore(%arg29 : memref<!tpu.dma_semaphore, #tpu.memory_space<semaphore_mem>>)
    %dma_wait3A_105 = arith.constant 0 : i32
    %dma_wait3A_106 = arith.constant 0 : i32
    %dma_wait3A_107 = tpu.memref_slice %arg2[%dma_wait3A_105, %dma_wait3A_106] : memref<10000x128xf32, #tpu.memory_space<hbm>> -> memref<10000x128xf32, #tpu.memory_space<hbm>>
    tpu.wait_indirect_dma semaphore(%arg27 : memref<!tpu.dma_semaphore, #tpu.memory_space<semaphore_mem>>) src(%dma_wait3A_107 : memref<10000x128xf32, #tpu.memory_space<hbm>>) dst(%arg23 : memref<80x128xf32, #tpu.memory_space<vmem>>)
    %dma_start3A_108 = arith.constant 0 : i32
    %dma_start3A_109 = arith.constant 0 : i32
    %dma_start3A_110 = tpu.memref_slice %arg6[%dma_start3A_108, %dma_start3A_109] : memref<10240x128xf32, #tpu.memory_space<vmem_shared>> -> memref<10240x128xf32, #tpu.memory_space<vmem_shared>>
    tpu.enqueue_indirect_dma source(%arg23 : memref<80x128xf32, #tpu.memory_space<vmem>>) target(%dma_start3A_110 : memref<10240x128xf32, #tpu.memory_space<vmem_shared>>) offsets(%arg15 : memref<80xi32, #tpu.memory_space<vmem>>) semaphore(%arg31 : memref<!tpu.dma_semaphore, #tpu.memory_space<semaphore_mem>>) {add = true}
    %dma_wait3A_111 = arith.constant 0 : i32
    %dma_wait3A_112 = arith.constant 0 : i32
    %dma_wait3A_113 = tpu.memref_slice %arg6[%dma_wait3A_111, %dma_wait3A_112] : memref<10240x128xf32, #tpu.memory_space<vmem_shared>> -> memref<10240x128xf32, #tpu.memory_space<vmem_shared>>
    tpu.wait_indirect_dma semaphore(%arg34 : memref<!tpu.dma_semaphore, #tpu.memory_space<semaphore_mem>>) src(%arg26 : memref<80x128xf32, #tpu.memory_space<vmem>>) dst(%dma_wait3A_113 : memref<10240x128xf32, #tpu.memory_space<vmem_shared>>)
    %add3A_114 = arith.constant 9840 : i32
    %add3A_115 = arith.addi %mul3A_2, %add3A_114 : i32
    %dma_wait3A_116 = tpu.memref_slice %arg3[%add3A_115] : memref<320000xi32, #tpu.memory_space<hbm>> -> memref<80xi32, #tpu.memory_space<hbm>>
    %dma_wait3A_117 = tpu.memref_slice %arg3[%add3A_115] : memref<320000xi32, #tpu.memory_space<hbm>> -> memref<80xi32, #tpu.memory_space<hbm>>
    tpu.wait_dma2 semaphore(%arg38 : memref<!tpu.dma_semaphore, #tpu.memory_space<semaphore_mem>>) src(%dma_wait3A_117 : memref<80xi32, #tpu.memory_space<hbm>>) dst(%arg10 : memref<80xi32, #tpu.memory_space<vmem>>)
    %dma_wait3A_118 = tpu.memref_slice %arg4[%add3A_115] : memref<320000xi32, #tpu.memory_space<hbm>> -> memref<80xi32, #tpu.memory_space<hbm>>
    %dma_wait3A_119 = tpu.memref_slice %arg4[%add3A_115] : memref<320000xi32, #tpu.memory_space<hbm>> -> memref<80xi32, #tpu.memory_space<hbm>>
    tpu.wait_dma2 semaphore(%arg38 : memref<!tpu.dma_semaphore, #tpu.memory_space<semaphore_mem>>) src(%dma_wait3A_119 : memref<80xi32, #tpu.memory_space<hbm>>) dst(%arg18 : memref<80xi32, #tpu.memory_space<vmem>>)
    %dma_start3A_120 = arith.constant 0 : i32
    %dma_start3A_121 = arith.constant 0 : i32
    %dma_start3A_122 = tpu.memref_slice %arg2[%dma_start3A_120, %dma_start3A_121] : memref<10000x128xf32, #tpu.memory_space<hbm>> -> memref<10000x128xf32, #tpu.memory_space<hbm>>
    tpu.enqueue_indirect_dma source(%dma_start3A_122 : memref<10000x128xf32, #tpu.memory_space<hbm>>) target(%arg26 : memref<80x128xf32, #tpu.memory_space<vmem>>) offsets(%arg10 : memref<80xi32, #tpu.memory_space<vmem>>) semaphore(%arg30 : memref<!tpu.dma_semaphore, #tpu.memory_space<semaphore_mem>>)
    %dma_wait3A_123 = arith.constant 0 : i32
    %dma_wait3A_124 = arith.constant 0 : i32
    %dma_wait3A_125 = tpu.memref_slice %arg2[%dma_wait3A_123, %dma_wait3A_124] : memref<10000x128xf32, #tpu.memory_space<hbm>> -> memref<10000x128xf32, #tpu.memory_space<hbm>>
    tpu.wait_indirect_dma semaphore(%arg28 : memref<!tpu.dma_semaphore, #tpu.memory_space<semaphore_mem>>) src(%dma_wait3A_125 : memref<10000x128xf32, #tpu.memory_space<hbm>>) dst(%arg24 : memref<80x128xf32, #tpu.memory_space<vmem>>)
    %dma_start3A_126 = arith.constant 0 : i32
    %dma_start3A_127 = arith.constant 0 : i32
    %dma_start3A_128 = tpu.memref_slice %arg6[%dma_start3A_126, %dma_start3A_127] : memref<10240x128xf32, #tpu.memory_space<vmem_shared>> -> memref<10240x128xf32, #tpu.memory_space<vmem_shared>>
    tpu.enqueue_indirect_dma source(%arg24 : memref<80x128xf32, #tpu.memory_space<vmem>>) target(%dma_start3A_128 : memref<10240x128xf32, #tpu.memory_space<vmem_shared>>) offsets(%arg16 : memref<80xi32, #tpu.memory_space<vmem>>) semaphore(%arg32 : memref<!tpu.dma_semaphore, #tpu.memory_space<semaphore_mem>>) {add = true}
    %dma_wait3A_129 = arith.constant 0 : i32
    %dma_wait3A_130 = arith.constant 0 : i32
    %dma_wait3A_131 = tpu.memref_slice %arg6[%dma_wait3A_129, %dma_wait3A_130] : memref<10240x128xf32, #tpu.memory_space<vmem_shared>> -> memref<10240x128xf32, #tpu.memory_space<vmem_shared>>
    tpu.wait_indirect_dma semaphore(%arg31 : memref<!tpu.dma_semaphore, #tpu.memory_space<semaphore_mem>>) src(%arg23 : memref<80x128xf32, #tpu.memory_space<vmem>>) dst(%dma_wait3A_131 : memref<10240x128xf32, #tpu.memory_space<vmem_shared>>)
    %add3A_132 = arith.constant 9920 : i32
    %add3A_133 = arith.addi %mul3A_2, %add3A_132 : i32
    %dma_wait3A_134 = tpu.memref_slice %arg3[%add3A_133] : memref<320000xi32, #tpu.memory_space<hbm>> -> memref<80xi32, #tpu.memory_space<hbm>>
    %dma_wait3A_135 = tpu.memref_slice %arg3[%add3A_133] : memref<320000xi32, #tpu.memory_space<hbm>> -> memref<80xi32, #tpu.memory_space<hbm>>
    tpu.wait_dma2 semaphore(%arg39 : memref<!tpu.dma_semaphore, #tpu.memory_space<semaphore_mem>>) src(%dma_wait3A_135 : memref<80xi32, #tpu.memory_space<hbm>>) dst(%arg11 : memref<80xi32, #tpu.memory_space<vmem>>)
    %dma_wait3A_136 = tpu.memref_slice %arg4[%add3A_133] : memref<320000xi32, #tpu.memory_space<hbm>> -> memref<80xi32, #tpu.memory_space<hbm>>
    %dma_wait3A_137 = tpu.memref_slice %arg4[%add3A_133] : memref<320000xi32, #tpu.memory_space<hbm>> -> memref<80xi32, #tpu.memory_space<hbm>>
    tpu.wait_dma2 semaphore(%arg39 : memref<!tpu.dma_semaphore, #tpu.memory_space<semaphore_mem>>) src(%dma_wait3A_137 : memref<80xi32, #tpu.memory_space<hbm>>) dst(%arg19 : memref<80xi32, #tpu.memory_space<vmem>>)
    %dma_start3A_138 = arith.constant 0 : i32
    %dma_start3A_139 = arith.constant 0 : i32
    %dma_start3A_140 = tpu.memref_slice %arg2[%dma_start3A_138, %dma_start3A_139] : memref<10000x128xf32, #tpu.memory_space<hbm>> -> memref<10000x128xf32, #tpu.memory_space<hbm>>
    tpu.enqueue_indirect_dma source(%dma_start3A_140 : memref<10000x128xf32, #tpu.memory_space<hbm>>) target(%arg23 : memref<80x128xf32, #tpu.memory_space<vmem>>) offsets(%arg11 : memref<80xi32, #tpu.memory_space<vmem>>) semaphore(%arg27 : memref<!tpu.dma_semaphore, #tpu.memory_space<semaphore_mem>>)
    %dma_wait3A_141 = arith.constant 0 : i32
    %dma_wait3A_142 = arith.constant 0 : i32
    %dma_wait3A_143 = tpu.memref_slice %arg2[%dma_wait3A_141, %dma_wait3A_142] : memref<10000x128xf32, #tpu.memory_space<hbm>> -> memref<10000x128xf32, #tpu.memory_space<hbm>>
    tpu.wait_indirect_dma semaphore(%arg29 : memref<!tpu.dma_semaphore, #tpu.memory_space<semaphore_mem>>) src(%dma_wait3A_143 : memref<10000x128xf32, #tpu.memory_space<hbm>>) dst(%arg25 : memref<80x128xf32, #tpu.memory_space<vmem>>)
    %dma_start3A_144 = arith.constant 0 : i32
    %dma_start3A_145 = arith.constant 0 : i32
    %dma_start3A_146 = tpu.memref_slice %arg6[%dma_start3A_144, %dma_start3A_145] : memref<10240x128xf32, #tpu.memory_space<vmem_shared>> -> memref<10240x128xf32, #tpu.memory_space<vmem_shared>>
    tpu.enqueue_indirect_dma source(%arg25 : memref<80x128xf32, #tpu.memory_space<vmem>>) target(%dma_start3A_146 : memref<10240x128xf32, #tpu.memory_space<vmem_shared>>) offsets(%arg17 : memref<80xi32, #tpu.memory_space<vmem>>) semaphore(%arg33 : memref<!tpu.dma_semaphore, #tpu.memory_space<semaphore_mem>>) {add = true}
    %dma_wait3A_147 = arith.constant 0 : i32
    %dma_wait3A_148 = arith.constant 0 : i32
    %dma_wait3A_149 = tpu.memref_slice %arg6[%dma_wait3A_147, %dma_wait3A_148] : memref<10240x128xf32, #tpu.memory_space<vmem_shared>> -> memref<10240x128xf32, #tpu.memory_space<vmem_shared>>
    tpu.wait_indirect_dma semaphore(%arg32 : memref<!tpu.dma_semaphore, #tpu.memory_space<semaphore_mem>>) src(%arg24 : memref<80x128xf32, #tpu.memory_space<vmem>>) dst(%dma_wait3A_149 : memref<10240x128xf32, #tpu.memory_space<vmem_shared>>)
    %dma_wait3A_150 = arith.constant 0 : i32
    %dma_wait3A_151 = arith.constant 0 : i32
    %dma_wait3A_152 = tpu.memref_slice %arg2[%dma_wait3A_150, %dma_wait3A_151] : memref<10000x128xf32, #tpu.memory_space<hbm>> -> memref<10000x128xf32, #tpu.memory_space<hbm>>
    tpu.wait_indirect_dma semaphore(%arg30 : memref<!tpu.dma_semaphore, #tpu.memory_space<semaphore_mem>>) src(%dma_wait3A_152 : memref<10000x128xf32, #tpu.memory_space<hbm>>) dst(%arg26 : memref<80x128xf32, #tpu.memory_space<vmem>>)
    %dma_start3A_153 = arith.constant 0 : i32
    %dma_start3A_154 = arith.constant 0 : i32
    %dma_start3A_155 = tpu.memref_slice %arg6[%dma_start3A_153, %dma_start3A_154] : memref<10240x128xf32, #tpu.memory_space<vmem_shared>> -> memref<10240x128xf32, #tpu.memory_space<vmem_shared>>
    tpu.enqueue_indirect_dma source(%arg26 : memref<80x128xf32, #tpu.memory_space<vmem>>) target(%dma_start3A_155 : memref<10240x128xf32, #tpu.memory_space<vmem_shared>>) offsets(%arg18 : memref<80xi32, #tpu.memory_space<vmem>>) semaphore(%arg34 : memref<!tpu.dma_semaphore, #tpu.memory_space<semaphore_mem>>) {add = true}
    %dma_wait3A_156 = arith.constant 0 : i32
    %dma_wait3A_157 = arith.constant 0 : i32
    %dma_wait3A_158 = tpu.memref_slice %arg6[%dma_wait3A_156, %dma_wait3A_157] : memref<10240x128xf32, #tpu.memory_space<vmem_shared>> -> memref<10240x128xf32, #tpu.memory_space<vmem_shared>>
    tpu.wait_indirect_dma semaphore(%arg33 : memref<!tpu.dma_semaphore, #tpu.memory_space<semaphore_mem>>) src(%arg25 : memref<80x128xf32, #tpu.memory_space<vmem>>) dst(%dma_wait3A_158 : memref<10240x128xf32, #tpu.memory_space<vmem_shared>>)
    %dma_wait3A_159 = arith.constant 0 : i32
    %dma_wait3A_160 = arith.constant 0 : i32
    %dma_wait3A_161 = tpu.memref_slice %arg2[%dma_wait3A_159, %dma_wait3A_160] : memref<10000x128xf32, #tpu.memory_space<hbm>> -> memref<10000x128xf32, #tpu.memory_space<hbm>>
    tpu.wait_indirect_dma semaphore(%arg27 : memref<!tpu.dma_semaphore, #tpu.memory_space<semaphore_mem>>) src(%dma_wait3A_161 : memref<10000x128xf32, #tpu.memory_space<hbm>>) dst(%arg23 : memref<80x128xf32, #tpu.memory_space<vmem>>)
    %dma_start3A_162 = arith.constant 0 : i32
    %dma_start3A_163 = arith.constant 0 : i32
    %dma_start3A_164 = tpu.memref_slice %arg6[%dma_start3A_162, %dma_start3A_163] : memref<10240x128xf32, #tpu.memory_space<vmem_shared>> -> memref<10240x128xf32, #tpu.memory_space<vmem_shared>>
    tpu.enqueue_indirect_dma source(%arg23 : memref<80x128xf32, #tpu.memory_space<vmem>>) target(%dma_start3A_164 : memref<10240x128xf32, #tpu.memory_space<vmem_shared>>) offsets(%arg19 : memref<80xi32, #tpu.memory_space<vmem>>) semaphore(%arg31 : memref<!tpu.dma_semaphore, #tpu.memory_space<semaphore_mem>>) {add = true}
    %dma_wait3A_165 = arith.constant 0 : i32
    %dma_wait3A_166 = arith.constant 0 : i32
    %dma_wait3A_167 = tpu.memref_slice %arg6[%dma_wait3A_165, %dma_wait3A_166] : memref<10240x128xf32, #tpu.memory_space<vmem_shared>> -> memref<10240x128xf32, #tpu.memory_space<vmem_shared>>
    tpu.wait_indirect_dma semaphore(%arg34 : memref<!tpu.dma_semaphore, #tpu.memory_space<semaphore_mem>>) src(%arg26 : memref<80x128xf32, #tpu.memory_space<vmem>>) dst(%dma_wait3A_167 : memref<10240x128xf32, #tpu.memory_space<vmem_shared>>)
    %dma_wait3A_168 = arith.constant 0 : i32
    %dma_wait3A_169 = arith.constant 0 : i32
    %dma_wait3A_170 = tpu.memref_slice %arg6[%dma_wait3A_168, %dma_wait3A_169] : memref<10240x128xf32, #tpu.memory_space<vmem_shared>> -> memref<10240x128xf32, #tpu.memory_space<vmem_shared>>
    tpu.wait_indirect_dma semaphore(%arg31 : memref<!tpu.dma_semaphore, #tpu.memory_space<semaphore_mem>>) src(%arg23 : memref<80x128xf32, #tpu.memory_space<vmem>>) dst(%dma_wait3A_170 : memref<10240x128xf32, #tpu.memory_space<vmem_shared>>)
    %barrier3A_171 = arith.constant 0 : index
    tpu.barrier barrier_id(%barrier3A_171)
    %mul3A_172 = arith.constant 640 : i32
    %mul3A_173 = arith.muli %arg1, %mul3A_172 : i32
    %mul3A_174 = arith.constant 640 : i32
    %mul3A_175 = arith.muli %arg1, %mul3A_174 : i32
    "tpu.region"() ({
      %run_scoped3A = tpu.sem_alloc : memref<!tpu.dma_semaphore, #tpu.memory_space<semaphore_mem>>
      %dma_start3A_176 = arith.constant 0 : i32
      %dma_start3A_177 = tpu.memref_slice %arg5[%arg0, %mul3A_175, %dma_start3A_176] : memref<2x10240x128xf32, #tpu.memory_space<hbm>> -> memref<1x640x128xf32, #tpu.memory_space<hbm>>
      %dma_start3A_178 = tpu.memref_squeeze %dma_start3A_177 : memref<1x640x128xf32, #tpu.memory_space<hbm>> -> memref<640x128xf32, #tpu.memory_space<hbm>>
      %dma_start3A_179 = arith.constant 0 : i32
      %dma_start3A_180 = tpu.memref_slice %arg6[%mul3A_173, %dma_start3A_179] : memref<10240x128xf32, #tpu.memory_space<vmem_shared>> -> memref<640x128xf32, #tpu.memory_space<vmem_shared>>
      tpu.enqueue_dma source(%dma_start3A_180 : memref<640x128xf32, #tpu.memory_space<vmem_shared>>) target(%dma_start3A_178 : memref<640x128xf32, #tpu.memory_space<hbm>>) target_semaphore(%run_scoped3A : memref<!tpu.dma_semaphore, #tpu.memory_space<semaphore_mem>>)
      %dma_wait3A_181 = arith.constant 0 : i32
      %dma_wait3A_182 = tpu.memref_slice %arg5[%arg0, %mul3A_175, %dma_wait3A_181] : memref<2x10240x128xf32, #tpu.memory_space<hbm>> -> memref<1x640x128xf32, #tpu.memory_space<hbm>>
      %dma_wait3A_183 = tpu.memref_squeeze %dma_wait3A_182 : memref<1x640x128xf32, #tpu.memory_space<hbm>> -> memref<640x128xf32, #tpu.memory_space<hbm>>
      %dma_wait3A_184 = arith.constant 0 : i32
      %dma_wait3A_185 = tpu.memref_slice %arg6[%mul3A_173, %dma_wait3A_184] : memref<10240x128xf32, #tpu.memory_space<vmem_shared>> -> memref<640x128xf32, #tpu.memory_space<vmem_shared>>
      tpu.wait_dma2 semaphore(%run_scoped3A : memref<!tpu.dma_semaphore, #tpu.memory_space<semaphore_mem>>) src(%dma_wait3A_185 : memref<640x128xf32, #tpu.memory_space<vmem_shared>>) dst(%dma_wait3A_183 : memref<640x128xf32, #tpu.memory_space<hbm>>)
      tpu.yield
    }) : () -> ()
    return
  }
}

module attributes {stable_mosaic.version = 14 : i64} {
  func.func @body(%arg0: i32, %arg1: memref<1x1000x128xf32, #tpu.memory_space<vmem>>, %arg2: memref<1x1000x128xf32, #tpu.memory_space<vmem>>, %arg3: memref<1000x128xf32, #tpu.memory_space<vmem>>, %arg4: memref<128x128xf32, #tpu.memory_space<vmem>>, %arg5: memref<128x128xf32, #tpu.memory_space<vmem>>, %arg6: memref<1x128xf32, #tpu.memory_space<vmem>>, %arg7: memref<1000x128xf32, #tpu.memory_space<vmem>>) attributes {dimension_semantics = [#tpu.dimension_semantics<arbitrary>], iteration_bounds = array<i64: 10>, scalar_prefetch = 0 : i64, scratch_operands = 0 : i64, tpu.core_type = #tpu.core_type<tc>, window_params = [{transform_indices = @transform_0, window_bounds = array<i64: 1, 1000, 128>}, {transform_indices = @transform_1, window_bounds = array<i64: 1, 1000, 128>}, {transform_indices = @transform_2, window_bounds = array<i64: 1000, 128>}, {pipeline_mode = #tpu.pipeline_mode<synchronous>, transform_indices = @transform_3, window_bounds = array<i64: 128, 128>}, {pipeline_mode = #tpu.pipeline_mode<synchronous>, transform_indices = @transform_4, window_bounds = array<i64: 128, 128>}, {pipeline_mode = #tpu.pipeline_mode<synchronous>, transform_indices = @transform_5, window_bounds = array<i64: 1, 128>}, {transform_indices = @transform_6, window_bounds = array<i64: 1000, 128>}]} {
    %get3A = arith.constant 0 : index
    %get3A_0 = arith.constant 0 : index
    %get3A_1 = arith.constant 0 : index
    %get3A_2 = vector.load %arg1[%get3A, %get3A_0, %get3A_1] : memref<1x1000x128xf32, #tpu.memory_space<vmem>>, vector<1x1000x128xf32>
    %get3A_3 = vector.shape_cast %get3A_2 : vector<1x1000x128xf32> to vector<1000x128xf32>
    %get3A_4 = arith.constant 0 : index
    %get3A_5 = arith.constant 0 : index
    %get3A_6 = arith.constant 0 : index
    %get3A_7 = vector.load %arg2[%get3A_4, %get3A_5, %get3A_6] : memref<1x1000x128xf32, #tpu.memory_space<vmem>>, vector<1x1000x1xf32>
    %get3A_8 = vector.shape_cast %get3A_7 : vector<1x1000x1xf32> to vector<1000x1xf32>
    %max3A = arith.constant 1.000000e+00 : f32
    %max3A_9 = vector.broadcast %max3A : f32 to vector<1000x1xf32>
    %max3A_10 = arith.maximumf %get3A_8, %max3A_9 : vector<1000x1xf32>
    %div3A = vector.broadcast %max3A_10 : vector<1000x1xf32> to vector<1000x128xf32>
    %div3A_11 = arith.divf %get3A_3, %div3A : vector<1000x128xf32>
    %get3A_12 = arith.constant 0 : index
    %get3A_13 = arith.constant 0 : index
    %get3A_14 = vector.load %arg4[%get3A_12, %get3A_13] : memref<128x128xf32, #tpu.memory_space<vmem>>, vector<128x128xf32>
    %dot_general3A = arith.constant dense<0.000000e+00> : vector<1000x128xf32>
    %dot_general3A_15 = tpu.matmul %div3A_11, %get3A_14, %dot_general3A {dimension_numbers = #tpu.dot_dimension_numbers<[1], [1], [0], [0], [0, 0, 1, 0], [], []>, transpose_lhs_hint = false} : vector<1000x128xf32>, vector<128x128xf32>, vector<1000x128xf32> -> vector<1000x128xf32>
    %get3A_16 = arith.constant 0 : index
    %get3A_17 = arith.constant 0 : index
    %get3A_18 = vector.load %arg3[%get3A_16, %get3A_17] : memref<1000x128xf32, #tpu.memory_space<vmem>>, vector<1000x128xf32>
    %get3A_19 = arith.constant 0 : index
    %get3A_20 = arith.constant 0 : index
    %get3A_21 = vector.load %arg5[%get3A_19, %get3A_20] : memref<128x128xf32, #tpu.memory_space<vmem>>, vector<128x128xf32>
    %dot_general3A_22 = arith.constant dense<0.000000e+00> : vector<1000x128xf32>
    %dot_general3A_23 = tpu.matmul %get3A_18, %get3A_21, %dot_general3A_22 {dimension_numbers = #tpu.dot_dimension_numbers<[1], [1], [0], [0], [0, 0, 1, 0], [], []>, transpose_lhs_hint = false} : vector<1000x128xf32>, vector<128x128xf32>, vector<1000x128xf32> -> vector<1000x128xf32>
    %add3A = arith.addf %dot_general3A_15, %dot_general3A_23 : vector<1000x128xf32>
    %get3A_24 = arith.constant 0 : index
    %get3A_25 = arith.constant 0 : index
    %get3A_26 = vector.load %arg6[%get3A_24, %get3A_25] : memref<1x128xf32, #tpu.memory_space<vmem>>, vector<1x128xf32>
    %add3A_27 = vector.broadcast %get3A_26 : vector<1x128xf32> to vector<1000x128xf32>
    %add3A_28 = arith.addf %add3A, %add3A_27 : vector<1000x128xf32>
    %max3A_29 = arith.constant 0.000000e+00 : f32
    %max3A_30 = vector.broadcast %max3A_29 : f32 to vector<1000x128xf32>
    %max3A_31 = arith.maximumf %add3A_28, %max3A_30 : vector<1000x128xf32>
    %swap3A = arith.constant 0 : index
    %swap3A_32 = arith.constant 0 : index
    %swap3A_33 = vector.load %arg7[%swap3A, %swap3A_32] : memref<1000x128xf32, #tpu.memory_space<vmem>>, vector<1000x128xf32>
    tpu.vector_store %arg7[%swap3A, %swap3A_32], %max3A_31 {strides = array<i32>} : memref<1000x128xf32, #tpu.memory_space<vmem>>, vector<1000x128xf32>,
    return
  }
  func.func @transform_0(%arg0: i32) -> (i32, i32, i32) {
    %c0_i32 = arith.constant 0 : i32
    %c0_i32_0 = arith.constant 0 : i32
    %c0_i32_1 = arith.constant 0 : i32
    return %c0_i32, %arg0, %c0_i32_0 : i32, i32, i32
  }
  func.func @transform_1(%arg0: i32) -> (i32, i32, i32) {
    %c1_i32 = arith.constant 1 : i32
    %c0_i32 = arith.constant 0 : i32
    %c0_i32_0 = arith.constant 0 : i32
    return %c1_i32, %arg0, %c0_i32 : i32, i32, i32
  }
  func.func @transform_2(%arg0: i32) -> (i32, i32) {
    %c0_i32 = arith.constant 0 : i32
    %c0_i32_0 = arith.constant 0 : i32
    return %arg0, %c0_i32 : i32, i32
  }
  func.func @transform_3(%arg0: i32) -> (i32, i32) {
    %c0_i32 = arith.constant 0 : i32
    %c0_i32_0 = arith.constant 0 : i32
    %c0_i32_1 = arith.constant 0 : i32
    return %c0_i32, %c0_i32_0 : i32, i32
  }
  func.func @transform_4(%arg0: i32) -> (i32, i32) {
    %c0_i32 = arith.constant 0 : i32
    %c0_i32_0 = arith.constant 0 : i32
    %c0_i32_1 = arith.constant 0 : i32
    return %c0_i32, %c0_i32_0 : i32, i32
  }
  func.func @transform_5(%arg0: i32) -> (i32, i32) {
    %c0_i32 = arith.constant 0 : i32
    %c0_i32_0 = arith.constant 0 : i32
    %c0_i32_1 = arith.constant 0 : i32
    return %c0_i32, %c0_i32_0 : i32, i32
  }
  func.func @transform_6(%arg0: i32) -> (i32, i32) {
    %c0_i32 = arith.constant 0 : i32
    %c0_i32_0 = arith.constant 0 : i32
    return %arg0, %c0_i32 : i32, i32
  }
}

module attributes {stable_mosaic.version = 14 : i64} {
  func.func @body(%arg0: i32, %arg1: memref<2x1000x128xf32, #tpu.memory_space<vmem>>, %arg2: memref<1x1000x128xf32, #tpu.memory_space<vmem>>, %arg3: memref<1000x128xf32, #tpu.memory_space<vmem>>, %arg4: memref<128x128xf32, #tpu.memory_space<vmem>>, %arg5: memref<128x128xf32, #tpu.memory_space<vmem>>, %arg6: memref<1x128xf32, #tpu.memory_space<vmem>>, %arg7: memref<1000x128xf32, #tpu.memory_space<vmem>>) attributes {dimension_semantics = [#tpu.dimension_semantics<arbitrary>], iteration_bounds = array<i64: 10>, scalar_prefetch = 0 : i64, scratch_operands = 0 : i64, tpu.core_type = #tpu.core_type<tc>, window_params = [{transform_indices = @transform_0, window_bounds = array<i64: 2, 1000, 128>}, {transform_indices = @transform_1, window_bounds = array<i64: 1, 1000, 128>}, {transform_indices = @transform_2, window_bounds = array<i64: 1000, 128>}, {pipeline_mode = #tpu.pipeline_mode<synchronous>, transform_indices = @transform_3, window_bounds = array<i64: 128, 128>}, {pipeline_mode = #tpu.pipeline_mode<synchronous>, transform_indices = @transform_4, window_bounds = array<i64: 128, 128>}, {pipeline_mode = #tpu.pipeline_mode<synchronous>, transform_indices = @transform_5, window_bounds = array<i64: 1, 128>}, {transform_indices = @transform_6, window_bounds = array<i64: 1000, 128>}]} {
    %get3A = arith.constant 0 : index
    %get3A_0 = arith.constant 0 : index
    %get3A_1 = arith.constant 0 : index
    %get3A_2 = vector.load %arg1[%get3A, %get3A_0, %get3A_1] : memref<2x1000x128xf32, #tpu.memory_space<vmem>>, vector<1x1000x128xf32>
    %get3A_3 = vector.shape_cast %get3A_2 : vector<1x1000x128xf32> to vector<1000x128xf32>
    %get3A_4 = arith.constant 1 : index
    %get3A_5 = arith.constant 0 : index
    %get3A_6 = arith.constant 0 : index
    %get3A_7 = vector.load %arg1[%get3A_4, %get3A_5, %get3A_6] : memref<2x1000x128xf32, #tpu.memory_space<vmem>>, vector<1x1000x128xf32>
    %get3A_8 = vector.shape_cast %get3A_7 : vector<1x1000x128xf32> to vector<1000x128xf32>
    %add3A = arith.addf %get3A_3, %get3A_8 : vector<1000x128xf32>
    %get3A_9 = arith.constant 0 : index
    %get3A_10 = arith.constant 0 : index
    %get3A_11 = arith.constant 0 : index
    %get3A_12 = vector.load %arg2[%get3A_9, %get3A_10, %get3A_11] : memref<1x1000x128xf32, #tpu.memory_space<vmem>>, vector<1x1000x1xf32>
    %get3A_13 = vector.shape_cast %get3A_12 : vector<1x1000x1xf32> to vector<1000x1xf32>
    %max3A = arith.constant 1.000000e+00 : f32
    %max3A_14 = vector.broadcast %max3A : f32 to vector<1000x1xf32>
    %max3A_15 = arith.maximumf %get3A_13, %max3A_14 : vector<1000x1xf32>
    %div3A = vector.broadcast %max3A_15 : vector<1000x1xf32> to vector<1000x128xf32>
    %div3A_16 = arith.divf %add3A, %div3A : vector<1000x128xf32>
    %get3A_17 = arith.constant 0 : index
    %get3A_18 = arith.constant 0 : index
    %get3A_19 = vector.load %arg4[%get3A_17, %get3A_18] : memref<128x128xf32, #tpu.memory_space<vmem>>, vector<128x128xf32>
    %dot_general3A = arith.constant dense<0.000000e+00> : vector<1000x128xf32>
    %dot_general3A_20 = tpu.matmul %div3A_16, %get3A_19, %dot_general3A {dimension_numbers = #tpu.dot_dimension_numbers<[1], [1], [0], [0], [0, 0, 1, 0], [], []>, transpose_lhs_hint = false} : vector<1000x128xf32>, vector<128x128xf32>, vector<1000x128xf32> -> vector<1000x128xf32>
    %get3A_21 = arith.constant 0 : index
    %get3A_22 = arith.constant 0 : index
    %get3A_23 = vector.load %arg3[%get3A_21, %get3A_22] : memref<1000x128xf32, #tpu.memory_space<vmem>>, vector<1000x128xf32>
    %get3A_24 = arith.constant 0 : index
    %get3A_25 = arith.constant 0 : index
    %get3A_26 = vector.load %arg5[%get3A_24, %get3A_25] : memref<128x128xf32, #tpu.memory_space<vmem>>, vector<128x128xf32>
    %dot_general3A_27 = arith.constant dense<0.000000e+00> : vector<1000x128xf32>
    %dot_general3A_28 = tpu.matmul %get3A_23, %get3A_26, %dot_general3A_27 {dimension_numbers = #tpu.dot_dimension_numbers<[1], [1], [0], [0], [0, 0, 1, 0], [], []>, transpose_lhs_hint = false} : vector<1000x128xf32>, vector<128x128xf32>, vector<1000x128xf32> -> vector<1000x128xf32>
    %add3A_29 = arith.addf %dot_general3A_20, %dot_general3A_28 : vector<1000x128xf32>
    %get3A_30 = arith.constant 0 : index
    %get3A_31 = arith.constant 0 : index
    %get3A_32 = vector.load %arg6[%get3A_30, %get3A_31] : memref<1x128xf32, #tpu.memory_space<vmem>>, vector<1x128xf32>
    %add3A_33 = vector.broadcast %get3A_32 : vector<1x128xf32> to vector<1000x128xf32>
    %add3A_34 = arith.addf %add3A_29, %add3A_33 : vector<1000x128xf32>
    %swap3A = arith.constant 0 : index
    %swap3A_35 = arith.constant 0 : index
    %swap3A_36 = vector.load %arg7[%swap3A, %swap3A_35] : memref<1000x128xf32, #tpu.memory_space<vmem>>, vector<1000x128xf32>
    tpu.vector_store %arg7[%swap3A, %swap3A_35], %add3A_34 {strides = array<i32>} : memref<1000x128xf32, #tpu.memory_space<vmem>>, vector<1000x128xf32>,
    return
  }
  func.func @transform_0(%arg0: i32) -> (i32, i32, i32) {
    %c0_i32 = arith.constant 0 : i32
    %c0_i32_0 = arith.constant 0 : i32
    %c0_i32_1 = arith.constant 0 : i32
    return %c0_i32, %arg0, %c0_i32_0 : i32, i32, i32
  }
  func.func @transform_1(%arg0: i32) -> (i32, i32, i32) {
    %c1_i32 = arith.constant 1 : i32
    %c0_i32 = arith.constant 0 : i32
    %c0_i32_0 = arith.constant 0 : i32
    return %c1_i32, %arg0, %c0_i32 : i32, i32, i32
  }
  func.func @transform_2(%arg0: i32) -> (i32, i32) {
    %c0_i32 = arith.constant 0 : i32
    %c0_i32_0 = arith.constant 0 : i32
    return %arg0, %c0_i32 : i32, i32
  }
  func.func @transform_3(%arg0: i32) -> (i32, i32) {
    %c0_i32 = arith.constant 0 : i32
    %c0_i32_0 = arith.constant 0 : i32
    %c0_i32_1 = arith.constant 0 : i32
    return %c0_i32, %c0_i32_0 : i32, i32
  }
  func.func @transform_4(%arg0: i32) -> (i32, i32) {
    %c0_i32 = arith.constant 0 : i32
    %c0_i32_0 = arith.constant 0 : i32
    %c0_i32_1 = arith.constant 0 : i32
    return %c0_i32, %c0_i32_0 : i32, i32
  }
  func.func @transform_5(%arg0: i32) -> (i32, i32) {
    %c0_i32 = arith.constant 0 : i32
    %c0_i32_0 = arith.constant 0 : i32
    %c0_i32_1 = arith.constant 0 : i32
    return %c0_i32, %c0_i32_0 : i32, i32
  }
  func.func @transform_6(%arg0: i32) -> (i32, i32) {
    %c0_i32 = arith.constant 0 : i32
    %c0_i32_0 = arith.constant 0 : i32
    return %arg0, %c0_i32 : i32, i32
  }
}

</mosaic_0001>

<sc_bundles>
// kernel: kernel.6.cloned.1.call-start
scs
__scs_entry_jumppad:
0x0: {  	(pc) =	sbr.rel $0x88, $3  }
0x1: {  	(tag) =	ssettag $0x0;
	lr =	simm.s32 $0x1  }
0x2: {  	[smem:$0x3F99] =	sst lr;
	_ =	strace $0xD0000000  }
0x3: {  	_ = 	snop  }
0x4: {  	_ = 	snop  }
0x5: {  	_ = 	snop  }
0x6: {  	_ = 	snop  }
0x7: {  	_ = 	snop  }
__scs_overlays_trampoline_lowered:
0x8: {  	[smem:$0x3FA8] =	sst s0  }
0x9: {  	[smem:$0x3FA9] =	sst s1  }
0xa: {  	[smem:$0x3FAA] =	sst s2  }
0xb: {  	[smem:$0x3FAB] =	sst s3  }
0xc: {  	[smem:$0x3FAC] =	sst s4  }
0xd: {  	[smem:$0x3FAD] =	sst s5  }
0xe: {  	[smem:$0x3FAE] =	sst s6  }
0xf: {  	[smem:$0x3FAF] =	sst s7  }
0x10: {  	[smem:$0x3FB0] =	sst s8  }
0x11: {  	[smem:$0x3FB1] =	sst s9;
	s0 =	simm.s32 @!p0 $0x0  }
0x12: {  	s1 =	sld [smem:$0x3F97];
	s0 =	simm.s32 @p0 $0x1  }
0x13: {  	[smem:$0x3FB2] =	sst s0;
	s0 =	simm.s32 @!p1 $0x0  }
0x14: {  	s2 =	sld [smem:$0x3F96];
	s0 =	simm.s32 @p1 $0x1  }
0x15: {  	[smem:$0x3FB3] =	sst s0;
	s0 =	simm.s32 @!p2 $0x0  }
0x16: {  	s3 =	sld [smem:$0x3FDB];
	s0 =	simm.s32 @p2 $0x1  }
0x17: {  	s4 =	simm.s32 $0x1BF5;
	[smem:$0x3FB5] =	sst s0  }
0x18: {  	s0 =	sld [smem:$0x3F98];
	_ =	swait.ge [sflag:s4], $0x0  }
0x19: {  	s7 =	sld [smem:$0x3F99]  }
0x1a: {  	s8 =	sadd.s32 $0xFFFFE003, lr  }
0x1b: {  	s9 =	sadd.s32 $0xFFFFFEF7, lr;
	s5 =	simm.s32 $0xFFFFFFFF;
	p2 =	slt.u32 s8, $0xFFFFF086  }
0x1c: {  	p1 =	slt.u32 s9, $0xF7A;
	s5 =	simm.s32 @!p2 $0x0  }
0x1d: {  	s5 =	simm.s32 @p1 $0x1;
	p0 =	seq.s32 s7, s2  }
0x1e: {  	s7 =	smul.u32 @!p0 $0xF7A, s2;
	p2 =	seq.s32 @!p0 s5, $0x0  }
0x1f: {  	s9 =	smul.u32 $0xF7A, s1;
	s8 =	simm.s32 @!p0 $0x1BF5;
	p2 =	por !p2, p0  }
0x20: {  	[sflag:s8] =	ssyncset.s32 @!p0 $0xFFFFF086;
	s6 =	sadd.s32 @!p0 s3, s7;
	s7 =	simm.s32 @!p0 $0x108  }
0x21: {  	s3 =	sadd.s32 s3, s9;
	s6 =	sadd.s32 @!p0 $0x88, s6;
	s7 =	simm.s32 @p2 $0x1082  }
0x22: {  	[simem:s7], [sflag:s8] =	dma.local @!p0 [hbm:s6], $0xF7A  }
0x23: {  	s9 =	sor.u32 $0xD0000000, s2;
	s6 =	simm.s32 $0x108;
	_ =	swait.ge @!p0 [sflag:s8], $0x0  }
0x24: {  	s3 =	sadd.s32 $0x88, s3;
	s6 =	simm.s32 @!p1 $0x1082;
	[sflag:s4] =	ssyncset.s32 $0xFFFFF086  }
0x25: {  	[simem:s6], [sflag:s4] =	dma.local [hbm:s3], $0xF7A  }
0x26: {  	[smem:$0x3F99] =	sst s1;
	(tag) =	ssettag s2;
	_ =	strace s9  }
0x27: {  	s1 =	sld [smem:$0x3FA9]  }
0x28: {  	s2 =	sld [smem:$0x3FAA]  }
0x29: {  	s4 =	sld [smem:$0x3FAC]  }
0x2a: {  	p0 =	seq.s32 s5, $0x0;
	s5 =	sld [smem:$0x3FAD]  }
0x2b: {  	s6 =	sld [smem:$0x3FAE]  }
0x2c: {  	s7 =	sld [smem:$0x3FAF]  }
0x2d: {  	s3 =	simm.s32 $0x108;
	s8 =	sld [smem:$0x3FB0]  }
0x2e: {  	s3 =	simm.s32 @!p0 $0x1082;
	s9 =	sld [smem:$0x3FB1]  }
0x2f: {  	lr =	sadd.s32 s0, s3;
	s0 =	sld [smem:$0x3FA8]  }
0x30: {  	s3 =	sld [smem:$0x3FAB]  }
0x31: {  	[smem:$0x3FB4] =	sst s10  }
0x32: {  	s10 =	sld [smem:$0x3FB2];
	_ =	sdelay $0x3  }
0x33: {  	p0 =	seq.s32 s10, $0x1;
	s10 =	sld [smem:$0x3FB4];
	_ =	sdelay $0x3  }
0x34: {  	[smem:$0x3FB4] =	sst s10  }
0x35: {  	s10 =	sld [smem:$0x3FB3];
	_ =	sdelay $0x3  }
0x36: {  	p1 =	seq.s32 s10, $0x1;
	s10 =	sld [smem:$0x3FB4];
	_ =	sdelay $0x3  }
0x37: {  	[smem:$0x3FB4] =	sst s10  }
0x38: {  	s10 =	sld [smem:$0x3FB5]  }
0x39: {  	_ = 	snop;
	(pc) =	sbr.ind lr, $3  }
0x3a: {  	_ = 	snop  }
0x3b: {  	_ = 	snop  }
0x3c: {  	p2 =	seq.s32 s10, $0x1;
	s10 =	sld [smem:$0x3FB4]  }
0x3d: {  	_ =	shalt  }
0x3e: {  	_ =	shalt  }
0x3f: {  	_ =	shalt  }
0x40: {  	_ =	shalt  }
0x41: {  	_ =	shalt  }
0x42: {  	_ =	shalt  }
0x43: {  	_ =	shalt  }
0x44: {  	_ =	shalt  }
0x45: {  	_ =	shalt  }
0x46: {  	_ =	shalt  }
0x47: {  	_ =	shalt  }
0x48: {  	_ =	shalt  }
0x49: {  	_ =	shalt  }
0x4a: {  	_ =	shalt  }
0x4b: {  	_ =	shalt  }
0x4c: {  	_ =	shalt  }
0x4d: {  	_ =	shalt  }
0x4e: {  	_ =	shalt  }
0x4f: {  	_ =	shalt  }
0x50: {  	_ =	shalt  }
0x51: {  	_ =	shalt  }
0x52: {  	_ =	shalt  }
0x53: {  	_ =	shalt  }
0x54: {  	_ =	shalt  }
0x55: {  	_ =	shalt  }
0x56: {  	_ =	shalt  }
0x57: {  	_ =	shalt  }
0x58: {  	_ =	shalt  }
0x59: {  	_ =	shalt  }
0x5a: {  	_ =	shalt  }
0x5b: {  	_ =	shalt  }
0x5c: {  	_ =	shalt  }
0x5d: {  	_ =	shalt  }
0x5e: {  	_ =	shalt  }
0x5f: {  	_ =	shalt  }
0x60: {  	_ =	shalt  }
0x61: {  	_ =	shalt  }
0x62: {  	_ =	shalt  }
0x63: {  	_ =	shalt  }
0x64: {  	_ =	shalt  }
0x65: {  	_ =	shalt  }
0x66: {  	_ =	shalt  }
0x67: {  	_ =	shalt  }
0x68: {  	_ =	shalt  }
0x69: {  	_ =	shalt  }
0x6a: {  	_ =	shalt  }
0x6b: {  	_ =	shalt  }
0x6c: {  	_ =	shalt  }
0x6d: {  	_ =	shalt  }
0x6e: {  	_ =	shalt  }
0x6f: {  	_ =	shalt  }
0x70: {  	_ =	shalt  }
0x71: {  	_ =	shalt  }
0x72: {  	_ =	shalt  }
0x73: {  	_ =	shalt  }
0x74: {  	_ =	shalt  }
0x75: {  	_ =	shalt  }
0x76: {  	_ =	shalt  }
0x77: {  	_ =	shalt  }
0x78: {  	_ =	shalt  }
0x79: {  	_ =	shalt  }
0x7a: {  	_ =	shalt  }
0x7b: {  	_ =	shalt  }
0x7c: {  	_ =	shalt  }
0x7d: {  	_ =	shalt  }
0x7e: {  	_ =	shalt  }
0x7f: {  	_ =	shalt  }
0x80: {  	_ =	shalt  }
0x81: {  	_ =	shalt  }
0x82: {  	_ =	shalt  }
0x83: {  	_ =	shalt  }
0x84: {  	_ =	shalt  }
0x85: {  	_ =	shalt  }
0x86: {  	_ =	shalt  }
0x87: {  	_ =	shalt  }
.Lfunc_end0:
.L_simem_size_0:
called_computation_lowered:
.L_overlay_start_0:
0x88: {  	s2 =	sld [smem:$0x3FD9]  }
0x89: {  	s3 =	sld [smem:$0x3FFE];
	_ =	sdelay $0x1  }
0x8a: {  	s1 =	srdreg.scid  }
0x8b: {  	s0 =	sand.u32 $0x1, s1  }
0x8c: {  	s17 =	sshll.u32 s0, $0xA;
	s2 =	sadd.s32 s3, s2  }
0x8d: {  	s2 =	sadd.s32 s2, s17  }
0x8e: {  	[smem:$0x3FC0] =	sst s2  }
0x8f: {  	_ = 	snop  }
0x90: {  	s2 =	sld [smem:$0x3FC9];
	(tm) =	ssettm $0x1  }
0x91: {  	s18 =	sld [smem:$0x3FFB];
	_ =	sdelay $0x3  }
0x92: {  	_ =	strace s18  }
0x93: {  	s3 =	sld [smem:$0x3FFC];
	_ =	sdelay $0x3  }
0x94: {  	_ =	strace s3  }
0x95: {  	s3 =	sld [smem:$0x3FFD];
	_ =	sdelay $0x3  }
0x96: {  	_ =	strace s3  }
0x97: {  	_ =	strace $0x8FFFFFFF  }
0x98: {  	s19 =	sld [smem:$0x3FDB];
	_ =	sdelay $0x1  }
0x99: {  	s4 =	simm.s32 $_scs_section_size  }
0x9a: {  	s5 =	simm.s32 $_size__tile_overlayer_lowered;
	s6 =	simm.s32 $_tile_overlayer_lowered  }
0x9b: {  	s22 =	simm.s32 $0x1BFF;
	s21 =	sshll.u32 s6, $0x1;
	s3 =	sadd.s32 s4, s19  }
0x9c: {  	s7 =	simm.s32 $0x0;
	s20 =	sshll.u32 s5, $0x1;
	s5 =	sadd.s32 s21, s3  }
0x9d: {  	[timem:s7], [sflag:s22] =	dma.local [hbm:s5], s20  }
0x9e: {  	_ =	swait.ge [sflag:s22], s20  }
0x9f: {  	s4 =	ssub.s32 $0x0, s20;
	[sflag:s22] =	ssyncset.done $0x0  }
0xa0: {  	[sflag:s22] =	ssyncadd.s32 s4;
	_ =	sdelay $0x1  }
0xa1: {  	s23 =	simm.s32 $0x1B8B  }
0xa2: {  	_ =	swait.ge [sflag:s23], $0x1  }
0xa3: {  	[sflag:s23] =	ssyncset.done $0x0  }
0xa4: {  	s25 =	simm.s32 $0x1B8E;
	s24 =	sld [smem:$0x3FFE];
	[sflag:s23] =	ssyncadd.s32 $0xFFFFFFFF  }
0xa5: {  	s26 =	simm.s32 $execute0_lowered;
	[smem:$0x3FD2] =	sst s25  }
0xa6: {  	s5 =	sshll.u32 s26, $0x1;
	_ =	strace $0x80000046;
	[dreg:$0x1] =	wrdreg $0xFFFFFFFF  }
0xa7: {  	s28 =	simm.s32 $_size_execute0_lowered;
	s3 =	sadd.s32 s3, s5;
	[dreg:$0x0] =	wrdreg $0x0  }
0xa8: {  	s5 =	sshll.u32 s28, $0x1;
	[dreg:$0x2] =	wrdreg s3  }
0xa9: {  	[dreg:$0x3] =	wrdreg s5  }
0xaa: {  	[dreg:$0x4] =	wrdreg $0xC0  }
0xab: {  	_ =	task [dreg:s7], $0x5FFFF  }
0xac: {  	[dreg:$0x1] =	wrdreg $0xFFFFFFFF  }
0xad: {  	[dreg:$0x0] =	wrdreg $0x60  }
0xae: {  	[dreg:$0x2] =	wrdreg s2  }
0xaf: {  	[dreg:$0x3] =	wrdreg s24  }
0xb0: {  	[dreg:$0x4] =	wrdreg $0x0  }
0xb1: {  	[dreg:$0x5] =	wrdreg $0x9  }
0xb2: {  	_ =	task.clear_ibuf [dreg:s7], $0x6FFFF;
	_ =	strace $0x90000046  }
0xb3: {  	s29 =	simm.s32 $0x9;
	_ =	strace $0x80000048  }
0xb4: {  	_ =	swait.ge [sflag:s29], $0x1  }
0xb5: {  	[sflag:s29] =	ssyncadd.s32 $0xFFFFFFFF  }
0xb6: {  	_ =	strace $0x90000048  }
0xb7: {  	_ =	sfence  }
0xb8: {  	s30 =	sld [smem:$0x0];
	_ =	sdelay $0x2  }
0xb9: {  	s31 =	sshll.u32 s1, $0xD;
	s1 =	sshrl.u32 s1, $0x2  }
0xba: {  	s3 =	sand.u32 $0x4000, s31;
	s1 =	sadd.s32 s1, s30  }
0xbb: {  	s0 =	sor.u32 s3, s0;
	s1 =	sshll.u32 s1, $0x11  }
0xbc: {  	s0 =	sor.u32 s1, s0  }
0xbd: {  	s0 =	sadd.s32 $0x8F2B, s0  }
0xbe: {  	[sflag:s0] =	ssyncadd.remote.s32 $0x1  }
0xbf: {  	_ =	sfence.sel $0xFFFF  }
0xc0: {  	[dreg:$0x0] =	wrdreg $0xFFFFFFFF;
	(pc) =	sbr.abs _section_cstart, $3  }
0xc1: {  	[dreg:$0x1] =	wrdreg $0xFFFFFFFF  }
0xc2: {  	_ =	task.clear_ibuf [dreg:s7], $0x2FFFF;
	_ =	strace $0x9FFFFFFF  }
0xc3: {  	(tm) =	ssettm $0x7FFFFFFF  }
tec
execute0_lowered:
.L_overlay_start_1:
0x0: {  	(tag) =	ssettag $0x1  }
0x1: {  	s2 =	rddreg [dreg:$0x0]  }
0x2: {  	s0 =	rddreg [dreg:$0x1]  }
0x3: {  	s15 =	rddreg [dreg:$0x2];
	s3 =	srdreg.scid;
	s1 =	simm.s32 $0x0  }
0x4: {  	s10 =	stileid.u32;
	s21 =	simm.s32 $0x14200;
	s22 =	simm.s32 $0x14280  }
0x5: {  	s24 =	simm.s32 $0x14300;
	s25 =	simm.s32 $0x14380;
	s6 =	smul.u32 $0x14000, s10  }
0x6: {  	s3 =	sand.u32 $0x1, s3;
	[smem:$0x7FF] =	sst s1;
	s7 =	smul.u32 $0x50000, s10  }
0x7: {  	s1 =	sadd.s32 $0xB800, s0;
	s4 =	sadd.s32 $0x1A00, s0;
	s11 =	smul.u32 $0x4E20, s10  }
0x8: {  	s23 =	smul.u32 $0x9C4, s10;
	_ =	strace $0x80000047;
	[dreg:$0x4] =	wrdreg s21  }
0x9: {  	s10 =	simm.s32 $0x5;
	s5 =	smul.u32 $0x140000, s3;
	[dreg:$0x5] =	wrdreg s22  }
0xa: {  	s28 =	ssub.s32 $0x2, s3;
	p0 =	sne.s32 s3, $0x0;
	[dreg:$0x6] =	wrdreg s24  }
0xb: {  	[dreg:$0x7] =	wrdreg s25;
	s25 =	smov.u32 s4;
	s24 =	smov.u32 s1  }
0xc: {  	s21 =	simm.s32 $0x14680;
	s22 =	simm.s32 $0xC;
	s3 =	simm.s32 $0x0  }
0xd: {  	s8 =	sshrl.u32 s7, $0x2;
	s26 =	smov.u32 s11;
	s11 =	sshrl.u32 s11, $0x3  }
0xe: {  	s9 =	sshrl.u32 s28, $0x1;
	s31 =	sadd.s32 s23, s1;
	s14 =	sadd.s32 s1, s11  }
0xf: {  	s5 =	sadd.s32 s6, s5;
	s16 =	sadd.s32 s4, s11;
	[dreg:$0x10] =	wrdreg s14  }
0x10: {  	s29 =	ssub.s32 s28, s9;
	s28 =	sadd.s32 s23, s4;
	[dreg:$0x11] =	wrdreg s16  }
0x11: {  	s7 =	sadd.s32 s8, s15;
	s13 =	sadd.s32 $0xA, s11;
	[dreg:$0x8] =	wrdreg s28  }
0x12: {  	s18 =	sadd.s32 $0x14, s11;
	s30 =	sadd.s32 $0x2800, s7;
	[dreg:$0xa] =	wrdreg s7  }
0x13: {  	s6 =	sadd.s32 $0x1E, s11;
	s8 =	sadd.s32 $0x5000, s7;
	[dreg:$0xb] =	wrdreg s30  }
0x14: {  	s11 =	simm.s32 $0x14600;
	s9 =	sadd.s32 $0x7800, s7;
	[dreg:$0xc] =	wrdreg s8  }
0x15: {  	s5 =	sshrl.u32 s5, $0x3;
	s12 =	sadd.s32 $0xC800, s7;
	[dreg:$0xd] =	wrdreg s9  }
0x16: {  	s17 =	sadd.s32 s1, s13;
	s19 =	sadd.s32 s1, s18;
	[dreg:$0xf] =	wrdreg s12  }
0x17: {  	s20 =	sadd.s32 s1, s6;
	s6 =	sadd.s32 s4, s6;
	[dreg:$0x12] =	wrdreg s17  }
0x18: {  	s14 =	simm.s32 $0x14000;
	s1 =	simm.s32 $0x50;
	[dreg:$0x14] =	wrdreg s19  }
0x19: {  	s0 =	sadd.s32 s5, s0;
	s8 =	sadd.s32 $0xA000, s7;
	[dreg:$0x16] =	wrdreg s20  }
0x1a: {  	[dreg:$0x17] =	wrdreg s6;
	s5 =	smax.u32 s29, $0x1;
	s29 =	sadd.s32 $0xF000, s7  }
0x1b: {  	s30 =	sadd.s32 $0x11800, s7;
	s20 =	simm.s32 $0x14400;
	[dreg:$0xe] =	wrdreg s8  }
0x1c: {  	s12 =	simm.s32 $0x14480;
	s6 =	simm.s32 $0x14500;
	[dreg:$0x19] =	wrdreg s5  }
0x1d: {  	s9 =	simm.s32 $0x9;
	s19 =	simm.s32 $0x14780;
	[dreg:$0x1a] =	wrdreg s29  }
0x1e: {  	s8 =	sadd.s32 s4, s13;
	s0 =	sadd.s32 $0x15600, s0;
	[dreg:$0x1b] =	wrdreg s30  }
0x1f: {  	s5 =	simm.s32 $0x11;
	s13 =	simm.s32 $0x14080;
	[dreg:$0x13] =	wrdreg s8  }
0x20: {  	s8 =	sadd.s32 s4, s18;
	[dreg:$0x18] =	wrdreg s0;
	s18 =	simm.s32 $0xB  }
0x21: {  	v0 =	vimm.f32 $0.0e+00;
	v1 =	vimm.f32 $1.000000000e+00;
	s4 =	simm.s32 $0x14700;
	[dreg:$0x15] =	wrdreg s8;
	s8 =	simm.s32 $0x14580  }
.LBB2_1:
0x22: {  	[dreg:$0x1c] =	wrdreg s3;
	s0 =	simm.s32 $0x70;
	s3 =	simm.s32 $0x3C0  }
.LBB2_2:
0x23: {  	p1 =	sne.s32 s3, $0x9FC0;
	[tilespmem:s0+$0x14800] =	vst v0  }
0x24: {  	[tilespmem:s0+$0x14790] =	vst v0  }
0x25: {  	[tilespmem:s0+$0x147A0] =	vst v0  }
.Ltmp0:
0x26: {  	[tilespmem:s0+$0x147B0] =	vst v0;
	(pc) =	sbr.rel @p1 .LBB2_2-.Ltmp0, $4  }
0x27: {  	[tilespmem:s0+$0x147C0] =	vst v0  }
0x28: {  	[tilespmem:s0+$0x147D0] =	vst v0  }
0x29: {  	[tilespmem:s0+$0x147E0] =	vst v0  }
0x2a: {  	[tilespmem:s0+$0x147F0] =	vst v0;
	s0 =	sshra.s32 s3, $0x2;
	s3 =	sadd.s32 $0x200, s3  }
0x2b: {  	[tilespmem:s0+$0x14800] =	vst v0  }
0x2c: {  	[tilespmem:s0+$0x14790] =	vst v0  }
0x2d: {  	[tilespmem:s0+$0x147A0] =	vst v0  }
0x2e: {  	[tilespmem:s0+$0x147B0] =	vst v0  }
0x2f: {  	[tilespmem:s0+$0x147C0] =	vst v0  }
0x30: {  	[tilespmem:s0+$0x147D0] =	vst v0  }
0x31: {  	[tilespmem:s0+$0x147E0] =	vst v0  }
0x32: {  	[tilespmem:s0+$0x147F0] =	vst v0;
	s3 =	simm.s32 $0x14800  }
0x33: {  	[spmem:s7] =	stream.linear.scatter [tilespmem:s3], [sflag:$0x11], $0x2800, $0x38;
	[tilespmem:$0x1E800] =	vst v63  }
0x34: {  	_ =	swait.ge [sflag:s5], $0x2800  }
0x35: {  	[sflag:s5] =	ssyncset.done $0x0  }
0x36: {  	s30 =	rddreg [dreg:$0xb];
	[sflag:s5] =	ssyncadd.s32 $0xFFFFD800  }
0x37: {  	[spmem:s30] =	stream.linear.scatter [tilespmem:s3], [sflag:$0x11], $0x2800, $0x38;
	[tilespmem:$0x1E800] =	vst v63  }
0x38: {  	_ =	swait.ge [sflag:s5], $0x2800  }
0x39: {  	[sflag:s5] =	ssyncset.done $0x0  }
0x3a: {  	s7 =	rddreg [dreg:$0xc];
	[sflag:s5] =	ssyncadd.s32 $0xFFFFD800  }
0x3b: {  	[spmem:s7] =	stream.linear.scatter [tilespmem:s3], [sflag:$0x11], $0x2800, $0x38;
	[tilespmem:$0x1E800] =	vst v63  }
0x3c: {  	_ =	swait.ge [sflag:s5], $0x2800  }
0x3d: {  	[sflag:s5] =	ssyncset.done $0x0  }
0x3e: {  	s16 =	rddreg [dreg:$0xd];
	[sflag:s5] =	ssyncadd.s32 $0xFFFFD800  }
0x3f: {  	[spmem:s16] =	stream.linear.scatter [tilespmem:s3], [sflag:$0x11], $0x2800, $0x38;
	[tilespmem:$0x1E800] =	vst v63  }
0x40: {  	_ =	swait.ge [sflag:s5], $0x2800  }
0x41: {  	[sflag:s5] =	ssyncset.done $0x0  }
0x42: {  	s17 =	rddreg [dreg:$0xe];
	[sflag:s5] =	ssyncadd.s32 $0xFFFFD800  }
0x43: {  	[spmem:s17] =	stream.linear.scatter [tilespmem:s3], [sflag:$0x11], $0x2800, $0x38;
	[tilespmem:$0x1E800] =	vst v63  }
0x44: {  	_ =	swait.ge [sflag:s5], $0x2800  }
0x45: {  	[sflag:s5] =	ssyncset.done $0x0  }
0x46: {  	s23 =	rddreg [dreg:$0xf];
	[sflag:s5] =	ssyncadd.s32 $0xFFFFD800  }
0x47: {  	[spmem:s23] =	stream.linear.scatter [tilespmem:s3], [sflag:$0x11], $0x2800, $0x38;
	[tilespmem:$0x1E800] =	vst v63  }
0x48: {  	_ =	swait.ge [sflag:s5], $0x2800  }
0x49: {  	[sflag:s5] =	ssyncset.done $0x0  }
0x4a: {  	s29 =	rddreg [dreg:$0x1a];
	[sflag:s5] =	ssyncadd.s32 $0xFFFFD800  }
0x4b: {  	[spmem:s29] =	stream.linear.scatter [tilespmem:s3], [sflag:$0x11], $0x2800, $0x38;
	[tilespmem:$0x1E800] =	vst v63  }
0x4c: {  	_ =	swait.ge [sflag:s5], $0x2800  }
0x4d: {  	[sflag:s5] =	ssyncset.done $0x0  }
0x4e: {  	s30 =	rddreg [dreg:$0x1b];
	[sflag:s5] =	ssyncadd.s32 $0xFFFFD800  }
0x4f: {  	[spmem:s30] =	stream.linear.scatter [tilespmem:s3], [sflag:$0x11], $0x2800, $0x38;
	[tilespmem:$0x1E800] =	vst v63  }
0x50: {  	_ =	swait.ge [sflag:s5], $0x2800  }
0x51: {  	s0 =	simm.s32 $0x70;
	[sflag:s5] =	ssyncset.done $0x0  }
0x52: {  	s28 =	simm.s32 $0xD;
	s3 =	simm.s32 $0x3C0;
	[sflag:s5] =	ssyncadd.s32 $0xFFFFD800  }
.LBB2_4:
0x53: {  	p1 =	sne.s32 s3, $0x9FC0;
	[tilespmem:s0+$0x14800] =	vst v1  }
0x54: {  	[tilespmem:s0+$0x14790] =	vst v1  }
0x55: {  	[tilespmem:s0+$0x147A0] =	vst v1  }
.Ltmp1:
0x56: {  	[tilespmem:s0+$0x147B0] =	vst v1;
	(pc) =	sbr.rel @p1 .LBB2_4-.Ltmp1, $4  }
0x57: {  	[tilespmem:s0+$0x147C0] =	vst v1  }
0x58: {  	[tilespmem:s0+$0x147D0] =	vst v1  }
0x59: {  	[tilespmem:s0+$0x147E0] =	vst v1  }
0x5a: {  	[tilespmem:s0+$0x147F0] =	vst v1;
	s0 =	sshra.s32 s3, $0x2;
	s3 =	sadd.s32 $0x200, s3  }
0x5b: {  	[tilespmem:s0+$0x14800] =	vst v1  }
0x5c: {  	[tilespmem:s0+$0x14790] =	vst v1  }
0x5d: {  	[tilespmem:s0+$0x147A0] =	vst v1  }
0x5e: {  	[tilespmem:s0+$0x147B0] =	vst v1  }
0x5f: {  	[tilespmem:s0+$0x147C0] =	vst v1  }
0x60: {  	[tilespmem:s0+$0x147D0] =	vst v1  }
0x61: {  	[tilespmem:s0+$0x147E0] =	vst v1  }
0x62: {  	[tilespmem:s0+$0x147F0] =	vst v1;
	s0 =	simm.s32 $0x70;
	s3 =	simm.s32 $0x3C0;
	s5 =	simm.s32 $0x0  }
.LBB2_6:
0x63: {  	p1 =	sne.s32 s3, $0x9FC0;
	[tilespmem:s0+$0x17000] =	vst v1  }
0x64: {  	[tilespmem:s0+$0x16F90] =	vst v1  }
0x65: {  	[tilespmem:s0+$0x16FA0] =	vst v1  }
.Ltmp2:
0x66: {  	[tilespmem:s0+$0x16FB0] =	vst v1;
	(pc) =	sbr.rel @p1 .LBB2_6-.Ltmp2, $4  }
0x67: {  	[tilespmem:s0+$0x16FC0] =	vst v1  }
0x68: {  	[tilespmem:s0+$0x16FD0] =	vst v1  }
0x69: {  	[tilespmem:s0+$0x16FE0] =	vst v1  }
0x6a: {  	[tilespmem:s0+$0x16FF0] =	vst v1;
	s0 =	sshra.s32 s3, $0x2;
	s3 =	sadd.s32 $0x200, s3  }
0x6b: {  	[tilespmem:s0+$0x17000] =	vst v1  }
0x6c: {  	[tilespmem:s0+$0x16F90] =	vst v1  }
0x6d: {  	[tilespmem:s0+$0x16FA0] =	vst v1  }
0x6e: {  	[tilespmem:s0+$0x16FB0] =	vst v1  }
0x6f: {  	[tilespmem:s0+$0x16FC0] =	vst v1  }
0x70: {  	[tilespmem:s0+$0x16FD0] =	vst v1  }
0x71: {  	[tilespmem:s0+$0x16FE0] =	vst v1  }
0x72: {  	[tilespmem:s0+$0x16FF0] =	vst v1;
	s0 =	simm.s32 $0x70;
	s3 =	simm.s32 $0x3C0  }
.LBB2_8:
0x73: {  	p1 =	sne.s32 s3, $0x9FC0;
	[tilespmem:s0+$0x19800] =	vst v1  }
0x74: {  	[tilespmem:s0+$0x19790] =	vst v1  }
0x75: {  	[tilespmem:s0+$0x197A0] =	vst v1  }
.Ltmp3:
0x76: {  	[tilespmem:s0+$0x197B0] =	vst v1;
	(pc) =	sbr.rel @p1 .LBB2_8-.Ltmp3, $4  }
0x77: {  	[tilespmem:s0+$0x197C0] =	vst v1  }
0x78: {  	[tilespmem:s0+$0x197D0] =	vst v1  }
0x79: {  	[tilespmem:s0+$0x197E0] =	vst v1  }
0x7a: {  	[tilespmem:s0+$0x197F0] =	vst v1;
	s0 =	sshra.s32 s3, $0x2;
	s3 =	sadd.s32 $0x200, s3  }
0x7b: {  	[tilespmem:s0+$0x19800] =	vst v1  }
0x7c: {  	[tilespmem:s0+$0x19790] =	vst v1  }
0x7d: {  	[tilespmem:s0+$0x197A0] =	vst v1  }
0x7e: {  	[tilespmem:s0+$0x197B0] =	vst v1  }
0x7f: {  	[tilespmem:s0+$0x197C0] =	vst v1  }
0x80: {  	[tilespmem:s0+$0x197D0] =	vst v1  }
0x81: {  	[tilespmem:s0+$0x197E0] =	vst v1  }
0x82: {  	[tilespmem:s0+$0x197F0] =	vst v1;
	s0 =	simm.s32 $0x70;
	s3 =	simm.s32 $0x3C0  }
.LBB2_10:
0x83: {  	p1 =	sne.s32 s3, $0x9FC0;
	[tilespmem:s0+$0x1C000] =	vst v1  }
0x84: {  	[tilespmem:s0+$0x1BF90] =	vst v1  }
0x85: {  	[tilespmem:s0+$0x1BFA0] =	vst v1  }
.Ltmp4:
0x86: {  	[tilespmem:s0+$0x1BFB0] =	vst v1;
	(pc) =	sbr.rel @p1 .LBB2_10-.Ltmp4, $4  }
0x87: {  	[tilespmem:s0+$0x1BFC0] =	vst v1  }
0x88: {  	[tilespmem:s0+$0x1BFD0] =	vst v1  }
0x89: {  	[tilespmem:s0+$0x1BFE0] =	vst v1  }
0x8a: {  	[tilespmem:s0+$0x1BFF0] =	vst v1;
	s0 =	sshra.s32 s3, $0x2;
	s3 =	sadd.s32 $0x200, s3  }
0x8b: {  	[tilespmem:s0+$0x1C000] =	vst v1  }
0x8c: {  	[tilespmem:s0+$0x1BF90] =	vst v1  }
0x8d: {  	[tilespmem:s0+$0x1BFA0] =	vst v1  }
0x8e: {  	[tilespmem:s0+$0x1BFB0] =	vst v1  }
0x8f: {  	[tilespmem:s0+$0x1BFC0] =	vst v1  }
0x90: {  	[tilespmem:s0+$0x1BFD0] =	vst v1  }
0x91: {  	[tilespmem:s0+$0x1BFE0] =	vst v1  }
0x92: {  	[tilespmem:s0+$0x1BFF0] =	vst v1  }
0x93: {  	[bflag:$0x0] =	sbarrier.arrive $0xFFFF  }
0x94: {  	s7 =	rddreg [dreg:$0x10]  }
0x95: {  	[tilespmem:s14], [sflag:$0x9] =	stream.linear.gather [hbm4b:s7+s5], $0x50, $0x38;
	[tilespmem:$0x1E800] =	vst v63  }
0x96: {  	s14 =	rddreg [dreg:$0x11]  }
0x97: {  	[tilespmem:s20], [sflag:$0x9] =	stream.linear.gather [hbm4b:s14+s5], $0x50, $0x38;
	[tilespmem:$0x1E800] =	vst v63  }
0x98: {  	s16 =	rddreg [dreg:$0x12]  }
0x99: {  	[tilespmem:s13], [sflag:$0xA] =	stream.linear.gather [hbm4b:s16+s5], $0x50, $0x38;
	[tilespmem:$0x1E800] =	vst v63  }
0x9a: {  	s17 =	rddreg [dreg:$0x13]  }
0x9b: {  	[tilespmem:s12], [sflag:$0xA] =	stream.linear.gather [hbm4b:s17+s5], $0x50, $0x38;
	[tilespmem:$0x1E800] =	vst v63  }
0x9c: {  	s3 =	simm.s32 $0x14100;
	s23 =	rddreg [dreg:$0x14]  }
0x9d: {  	[tilespmem:s3], [sflag:$0xB] =	stream.linear.gather [hbm4b:s23+s5], $0x50, $0x38;
	[tilespmem:$0x1E800] =	vst v63  }
0x9e: {  	s30 =	rddreg [dreg:$0x15]  }
0x9f: {  	[tilespmem:s6], [sflag:$0xB] =	stream.linear.gather [hbm4b:s30+s5], $0x50, $0x38;
	[tilespmem:$0x1E800] =	vst v63  }
0xa0: {  	s3 =	rddreg [dreg:$0x16];
	s6 =	simm.s32 $0x14180  }
0xa1: {  	[tilespmem:s6], [sflag:$0xC] =	stream.linear.gather [hbm4b:s3+s5], $0x50, $0x38;
	[tilespmem:$0x1E800] =	vst v63  }
0xa2: {  	s7 =	rddreg [dreg:$0x17]  }
0xa3: {  	[tilespmem:s8], [sflag:$0xC] =	stream.linear.gather [hbm4b:s7+s5], $0x50, $0x38;
	[tilespmem:$0x1E800] =	vst v63  }
0xa4: {  	_ =	swait.ge [sflag:s9], $0x50  }
0xa5: {  	[sflag:s9] =	ssyncset.done $0x0  }
0xa6: {  	[sflag:s9] =	ssyncadd.s32 $0xFFFFFFB0  }
0xa7: {  	_ =	swait.ge [sflag:s9], $0x50  }
0xa8: {  	[sflag:s9] =	ssyncset.done $0x0  }
0xa9: {  	s0 =	simm.s32 @p0 $0xA;
	[sflag:s9] =	ssyncadd.s32 $0xFFFFFFB0  }
0xaa: {  	_ =	swait.ge @p0 [sflag:s0], $0x50  }
0xab: {  	[sflag:s0] =	ssyncset.done @p0 $0x0  }
0xac: {  	[sflag:s0] =	ssyncadd.s32 @p0 $0xFFFFFFB0  }
0xad: {  	_ =	swait.ge @p0 [sflag:s0], $0x50  }
0xae: {  	s3 =	simm.s32 @!p0 $0x14000;
	[sflag:s0] =	ssyncset.done @p0 $0x0  }
0xaf: {  	s5 =	simm.s32 @!p0 $0x14800;
	[sflag:s0] =	ssyncadd.s32 @p0 $0xFFFFFFB0;
	s0 =	simm.s32 @!p0 $0x50  }
0xb0: {  	[tilespmem:s5], [sflag:$0x1] =	stream.indirect.gather @!p0 [hbm4b:s2+s0], $0x80, s3, s0, $0xb8;
	[tilespmem:$0x1E800] =	vst v63  }
0xb1: {  	s3 =	simm.s32 @!p0 $0xA  }
0xb2: {  	_ =	swait.ge @!p0 [sflag:s3], $0x50  }
0xb3: {  	[sflag:s3] =	ssyncset.done @!p0 $0x0  }
0xb4: {  	[sflag:s3] =	ssyncadd.s32 @!p0 $0xFFFFFFB0  }
0xb5: {  	p2 =	por $0x1, $0x1;
	_ =	swait.ge @!p0 [sflag:s3], $0x50  }
0xb6: {  	p1 =	por p2, p2;
	[sflag:s3] =	ssyncset.done @!p0 $0x0  }
0xb7: {  	s5 =	simm.s32 @!p0 $0x17000;
	[sflag:s3] =	ssyncadd.s32 @!p0 $0xFFFFFFB0;
	s3 =	simm.s32 @!p0 $0x14080  }
0xb8: {  	[tilespmem:s5], [sflag:$0x2] =	stream.indirect.gather @!p0 [hbm4b:s2+s0], $0x80, s3, s0, $0xb8;
	[tilespmem:$0x1E800] =	vst v63  }
0xb9: {  	s3 =	simm.s32 @!p1 $0x140  }
0xba: {  	s5 =	simm.s32 @!p1 $0x7;
	s3 =	simm.s32 @p1 $0x140  }
0xbb: {  	_ =	swait.ge @!p1 [sflag:s5], $0x2800;
	s3 =	sadd.s32 s26, s3  }
0xbc: {  	s23 =	simm.s32 $0x0;
	[sflag:s5] =	ssyncset.done @!p1 $0x0;
	s3 =	sshrl.u32 s3, $0x3  }
0xbd: {  	s13 =	rddreg [dreg:$0x4];
	[sflag:s5] =	ssyncadd.s32 @!p1 $0xFFFFD800;
	s14 =	sadd.s32 s24, s3  }
0xbe: {  	[tilespmem:s13], [sflag:$0xD] =	stream.linear.gather [hbm4b:s14+s23], $0x50, $0x38;
	[tilespmem:$0x1E800] =	vst v63  }
0xbf: {  	s3 =	sadd.s32 s25, s3  }
0xc0: {  	[tilespmem:s11], [sflag:$0xD] =	stream.linear.gather [hbm4b:s3+s23], $0x50, $0x38;
	[tilespmem:$0x1E800] =	vst v63  }
0xc1: {  	_ =	swait.ge [sflag:s18], $0x50  }
0xc2: {  	[sflag:s18] =	ssyncset.done $0x0  }
0xc3: {  	[sflag:s18] =	ssyncadd.s32 $0xFFFFFFB0  }
0xc4: {  	_ =	swait.ge [sflag:s18], $0x50  }
0xc5: {  	s8 =	simm.s32 @!p0 $0x1;
	[sflag:s18] =	ssyncset.done $0x0  }
0xc6: {  	s5 =	simm.s32 @!p0 $0x19800;
	s3 =	simm.s32 @!p0 $0x14100;
	[sflag:s18] =	ssyncadd.s32 $0xFFFFFFB0  }
0xc7: {  	[tilespmem:s5], [sflag:$0x3] =	stream.indirect.gather @!p0 [hbm4b:s2+s0], $0x80, s3, s0, $0xb8;
	[tilespmem:$0x1E800] =	vst v63  }
0xc8: {  	_ =	swait.ge @!p0 [sflag:s8], $0x2800  }
0xc9: {  	s18 =	simm.s32 $0x14800;
	s3 =	simm.s32 $0x190;
	[sflag:s8] =	ssyncset.done @!p0 $0x0  }
0xca: {  	s5 =	simm.s32 @!p1 $0x8;
	s3 =	simm.s32 @p2 $0x190;
	[sflag:s8] =	ssyncadd.s32 @!p0 $0xFFFFD800  }
0xcb: {  	[spmem:s15] =	stream.indirect.scatter.add.f32 [tilespmem:s18], [sflag:$0x5], $0x80, s20, s1, $0xb8;
	[tilespmem:$0x1E800] =	vst v63  }
0xcc: {  	s3 =	sadd.s32 s26, s3;
	_ =	swait.ge @!p1 [sflag:s5], $0x2800  }
0xcd: {  	s3 =	sshrl.u32 s3, $0x3;
	[sflag:s5] =	ssyncset.done @!p1 $0x0  }
0xce: {  	s17 =	sadd.s32 s24, s3;
	s16 =	rddreg [dreg:$0x5];
	[sflag:s5] =	ssyncadd.s32 @!p1 $0xFFFFD800  }
0xcf: {  	[tilespmem:s16], [sflag:$0xE] =	stream.linear.gather [hbm4b:s17+s23], $0x50, $0x38;
	[tilespmem:$0x1E800] =	vst v63  }
0xd0: {  	s3 =	sadd.s32 s25, s3  }
0xd1: {  	[tilespmem:s21], [sflag:$0xE] =	stream.linear.gather [hbm4b:s3+s23], $0x50, $0x38;
	[tilespmem:$0x1E800] =	vst v63  }
0xd2: {  	_ =	swait.ge [sflag:s22], $0x50  }
0xd3: {  	[sflag:s22] =	ssyncset.done $0x0  }
0xd4: {  	[sflag:s22] =	ssyncadd.s32 $0xFFFFFFB0  }
0xd5: {  	_ =	swait.ge [sflag:s22], $0x50  }
0xd6: {  	s14 =	simm.s32 @!p0 $0x2;
	[sflag:s22] =	ssyncset.done $0x0  }
0xd7: {  	s17 =	simm.s32 @!p0 $0x1C000;
	s3 =	simm.s32 @!p0 $0x14180;
	[sflag:s22] =	ssyncadd.s32 $0xFFFFFFB0  }
0xd8: {  	[tilespmem:s17], [sflag:$0x4] =	stream.indirect.gather @!p0 [hbm4b:s2+s0], $0x80, s3, s0, $0xb8;
	[tilespmem:$0x1E800] =	vst v63  }
0xd9: {  	_ =	swait.ge @!p0 [sflag:s14], $0x2800  }
0xda: {  	[sflag:s14] =	ssyncset.done @!p0 $0x0  }
0xdb: {  	s16 =	simm.s32 $0x17000;
	[sflag:s14] =	ssyncadd.s32 @!p0 $0xFFFFD800  }
0xdc: {  	[spmem:s15] =	stream.indirect.scatter.add.f32 [tilespmem:s16], [sflag:$0x6], $0x80, s12, s1, $0xb8;
	[tilespmem:$0x1E800] =	vst v63  }
0xdd: {  	_ =	swait.ge [sflag:s10], $0x2800  }
0xde: {  	[sflag:s10] =	ssyncset.done $0x0  }
0xdf: {  	s5 =	sadd.s32 $0x0, s31;
	[sflag:s10] =	ssyncadd.s32 $0xFFFFD800;
	s10 =	rddreg [dreg:$0x8]  }
0xe0: {  	s30 =	sadd.s32 $0x3C, s5;
	s22 =	rddreg [dreg:$0x6];
	s9 =	sadd.s32 $0x0, s10  }
0xe1: {  	[tilespmem:s22], [sflag:$0xF] =	stream.linear.gather [hbm4b:s30+s23], $0x50, $0x38;
	[tilespmem:$0x1E800] =	vst v63  }
0xe2: {  	s7 =	sadd.s32 $0x3C, s9  }
0xe3: {  	[tilespmem:s4], [sflag:$0xF] =	stream.linear.gather [hbm4b:s7+s23], $0x50, $0x38;
	[tilespmem:$0x1E800] =	vst v63  }
0xe4: {  	_ =	swait.ge [sflag:s28], $0x50  }
0xe5: {  	[sflag:s28] =	ssyncset.done $0x0  }
0xe6: {  	[sflag:s28] =	ssyncadd.s32 $0xFFFFFFB0  }
0xe7: {  	_ =	swait.ge [sflag:s28], $0x50  }
0xe8: {  	s6 =	simm.s32 @!p0 $0x14200;
	s13 =	simm.s32 $0xD;
	[sflag:s28] =	ssyncset.done $0x0  }
0xe9: {  	s30 =	simm.s32 @!p0 $0x3;
	s4 =	simm.s32 @!p0 $0x14800;
	[sflag:s13] =	ssyncadd.s32 $0xFFFFFFB0  }
0xea: {  	[tilespmem:s4], [sflag:$0x1] =	stream.indirect.gather @!p0 [hbm4b:s2+s0], $0x80, s6, s0, $0xb8;
	[tilespmem:$0x1E800] =	vst v63  }
0xeb: {  	_ =	swait.ge @!p0 [sflag:s30], $0x2800  }
0xec: {  	s3 =	simm.s32 $0x14500;
	[sflag:s30] =	ssyncset.done @!p0 $0x0  }
0xed: {  	s7 =	simm.s32 $0x19800;
	s4 =	simm.s32 $0x6;
	[sflag:s30] =	ssyncadd.s32 @!p0 $0xFFFFD800  }
0xee: {  	[spmem:s15] =	stream.indirect.scatter.add.f32 [tilespmem:s7], [sflag:$0x7], $0x80, s3, s1, $0xb8;
	[tilespmem:$0x1E800] =	vst v63  }
0xef: {  	_ =	swait.ge [sflag:s4], $0x2800  }
0xf0: {  	[sflag:s4] =	ssyncset.done $0x0  }
0xf1: {  	s13 =	sadd.s32 $0x46, s5;
	s6 =	rddreg [dreg:$0x7];
	[sflag:s4] =	ssyncadd.s32 $0xFFFFD800  }
0xf2: {  	[tilespmem:s6], [sflag:$0x10] =	stream.linear.gather [hbm4b:s13+s23], $0x50, $0x38;
	[tilespmem:$0x1E800] =	vst v63  }
0xf3: {  	s6 =	sadd.s32 $0x46, s9;
	s13 =	simm.s32 $0xE  }
0xf4: {  	[tilespmem:s19], [sflag:$0x10] =	stream.linear.gather [hbm4b:s6+s23], $0x50, $0x38;
	[tilespmem:$0x1E800] =	vst v63  }
0xf5: {  	_ =	swait.ge [sflag:s13], $0x50  }
0xf6: {  	[sflag:s13] =	ssyncset.done $0x0  }
0xf7: {  	[sflag:s13] =	ssyncadd.s32 $0xFFFFFFB0  }
0xf8: {  	_ =	swait.ge [sflag:s13], $0x50  }
0xf9: {  	s3 =	simm.s32 @!p0 $0x17000;
	[sflag:s13] =	ssyncset.done $0x0  }
0xfa: {  	s6 =	simm.s32 @!p0 $0x14280;
	s19 =	simm.s32 @!p0 $0x4;
	[sflag:s13] =	ssyncadd.s32 $0xFFFFFFB0  }
0xfb: {  	[tilespmem:s3], [sflag:$0x2] =	stream.indirect.gather @!p0 [hbm4b:s2+s0], $0x80, s6, s0, $0xb8;
	[tilespmem:$0x1E800] =	vst v63  }
0xfc: {  	_ =	swait.ge @!p0 [sflag:s19], $0x2800  }
0xfd: {  	s22 =	simm.s32 $0x14580;
	[sflag:s19] =	ssyncset.done @!p0 $0x0  }
0xfe: {  	s13 =	simm.s32 $0x7;
	s6 =	simm.s32 $0x1C000;
	[sflag:s19] =	ssyncadd.s32 @!p0 $0xFFFFD800  }
0xff: {  	[spmem:s15] =	stream.indirect.scatter.add.f32 [tilespmem:s6], [sflag:$0x8], $0x80, s22, s1, $0xb8;
	[tilespmem:$0x1E800] =	vst v63  }
0x100: {  	_ =	swait.ge [sflag:s13], $0x2800  }
0x101: {  	[sflag:s13] =	ssyncset.done $0x0  }
0x102: {  	s22 =	sadd.s32 $0x50, s5;
	s6 =	simm.s32 $0x14000;
	[sflag:s13] =	ssyncadd.s32 $0xFFFFD800  }
0x103: {  	[tilespmem:s6], [sflag:$0x9] =	stream.linear.gather [hbm4b:s22+s23], $0x50, $0x38;
	[tilespmem:$0x1E800] =	vst v63  }
0x104: {  	s13 =	sadd.s32 $0x50, s9;
	s22 =	simm.s32 $0xF  }
0x105: {  	[tilespmem:s20], [sflag:$0x9] =	stream.linear.gather [hbm4b:s13+s23], $0x50, $0x38;
	[tilespmem:$0x1E800] =	vst v63  }
0x106: {  	_ =	swait.ge [sflag:s22], $0x50  }
0x107: {  	[sflag:s22] =	ssyncset.done $0x0  }
0x108: {  	[sflag:s22] =	ssyncadd.s32 $0xFFFFFFB0  }
0x109: {  	_ =	swait.ge [sflag:s22], $0x50  }
0x10a: {  	[sflag:s22] =	ssyncset.done $0x0  }
0x10b: {  	s3 =	simm.s32 @!p0 $0x19800;
	s6 =	simm.s32 @!p0 $0x14300;
	[sflag:s22] =	ssyncadd.s32 $0xFFFFFFB0  }
0x10c: {  	[tilespmem:s3], [sflag:$0x3] =	stream.indirect.gather @!p0 [hbm4b:s2+s0], $0x80, s6, s0, $0xb8;
	[tilespmem:$0x1E800] =	vst v63  }
0x10d: {  	_ =	swait.ge @!p0 [sflag:s8], $0x2800  }
0x10e: {  	s21 =	simm.s32 $0x14600;
	[sflag:s8] =	ssyncset.done @!p0 $0x0  }
0x10f: {  	s1 =	simm.s32 $0x50;
	[sflag:s8] =	ssyncadd.s32 @!p0 $0xFFFFD800;
	s8 =	simm.s32 $0x8  }
0x110: {  	[spmem:s15] =	stream.indirect.scatter.add.f32 [tilespmem:s18], [sflag:$0x5], $0x80, s21, s1, $0xb8;
	[tilespmem:$0x1E800] =	vst v63  }
0x111: {  	_ =	swait.ge [sflag:s8], $0x2800  }
0x112: {  	[sflag:s8] =	ssyncset.done $0x0  }
0x113: {  	s13 =	sadd.s32 $0x5A, s5;
	s18 =	simm.s32 $0x14080;
	[sflag:s8] =	ssyncadd.s32 $0xFFFFD800  }
0x114: {  	[tilespmem:s18], [sflag:$0xA] =	stream.linear.gather [hbm4b:s13+s23], $0x50, $0x38;
	[tilespmem:$0x1E800] =	vst v63  }
0x115: {  	s20 =	sadd.s32 $0x5A, s9;
	s21 =	simm.s32 $0x10  }
0x116: {  	[tilespmem:s12], [sflag:$0xA] =	stream.linear.gather [hbm4b:s20+s23], $0x50, $0x38;
	[tilespmem:$0x1E800] =	vst v63  }
0x117: {  	_ =	swait.ge [sflag:s21], $0x50  }
0x118: {  	[sflag:s21] =	ssyncset.done $0x0  }
0x119: {  	[sflag:s21] =	ssyncadd.s32 $0xFFFFFFB0  }
0x11a: {  	_ =	swait.ge [sflag:s21], $0x50  }
0x11b: {  	[sflag:s21] =	ssyncset.done $0x0  }
0x11c: {  	s5 =	simm.s32 @!p0 $0x14380;
	[sflag:s21] =	ssyncadd.s32 $0xFFFFFFB0  }
0x11d: {  	[tilespmem:s17], [sflag:$0x4] =	stream.indirect.gather @!p0 [hbm4b:s2+s0], $0x80, s5, s0, $0xb8;
	[tilespmem:$0x1E800] =	vst v63  }
0x11e: {  	_ =	swait.ge @!p0 [sflag:s14], $0x2800  }
0x11f: {  	p1 =	por $0x0, $0x0;
	[sflag:s14] =	ssyncset.done @!p0 $0x0  }
0x120: {  	s28 =	simm.s32 $0x5;
	s22 =	simm.s32 $0x14680;
	[sflag:s14] =	ssyncadd.s32 @!p0 $0xFFFFD800  }
0x121: {  	[spmem:s15] =	stream.indirect.scatter.add.f32 [tilespmem:s16], [sflag:$0x6], $0x80, s22, s1, $0xb8;
	[tilespmem:$0x1E800] =	vst v63  }
0x122: {  	s3 =	sadd.s32 @!p1 $0x0, s31;
	_ =	swait.ge [sflag:s28], $0x2800  }
0x123: {  	s9 =	simm.s32 @!p1 $0x0;
	s6 =	sadd.s32 @!p1 $0x64, s3;
	[sflag:s28] =	ssyncset.done $0x0  }
0x124: {  	s20 =	sadd.s32 @!p1 $0x0, s10;
	s5 =	simm.s32 @!p1 $0x14100;
	[sflag:s28] =	ssyncadd.s32 $0xFFFFD800  }
0x125: {  	[tilespmem:s5], [sflag:$0xB] =	stream.linear.gather @!p1 [hbm4b:s6+s9], $0x50, $0x38;
	[tilespmem:$0x1E800] =	vst v63  }
0x126: {  	s11 =	simm.s32 $0x9;
	s5 =	simm.s32 @!p1 $0x14500;
	s6 =	sadd.s32 @!p1 $0x64, s20  }
0x127: {  	[tilespmem:s5], [sflag:$0xB] =	stream.linear.gather @!p1 [hbm4b:s6+s9], $0x50, $0x38;
	[tilespmem:$0x1E800] =	vst v63  }
0x128: {  	_ =	swait.ge [sflag:s11], $0x50  }
0x129: {  	[sflag:s11] =	ssyncset.done $0x0  }
0x12a: {  	[sflag:s11] =	ssyncadd.s32 $0xFFFFFFB0  }
0x12b: {  	_ =	swait.ge [sflag:s11], $0x50  }
0x12c: {  	[sflag:s11] =	ssyncset.done $0x0  }
0x12d: {  	s5 =	simm.s32 @!p0 $0x14000;
	s6 =	simm.s32 @!p0 $0x14800;
	[sflag:s11] =	ssyncadd.s32 $0xFFFFFFB0  }
0x12e: {  	[tilespmem:s6], [sflag:$0x1] =	stream.indirect.gather @!p0 [hbm4b:s2+s0], $0x80, s5, s0, $0xb8;
	[tilespmem:$0x1E800] =	vst v63  }
0x12f: {  	_ =	swait.ge @!p0 [sflag:s30], $0x2800  }
0x130: {  	[sflag:s30] =	ssyncset.done @!p0 $0x0  }
0x131: {  	s28 =	simm.s32 $0x14700;
	[sflag:s30] =	ssyncadd.s32 @!p0 $0xFFFFD800  }
0x132: {  	[spmem:s15] =	stream.indirect.scatter.add.f32 [tilespmem:s7], [sflag:$0x7], $0x80, s28, s1, $0xb8;
	[tilespmem:$0x1E800] =	vst v63  }
0x133: {  	_ =	swait.ge [sflag:s4], $0x2800  }
0x134: {  	[sflag:s4] =	ssyncset.done $0x0  }
0x135: {  	s3 =	sadd.s32 @!p1 $0x6E, s3;
	s5 =	simm.s32 @!p1 $0x14180;
	[sflag:s4] =	ssyncadd.s32 $0xFFFFD800  }
0x136: {  	[tilespmem:s5], [sflag:$0xC] =	stream.linear.gather @!p1 [hbm4b:s3+s9], $0x50, $0x38;
	[tilespmem:$0x1E800] =	vst v63  }
0x137: {  	s30 =	simm.s32 $0xA;
	s3 =	sadd.s32 @!p1 $0x6E, s20;
	s5 =	simm.s32 @!p1 $0x14580  }
0x138: {  	[tilespmem:s5], [sflag:$0xC] =	stream.linear.gather @!p1 [hbm4b:s3+s9], $0x50, $0x38;
	[tilespmem:$0x1E800] =	vst v63  }
0x139: {  	_ =	swait.ge [sflag:s30], $0x50  }
0x13a: {  	[sflag:s30] =	ssyncset.done $0x0  }
0x13b: {  	s1 =	simm.s32 @!p0 $0x17000;
	s7 =	simm.s32 $0x690;
	[sflag:s30] =	ssyncadd.s32 $0xFFFFFFB0  }
0x13c: {  	s4 =	simm.s32 @!p0 $0x14080;
	s20 =	simm.s32 $0x50;
	_ =	swait.ge [sflag:s30], $0x50  }
0x13d: {  	s3 =	simm.s32 $0x410;
	p1 =	por $0x0, $0x0;
	[sflag:s30] =	ssyncset.done $0x0  }
0x13e: {  	s9 =	simm.s32 $0xA0;
	s3 =	simm.s32 @p1 $0x190;
	[sflag:s30] =	ssyncadd.s32 $0xFFFFFFB0  }
0x13f: {  	[tilespmem:s1], [sflag:$0x2] =	stream.indirect.gather @!p0 [hbm4b:s2+s0], $0x80, s4, s0, $0xb8;
	[tilespmem:$0x1E800] =	vst v63  }
0x140: {  	p1 =	por p1, p1;
	s3 =	sadd.s32 s26, s3;
	_ =	swait.ge @!p0 [sflag:s19], $0x2800  }
0x141: {  	s5 =	simm.s32 @!p1 $0x3C0;
	s29 =	sshrl.u32 s3, $0x3;
	[sflag:s19] =	ssyncset.done @!p0 $0x0  }
.LBB2_12:
0x142: {  	p3 =	seq.s32 s9, $0x0;
	s6 =	simm.s32 @!p1 $0x7;
	s19 =	simm.s32 @!p0 $0x4  }
0x143: {  	s0 =	smov.u32 s9;
	s10 =	simm.s32 $0x14780;
	s21 =	simm.s32 $0x1C000  }
0x144: {  	s22 =	simm.s32 $0x50;
	s30 =	smov.u32 s7;
	s5 =	simm.s32 @p1 $0x140  }
0x145: {  	[sflag:s19] =	ssyncadd.s32 @!p0 $0xFFFFD800;
	[dreg:$0x9] =	wrdreg s0;
	s30 =	simm.s32 @p3 $0x190  }
0x146: {  	[spmem:s15] =	stream.indirect.scatter.add.f32 [tilespmem:s21], [sflag:$0x8], $0x80, s10, s22, $0xb8;
	[tilespmem:$0x1E800] =	vst v63  }
0x147: {  	s5 =	sadd.s32 s26, s5;
	s30 =	sadd.s32 s26, s30;
	_ =	swait.ge @!p1 [sflag:s6], $0x2800  }
0x148: {  	s5 =	sshrl.u32 s5, $0x3;
	s8 =	sshrl.u32 s30, $0x3;
	[sflag:s6] =	ssyncset.done @!p1 $0x0  }
0x149: {  	s30 =	sadd.s32 s24, s5;
	s16 =	rddreg [dreg:$0x4];
	[sflag:s6] =	ssyncadd.s32 @!p1 $0xFFFFD800  }
0x14a: {  	[tilespmem:s16], [sflag:$0xD] =	stream.linear.gather [hbm4b:s30+s23], $0x50, $0x38;
	[tilespmem:$0x1E800] =	vst v63  }
0x14b: {  	s11 =	simm.s32 $0x14600;
	s12 =	simm.s32 $0xB;
	s5 =	sadd.s32 s25, s5  }
0x14c: {  	[tilespmem:s11], [sflag:$0xD] =	stream.linear.gather [hbm4b:s5+s23], $0x50, $0x38;
	[tilespmem:$0x1E800] =	vst v63  }
0x14d: {  	_ =	swait.ge [sflag:s12], $0x50  }
0x14e: {  	[sflag:s12] =	ssyncset.done $0x0  }
0x14f: {  	[sflag:s12] =	ssyncadd.s32 $0xFFFFFFB0  }
0x150: {  	_ =	swait.ge [sflag:s12], $0x50  }
0x151: {  	s1 =	simm.s32 @!p0 $0x19800;
	[sflag:s12] =	ssyncset.done $0x0  }
0x152: {  	s0 =	simm.s32 @!p0 $0x14100;
	s11 =	simm.s32 @!p0 $0x50;
	[sflag:s12] =	ssyncadd.s32 $0xFFFFFFB0  }
0x153: {  	[tilespmem:s1], [sflag:$0x3] =	stream.indirect.gather @!p0 [hbm4b:s2+s11], $0x80, s0, s11, $0xb8;
	[tilespmem:$0x1E800] =	vst v63  }
0x154: {  	s1 =	simm.s32 @!p0 $0x1  }
0x155: {  	_ =	swait.ge @!p0 [sflag:s1], $0x2800  }
0x156: {  	s18 =	simm.s32 $0x14800;
	[sflag:s1] =	ssyncset.done @!p0 $0x0  }
0x157: {  	s3 =	simm.s32 $0x14400;
	s5 =	simm.s32 @!p1 $0x8;
	[sflag:s1] =	ssyncadd.s32 @!p0 $0xFFFFD800  }
0x158: {  	[spmem:s15] =	stream.indirect.scatter.add.f32 [tilespmem:s18], [sflag:$0x5], $0x80, s3, s22, $0xb8;
	[tilespmem:$0x1E800] =	vst v63  }
0x159: {  	_ =	swait.ge @!p1 [sflag:s5], $0x2800  }
0x15a: {  	[sflag:s5] =	ssyncset.done @!p1 $0x0  }
0x15b: {  	s14 =	sadd.s32 s24, s29;
	s13 =	rddreg [dreg:$0x5];
	[sflag:s5] =	ssyncadd.s32 @!p1 $0xFFFFD800  }
0x15c: {  	[tilespmem:s13], [sflag:$0xE] =	stream.linear.gather [hbm4b:s14+s23], $0x50, $0x38;
	[tilespmem:$0x1E800] =	vst v63  }
0x15d: {  	s17 =	simm.s32 $0x14680;
	s28 =	simm.s32 $0xC;
	s16 =	sadd.s32 s25, s29  }
0x15e: {  	[tilespmem:s17], [sflag:$0xE] =	stream.linear.gather [hbm4b:s16+s23], $0x50, $0x38;
	[tilespmem:$0x1E800] =	vst v63  }
0x15f: {  	_ =	swait.ge [sflag:s28], $0x50  }
0x160: {  	[sflag:s28] =	ssyncset.done $0x0  }
0x161: {  	[sflag:s28] =	ssyncadd.s32 $0xFFFFFFB0  }
0x162: {  	_ =	swait.ge [sflag:s28], $0x50  }
0x163: {  	s12 =	simm.s32 @!p0 $0x1C000;
	[sflag:s28] =	ssyncset.done $0x0  }
0x164: {  	s0 =	simm.s32 @!p0 $0x14180;
	s13 =	simm.s32 @!p0 $0x2;
	[sflag:s28] =	ssyncadd.s32 $0xFFFFFFB0  }
0x165: {  	[tilespmem:s12], [sflag:$0x4] =	stream.indirect.gather @!p0 [hbm4b:s2+s11], $0x80, s0, s11, $0xb8;
	[tilespmem:$0x1E800] =	vst v63  }
0x166: {  	s6 =	sadd.s32 s20, s31;
	_ =	swait.ge @!p0 [sflag:s13], $0x2800  }
0x167: {  	s29 =	smov.u32 s8;
	s8 =	simm.s32 $0x14480;
	[sflag:s13] =	ssyncset.done @!p0 $0x0  }
0x168: {  	s17 =	simm.s32 $0x17000;
	s28 =	simm.s32 $0x5;
	[sflag:s13] =	ssyncadd.s32 @!p0 $0xFFFFD800  }
0x169: {  	[spmem:s15] =	stream.indirect.scatter.add.f32 [tilespmem:s17], [sflag:$0x6], $0x80, s8, s22, $0xb8;
	[tilespmem:$0x1E800] =	vst v63  }
0x16a: {  	s30 =	sadd.s32 $0x3C, s6;
	_ =	swait.ge [sflag:s28], $0x2800  }
0x16b: {  	s14 =	smov.u32 s31;
	[sflag:s28] =	ssyncset.done $0x0;
	s31 =	rddreg [dreg:$0x8]  }
0x16c: {  	s4 =	rddreg [dreg:$0x6];
	[sflag:s28] =	ssyncadd.s32 $0xFFFFD800;
	s5 =	sadd.s32 s20, s31  }
0x16d: {  	[tilespmem:s4], [sflag:$0xF] =	stream.linear.gather [hbm4b:s30+s23], $0x50, $0x38;
	[tilespmem:$0x1E800] =	vst v63  }
0x16e: {  	s0 =	sadd.s32 $0x3C, s5;
	s4 =	simm.s32 $0x14700  }
0x16f: {  	[tilespmem:s4], [sflag:$0xF] =	stream.linear.gather [hbm4b:s0+s23], $0x50, $0x38;
	[tilespmem:$0x1E800] =	vst v63  }
0x170: {  	s4 =	simm.s32 $0xD  }
0x171: {  	_ =	swait.ge [sflag:s4], $0x50  }
0x172: {  	[sflag:s4] =	ssyncset.done $0x0  }
0x173: {  	[sflag:s4] =	ssyncadd.s32 $0xFFFFFFB0  }
0x174: {  	_ =	swait.ge [sflag:s4], $0x50  }
0x175: {  	[sflag:s4] =	ssyncset.done $0x0  }
0x176: {  	s0 =	simm.s32 @!p0 $0x14800;
	[sflag:s4] =	ssyncadd.s32 $0xFFFFFFB0;
	s4 =	simm.s32 @!p0 $0x14200  }
0x177: {  	[tilespmem:s0], [sflag:$0x1] =	stream.indirect.gather @!p0 [hbm4b:s2+s11], $0x80, s4, s11, $0xb8;
	[tilespmem:$0x1E800] =	vst v63  }
0x178: {  	s0 =	simm.s32 @!p0 $0x3  }
0x179: {  	_ =	swait.ge @!p0 [sflag:s0], $0x2800  }
0x17a: {  	[sflag:s0] =	ssyncset.done @!p0 $0x0  }
0x17b: {  	s16 =	simm.s32 $0x19800;
	s4 =	simm.s32 $0x14500;
	[sflag:s0] =	ssyncadd.s32 @!p0 $0xFFFFD800  }
0x17c: {  	[spmem:s15] =	stream.indirect.scatter.add.f32 [tilespmem:s16], [sflag:$0x7], $0x80, s4, s22, $0xb8;
	[tilespmem:$0x1E800] =	vst v63  }
0x17d: {  	s4 =	simm.s32 $0x6  }
0x17e: {  	_ =	swait.ge [sflag:s4], $0x2800  }
0x17f: {  	[sflag:s4] =	ssyncset.done $0x0  }
0x180: {  	s30 =	sadd.s32 $0x46, s6;
	s16 =	rddreg [dreg:$0x7];
	[sflag:s4] =	ssyncadd.s32 $0xFFFFD800  }
0x181: {  	[tilespmem:s16], [sflag:$0x10] =	stream.linear.gather [hbm4b:s30+s23], $0x50, $0x38;
	[tilespmem:$0x1E800] =	vst v63  }
0x182: {  	s16 =	sadd.s32 $0x46, s5  }
0x183: {  	[tilespmem:s10], [sflag:$0x10] =	stream.linear.gather [hbm4b:s16+s23], $0x50, $0x38;
	[tilespmem:$0x1E800] =	vst v63  }
0x184: {  	s16 =	simm.s32 $0xE  }
0x185: {  	_ =	swait.ge [sflag:s16], $0x50  }
0x186: {  	[sflag:s16] =	ssyncset.done $0x0  }
0x187: {  	[sflag:s16] =	ssyncadd.s32 $0xFFFFFFB0  }
0x188: {  	_ =	swait.ge [sflag:s16], $0x50  }
0x189: {  	[sflag:s16] =	ssyncset.done $0x0  }
0x18a: {  	s10 =	simm.s32 @!p0 $0x17000;
	[sflag:s16] =	ssyncadd.s32 $0xFFFFFFB0;
	s16 =	simm.s32 @!p0 $0x14280  }
0x18b: {  	[tilespmem:s10], [sflag:$0x2] =	stream.indirect.gather @!p0 [hbm4b:s2+s11], $0x80, s16, s11, $0xb8;
	[tilespmem:$0x1E800] =	vst v63  }
0x18c: {  	_ =	swait.ge @!p0 [sflag:s19], $0x2800  }
0x18d: {  	[sflag:s19] =	ssyncset.done @!p0 $0x0  }
0x18e: {  	s30 =	simm.s32 $0x7;
	s16 =	simm.s32 $0x14580;
	[sflag:s19] =	ssyncadd.s32 @!p0 $0xFFFFD800  }
0x18f: {  	[spmem:s15] =	stream.indirect.scatter.add.f32 [tilespmem:s21], [sflag:$0x8], $0x80, s16, s22, $0xb8;
	[tilespmem:$0x1E800] =	vst v63  }
0x190: {  	_ =	swait.ge [sflag:s30], $0x2800  }
0x191: {  	[sflag:s30] =	ssyncset.done $0x0  }
0x192: {  	s16 =	sadd.s32 $0x50, s6;
	s21 =	simm.s32 $0x14000;
	[sflag:s30] =	ssyncadd.s32 $0xFFFFD800  }
0x193: {  	[tilespmem:s21], [sflag:$0x9] =	stream.linear.gather [hbm4b:s16+s23], $0x50, $0x38;
	[tilespmem:$0x1E800] =	vst v63  }
0x194: {  	s30 =	sadd.s32 $0x50, s5  }
0x195: {  	[tilespmem:s3], [sflag:$0x9] =	stream.linear.gather [hbm4b:s30+s23], $0x50, $0x38;
	[tilespmem:$0x1E800] =	vst v63  }
0x196: {  	s3 =	simm.s32 $0xF  }
0x197: {  	_ =	swait.ge [sflag:s3], $0x50  }
0x198: {  	[sflag:s3] =	ssyncset.done $0x0  }
0x199: {  	[sflag:s3] =	ssyncadd.s32 $0xFFFFFFB0  }
0x19a: {  	_ =	swait.ge [sflag:s3], $0x50  }
0x19b: {  	[sflag:s3] =	ssyncset.done $0x0  }
0x19c: {  	s16 =	simm.s32 @!p0 $0x19800;
	[sflag:s3] =	ssyncadd.s32 $0xFFFFFFB0;
	s3 =	simm.s32 @!p0 $0x14300  }
0x19d: {  	[tilespmem:s16], [sflag:$0x3] =	stream.indirect.gather @!p0 [hbm4b:s2+s11], $0x80, s3, s11, $0xb8;
	[tilespmem:$0x1E800] =	vst v63  }
0x19e: {  	_ =	swait.ge @!p0 [sflag:s1], $0x2800  }
0x19f: {  	[sflag:s1] =	ssyncset.done @!p0 $0x0  }
0x1a0: {  	s21 =	simm.s32 $0x8;
	s16 =	simm.s32 $0x14600;
	[sflag:s1] =	ssyncadd.s32 @!p0 $0xFFFFD800  }
0x1a1: {  	[spmem:s15] =	stream.indirect.scatter.add.f32 [tilespmem:s18], [sflag:$0x5], $0x80, s16, s22, $0xb8;
	[tilespmem:$0x1E800] =	vst v63  }
0x1a2: {  	_ =	swait.ge [sflag:s21], $0x2800  }
0x1a3: {  	[sflag:s21] =	ssyncset.done $0x0  }
0x1a4: {  	s6 =	sadd.s32 $0x5A, s6;
	s3 =	simm.s32 $0x14080;
	[sflag:s21] =	ssyncadd.s32 $0xFFFFD800  }
0x1a5: {  	[tilespmem:s3], [sflag:$0xA] =	stream.linear.gather [hbm4b:s6+s23], $0x50, $0x38;
	[tilespmem:$0x1E800] =	vst v63  }
0x1a6: {  	s5 =	sadd.s32 $0x5A, s5  }
0x1a7: {  	[tilespmem:s8], [sflag:$0xA] =	stream.linear.gather [hbm4b:s5+s23], $0x50, $0x38;
	[tilespmem:$0x1E800] =	vst v63  }
0x1a8: {  	s8 =	simm.s32 $0x10  }
0x1a9: {  	_ =	swait.ge [sflag:s8], $0x50  }
0x1aa: {  	[sflag:s8] =	ssyncset.done $0x0  }
0x1ab: {  	[sflag:s8] =	ssyncadd.s32 $0xFFFFFFB0  }
0x1ac: {  	_ =	swait.ge [sflag:s8], $0x50  }
0x1ad: {  	[sflag:s8] =	ssyncset.done $0x0  }
0x1ae: {  	s1 =	simm.s32 @!p0 $0x14380;
	[sflag:s8] =	ssyncadd.s32 $0xFFFFFFB0  }
0x1af: {  	[tilespmem:s12], [sflag:$0x4] =	stream.indirect.gather @!p0 [hbm4b:s2+s11], $0x80, s1, s11, $0xb8;
	[tilespmem:$0x1E800] =	vst v63  }
0x1b0: {  	_ =	swait.ge @!p0 [sflag:s13], $0x2800  }
0x1b1: {  	p1 =	por p3, p3;
	[sflag:s13] =	ssyncset.done @!p0 $0x0  }
0x1b2: {  	p3 =	seq.s32 s20, $0x960;
	s16 =	simm.s32 $0x14680;
	[sflag:s13] =	ssyncadd.s32 @!p0 $0xFFFFD800  }
0x1b3: {  	[spmem:s15] =	stream.indirect.scatter.add.f32 [tilespmem:s17], [sflag:$0x6], $0x80, s16, s22, $0xb8;
	[tilespmem:$0x1E800] =	vst v63  }
0x1b4: {  	s30 =	simm.s32 @!p3 $0x0;
	_ =	swait.ge [sflag:s28], $0x2800  }
0x1b5: {  	s6 =	simm.s32 @!p3 $0x14100;
	s5 =	sadd.s32 @!p3 s20, s14;
	[sflag:s28] =	ssyncset.done $0x0  }
0x1b6: {  	s20 =	sadd.s32 @!p3 s20, s31;
	s16 =	sadd.s32 @!p3 $0x64, s5;
	[sflag:s28] =	ssyncadd.s32 $0xFFFFD800  }
0x1b7: {  	[tilespmem:s6], [sflag:$0xB] =	stream.linear.gather @!p3 [hbm4b:s16+s30], $0x50, $0x38;
	[tilespmem:$0x1E800] =	vst v63  }
0x1b8: {  	s17 =	simm.s32 @!p3 $0x14500;
	s6 =	sadd.s32 @!p3 $0x64, s20  }
0x1b9: {  	[tilespmem:s17], [sflag:$0xB] =	stream.linear.gather @!p3 [hbm4b:s6+s30], $0x50, $0x38;
	[tilespmem:$0x1E800] =	vst v63  }
0x1ba: {  	s17 =	simm.s32 $0x9  }
0x1bb: {  	_ =	swait.ge [sflag:s17], $0x50  }
0x1bc: {  	[sflag:s17] =	ssyncset.done $0x0  }
0x1bd: {  	[sflag:s17] =	ssyncadd.s32 $0xFFFFFFB0  }
0x1be: {  	s18 =	rddreg [dreg:$0x9];
	_ =	swait.ge [sflag:s17], $0x50  }
0x1bf: {  	[sflag:s17] =	ssyncset.done $0x0  }
0x1c0: {  	s3 =	simm.s32 @!p0 $0x14000;
	s1 =	simm.s32 @!p0 $0x14800;
	[sflag:s17] =	ssyncadd.s32 $0xFFFFFFB0  }
0x1c1: {  	[tilespmem:s1], [sflag:$0x1] =	stream.indirect.gather @!p0 [hbm4b:s2+s11], $0x80, s3, s11, $0xb8;
	[tilespmem:$0x1E800] =	vst v63  }
0x1c2: {  	_ =	swait.ge @!p0 [sflag:s0], $0x2800  }
0x1c3: {  	[sflag:s0] =	ssyncset.done @!p0 $0x0  }
0x1c4: {  	s21 =	simm.s32 $0x14700;
	s28 =	simm.s32 $0x19800;
	[sflag:s0] =	ssyncadd.s32 @!p0 $0xFFFFD800  }
0x1c5: {  	[spmem:s15] =	stream.indirect.scatter.add.f32 [tilespmem:s28], [sflag:$0x7], $0x80, s21, s22, $0xb8;
	[tilespmem:$0x1E800] =	vst v63  }
0x1c6: {  	_ =	swait.ge [sflag:s4], $0x2800  }
0x1c7: {  	[sflag:s4] =	ssyncset.done $0x0  }
0x1c8: {  	s5 =	sadd.s32 @!p3 $0x6E, s5;
	s3 =	simm.s32 @!p3 $0x14180;
	[sflag:s4] =	ssyncadd.s32 $0xFFFFD800  }
0x1c9: {  	[tilespmem:s3], [sflag:$0xC] =	stream.linear.gather @!p3 [hbm4b:s5+s30], $0x50, $0x38;
	[tilespmem:$0x1E800] =	vst v63  }
0x1ca: {  	s16 =	sadd.s32 @!p3 $0x6E, s20;
	s6 =	simm.s32 @!p3 $0x14580  }
0x1cb: {  	[tilespmem:s6], [sflag:$0xC] =	stream.linear.gather @!p3 [hbm4b:s16+s30], $0x50, $0x38;
	[tilespmem:$0x1E800] =	vst v63  }
0x1cc: {  	s30 =	simm.s32 $0xA  }
0x1cd: {  	_ =	swait.ge [sflag:s30], $0x50  }
0x1ce: {  	[sflag:s30] =	ssyncset.done $0x0  }
0x1cf: {  	s9 =	sadd.s32 $0x50, s9;
	[sflag:s30] =	ssyncadd.s32 $0xFFFFFFB0  }
0x1d0: {  	p2 =	sne.s32 s9, $0x9B0;
	_ =	swait.ge [sflag:s30], $0x50  }
.Ltmp5:
0x1d1: {  	[sflag:s30] =	ssyncset.done $0x0;
	(pc) =	sbr.rel @p2 .LBB2_12-.Ltmp5, $4  }
0x1d2: {  	s31 =	smov.u32 s14;
	s3 =	simm.s32 @!p0 $0x14080;
	[sflag:s30] =	ssyncadd.s32 $0xFFFFFFB0  }
0x1d3: {  	[tilespmem:s10], [sflag:$0x2] =	stream.indirect.gather @!p0 [hbm4b:s2+s11], $0x80, s3, s11, $0xb8;
	[tilespmem:$0x1E800] =	vst v63  }
0x1d4: {  	s20 =	smov.u32 s18;
	s0 =	simm.s32 @!p0 $0x4;
	_ =	swait.ge @!p0 [sflag:s19], $0x2800  }
0x1d5: {  	s5 =	sadd.s32 @!p1 $0xFFFFFFB0, s7;
	s7 =	sadd.s32 $0x280, s7;
	[sflag:s19] =	ssyncset.done @!p0 $0x0  }
0x1d6: {  	s3 =	simm.s32 @!p1 $0x7;
	[sflag:s0] =	ssyncadd.s32 @!p0 $0xFFFFD800;
	s7 =	simm.s32 $0x14780  }
0x1d7: {  	s1 =	simm.s32 $0x1C000;
	s14 =	simm.s32 $0x50;
	s5 =	simm.s32 @p1 $0x140  }
0x1d8: {  	[spmem:s15] =	stream.indirect.scatter.add.f32 [tilespmem:s1], [sflag:$0x8], $0x80, s7, s14, $0xb8;
	[tilespmem:$0x1E800] =	vst v63  }
0x1d9: {  	s5 =	sadd.s32 s26, s5;
	_ =	swait.ge @!p1 [sflag:s3], $0x2800  }
0x1da: {  	s5 =	sshrl.u32 s5, $0x3;
	[sflag:s3] =	ssyncset.done @!p1 $0x0  }
0x1db: {  	s6 =	rddreg [dreg:$0x4];
	s8 =	sadd.s32 s24, s5;
	[sflag:s3] =	ssyncadd.s32 @!p1 $0xFFFFD800  }
0x1dc: {  	[tilespmem:s6], [sflag:$0xD] =	stream.linear.gather [hbm4b:s8+s23], $0x50, $0x38;
	[tilespmem:$0x1E800] =	vst v63  }
0x1dd: {  	s10 =	simm.s32 $0x14600;
	s11 =	simm.s32 $0xB;
	s9 =	sadd.s32 s25, s5  }
0x1de: {  	[tilespmem:s10], [sflag:$0xD] =	stream.linear.gather [hbm4b:s9+s23], $0x50, $0x38;
	[tilespmem:$0x1E800] =	vst v63  }
0x1df: {  	_ =	swait.ge [sflag:s11], $0x50  }
0x1e0: {  	[sflag:s11] =	ssyncset.done $0x0  }
0x1e1: {  	[sflag:s11] =	ssyncadd.s32 $0xFFFFFFB0  }
0x1e2: {  	_ =	swait.ge [sflag:s11], $0x50  }
0x1e3: {  	s19 =	simm.s32 @!p0 $0x19800;
	s6 =	simm.s32 @!p0 $0x14100;
	[sflag:s11] =	ssyncset.done $0x0  }
0x1e4: {  	s10 =	simm.s32 @!p0 $0x1;
	[sflag:s11] =	ssyncadd.s32 $0xFFFFFFB0;
	s11 =	simm.s32 @!p0 $0x50  }
0x1e5: {  	[tilespmem:s19], [sflag:$0x3] =	stream.indirect.gather @!p0 [hbm4b:s2+s11], $0x80, s6, s11, $0xb8;
	[tilespmem:$0x1E800] =	vst v63  }
0x1e6: {  	_ =	swait.ge @!p0 [sflag:s10], $0x2800  }
0x1e7: {  	s1 =	simm.s32 $0x14400;
	[sflag:s10] =	ssyncset.done @!p0 $0x0  }
0x1e8: {  	s5 =	simm.s32 $0x14800;
	s6 =	simm.s32 @!p1 $0x8;
	[sflag:s10] =	ssyncadd.s32 @!p0 $0xFFFFD800  }
0x1e9: {  	[spmem:s15] =	stream.indirect.scatter.add.f32 [tilespmem:s5], [sflag:$0x5], $0x80, s1, s14, $0xb8;
	[tilespmem:$0x1E800] =	vst v63  }
0x1ea: {  	_ =	swait.ge @!p1 [sflag:s6], $0x2800  }
0x1eb: {  	[sflag:s6] =	ssyncset.done @!p1 $0x0  }
0x1ec: {  	s12 =	sadd.s32 s24, s29;
	s7 =	rddreg [dreg:$0x5];
	[sflag:s6] =	ssyncadd.s32 @!p1 $0xFFFFD800  }
0x1ed: {  	[tilespmem:s7], [sflag:$0xE] =	stream.linear.gather [hbm4b:s12+s23], $0x50, $0x38;
	[tilespmem:$0x1E800] =	vst v63  }
0x1ee: {  	s13 =	sadd.s32 s25, s29;
	s16 =	simm.s32 $0x14680;
	s17 =	simm.s32 $0xC  }
0x1ef: {  	[tilespmem:s16], [sflag:$0xE] =	stream.linear.gather [hbm4b:s13+s23], $0x50, $0x38;
	[tilespmem:$0x1E800] =	vst v63  }
0x1f0: {  	_ =	swait.ge [sflag:s17], $0x50  }
0x1f1: {  	[sflag:s17] =	ssyncset.done $0x0  }
0x1f2: {  	[sflag:s17] =	ssyncadd.s32 $0xFFFFFFB0  }
0x1f3: {  	_ =	swait.ge [sflag:s17], $0x50  }
0x1f4: {  	s8 =	simm.s32 @!p0 $0x2;
	[sflag:s17] =	ssyncset.done $0x0  }
0x1f5: {  	s6 =	simm.s32 @!p0 $0x14180;
	s13 =	simm.s32 @!p0 $0x1C000;
	[sflag:s17] =	ssyncadd.s32 $0xFFFFFFB0  }
0x1f6: {  	[tilespmem:s13], [sflag:$0x4] =	stream.indirect.gather @!p0 [hbm4b:s2+s11], $0x80, s6, s11, $0xb8;
	[tilespmem:$0x1E800] =	vst v63  }
0x1f7: {  	_ =	swait.ge @!p0 [sflag:s8], $0x2800  }
0x1f8: {  	s18 =	simm.s32 $0x17000;
	[sflag:s8] =	ssyncset.done @!p0 $0x0  }
0x1f9: {  	s22 =	simm.s32 $0x14480;
	s17 =	simm.s32 $0x5;
	[sflag:s8] =	ssyncadd.s32 @!p0 $0xFFFFD800  }
0x1fa: {  	[spmem:s15] =	stream.indirect.scatter.add.f32 [tilespmem:s18], [sflag:$0x6], $0x80, s22, s14, $0xb8;
	[tilespmem:$0x1E800] =	vst v63  }
0x1fb: {  	s7 =	sadd.s32 s20, s31;
	_ =	swait.ge [sflag:s17], $0x2800  }
0x1fc: {  	s9 =	sadd.s32 $0x3C, s7;
	[sflag:s17] =	ssyncset.done $0x0;
	s12 =	rddreg [dreg:$0x8]  }
0x1fd: {  	s29 =	rddreg [dreg:$0x6];
	[sflag:s17] =	ssyncadd.s32 $0xFFFFD800;
	s16 =	sadd.s32 s20, s12  }
0x1fe: {  	[tilespmem:s29], [sflag:$0xF] =	stream.linear.gather [hbm4b:s9+s23], $0x50, $0x38;
	[tilespmem:$0x1E800] =	vst v63  }
0x1ff: {  	s4 =	simm.s32 $0xD;
	s3 =	simm.s32 $0x14700;
	s0 =	sadd.s32 $0x3C, s16  }
0x200: {  	[tilespmem:s3], [sflag:$0xF] =	stream.linear.gather [hbm4b:s0+s23], $0x50, $0x38;
	[tilespmem:$0x1E800] =	vst v63  }
0x201: {  	_ =	swait.ge [sflag:s4], $0x50  }
0x202: {  	[sflag:s4] =	ssyncset.done $0x0  }
0x203: {  	[sflag:s4] =	ssyncadd.s32 $0xFFFFFFB0  }
0x204: {  	_ =	swait.ge [sflag:s4], $0x50  }
0x205: {  	s6 =	simm.s32 @!p0 $0x3;
	[sflag:s4] =	ssyncset.done $0x0  }
0x206: {  	s22 =	simm.s32 @!p0 $0x14800;
	s9 =	simm.s32 @!p0 $0x14200;
	[sflag:s4] =	ssyncadd.s32 $0xFFFFFFB0  }
0x207: {  	[tilespmem:s22], [sflag:$0x1] =	stream.indirect.gather @!p0 [hbm4b:s2+s11], $0x80, s9, s11, $0xb8;
	[tilespmem:$0x1E800] =	vst v63  }
0x208: {  	_ =	swait.ge @!p0 [sflag:s6], $0x2800  }
0x209: {  	s18 =	simm.s32 $0x14500;
	[sflag:s6] =	ssyncset.done @!p0 $0x0  }
0x20a: {  	s29 =	simm.s32 $0x19800;
	s4 =	simm.s32 $0x6;
	[sflag:s6] =	ssyncadd.s32 @!p0 $0xFFFFD800  }
0x20b: {  	[spmem:s15] =	stream.indirect.scatter.add.f32 [tilespmem:s29], [sflag:$0x7], $0x80, s18, s14, $0xb8;
	[tilespmem:$0x1E800] =	vst v63  }
0x20c: {  	_ =	swait.ge [sflag:s4], $0x2800  }
0x20d: {  	[sflag:s4] =	ssyncset.done $0x0  }
0x20e: {  	s18 =	sadd.s32 $0x46, s7;
	s3 =	rddreg [dreg:$0x7];
	[sflag:s4] =	ssyncadd.s32 $0xFFFFD800  }
0x20f: {  	[tilespmem:s3], [sflag:$0x10] =	stream.linear.gather [hbm4b:s18+s23], $0x50, $0x38;
	[tilespmem:$0x1E800] =	vst v63  }
0x210: {  	s21 =	simm.s32 $0x14780;
	s18 =	sadd.s32 $0x46, s16  }
0x211: {  	[tilespmem:s21], [sflag:$0x10] =	stream.linear.gather [hbm4b:s18+s23], $0x50, $0x38;
	[tilespmem:$0x1E800] =	vst v63  }
0x212: {  	s21 =	simm.s32 $0xE  }
0x213: {  	_ =	swait.ge [sflag:s21], $0x50  }
0x214: {  	[sflag:s21] =	ssyncset.done $0x0  }
0x215: {  	[sflag:s21] =	ssyncadd.s32 $0xFFFFFFB0  }
0x216: {  	_ =	swait.ge [sflag:s21], $0x50  }
0x217: {  	s9 =	simm.s32 @!p0 $0x4;
	[sflag:s21] =	ssyncset.done $0x0  }
0x218: {  	s18 =	simm.s32 @!p0 $0x14280;
	[sflag:s21] =	ssyncadd.s32 $0xFFFFFFB0;
	s21 =	simm.s32 @!p0 $0x17000  }
0x219: {  	[tilespmem:s21], [sflag:$0x2] =	stream.indirect.gather @!p0 [hbm4b:s2+s11], $0x80, s18, s11, $0xb8;
	[tilespmem:$0x1E800] =	vst v63  }
0x21a: {  	_ =	swait.ge @!p0 [sflag:s9], $0x2800  }
0x21b: {  	[sflag:s9] =	ssyncset.done @!p0 $0x0  }
0x21c: {  	s28 =	simm.s32 $0x1C000;
	s3 =	simm.s32 $0x14580;
	[sflag:s9] =	ssyncadd.s32 @!p0 $0xFFFFD800  }
0x21d: {  	[spmem:s15] =	stream.indirect.scatter.add.f32 [tilespmem:s28], [sflag:$0x8], $0x80, s3, s14, $0xb8;
	[tilespmem:$0x1E800] =	vst v63  }
0x21e: {  	s28 =	simm.s32 $0x7  }
0x21f: {  	_ =	swait.ge [sflag:s28], $0x2800  }
0x220: {  	[sflag:s28] =	ssyncset.done $0x0  }
0x221: {  	s0 =	sadd.s32 $0x50, s7;
	s3 =	simm.s32 $0x14000;
	[sflag:s28] =	ssyncadd.s32 $0xFFFFD800  }
0x222: {  	[tilespmem:s3], [sflag:$0x9] =	stream.linear.gather [hbm4b:s0+s23], $0x50, $0x38;
	[tilespmem:$0x1E800] =	vst v63  }
0x223: {  	s0 =	sadd.s32 $0x50, s16  }
0x224: {  	[tilespmem:s1], [sflag:$0x9] =	stream.linear.gather [hbm4b:s0+s23], $0x50, $0x38;
	[tilespmem:$0x1E800] =	vst v63  }
0x225: {  	s1 =	simm.s32 $0xF  }
0x226: {  	_ =	swait.ge [sflag:s1], $0x50  }
0x227: {  	[sflag:s1] =	ssyncset.done $0x0  }
0x228: {  	[sflag:s1] =	ssyncadd.s32 $0xFFFFFFB0  }
0x229: {  	_ =	swait.ge [sflag:s1], $0x50  }
0x22a: {  	[sflag:s1] =	ssyncset.done $0x0  }
0x22b: {  	s18 =	simm.s32 @!p0 $0x14300;
	[sflag:s1] =	ssyncadd.s32 $0xFFFFFFB0  }
0x22c: {  	[tilespmem:s19], [sflag:$0x3] =	stream.indirect.gather @!p0 [hbm4b:s2+s11], $0x80, s18, s11, $0xb8;
	[tilespmem:$0x1E800] =	vst v63  }
0x22d: {  	_ =	swait.ge @!p0 [sflag:s10], $0x2800  }
0x22e: {  	[sflag:s10] =	ssyncset.done @!p0 $0x0  }
0x22f: {  	s3 =	simm.s32 $0x14600;
	[sflag:s10] =	ssyncadd.s32 @!p0 $0xFFFFD800  }
0x230: {  	[spmem:s15] =	stream.indirect.scatter.add.f32 [tilespmem:s5], [sflag:$0x5], $0x80, s3, s14, $0xb8;
	[tilespmem:$0x1E800] =	vst v63  }
0x231: {  	s5 =	simm.s32 $0x8  }
0x232: {  	_ =	swait.ge [sflag:s5], $0x2800  }
0x233: {  	[sflag:s5] =	ssyncset.done $0x0  }
0x234: {  	s18 =	sadd.s32 $0x5A, s7;
	s19 =	simm.s32 $0x14080;
	[sflag:s5] =	ssyncadd.s32 $0xFFFFD800  }
0x235: {  	[tilespmem:s19], [sflag:$0xA] =	stream.linear.gather [hbm4b:s18+s23], $0x50, $0x38;
	[tilespmem:$0x1E800] =	vst v63  }
0x236: {  	s0 =	sadd.s32 $0x5A, s16;
	s1 =	simm.s32 $0x14480;
	s3 =	simm.s32 $0x10  }
0x237: {  	[tilespmem:s1], [sflag:$0xA] =	stream.linear.gather [hbm4b:s0+s23], $0x50, $0x38;
	[tilespmem:$0x1E800] =	vst v63  }
0x238: {  	_ =	swait.ge [sflag:s3], $0x50  }
0x239: {  	[sflag:s3] =	ssyncset.done $0x0  }
0x23a: {  	[sflag:s3] =	ssyncadd.s32 $0xFFFFFFB0  }
0x23b: {  	_ =	swait.ge [sflag:s3], $0x50  }
0x23c: {  	[sflag:s3] =	ssyncset.done $0x0  }
0x23d: {  	s5 =	simm.s32 @!p0 $0x14380;
	[sflag:s3] =	ssyncadd.s32 $0xFFFFFFB0  }
0x23e: {  	[tilespmem:s13], [sflag:$0x4] =	stream.indirect.gather @!p0 [hbm4b:s2+s11], $0x80, s5, s11, $0xb8;
	[tilespmem:$0x1E800] =	vst v63  }
0x23f: {  	_ =	swait.ge @!p0 [sflag:s8], $0x2800  }
0x240: {  	p1 =	seq.s32 s20, $0x960;
	[sflag:s8] =	ssyncset.done @!p0 $0x0  }
0x241: {  	s7 =	simm.s32 $0x14680;
	s19 =	simm.s32 $0x17000;
	[sflag:s8] =	ssyncadd.s32 @!p0 $0xFFFFD800  }
0x242: {  	[spmem:s15] =	stream.indirect.scatter.add.f32 [tilespmem:s19], [sflag:$0x6], $0x80, s7, s14, $0xb8;
	[tilespmem:$0x1E800] =	vst v63  }
0x243: {  	s16 =	simm.s32 @!p1 $0x0;
	_ =	swait.ge [sflag:s17], $0x2800  }
0x244: {  	s18 =	sadd.s32 @!p1 s20, s12;
	s5 =	sadd.s32 @!p1 s20, s31;
	[sflag:s17] =	ssyncset.done $0x0  }
0x245: {  	s13 =	sadd.s32 @!p1 $0x64, s5;
	s7 =	simm.s32 @!p1 $0x14100;
	[sflag:s17] =	ssyncadd.s32 $0xFFFFD800  }
0x246: {  	[tilespmem:s7], [sflag:$0xB] =	stream.linear.gather @!p1 [hbm4b:s13+s16], $0x50, $0x38;
	[tilespmem:$0x1E800] =	vst v63  }
0x247: {  	s12 =	simm.s32 $0x9;
	s7 =	simm.s32 @!p1 $0x14500;
	s13 =	sadd.s32 @!p1 $0x64, s18  }
0x248: {  	[tilespmem:s7], [sflag:$0xB] =	stream.linear.gather @!p1 [hbm4b:s13+s16], $0x50, $0x38;
	[tilespmem:$0x1E800] =	vst v63  }
0x249: {  	_ =	swait.ge [sflag:s12], $0x50  }
0x24a: {  	[sflag:s12] =	ssyncset.done $0x0  }
0x24b: {  	[sflag:s12] =	ssyncadd.s32 $0xFFFFFFB0  }
0x24c: {  	_ =	swait.ge [sflag:s12], $0x50  }
0x24d: {  	[sflag:s12] =	ssyncset.done $0x0  }
0x24e: {  	s1 =	simm.s32 @!p0 $0x14000;
	[sflag:s12] =	ssyncadd.s32 $0xFFFFFFB0  }
0x24f: {  	[tilespmem:s22], [sflag:$0x1] =	stream.indirect.gather @!p0 [hbm4b:s2+s11], $0x80, s1, s11, $0xb8;
	[tilespmem:$0x1E800] =	vst v63  }
0x250: {  	_ =	swait.ge @!p0 [sflag:s6], $0x2800  }
0x251: {  	[sflag:s6] =	ssyncset.done @!p0 $0x0  }
0x252: {  	s13 =	simm.s32 $0x14700;
	[sflag:s6] =	ssyncadd.s32 @!p0 $0xFFFFD800  }
0x253: {  	[spmem:s15] =	stream.indirect.scatter.add.f32 [tilespmem:s29], [sflag:$0x7], $0x80, s13, s14, $0xb8;
	[tilespmem:$0x1E800] =	vst v63  }
0x254: {  	_ =	swait.ge [sflag:s4], $0x2800  }
0x255: {  	[sflag:s4] =	ssyncset.done $0x0  }
0x256: {  	s5 =	sadd.s32 @!p1 $0x6E, s5;
	s6 =	simm.s32 @!p1 $0x14180;
	[sflag:s4] =	ssyncadd.s32 $0xFFFFD800  }
0x257: {  	[tilespmem:s6], [sflag:$0xC] =	stream.linear.gather @!p1 [hbm4b:s5+s16], $0x50, $0x38;
	[tilespmem:$0x1E800] =	vst v63  }
0x258: {  	s5 =	sadd.s32 @!p1 $0x6E, s18;
	s6 =	simm.s32 @!p1 $0x14580  }
0x259: {  	[tilespmem:s6], [sflag:$0xC] =	stream.linear.gather @!p1 [hbm4b:s5+s16], $0x50, $0x38;
	[tilespmem:$0x1E800] =	vst v63  }
0x25a: {  	_ =	swait.ge [sflag:s30], $0x50  }
0x25b: {  	[sflag:s30] =	ssyncset.done $0x0  }
0x25c: {  	[sflag:s30] =	ssyncadd.s32 $0xFFFFFFB0  }
0x25d: {  	_ =	swait.ge [sflag:s30], $0x50  }
0x25e: {  	[sflag:s30] =	ssyncset.done $0x0  }
0x25f: {  	s1 =	simm.s32 @!p0 $0x14080;
	[sflag:s30] =	ssyncadd.s32 $0xFFFFFFB0  }
0x260: {  	[tilespmem:s21], [sflag:$0x2] =	stream.indirect.gather @!p0 [hbm4b:s2+s11], $0x80, s1, s11, $0xb8;
	[tilespmem:$0x1E800] =	vst v63  }
0x261: {  	_ =	swait.ge @!p0 [sflag:s9], $0x2800  }
0x262: {  	[sflag:s9] =	ssyncset.done @!p0 $0x0  }
0x263: {  	s20 =	simm.s32 $0x14780;
	s21 =	simm.s32 $0x1C000;
	[sflag:s9] =	ssyncadd.s32 @!p0 $0xFFFFD800  }
0x264: {  	[spmem:s15] =	stream.indirect.scatter.add.f32 [tilespmem:s21], [sflag:$0x8], $0x80, s20, s14, $0xb8;
	[tilespmem:$0x1E800] =	vst v63  }
0x265: {  	_ =	swait.ge [sflag:s28], $0x2800  }
0x266: {  	s0 =	simm.s32 @p0 $0x50;
	[sflag:s28] =	ssyncset.done $0x0  }
0x267: {  	s5 =	simm.s32 @p0 $0x14400;
	s6 =	simm.s32 @p0 $0x14800;
	[sflag:s28] =	ssyncadd.s32 $0xFFFFD800  }
0x268: {  	[spmem:s15] =	stream.indirect.scatter.add.f32 @p0 [tilespmem:s6], [sflag:$0x5], $0x80, s5, s0, $0xb8;
	[tilespmem:$0x1E800] =	vst v63  }
0x269: {  	_ =	swait.ge @!p0 [sflag:s10], $0x2800  }
0x26a: {  	s3 =	simm.s32 @!p0 $0x14400;
	[sflag:s10] =	ssyncset.done @!p0 $0x0  }
0x26b: {  	s0 =	simm.s32 @!p0 $0x50;
	s5 =	simm.s32 @!p0 $0x14800;
	[sflag:s10] =	ssyncadd.s32 @!p0 $0xFFFFD800  }
0x26c: {  	[spmem:s15] =	stream.indirect.scatter.add.f32 @!p0 [tilespmem:s5], [sflag:$0x5], $0x80, s3, s0, $0xb8;
	[tilespmem:$0x1E800] =	vst v63  }
0x26d: {  	s0 =	simm.s32 @!p0 $0x8  }
0x26e: {  	_ =	swait.ge @!p0 [sflag:s0], $0x2800  }
0x26f: {  	[sflag:s0] =	ssyncset.done @!p0 $0x0  }
0x270: {  	s8 =	simm.s32 @p0 $0x8;
	[sflag:s0] =	ssyncadd.s32 @!p0 $0xFFFFD800  }
0x271: {  	_ =	swait.ge [sflag:s8], $0x2800  }
0x272: {  	[sflag:s8] =	ssyncset.done $0x0  }
0x273: {  	s23 =	simm.s32 $0x14480;
	[sflag:s8] =	ssyncadd.s32 $0xFFFFD800  }
0x274: {  	[spmem:s15] =	stream.indirect.scatter.add.f32 [tilespmem:s19], [sflag:$0x6], $0x80, s23, s14, $0xb8;
	[tilespmem:$0x1E800] =	vst v63  }
0x275: {  	_ =	swait.ge [sflag:s17], $0x2800  }
0x276: {  	[sflag:s17] =	ssyncset.done $0x0  }
0x277: {  	[sflag:s17] =	ssyncadd.s32 $0xFFFFD800  }
0x278: {  	_ =	swait.ge [sflag:s4], $0x2800  }
0x279: {  	[sflag:s4] =	ssyncset.done $0x0  }
0x27a: {  	[sflag:s4] =	ssyncadd.s32 $0xFFFFD800  }
0x27b: {  	s22 =	stileid.u32;
	[bflag:$0x0] =	sbarrier.arrive $0xFFFF  }
0x27c: {  	s5 =	simm.s32 $0x11;
	s0 =	sshll.u32 s22, $0x6;
	s7 =	rddreg [dreg:$0xa]  }
0x27d: {  	s0 =	sor.u32 $0x1C11, s0;
	s28 =	rddreg [dreg:$0x18];
	s23 =	sshrl.u32 s7, $0x3  }
0x27e: {  	[hbm:s28], [sflag:s0] =	dma.local [spmem:s23], $0x2800  }
0x27f: {  	_ =	swait.ge [sflag:s5], $0x2800  }
0x280: {  	s29 =	rddreg [dreg:$0x1c]  }
0x281: {  	s12 =	simm.s32 $0x14480;
	s30 =	rddreg [dreg:$0x19];
	s3 =	sadd.s32 $0x1, s29  }
0x282: {  	s13 =	simm.s32 $0x14080;
	s18 =	simm.s32 $0xB;
	p1 =	sne.s32 s3, s30  }
.Ltmp6:
0x283: {  	s11 =	simm.s32 $0x14600;
	s1 =	simm.s32 $0x50;
	(pc) =	sbr.rel @p1 .LBB2_1-.Ltmp6, $4  }
0x284: {  	s9 =	simm.s32 $0x9;
	s20 =	simm.s32 $0x14400;
	s21 =	simm.s32 $0x14680  }
0x285: {  	s6 =	simm.s32 $0x14500;
	s10 =	simm.s32 $0x5;
	s22 =	simm.s32 $0xC  }
0x286: {  	s8 =	simm.s32 $0x14580;
	s14 =	simm.s32 $0x14000;
	[sflag:s5] =	ssyncset.done $0x0  }
0x287: {  	s19 =	simm.s32 $0x14780;
	s4 =	simm.s32 $0x14700;
	[sflag:s5] =	ssyncadd.s32 $0xFFFFD800  }
0x288: {  	_ =	sfence.sel $0x180000  }
0x289: {  	[bflag:$0x0] =	sbarrier.arrive $0xFFFF  }
0x28a: {  	_ =	strace $0x90000047  }
0x28b: {  	s0 =	stileid.u32;
	[bflag:$0x2] =	sbarrier.arrive $0xFFFF  }
0x28c: {  	p0 =	sne.s32 s0, $0x0;
	s0 =	rddreg [dreg:$0x3]  }
0x28d: {  	s0 =	sadd.s32 @!p0 $0x100000, s0  }
0x28e: {  	[sflag:s0] =	ssyncadd.tile.s32 @!p0 $0x1;
	_ =	shalt  }
.Lfunc_end2:
_tile_overlayer_lowered:
.L_overlay_start_2:
0x28f: {  	(tag) =	ssettag $0x2  }
0x290: {  	s0 =	rddreg [dreg:$0x0];
	s2 =	stileid.u32  }
0x291: {  	s1 =	rddreg [dreg:$0x1];
	p0 =	sne.s32 s2, $0x0  }
0x292: {  	s3 =	rddreg [dreg:$0x2];
	[bflag:$0x3] =	sbarrier.arrive $0xFFFF;
	s2 =	simm.s32 @!p0 $0x1C11  }
0x293: {  	[timem:s3], [sflag:s2] =	dma.local @!p0 [hbm:s0], s1  }
0x294: {  	s0 =	simm.s32 @!p0 $0x11  }
0x295: {  	_ =	swait.ge @!p0 [sflag:s0], s1  }
0x296: {  	s1 =	ssub.s32 @!p0 $0x0, s1;
	[sflag:s0] =	ssyncset.done @!p0 $0x0  }
0x297: {  	[sflag:s0] =	ssyncadd.s32 @!p0 s1  }
0x298: {  	[bflag:$0x3] =	sbarrier.arrive $0xFFFF  }
0x299: {  	_ =	shalt  }

// kernel: kernel.9.cloned.1.call-start
scs
__scs_entry_jumppad:
0x0: {  	(pc) =	sbr.rel $0x88, $3  }
0x1: {  	(tag) =	ssettag $0x0;
	lr =	simm.s32 $0x1  }
0x2: {  	[smem:$0x3F99] =	sst lr;
	_ =	strace $0xD0000000  }
0x3: {  	_ = 	snop  }
0x4: {  	_ = 	snop  }
0x5: {  	_ = 	snop  }
0x6: {  	_ = 	snop  }
0x7: {  	_ = 	snop  }
__scs_overlays_trampoline_lowered:
0x8: {  	[smem:$0x3FA8] =	sst s0  }
0x9: {  	[smem:$0x3FA9] =	sst s1  }
0xa: {  	[smem:$0x3FAA] =	sst s2  }
0xb: {  	[smem:$0x3FAB] =	sst s3  }
0xc: {  	[smem:$0x3FAC] =	sst s4  }
0xd: {  	[smem:$0x3FAD] =	sst s5  }
0xe: {  	[smem:$0x3FAE] =	sst s6  }
0xf: {  	[smem:$0x3FAF] =	sst s7  }
0x10: {  	[smem:$0x3FB0] =	sst s8  }
0x11: {  	[smem:$0x3FB1] =	sst s9;
	s0 =	simm.s32 @!p0 $0x0  }
0x12: {  	s1 =	sld [smem:$0x3F97];
	s0 =	simm.s32 @p0 $0x1  }
0x13: {  	[smem:$0x3FB2] =	sst s0;
	s0 =	simm.s32 @!p1 $0x0  }
0x14: {  	s2 =	sld [smem:$0x3F96];
	s0 =	simm.s32 @p1 $0x1  }
0x15: {  	[smem:$0x3FB3] =	sst s0;
	s0 =	simm.s32 @!p2 $0x0  }
0x16: {  	s3 =	sld [smem:$0x3FDB];
	s0 =	simm.s32 @p2 $0x1  }
0x17: {  	s4 =	simm.s32 $0x1BF5;
	[smem:$0x3FB5] =	sst s0  }
0x18: {  	s0 =	sld [smem:$0x3F98];
	_ =	swait.ge [sflag:s4], $0x0  }
0x19: {  	s7 =	sld [smem:$0x3F99]  }
0x1a: {  	s8 =	sadd.s32 $0xFFFFE003, lr  }
0x1b: {  	s9 =	sadd.s32 $0xFFFFFEF7, lr;
	s5 =	simm.s32 $0xFFFFFFFF;
	p2 =	slt.u32 s8, $0xFFFFF086  }
0x1c: {  	p1 =	slt.u32 s9, $0xF7A;
	s5 =	simm.s32 @!p2 $0x0  }
0x1d: {  	s5 =	simm.s32 @p1 $0x1;
	p0 =	seq.s32 s7, s2  }
0x1e: {  	s7 =	smul.u32 @!p0 $0xF7A, s2;
	p2 =	seq.s32 @!p0 s5, $0x0  }
0x1f: {  	s9 =	smul.u32 $0xF7A, s1;
	s8 =	simm.s32 @!p0 $0x1BF5;
	p2 =	por !p2, p0  }
0x20: {  	[sflag:s8] =	ssyncset.s32 @!p0 $0xFFFFF086;
	s6 =	sadd.s32 @!p0 s3, s7;
	s7 =	simm.s32 @!p0 $0x108  }
0x21: {  	s3 =	sadd.s32 s3, s9;
	s6 =	sadd.s32 @!p0 $0x88, s6;
	s7 =	simm.s32 @p2 $0x1082  }
0x22: {  	[simem:s7], [sflag:s8] =	dma.local @!p0 [hbm:s6], $0xF7A  }
0x23: {  	s9 =	sor.u32 $0xD0000000, s2;
	s6 =	simm.s32 $0x108;
	_ =	swait.ge @!p0 [sflag:s8], $0x0  }
0x24: {  	s3 =	sadd.s32 $0x88, s3;
	s6 =	simm.s32 @!p1 $0x1082;
	[sflag:s4] =	ssyncset.s32 $0xFFFFF086  }
0x25: {  	[simem:s6], [sflag:s4] =	dma.local [hbm:s3], $0xF7A  }
0x26: {  	[smem:$0x3F99] =	sst s1;
	(tag) =	ssettag s2;
	_ =	strace s9  }
0x27: {  	s1 =	sld [smem:$0x3FA9]  }
0x28: {  	s2 =	sld [smem:$0x3FAA]  }
0x29: {  	s4 =	sld [smem:$0x3FAC]  }
0x2a: {  	p0 =	seq.s32 s5, $0x0;
	s5 =	sld [smem:$0x3FAD]  }
0x2b: {  	s6 =	sld [smem:$0x3FAE]  }
0x2c: {  	s7 =	sld [smem:$0x3FAF]  }
0x2d: {  	s3 =	simm.s32 $0x108;
	s8 =	sld [smem:$0x3FB0]  }
0x2e: {  	s3 =	simm.s32 @!p0 $0x1082;
	s9 =	sld [smem:$0x3FB1]  }
0x2f: {  	lr =	sadd.s32 s0, s3;
	s0 =	sld [smem:$0x3FA8]  }
0x30: {  	s3 =	sld [smem:$0x3FAB]  }
0x31: {  	[smem:$0x3FB4] =	sst s10  }
0x32: {  	s10 =	sld [smem:$0x3FB2];
	_ =	sdelay $0x3  }
0x33: {  	p0 =	seq.s32 s10, $0x1;
	s10 =	sld [smem:$0x3FB4];
	_ =	sdelay $0x3  }
0x34: {  	[smem:$0x3FB4] =	sst s10  }
0x35: {  	s10 =	sld [smem:$0x3FB3];
	_ =	sdelay $0x3  }
0x36: {  	p1 =	seq.s32 s10, $0x1;
	s10 =	sld [smem:$0x3FB4];
	_ =	sdelay $0x3  }
0x37: {  	[smem:$0x3FB4] =	sst s10  }
0x38: {  	s10 =	sld [smem:$0x3FB5]  }
0x39: {  	_ = 	snop;
	(pc) =	sbr.ind lr, $3  }
0x3a: {  	_ = 	snop  }
0x3b: {  	_ = 	snop  }
0x3c: {  	p2 =	seq.s32 s10, $0x1;
	s10 =	sld [smem:$0x3FB4]  }
0x3d: {  	_ =	shalt  }
0x3e: {  	_ =	shalt  }
0x3f: {  	_ =	shalt  }
0x40: {  	_ =	shalt  }
0x41: {  	_ =	shalt  }
0x42: {  	_ =	shalt  }
0x43: {  	_ =	shalt  }
0x44: {  	_ =	shalt  }
0x45: {  	_ =	shalt  }
0x46: {  	_ =	shalt  }
0x47: {  	_ =	shalt  }
0x48: {  	_ =	shalt  }
0x49: {  	_ =	shalt  }
0x4a: {  	_ =	shalt  }
0x4b: {  	_ =	shalt  }
0x4c: {  	_ =	shalt  }
0x4d: {  	_ =	shalt  }
0x4e: {  	_ =	shalt  }
0x4f: {  	_ =	shalt  }
0x50: {  	_ =	shalt  }
0x51: {  	_ =	shalt  }
0x52: {  	_ =	shalt  }
0x53: {  	_ =	shalt  }
0x54: {  	_ =	shalt  }
0x55: {  	_ =	shalt  }
0x56: {  	_ =	shalt  }
0x57: {  	_ =	shalt  }
0x58: {  	_ =	shalt  }
0x59: {  	_ =	shalt  }
0x5a: {  	_ =	shalt  }
0x5b: {  	_ =	shalt  }
0x5c: {  	_ =	shalt  }
0x5d: {  	_ =	shalt  }
0x5e: {  	_ =	shalt  }
0x5f: {  	_ =	shalt  }
0x60: {  	_ =	shalt  }
0x61: {  	_ =	shalt  }
0x62: {  	_ =	shalt  }
0x63: {  	_ =	shalt  }
0x64: {  	_ =	shalt  }
0x65: {  	_ =	shalt  }
0x66: {  	_ =	shalt  }
0x67: {  	_ =	shalt  }
0x68: {  	_ =	shalt  }
0x69: {  	_ =	shalt  }
0x6a: {  	_ =	shalt  }
0x6b: {  	_ =	shalt  }
0x6c: {  	_ =	shalt  }
0x6d: {  	_ =	shalt  }
0x6e: {  	_ =	shalt  }
0x6f: {  	_ =	shalt  }
0x70: {  	_ =	shalt  }
0x71: {  	_ =	shalt  }
0x72: {  	_ =	shalt  }
0x73: {  	_ =	shalt  }
0x74: {  	_ =	shalt  }
0x75: {  	_ =	shalt  }
0x76: {  	_ =	shalt  }
0x77: {  	_ =	shalt  }
0x78: {  	_ =	shalt  }
0x79: {  	_ =	shalt  }
0x7a: {  	_ =	shalt  }
0x7b: {  	_ =	shalt  }
0x7c: {  	_ =	shalt  }
0x7d: {  	_ =	shalt  }
0x7e: {  	_ =	shalt  }
0x7f: {  	_ =	shalt  }
0x80: {  	_ =	shalt  }
0x81: {  	_ =	shalt  }
0x82: {  	_ =	shalt  }
0x83: {  	_ =	shalt  }
0x84: {  	_ =	shalt  }
0x85: {  	_ =	shalt  }
0x86: {  	_ =	shalt  }
0x87: {  	_ =	shalt  }
.Lfunc_end0:
.L_simem_size_0:
called_computation.1_lowered:
.L_overlay_start_0:
0x88: {  	s2 =	sld [smem:$0x3FD9]  }
0x89: {  	s3 =	sld [smem:$0x3FFE];
	_ =	sdelay $0x1  }
0x8a: {  	s1 =	srdreg.scid  }
0x8b: {  	s0 =	sand.u32 $0x1, s1  }
0x8c: {  	s17 =	sshll.u32 s0, $0xA;
	s2 =	sadd.s32 s3, s2  }
0x8d: {  	s2 =	sadd.s32 s2, s17  }
0x8e: {  	[smem:$0x3FC0] =	sst s2  }
0x8f: {  	_ = 	snop  }
0x90: {  	s2 =	sld [smem:$0x3FD0];
	(tm) =	ssettm $0x1  }
0x91: {  	s18 =	sld [smem:$0x3FFB];
	_ =	sdelay $0x3  }
0x92: {  	_ =	strace s18  }
0x93: {  	s3 =	sld [smem:$0x3FFC];
	_ =	sdelay $0x3  }
0x94: {  	_ =	strace s3  }
0x95: {  	s3 =	sld [smem:$0x3FFD];
	_ =	sdelay $0x3  }
0x96: {  	_ =	strace s3  }
0x97: {  	_ =	strace $0x8FFFFFFF  }
0x98: {  	s19 =	sld [smem:$0x3FDB];
	_ =	sdelay $0x1  }
0x99: {  	s4 =	simm.s32 $_scs_section_size  }
0x9a: {  	s5 =	simm.s32 $_size__tile_overlayer_lowered;
	s6 =	simm.s32 $_tile_overlayer_lowered  }
0x9b: {  	s22 =	simm.s32 $0x1BFF;
	s21 =	sshll.u32 s6, $0x1;
	s3 =	sadd.s32 s4, s19  }
0x9c: {  	s7 =	simm.s32 $0x0;
	s20 =	sshll.u32 s5, $0x1;
	s5 =	sadd.s32 s21, s3  }
0x9d: {  	[timem:s7], [sflag:s22] =	dma.local [hbm:s5], s20  }
0x9e: {  	_ =	swait.ge [sflag:s22], s20  }
0x9f: {  	s4 =	ssub.s32 $0x0, s20;
	[sflag:s22] =	ssyncset.done $0x0  }
0xa0: {  	[sflag:s22] =	ssyncadd.s32 s4;
	_ =	sdelay $0x1  }
0xa1: {  	s23 =	simm.s32 $0x1B8B  }
0xa2: {  	_ =	swait.ge [sflag:s23], $0x1  }
0xa3: {  	[sflag:s23] =	ssyncset.done $0x0  }
0xa4: {  	s25 =	simm.s32 $0x1B8E;
	s24 =	sld [smem:$0x3FFE];
	[sflag:s23] =	ssyncadd.s32 $0xFFFFFFFF  }
0xa5: {  	s26 =	simm.s32 $execute0_lowered;
	[smem:$0x3FD2] =	sst s25  }
0xa6: {  	s5 =	sshll.u32 s26, $0x1;
	_ =	strace $0x80000049;
	[dreg:$0x1] =	wrdreg $0xFFFFFFFF  }
0xa7: {  	s28 =	simm.s32 $_size_execute0_lowered;
	s3 =	sadd.s32 s3, s5;
	[dreg:$0x0] =	wrdreg $0x0  }
0xa8: {  	s5 =	sshll.u32 s28, $0x1;
	[dreg:$0x2] =	wrdreg s3  }
0xa9: {  	[dreg:$0x3] =	wrdreg s5  }
0xaa: {  	[dreg:$0x4] =	wrdreg $0xC0  }
0xab: {  	_ =	task [dreg:s7], $0x5FFFF  }
0xac: {  	[dreg:$0x1] =	wrdreg $0xFFFFFFFF  }
0xad: {  	[dreg:$0x0] =	wrdreg $0x60  }
0xae: {  	[dreg:$0x2] =	wrdreg s2  }
0xaf: {  	[dreg:$0x3] =	wrdreg s24  }
0xb0: {  	[dreg:$0x4] =	wrdreg $0x0  }
0xb1: {  	[dreg:$0x5] =	wrdreg $0x9  }
0xb2: {  	_ =	task.clear_ibuf [dreg:s7], $0x6FFFF;
	_ =	strace $0x90000049  }
0xb3: {  	s29 =	simm.s32 $0x9;
	_ =	strace $0x8000004B  }
0xb4: {  	_ =	swait.ge [sflag:s29], $0x1  }
0xb5: {  	[sflag:s29] =	ssyncadd.s32 $0xFFFFFFFF  }
0xb6: {  	_ =	strace $0x9000004B  }
0xb7: {  	_ =	sfence  }
0xb8: {  	s30 =	sld [smem:$0x0];
	_ =	sdelay $0x2  }
0xb9: {  	s31 =	sshll.u32 s1, $0xD;
	s1 =	sshrl.u32 s1, $0x2  }
0xba: {  	s3 =	sand.u32 $0x4000, s31;
	s1 =	sadd.s32 s1, s30  }
0xbb: {  	s0 =	sor.u32 s3, s0;
	s1 =	sshll.u32 s1, $0x11  }
0xbc: {  	s0 =	sor.u32 s1, s0  }
0xbd: {  	s0 =	sadd.s32 $0x8F2B, s0  }
0xbe: {  	[sflag:s0] =	ssyncadd.remote.s32 $0x1  }
0xbf: {  	_ =	sfence.sel $0xFFFF  }
0xc0: {  	[dreg:$0x0] =	wrdreg $0xFFFFFFFF;
	(pc) =	sbr.abs _section_cstart, $3  }
0xc1: {  	[dreg:$0x1] =	wrdreg $0xFFFFFFFF  }
0xc2: {  	_ =	task.clear_ibuf [dreg:s7], $0x2FFFF;
	_ =	strace $0x9FFFFFFF  }
0xc3: {  	(tm) =	ssettm $0x7FFFFFFF  }
tec
execute0_lowered:
.L_overlay_start_1:
0x0: {  	(tag) =	ssettag $0x1  }
0x1: {  	s3 =	rddreg [dreg:$0x0]  }
0x2: {  	s1 =	rddreg [dreg:$0x1];
	s2 =	srdreg.scid  }
0x3: {  	s9 =	rddreg [dreg:$0x2];
	s10 =	stileid.u32  }
0x4: {  	s16 =	simm.s32 $0x0;
	s2 =	sand.u32 $0x1, s2;
	s8 =	smul.u32 $0x50000, s10  }
0x5: {  	s7 =	smul.u32 $0x14000, s10;
	[smem:$0x7FF] =	sst s16;
	s5 =	sadd.s32 $0xB800, s1  }
0x6: {  	s6 =	smul.u32 $0x140000, s2;
	_ =	strace $0x8000004A;
	s8 =	sshrl.u32 s8, $0x2  }
0x7: {  	s23 =	ssub.s32 $0x2, s2;
	s2 =	sshll.u32 s2, $0x4;
	s18 =	sadd.s32 s8, s9  }
0x8: {  	s0 =	sshrl.u32 s23, $0x1;
	s24 =	sadd.s32 $0x2800, s18;
	[dreg:$0xb] =	wrdreg s18  }
0x9: {  	s2 =	sor.u32 s10, s2;
	s25 =	sadd.s32 $0x5000, s18;
	[dreg:$0xc] =	wrdreg s24  }
0xa: {  	s7 =	sadd.s32 s7, s6;
	s26 =	sadd.s32 $0x7800, s18;
	[dreg:$0xd] =	wrdreg s25  }
0xb: {  	s6 =	sadd.s32 $0x1A00, s1;
	s28 =	sadd.s32 $0xA000, s18;
	[dreg:$0xe] =	wrdreg s26  }
0xc: {  	s0 =	ssub.s32 s23, s0;
	s29 =	sadd.s32 $0xC800, s18;
	[dreg:$0xf] =	wrdreg s28  }
0xd: {  	s7 =	sshrl.u32 s7, $0x3;
	[dreg:$0x10] =	wrdreg s29;
	s26 =	smax.u32 s0, $0x1  }
0xe: {  	s1 =	sadd.s32 s7, s1;
	s28 =	sadd.s32 $0xF000, s18;
	[dreg:$0x1c] =	wrdreg s26  }
0xf: {  	s7 =	smul.u32 $0x2710, s2;
	s29 =	sadd.s32 $0x11800, s18;
	[dreg:$0x1d] =	wrdreg s28  }
0x10: {  	[dreg:$0x1e] =	wrdreg s29  }
0x11: {  	s1 =	sadd.s32 $0x65600, s1;
	[dreg:$0xa] =	wrdreg s7  }
0x12: {  	s14 =	sadd.s32 $0x1E0, s7;
	[dreg:$0x1b] =	wrdreg s1  }
0x13: {  	s17 =	sadd.s32 $0x230, s7;
	[dreg:$0x4] =	wrdreg s14  }
0x14: {  	s19 =	sadd.s32 $0x280, s7;
	[dreg:$0x5] =	wrdreg s17  }
0x15: {  	s20 =	sadd.s32 $0x2D0, s7;
	[dreg:$0x6] =	wrdreg s19  }
0x16: {  	s22 =	sadd.s32 $0x320, s7;
	[dreg:$0x7] =	wrdreg s20  }
0x17: {  	s4 =	sshrl.u32 s7, $0x3;
	s24 =	sadd.s32 $0x370, s7;
	[dreg:$0x8] =	wrdreg s22  }
0x18: {  	s10 =	sadd.s32 s5, s4;
	[dreg:$0x9] =	wrdreg s24  }
0x19: {  	s11 =	sadd.s32 s6, s4;
	s12 =	sadd.s32 $0xA, s4;
	[dreg:$0x11] =	wrdreg s10  }
0x1a: {  	s30 =	simm.s32 $0x14000;
	[dreg:$0x12] =	wrdreg s11;
	s13 =	sadd.s32 s5, s12  }
0x1b: {  	s15 =	sadd.s32 $0x14, s4;
	s8 =	sadd.s32 s6, s12;
	[dreg:$0x13] =	wrdreg s13  }
0x1c: {  	s31 =	simm.s32 $0x14400;
	s11 =	sadd.s32 s5, s15;
	[dreg:$0x14] =	wrdreg s8  }
0x1d: {  	s21 =	sadd.s32 $0x1E, s4;
	s10 =	sadd.s32 s6, s15;
	[dreg:$0x15] =	wrdreg s11  }
0x1e: {  	s2 =	sadd.s32 $0x4D8, s4;
	s23 =	sadd.s32 s5, s21;
	[dreg:$0x16] =	wrdreg s10  }
0x1f: {  	s7 =	simm.s32 $0x17000;
	s25 =	sadd.s32 s5, s2;
	[dreg:$0x17] =	wrdreg s23  }
0x20: {  	s17 =	simm.s32 $0x14800;
	s2 =	sadd.s32 s6, s2;
	[dreg:$0x19] =	wrdreg s25  }
0x21: {  	s15 =	simm.s32 $0x50;
	s10 =	sadd.s32 s6, s21;
	[dreg:$0x1a] =	wrdreg s2  }
0x22: {  	v0 =	vimm.f32 $0.0e+00;
	s23 =	simm.s32 $0x11;
	s11 =	simm.s32 $0x0;
	[dreg:$0x18] =	wrdreg s10  }
.LBB2_1:
0x23: {  	[dreg:$0x1f] =	wrdreg s11;
	s10 =	simm.s32 $0x70;
	s11 =	simm.s32 $0x3C0  }
.LBB2_2:
0x24: {  	p0 =	sne.s32 s11, $0x9FC0;
	[tilespmem:s10+$0x14800] =	vst v0  }
0x25: {  	[tilespmem:s10+$0x14790] =	vst v0  }
0x26: {  	[tilespmem:s10+$0x147A0] =	vst v0  }
.Ltmp0:
0x27: {  	[tilespmem:s10+$0x147B0] =	vst v0;
	(pc) =	sbr.rel @p0 .LBB2_2-.Ltmp0, $4  }
0x28: {  	[tilespmem:s10+$0x147C0] =	vst v0  }
0x29: {  	[tilespmem:s10+$0x147D0] =	vst v0  }
0x2a: {  	[tilespmem:s10+$0x147E0] =	vst v0  }
0x2b: {  	[tilespmem:s10+$0x147F0] =	vst v0;
	s10 =	sshra.s32 s11, $0x2;
	s11 =	sadd.s32 $0x200, s11  }
0x2c: {  	[tilespmem:s10+$0x14800] =	vst v0  }
0x2d: {  	[tilespmem:s10+$0x14790] =	vst v0  }
0x2e: {  	[tilespmem:s10+$0x147A0] =	vst v0  }
0x2f: {  	[tilespmem:s10+$0x147B0] =	vst v0  }
0x30: {  	[tilespmem:s10+$0x147C0] =	vst v0  }
0x31: {  	[tilespmem:s10+$0x147D0] =	vst v0  }
0x32: {  	[tilespmem:s10+$0x147E0] =	vst v0  }
0x33: {  	[tilespmem:s10+$0x147F0] =	vst v0  }
0x34: {  	[spmem:s18] =	stream.linear.scatter [tilespmem:s17], [sflag:$0x11], $0x2800, $0x38;
	[tilespmem:$0x1E800] =	vst v63  }
0x35: {  	_ =	swait.ge [sflag:s23], $0x2800  }
0x36: {  	[sflag:s23] =	ssyncset.done $0x0  }
0x37: {  	s20 =	rddreg [dreg:$0xc];
	[sflag:s23] =	ssyncadd.s32 $0xFFFFD800  }
0x38: {  	[spmem:s20] =	stream.linear.scatter [tilespmem:s17], [sflag:$0x11], $0x2800, $0x38;
	[tilespmem:$0x1E800] =	vst v63  }
0x39: {  	_ =	swait.ge [sflag:s23], $0x2800  }
0x3a: {  	[sflag:s23] =	ssyncset.done $0x0  }
0x3b: {  	s21 =	rddreg [dreg:$0xd];
	[sflag:s23] =	ssyncadd.s32 $0xFFFFD800  }
0x3c: {  	[spmem:s21] =	stream.linear.scatter [tilespmem:s17], [sflag:$0x11], $0x2800, $0x38;
	[tilespmem:$0x1E800] =	vst v63  }
0x3d: {  	_ =	swait.ge [sflag:s23], $0x2800  }
0x3e: {  	[sflag:s23] =	ssyncset.done $0x0  }
0x3f: {  	s22 =	rddreg [dreg:$0xe];
	[sflag:s23] =	ssyncadd.s32 $0xFFFFD800  }
0x40: {  	[spmem:s22] =	stream.linear.scatter [tilespmem:s17], [sflag:$0x11], $0x2800, $0x38;
	[tilespmem:$0x1E800] =	vst v63  }
0x41: {  	_ =	swait.ge [sflag:s23], $0x2800  }
0x42: {  	[sflag:s23] =	ssyncset.done $0x0  }
0x43: {  	s24 =	rddreg [dreg:$0xf];
	[sflag:s23] =	ssyncadd.s32 $0xFFFFD800  }
0x44: {  	[spmem:s24] =	stream.linear.scatter [tilespmem:s17], [sflag:$0x11], $0x2800, $0x38;
	[tilespmem:$0x1E800] =	vst v63  }
0x45: {  	_ =	swait.ge [sflag:s23], $0x2800  }
0x46: {  	[sflag:s23] =	ssyncset.done $0x0  }
0x47: {  	s25 =	rddreg [dreg:$0x10];
	[sflag:s23] =	ssyncadd.s32 $0xFFFFD800  }
0x48: {  	[spmem:s25] =	stream.linear.scatter [tilespmem:s17], [sflag:$0x11], $0x2800, $0x38;
	[tilespmem:$0x1E800] =	vst v63  }
0x49: {  	_ =	swait.ge [sflag:s23], $0x2800  }
0x4a: {  	[sflag:s23] =	ssyncset.done $0x0  }
0x4b: {  	s26 =	rddreg [dreg:$0x1d];
	[sflag:s23] =	ssyncadd.s32 $0xFFFFD800  }
0x4c: {  	[spmem:s26] =	stream.linear.scatter [tilespmem:s17], [sflag:$0x11], $0x2800, $0x38;
	[tilespmem:$0x1E800] =	vst v63  }
0x4d: {  	_ =	swait.ge [sflag:s23], $0x2800  }
0x4e: {  	[sflag:s23] =	ssyncset.done $0x0  }
0x4f: {  	s28 =	rddreg [dreg:$0x1e];
	[sflag:s23] =	ssyncadd.s32 $0xFFFFD800  }
0x50: {  	[spmem:s28] =	stream.linear.scatter [tilespmem:s17], [sflag:$0x11], $0x2800, $0x38;
	[tilespmem:$0x1E800] =	vst v63  }
0x51: {  	_ =	swait.ge [sflag:s23], $0x2800  }
0x52: {  	[sflag:s23] =	ssyncset.done $0x0  }
0x53: {  	[sflag:s23] =	ssyncadd.s32 $0xFFFFD800  }
0x54: {  	[bflag:$0x0] =	sbarrier.arrive $0xFFFF  }
0x55: {  	s10 =	simm.s32 $0x0;
	s11 =	rddreg [dreg:$0x11]  }
0x56: {  	[tilespmem:s30], [sflag:$0x9] =	stream.linear.gather [hbm4b:s11+s10], $0x50, $0x38;
	[tilespmem:$0x1E800] =	vst v63  }
0x57: {  	s29 =	rddreg [dreg:$0x12]  }
0x58: {  	[tilespmem:s31], [sflag:$0x9] =	stream.linear.gather [hbm4b:s29+s10], $0x50, $0x38;
	[tilespmem:$0x1E800] =	vst v63  }
0x59: {  	s24 =	simm.s32 $0x14080;
	s0 =	rddreg [dreg:$0x13]  }
0x5a: {  	[tilespmem:s24], [sflag:$0xA] =	stream.linear.gather [hbm4b:s0+s10], $0x50, $0x38;
	[tilespmem:$0x1E800] =	vst v63  }
0x5b: {  	s1 =	rddreg [dreg:$0x14];
	s29 =	simm.s32 $0x14480  }
0x5c: {  	[tilespmem:s29], [sflag:$0xA] =	stream.linear.gather [hbm4b:s1+s10], $0x50, $0x38;
	[tilespmem:$0x1E800] =	vst v63  }
0x5d: {  	s4 =	simm.s32 $0x14100;
	s2 =	rddreg [dreg:$0x15]  }
0x5e: {  	[tilespmem:s4], [sflag:$0xB] =	stream.linear.gather [hbm4b:s2+s10], $0x50, $0x38;
	[tilespmem:$0x1E800] =	vst v63  }
0x5f: {  	s8 =	rddreg [dreg:$0x16];
	s0 =	simm.s32 $0x14500  }
0x60: {  	[tilespmem:s0], [sflag:$0xB] =	stream.linear.gather [hbm4b:s8+s10], $0x50, $0x38;
	[tilespmem:$0x1E800] =	vst v63  }
0x61: {  	s13 =	simm.s32 $0x14180;
	s12 =	rddreg [dreg:$0x17]  }
0x62: {  	[tilespmem:s13], [sflag:$0xC] =	stream.linear.gather [hbm4b:s12+s10], $0x50, $0x38;
	[tilespmem:$0x1E800] =	vst v63  }
0x63: {  	s19 =	simm.s32 $0x9;
	s18 =	simm.s32 $0x14580;
	s14 =	rddreg [dreg:$0x18]  }
0x64: {  	[tilespmem:s18], [sflag:$0xC] =	stream.linear.gather [hbm4b:s14+s10], $0x50, $0x38;
	[tilespmem:$0x1E800] =	vst v63  }
0x65: {  	_ =	swait.ge [sflag:s19], $0x50  }
0x66: {  	[sflag:s19] =	ssyncset.done $0x0  }
0x67: {  	[sflag:s19] =	ssyncadd.s32 $0xFFFFFFB0  }
0x68: {  	_ =	swait.ge [sflag:s19], $0x50  }
0x69: {  	[sflag:s19] =	ssyncset.done $0x0  }
0x6a: {  	s21 =	simm.s32 $0xA;
	[sflag:s19] =	ssyncadd.s32 $0xFFFFFFB0  }
0x6b: {  	[tilespmem:s17], [sflag:$0x1] =	stream.indirect.gather [hbm4b:s3+s15], $0x80, s30, s15, $0xb8;
	[tilespmem:$0x1E800] =	vst v63  }
0x6c: {  	_ =	swait.ge [sflag:s21], $0x50  }
0x6d: {  	[sflag:s21] =	ssyncset.done $0x0  }
0x6e: {  	p0 =	por $0x1, $0x1;
	[sflag:s21] =	ssyncadd.s32 $0xFFFFFFB0  }
0x6f: {  	s11 =	simm.s32 @!p0 $0x140;
	_ =	swait.ge [sflag:s21], $0x50  }
0x70: {  	s11 =	simm.s32 @p0 $0x140;
	[sflag:s21] =	ssyncset.done $0x0  }
0x71: {  	s18 =	simm.s32 @!p0 $0x7;
	s1 =	rddreg [dreg:$0xa];
	[sflag:s21] =	ssyncadd.s32 $0xFFFFFFB0  }
0x72: {  	[tilespmem:s7], [sflag:$0x2] =	stream.indirect.gather [hbm4b:s3+s15], $0x80, s24, s15, $0xb8;
	[tilespmem:$0x1E800] =	vst v63  }
0x73: {  	s11 =	sadd.s32 s1, s11;
	_ =	swait.ge @!p0 [sflag:s18], $0x2800  }
0x74: {  	s11 =	sshrl.u32 s11, $0x3;
	[sflag:s18] =	ssyncset.done @!p0 $0x0  }
0x75: {  	s26 =	simm.s32 $0x14200;
	s20 =	sadd.s32 s5, s11;
	[sflag:s18] =	ssyncadd.s32 @!p0 $0xFFFFD800  }
0x76: {  	[tilespmem:s26], [sflag:$0xD] =	stream.linear.gather [hbm4b:s20+s16], $0x50, $0x38;
	[tilespmem:$0x1E800] =	vst v63  }
0x77: {  	s22 =	simm.s32 $0xB;
	s14 =	simm.s32 $0x14600;
	s11 =	sadd.s32 s6, s11  }
0x78: {  	[tilespmem:s14], [sflag:$0xD] =	stream.linear.gather [hbm4b:s11+s16], $0x50, $0x38;
	[tilespmem:$0x1E800] =	vst v63  }
0x79: {  	_ =	swait.ge [sflag:s22], $0x50  }
0x7a: {  	[sflag:s22] =	ssyncset.done $0x0  }
0x7b: {  	[sflag:s22] =	ssyncadd.s32 $0xFFFFFFB0  }
0x7c: {  	_ =	swait.ge [sflag:s22], $0x50  }
0x7d: {  	[sflag:s22] =	ssyncset.done $0x0  }
0x7e: {  	s0 =	simm.s32 $0x1;
	s20 =	simm.s32 $0x19800;
	[sflag:s22] =	ssyncadd.s32 $0xFFFFFFB0  }
0x7f: {  	[tilespmem:s20], [sflag:$0x3] =	stream.indirect.gather [hbm4b:s3+s15], $0x80, s4, s15, $0xb8;
	[tilespmem:$0x1E800] =	vst v63  }
0x80: {  	_ =	swait.ge [sflag:s0], $0x2800  }
0x81: {  	s11 =	simm.s32 @!p0 $0x190;
	[sflag:s0] =	ssyncset.done $0x0  }
0x82: {  	s18 =	simm.s32 @!p0 $0x8;
	s11 =	simm.s32 @p0 $0x190;
	[sflag:s0] =	ssyncadd.s32 $0xFFFFD800  }
0x83: {  	[spmem:s9] =	stream.indirect.scatter.add.f32 [tilespmem:s17], [sflag:$0x5], $0x80, s31, s15, $0xb8;
	[tilespmem:$0x1E800] =	vst v63  }
0x84: {  	s11 =	sadd.s32 s1, s11;
	_ =	swait.ge @!p0 [sflag:s18], $0x2800  }
0x85: {  	s11 =	sshrl.u32 s11, $0x3;
	[sflag:s18] =	ssyncset.done @!p0 $0x0  }
0x86: {  	s12 =	simm.s32 $0x14280;
	s23 =	sadd.s32 s5, s11;
	[sflag:s18] =	ssyncadd.s32 @!p0 $0xFFFFD800  }
0x87: {  	[tilespmem:s12], [sflag:$0xE] =	stream.linear.gather [hbm4b:s23+s16], $0x50, $0x38;
	[tilespmem:$0x1E800] =	vst v63  }
0x88: {  	s28 =	simm.s32 $0xC;
	s7 =	simm.s32 $0x14680;
	s11 =	sadd.s32 s6, s11  }
0x89: {  	[tilespmem:s7], [sflag:$0xE] =	stream.linear.gather [hbm4b:s11+s16], $0x50, $0x38;
	[tilespmem:$0x1E800] =	vst v63  }
0x8a: {  	_ =	swait.ge [sflag:s28], $0x50  }
0x8b: {  	[sflag:s28] =	ssyncset.done $0x0  }
0x8c: {  	[sflag:s28] =	ssyncadd.s32 $0xFFFFFFB0  }
0x8d: {  	_ =	swait.ge [sflag:s28], $0x50  }
0x8e: {  	[sflag:s28] =	ssyncset.done $0x0  }
0x8f: {  	s2 =	simm.s32 $0x14180;
	[sflag:s28] =	ssyncadd.s32 $0xFFFFFFB0;
	s28 =	simm.s32 $0x1C000  }
0x90: {  	[tilespmem:s28], [sflag:$0x4] =	stream.indirect.gather [hbm4b:s3+s15], $0x80, s2, s15, $0xb8;
	[tilespmem:$0x1E800] =	vst v63  }
0x91: {  	s2 =	simm.s32 $0x2  }
0x92: {  	_ =	swait.ge [sflag:s2], $0x2800  }
0x93: {  	[sflag:s2] =	ssyncset.done $0x0  }
0x94: {  	s25 =	simm.s32 $0x17000;
	s22 =	simm.s32 $0x5;
	[sflag:s2] =	ssyncadd.s32 $0xFFFFD800  }
0x95: {  	[spmem:s9] =	stream.indirect.scatter.add.f32 [tilespmem:s25], [sflag:$0x6], $0x80, s29, s15, $0xb8;
	[tilespmem:$0x1E800] =	vst v63  }
0x96: {  	_ =	swait.ge [sflag:s22], $0x2800  }
0x97: {  	s10 =	simm.s32 @p0 $0x0;
	s1 =	rddreg [dreg:$0x4]  }
0x98: {  	s11 =	sadd.s32 s10, s1  }
0x99: {  	[sflag:s22] =	ssyncset.done $0x0;
	s11 =	sshrl.u32 s11, $0x3  }
0x9a: {  	s23 =	simm.s32 $0x14300;
	[sflag:s22] =	ssyncadd.s32 $0xFFFFD800;
	s13 =	sadd.s32 s5, s11  }
0x9b: {  	[tilespmem:s23], [sflag:$0xF] =	stream.linear.gather [hbm4b:s13+s16], $0x50, $0x38;
	[tilespmem:$0x1E800] =	vst v63  }
0x9c: {  	s19 =	simm.s32 $0xD;
	s11 =	sadd.s32 s6, s11;
	s13 =	simm.s32 $0x14700  }
0x9d: {  	[tilespmem:s13], [sflag:$0xF] =	stream.linear.gather [hbm4b:s11+s16], $0x50, $0x38;
	[tilespmem:$0x1E800] =	vst v63  }
0x9e: {  	_ =	swait.ge [sflag:s19], $0x50  }
0x9f: {  	[sflag:s19] =	ssyncset.done $0x0  }
0xa0: {  	[sflag:s19] =	ssyncadd.s32 $0xFFFFFFB0  }
0xa1: {  	_ =	swait.ge [sflag:s19], $0x50  }
0xa2: {  	[sflag:s19] =	ssyncset.done $0x0  }
0xa3: {  	[sflag:s19] =	ssyncadd.s32 $0xFFFFFFB0;
	s19 =	simm.s32 $0x3  }
0xa4: {  	[tilespmem:s17], [sflag:$0x1] =	stream.indirect.gather [hbm4b:s3+s15], $0x80, s26, s15, $0xb8;
	[tilespmem:$0x1E800] =	vst v63  }
0xa5: {  	_ =	swait.ge [sflag:s19], $0x2800  }
0xa6: {  	[sflag:s19] =	ssyncset.done $0x0  }
0xa7: {  	s8 =	simm.s32 $0x14500;
	[sflag:s19] =	ssyncadd.s32 $0xFFFFD800  }
0xa8: {  	[spmem:s9] =	stream.indirect.scatter.add.f32 [tilespmem:s20], [sflag:$0x7], $0x80, s8, s15, $0xb8;
	[tilespmem:$0x1E800] =	vst v63  }
0xa9: {  	s1 =	smov.u32 s9;
	s9 =	simm.s32 $0x6  }
0xaa: {  	_ =	swait.ge [sflag:s9], $0x2800  }
0xab: {  	s26 =	rddreg [dreg:$0x5]  }
0xac: {  	s11 =	sadd.s32 s10, s26  }
0xad: {  	[sflag:s9] =	ssyncset.done $0x0;
	s11 =	sshrl.u32 s11, $0x3  }
0xae: {  	[sflag:s9] =	ssyncadd.s32 $0xFFFFD800;
	s26 =	simm.s32 $0x14380;
	s8 =	sadd.s32 s5, s11  }
0xaf: {  	[tilespmem:s26], [sflag:$0x10] =	stream.linear.gather [hbm4b:s8+s16], $0x50, $0x38;
	[tilespmem:$0x1E800] =	vst v63  }
0xb0: {  	s18 =	simm.s32 $0x14780;
	s11 =	sadd.s32 s6, s11  }
0xb1: {  	[tilespmem:s18], [sflag:$0x10] =	stream.linear.gather [hbm4b:s11+s16], $0x50, $0x38;
	[tilespmem:$0x1E800] =	vst v63  }
0xb2: {  	s11 =	simm.s32 $0xE  }
0xb3: {  	_ =	swait.ge [sflag:s11], $0x50  }
0xb4: {  	[sflag:s11] =	ssyncset.done $0x0  }
0xb5: {  	[sflag:s11] =	ssyncadd.s32 $0xFFFFFFB0  }
0xb6: {  	_ =	swait.ge [sflag:s11], $0x50  }
0xb7: {  	[sflag:s11] =	ssyncset.done $0x0  }
0xb8: {  	[sflag:s11] =	ssyncadd.s32 $0xFFFFFFB0  }
0xb9: {  	[tilespmem:s25], [sflag:$0x2] =	stream.indirect.gather [hbm4b:s3+s15], $0x80, s12, s15, $0xb8;
	[tilespmem:$0x1E800] =	vst v63  }
0xba: {  	s12 =	simm.s32 $0x4  }
0xbb: {  	_ =	swait.ge [sflag:s12], $0x2800  }
0xbc: {  	[sflag:s12] =	ssyncset.done $0x0  }
0xbd: {  	s18 =	simm.s32 $0x7;
	[sflag:s12] =	ssyncadd.s32 $0xFFFFD800;
	s12 =	simm.s32 $0x14580  }
0xbe: {  	[spmem:s1] =	stream.indirect.scatter.add.f32 [tilespmem:s28], [sflag:$0x8], $0x80, s12, s15, $0xb8;
	[tilespmem:$0x1E800] =	vst v63  }
0xbf: {  	_ =	swait.ge [sflag:s18], $0x2800  }
0xc0: {  	s11 =	rddreg [dreg:$0x6]  }
0xc1: {  	s11 =	sadd.s32 s10, s11  }
0xc2: {  	[sflag:s18] =	ssyncset.done $0x0;
	s11 =	sshrl.u32 s11, $0x3  }
0xc3: {  	[sflag:s18] =	ssyncadd.s32 $0xFFFFD800;
	s18 =	sadd.s32 s5, s11  }
0xc4: {  	[tilespmem:s30], [sflag:$0x9] =	stream.linear.gather [hbm4b:s18+s16], $0x50, $0x38;
	[tilespmem:$0x1E800] =	vst v63  }
0xc5: {  	s11 =	sadd.s32 s6, s11;
	s18 =	simm.s32 $0xF  }
0xc6: {  	[tilespmem:s31], [sflag:$0x9] =	stream.linear.gather [hbm4b:s11+s16], $0x50, $0x38;
	[tilespmem:$0x1E800] =	vst v63  }
0xc7: {  	_ =	swait.ge [sflag:s18], $0x50  }
0xc8: {  	[sflag:s18] =	ssyncset.done $0x0  }
0xc9: {  	[sflag:s18] =	ssyncadd.s32 $0xFFFFFFB0  }
0xca: {  	_ =	swait.ge [sflag:s18], $0x50  }
0xcb: {  	[sflag:s18] =	ssyncset.done $0x0  }
0xcc: {  	[sflag:s18] =	ssyncadd.s32 $0xFFFFFFB0  }
0xcd: {  	[tilespmem:s20], [sflag:$0x3] =	stream.indirect.gather [hbm4b:s3+s15], $0x80, s23, s15, $0xb8;
	[tilespmem:$0x1E800] =	vst v63  }
0xce: {  	_ =	swait.ge [sflag:s0], $0x2800  }
0xcf: {  	[sflag:s0] =	ssyncset.done $0x0  }
0xd0: {  	s8 =	simm.s32 $0x14800;
	s18 =	simm.s32 $0x8;
	[sflag:s0] =	ssyncadd.s32 $0xFFFFD800  }
0xd1: {  	[spmem:s1] =	stream.indirect.scatter.add.f32 [tilespmem:s8], [sflag:$0x5], $0x80, s14, s15, $0xb8;
	[tilespmem:$0x1E800] =	vst v63  }
0xd2: {  	_ =	swait.ge [sflag:s18], $0x2800  }
0xd3: {  	s23 =	rddreg [dreg:$0x7]  }
0xd4: {  	s11 =	sadd.s32 s10, s23  }
0xd5: {  	[sflag:s18] =	ssyncset.done $0x0;
	s11 =	sshrl.u32 s11, $0x3  }
0xd6: {  	[sflag:s18] =	ssyncadd.s32 $0xFFFFD800;
	s0 =	sadd.s32 s5, s11  }
0xd7: {  	[tilespmem:s24], [sflag:$0xA] =	stream.linear.gather [hbm4b:s0+s16], $0x50, $0x38;
	[tilespmem:$0x1E800] =	vst v63  }
0xd8: {  	s14 =	simm.s32 $0x10;
	s11 =	sadd.s32 s6, s11  }
0xd9: {  	[tilespmem:s29], [sflag:$0xA] =	stream.linear.gather [hbm4b:s11+s16], $0x50, $0x38;
	[tilespmem:$0x1E800] =	vst v63  }
0xda: {  	_ =	swait.ge [sflag:s14], $0x50  }
0xdb: {  	[sflag:s14] =	ssyncset.done $0x0  }
0xdc: {  	[sflag:s14] =	ssyncadd.s32 $0xFFFFFFB0  }
0xdd: {  	_ =	swait.ge [sflag:s14], $0x50  }
0xde: {  	[sflag:s14] =	ssyncset.done $0x0  }
0xdf: {  	[sflag:s14] =	ssyncadd.s32 $0xFFFFFFB0  }
0xe0: {  	[tilespmem:s28], [sflag:$0x4] =	stream.indirect.gather [hbm4b:s3+s15], $0x80, s26, s15, $0xb8;
	[tilespmem:$0x1E800] =	vst v63  }
0xe1: {  	_ =	swait.ge [sflag:s2], $0x2800  }
0xe2: {  	[sflag:s2] =	ssyncset.done $0x0  }
0xe3: {  	[sflag:s2] =	ssyncadd.s32 $0xFFFFD800  }
0xe4: {  	[spmem:s1] =	stream.indirect.scatter.add.f32 [tilespmem:s25], [sflag:$0x6], $0x80, s7, s15, $0xb8;
	[tilespmem:$0x1E800] =	vst v63  }
0xe5: {  	_ =	swait.ge [sflag:s22], $0x2800  }
0xe6: {  	s18 =	rddreg [dreg:$0x8]  }
0xe7: {  	s11 =	sadd.s32 s10, s18  }
0xe8: {  	[sflag:s22] =	ssyncset.done $0x0;
	s11 =	sshrl.u32 s11, $0x3  }
0xe9: {  	[sflag:s22] =	ssyncadd.s32 $0xFFFFD800;
	s23 =	sadd.s32 s5, s11  }
0xea: {  	[tilespmem:s4], [sflag:$0xB] =	stream.linear.gather [hbm4b:s23+s16], $0x50, $0x38;
	[tilespmem:$0x1E800] =	vst v63  }
0xeb: {  	s17 =	simm.s32 $0x9;
	s25 =	simm.s32 $0x14500;
	s11 =	sadd.s32 s6, s11  }
0xec: {  	[tilespmem:s25], [sflag:$0xB] =	stream.linear.gather [hbm4b:s11+s16], $0x50, $0x38;
	[tilespmem:$0x1E800] =	vst v63  }
0xed: {  	_ =	swait.ge [sflag:s17], $0x50  }
0xee: {  	[sflag:s17] =	ssyncset.done $0x0  }
0xef: {  	[sflag:s17] =	ssyncadd.s32 $0xFFFFFFB0  }
0xf0: {  	_ =	swait.ge [sflag:s17], $0x50  }
0xf1: {  	[sflag:s17] =	ssyncset.done $0x0  }
0xf2: {  	[sflag:s17] =	ssyncadd.s32 $0xFFFFFFB0  }
0xf3: {  	[tilespmem:s8], [sflag:$0x1] =	stream.indirect.gather [hbm4b:s3+s15], $0x80, s30, s15, $0xb8;
	[tilespmem:$0x1E800] =	vst v63  }
0xf4: {  	_ =	swait.ge [sflag:s19], $0x2800  }
0xf5: {  	[sflag:s19] =	ssyncset.done $0x0  }
0xf6: {  	[sflag:s19] =	ssyncadd.s32 $0xFFFFD800  }
0xf7: {  	[spmem:s1] =	stream.indirect.scatter.add.f32 [tilespmem:s20], [sflag:$0x7], $0x80, s13, s15, $0xb8;
	[tilespmem:$0x1E800] =	vst v63  }
0xf8: {  	_ =	swait.ge [sflag:s9], $0x2800  }
0xf9: {  	s26 =	rddreg [dreg:$0x9]  }
0xfa: {  	s10 =	sadd.s32 s10, s26  }
0xfb: {  	[sflag:s9] =	ssyncset.done $0x0;
	s10 =	sshrl.u32 s10, $0x3  }
0xfc: {  	s29 =	simm.s32 $0x14180;
	[sflag:s9] =	ssyncadd.s32 $0xFFFFD800;
	s28 =	sadd.s32 s5, s10  }
0xfd: {  	[tilespmem:s29], [sflag:$0xC] =	stream.linear.gather [hbm4b:s28+s16], $0x50, $0x38;
	[tilespmem:$0x1E800] =	vst v63  }
0xfe: {  	s10 =	sadd.s32 s6, s10  }
0xff: {  	[tilespmem:s12], [sflag:$0xC] =	stream.linear.gather [hbm4b:s10+s16], $0x50, $0x38;
	[tilespmem:$0x1E800] =	vst v63  }
0x100: {  	_ =	swait.ge [sflag:s21], $0x50  }
0x101: {  	[sflag:s21] =	ssyncset.done $0x0  }
0x102: {  	[sflag:s21] =	ssyncadd.s32 $0xFFFFFFB0  }
0x103: {  	p1 =	por $0x0, $0x0;
	_ =	swait.ge [sflag:s21], $0x50  }
0x104: {  	s31 =	simm.s32 $0x500;
	s18 =	simm.s32 @!p1 $0x3C0;
	[sflag:s21] =	ssyncset.done $0x0  }
0x105: {  	s30 =	simm.s32 @!p1 $0x410;
	s10 =	simm.s32 $0x280;
	[sflag:s21] =	ssyncadd.s32 $0xFFFFFFB0  }
.LBB2_4:
0x106: {  	s25 =	simm.s32 $0x17000;
	s13 =	simm.s32 $0x4  }
0x107: {  	[tilespmem:s25], [sflag:$0x2] =	stream.indirect.gather [hbm4b:s3+s15], $0x80, s24, s15, $0xb8;
	[tilespmem:$0x1E800] =	vst v63  }
0x108: {  	s18 =	simm.s32 @p1 $0x140;
	_ =	swait.ge [sflag:s13], $0x2800  }
0x109: {  	s23 =	simm.s32 @!p1 $0x7;
	s28 =	simm.s32 $0x1C000;
	[sflag:s13] =	ssyncset.done $0x0  }
0x10a: {  	s29 =	simm.s32 $0x14780;
	s2 =	rddreg [dreg:$0xa];
	[sflag:s13] =	ssyncadd.s32 $0xFFFFD800  }
0x10b: {  	[spmem:s1] =	stream.indirect.scatter.add.f32 [tilespmem:s28], [sflag:$0x8], $0x80, s29, s15, $0xb8;
	[tilespmem:$0x1E800] =	vst v63  }
0x10c: {  	s18 =	sadd.s32 s2, s18;
	_ =	swait.ge @!p1 [sflag:s23], $0x2800  }
0x10d: {  	s18 =	sshrl.u32 s18, $0x3;
	[sflag:s23] =	ssyncset.done @!p1 $0x0  }
0x10e: {  	s7 =	simm.s32 $0x14200;
	s8 =	sadd.s32 s5, s18;
	[sflag:s23] =	ssyncadd.s32 @!p1 $0xFFFFD800  }
0x10f: {  	[tilespmem:s7], [sflag:$0xD] =	stream.linear.gather [hbm4b:s8+s16], $0x50, $0x38;
	[tilespmem:$0x1E800] =	vst v63  }
0x110: {  	s17 =	simm.s32 $0x14600;
	s0 =	simm.s32 $0xB;
	s18 =	sadd.s32 s6, s18  }
0x111: {  	[tilespmem:s17], [sflag:$0xD] =	stream.linear.gather [hbm4b:s18+s16], $0x50, $0x38;
	[tilespmem:$0x1E800] =	vst v63  }
0x112: {  	_ =	swait.ge [sflag:s0], $0x50  }
0x113: {  	[sflag:s0] =	ssyncset.done $0x0  }
0x114: {  	[sflag:s0] =	ssyncadd.s32 $0xFFFFFFB0  }
0x115: {  	_ =	swait.ge [sflag:s0], $0x50  }
0x116: {  	s9 =	simm.s32 $0x14100;
	[sflag:s0] =	ssyncset.done $0x0  }
0x117: {  	s20 =	simm.s32 $0x19800;
	[sflag:s0] =	ssyncadd.s32 $0xFFFFFFB0;
	s0 =	simm.s32 $0x1  }
0x118: {  	[tilespmem:s20], [sflag:$0x3] =	stream.indirect.gather [hbm4b:s3+s15], $0x80, s9, s15, $0xb8;
	[tilespmem:$0x1E800] =	vst v63  }
0x119: {  	_ =	swait.ge [sflag:s0], $0x2800  }
0x11a: {  	s30 =	simm.s32 @p1 $0x190;
	s24 =	simm.s32 $0x14400;
	[sflag:s0] =	ssyncset.done $0x0  }
0x11b: {  	s8 =	simm.s32 $0x14800;
	s18 =	simm.s32 @!p1 $0x8;
	[sflag:s0] =	ssyncadd.s32 $0xFFFFD800  }
0x11c: {  	[spmem:s1] =	stream.indirect.scatter.add.f32 [tilespmem:s8], [sflag:$0x5], $0x80, s24, s15, $0xb8;
	[tilespmem:$0x1E800] =	vst v63  }
0x11d: {  	s12 =	sadd.s32 s2, s30;
	_ =	swait.ge @!p1 [sflag:s18], $0x2800  }
0x11e: {  	s23 =	sshrl.u32 s12, $0x3;
	[sflag:s18] =	ssyncset.done @!p1 $0x0  }
0x11f: {  	s4 =	simm.s32 $0x14280;
	s14 =	sadd.s32 s5, s23;
	[sflag:s18] =	ssyncadd.s32 @!p1 $0xFFFFD800  }
0x120: {  	[tilespmem:s4], [sflag:$0xE] =	stream.linear.gather [hbm4b:s14+s16], $0x50, $0x38;
	[tilespmem:$0x1E800] =	vst v63  }
0x121: {  	s21 =	simm.s32 $0x14680;
	s19 =	sadd.s32 s6, s23;
	s14 =	simm.s32 $0xC  }
0x122: {  	[tilespmem:s21], [sflag:$0xE] =	stream.linear.gather [hbm4b:s19+s16], $0x50, $0x38;
	[tilespmem:$0x1E800] =	vst v63  }
0x123: {  	_ =	swait.ge [sflag:s14], $0x50  }
0x124: {  	[sflag:s14] =	ssyncset.done $0x0  }
0x125: {  	[sflag:s14] =	ssyncadd.s32 $0xFFFFFFB0  }
0x126: {  	_ =	swait.ge [sflag:s14], $0x50  }
0x127: {  	[sflag:s14] =	ssyncset.done $0x0  }
0x128: {  	s22 =	simm.s32 $0x14180;
	s2 =	simm.s32 $0x2;
	[sflag:s14] =	ssyncadd.s32 $0xFFFFFFB0  }
0x129: {  	[tilespmem:s28], [sflag:$0x4] =	stream.indirect.gather [hbm4b:s3+s15], $0x80, s22, s15, $0xb8;
	[tilespmem:$0x1E800] =	vst v63  }
0x12a: {  	_ =	swait.ge [sflag:s2], $0x2800  }
0x12b: {  	[sflag:s2] =	ssyncset.done $0x0  }
0x12c: {  	s21 =	simm.s32 $0x14480;
	s22 =	simm.s32 $0x5;
	[sflag:s2] =	ssyncadd.s32 $0xFFFFD800  }
0x12d: {  	[spmem:s1] =	stream.indirect.scatter.add.f32 [tilespmem:s25], [sflag:$0x6], $0x80, s21, s15, $0xb8;
	[tilespmem:$0x1E800] =	vst v63  }
0x12e: {  	s30 =	smov.u32 s10;
	_ =	swait.ge [sflag:s22], $0x2800  }
0x12f: {  	s30 =	simm.s32 @p1 $0x0;
	s23 =	rddreg [dreg:$0x4]  }
0x130: {  	s11 =	smov.u32 s31;
	s26 =	sadd.s32 s30, s23  }
0x131: {  	s10 =	smov.u32 s11;
	[sflag:s22] =	ssyncset.done $0x0;
	s11 =	sshrl.u32 s26, $0x3  }
0x132: {  	[sflag:s22] =	ssyncadd.s32 $0xFFFFD800;
	s23 =	simm.s32 $0x14300;
	s9 =	sadd.s32 s5, s11  }
0x133: {  	[tilespmem:s23], [sflag:$0xF] =	stream.linear.gather [hbm4b:s9+s16], $0x50, $0x38;
	[tilespmem:$0x1E800] =	vst v63  }
0x134: {  	s12 =	simm.s32 $0xD;
	s14 =	simm.s32 $0x14700;
	s11 =	sadd.s32 s6, s11  }
0x135: {  	[tilespmem:s14], [sflag:$0xF] =	stream.linear.gather [hbm4b:s11+s16], $0x50, $0x38;
	[tilespmem:$0x1E800] =	vst v63  }
0x136: {  	_ =	swait.ge [sflag:s12], $0x50  }
0x137: {  	[sflag:s12] =	ssyncset.done $0x0  }
0x138: {  	[sflag:s12] =	ssyncadd.s32 $0xFFFFFFB0  }
0x139: {  	_ =	swait.ge [sflag:s12], $0x50  }
0x13a: {  	[sflag:s12] =	ssyncset.done $0x0  }
0x13b: {  	s19 =	simm.s32 $0x3;
	[sflag:s12] =	ssyncadd.s32 $0xFFFFFFB0  }
0x13c: {  	[tilespmem:s8], [sflag:$0x1] =	stream.indirect.gather [hbm4b:s3+s15], $0x80, s7, s15, $0xb8;
	[tilespmem:$0x1E800] =	vst v63  }
0x13d: {  	_ =	swait.ge [sflag:s19], $0x2800  }
0x13e: {  	[sflag:s19] =	ssyncset.done $0x0  }
0x13f: {  	s26 =	simm.s32 $0x14500;
	s9 =	simm.s32 $0x6;
	[sflag:s19] =	ssyncadd.s32 $0xFFFFD800  }
0x140: {  	[spmem:s1] =	stream.indirect.scatter.add.f32 [tilespmem:s20], [sflag:$0x7], $0x80, s26, s15, $0xb8;
	[tilespmem:$0x1E800] =	vst v63  }
0x141: {  	_ =	swait.ge [sflag:s9], $0x2800  }
0x142: {  	s18 =	rddreg [dreg:$0x5]  }
0x143: {  	s11 =	sadd.s32 s30, s18  }
0x144: {  	[sflag:s9] =	ssyncset.done $0x0;
	s11 =	sshrl.u32 s11, $0x3  }
0x145: {  	s12 =	simm.s32 $0x14380;
	[sflag:s9] =	ssyncadd.s32 $0xFFFFD800;
	s7 =	sadd.s32 s5, s11  }
0x146: {  	[tilespmem:s12], [sflag:$0x10] =	stream.linear.gather [hbm4b:s7+s16], $0x50, $0x38;
	[tilespmem:$0x1E800] =	vst v63  }
0x147: {  	s11 =	sadd.s32 s6, s11  }
0x148: {  	[tilespmem:s29], [sflag:$0x10] =	stream.linear.gather [hbm4b:s11+s16], $0x50, $0x38;
	[tilespmem:$0x1E800] =	vst v63  }
0x149: {  	s11 =	simm.s32 $0xE  }
0x14a: {  	_ =	swait.ge [sflag:s11], $0x50  }
0x14b: {  	[sflag:s11] =	ssyncset.done $0x0  }
0x14c: {  	[sflag:s11] =	ssyncadd.s32 $0xFFFFFFB0  }
0x14d: {  	_ =	swait.ge [sflag:s11], $0x50  }
0x14e: {  	[sflag:s11] =	ssyncset.done $0x0  }
0x14f: {  	[sflag:s11] =	ssyncadd.s32 $0xFFFFFFB0  }
0x150: {  	[tilespmem:s25], [sflag:$0x2] =	stream.indirect.gather [hbm4b:s3+s15], $0x80, s4, s15, $0xb8;
	[tilespmem:$0x1E800] =	vst v63  }
0x151: {  	_ =	swait.ge [sflag:s13], $0x2800  }
0x152: {  	[sflag:s13] =	ssyncset.done $0x0  }
0x153: {  	s7 =	simm.s32 $0x14580;
	[sflag:s13] =	ssyncadd.s32 $0xFFFFD800;
	s13 =	simm.s32 $0x7  }
0x154: {  	[spmem:s1] =	stream.indirect.scatter.add.f32 [tilespmem:s28], [sflag:$0x8], $0x80, s7, s15, $0xb8;
	[tilespmem:$0x1E800] =	vst v63  }
0x155: {  	_ =	swait.ge [sflag:s13], $0x2800  }
0x156: {  	s29 =	rddreg [dreg:$0x6]  }
0x157: {  	s11 =	sadd.s32 s30, s29  }
0x158: {  	[sflag:s13] =	ssyncset.done $0x0;
	s11 =	sshrl.u32 s11, $0x3  }
0x159: {  	[sflag:s13] =	ssyncadd.s32 $0xFFFFD800;
	s13 =	simm.s32 $0x14000;
	s4 =	sadd.s32 s5, s11  }
0x15a: {  	[tilespmem:s13], [sflag:$0x9] =	stream.linear.gather [hbm4b:s4+s16], $0x50, $0x38;
	[tilespmem:$0x1E800] =	vst v63  }
0x15b: {  	s18 =	simm.s32 $0xF;
	s11 =	sadd.s32 s6, s11  }
0x15c: {  	[tilespmem:s24], [sflag:$0x9] =	stream.linear.gather [hbm4b:s11+s16], $0x50, $0x38;
	[tilespmem:$0x1E800] =	vst v63  }
0x15d: {  	_ =	swait.ge [sflag:s18], $0x50  }
0x15e: {  	[sflag:s18] =	ssyncset.done $0x0  }
0x15f: {  	[sflag:s18] =	ssyncadd.s32 $0xFFFFFFB0  }
0x160: {  	_ =	swait.ge [sflag:s18], $0x50  }
0x161: {  	[sflag:s18] =	ssyncset.done $0x0  }
0x162: {  	[sflag:s18] =	ssyncadd.s32 $0xFFFFFFB0  }
0x163: {  	[tilespmem:s20], [sflag:$0x3] =	stream.indirect.gather [hbm4b:s3+s15], $0x80, s23, s15, $0xb8;
	[tilespmem:$0x1E800] =	vst v63  }
0x164: {  	_ =	swait.ge [sflag:s0], $0x2800  }
0x165: {  	[sflag:s0] =	ssyncset.done $0x0  }
0x166: {  	s23 =	simm.s32 $0x8;
	[sflag:s0] =	ssyncadd.s32 $0xFFFFD800  }
0x167: {  	[spmem:s1] =	stream.indirect.scatter.add.f32 [tilespmem:s8], [sflag:$0x5], $0x80, s17, s15, $0xb8;
	[tilespmem:$0x1E800] =	vst v63  }
0x168: {  	_ =	swait.ge [sflag:s23], $0x2800  }
0x169: {  	s29 =	rddreg [dreg:$0x7]  }
0x16a: {  	s11 =	sadd.s32 s30, s29  }
0x16b: {  	[sflag:s23] =	ssyncset.done $0x0;
	s11 =	sshrl.u32 s11, $0x3  }
0x16c: {  	s24 =	simm.s32 $0x14080;
	[sflag:s23] =	ssyncadd.s32 $0xFFFFD800;
	s4 =	sadd.s32 s5, s11  }
0x16d: {  	[tilespmem:s24], [sflag:$0xA] =	stream.linear.gather [hbm4b:s4+s16], $0x50, $0x38;
	[tilespmem:$0x1E800] =	vst v63  }
0x16e: {  	s11 =	sadd.s32 s6, s11  }
0x16f: {  	[tilespmem:s21], [sflag:$0xA] =	stream.linear.gather [hbm4b:s11+s16], $0x50, $0x38;
	[tilespmem:$0x1E800] =	vst v63  }
0x170: {  	s11 =	simm.s32 $0x10  }
0x171: {  	_ =	swait.ge [sflag:s11], $0x50  }
0x172: {  	[sflag:s11] =	ssyncset.done $0x0  }
0x173: {  	[sflag:s11] =	ssyncadd.s32 $0xFFFFFFB0  }
0x174: {  	_ =	swait.ge [sflag:s11], $0x50  }
0x175: {  	[sflag:s11] =	ssyncset.done $0x0  }
0x176: {  	[sflag:s11] =	ssyncadd.s32 $0xFFFFFFB0  }
0x177: {  	[tilespmem:s28], [sflag:$0x4] =	stream.indirect.gather [hbm4b:s3+s15], $0x80, s12, s15, $0xb8;
	[tilespmem:$0x1E800] =	vst v63  }
0x178: {  	_ =	swait.ge [sflag:s2], $0x2800  }
0x179: {  	[sflag:s2] =	ssyncset.done $0x0  }
0x17a: {  	s18 =	simm.s32 $0x14680;
	[sflag:s2] =	ssyncadd.s32 $0xFFFFD800  }
0x17b: {  	[spmem:s1] =	stream.indirect.scatter.add.f32 [tilespmem:s25], [sflag:$0x6], $0x80, s18, s15, $0xb8;
	[tilespmem:$0x1E800] =	vst v63  }
0x17c: {  	_ =	swait.ge [sflag:s22], $0x2800  }
0x17d: {  	s21 =	rddreg [dreg:$0x8]  }
0x17e: {  	s11 =	sadd.s32 s30, s21  }
0x17f: {  	[sflag:s22] =	ssyncset.done $0x0;
	s11 =	sshrl.u32 s11, $0x3  }
0x180: {  	s23 =	simm.s32 $0x14100;
	[sflag:s22] =	ssyncadd.s32 $0xFFFFD800;
	s22 =	sadd.s32 s5, s11  }
0x181: {  	[tilespmem:s23], [sflag:$0xB] =	stream.linear.gather [hbm4b:s22+s16], $0x50, $0x38;
	[tilespmem:$0x1E800] =	vst v63  }
0x182: {  	s17 =	simm.s32 $0x9;
	s11 =	sadd.s32 s6, s11  }
0x183: {  	[tilespmem:s26], [sflag:$0xB] =	stream.linear.gather [hbm4b:s11+s16], $0x50, $0x38;
	[tilespmem:$0x1E800] =	vst v63  }
0x184: {  	_ =	swait.ge [sflag:s17], $0x50  }
0x185: {  	[sflag:s17] =	ssyncset.done $0x0  }
0x186: {  	[sflag:s17] =	ssyncadd.s32 $0xFFFFFFB0  }
0x187: {  	_ =	swait.ge [sflag:s17], $0x50  }
0x188: {  	[sflag:s17] =	ssyncset.done $0x0  }
0x189: {  	[sflag:s17] =	ssyncadd.s32 $0xFFFFFFB0  }
0x18a: {  	[tilespmem:s8], [sflag:$0x1] =	stream.indirect.gather [hbm4b:s3+s15], $0x80, s13, s15, $0xb8;
	[tilespmem:$0x1E800] =	vst v63  }
0x18b: {  	_ =	swait.ge [sflag:s19], $0x2800  }
0x18c: {  	[sflag:s19] =	ssyncset.done $0x0  }
0x18d: {  	[sflag:s19] =	ssyncadd.s32 $0xFFFFD800  }
0x18e: {  	[spmem:s1] =	stream.indirect.scatter.add.f32 [tilespmem:s20], [sflag:$0x7], $0x80, s14, s15, $0xb8;
	[tilespmem:$0x1E800] =	vst v63  }
0x18f: {  	_ =	swait.ge [sflag:s9], $0x2800  }
0x190: {  	s25 =	rddreg [dreg:$0x9]  }
0x191: {  	s11 =	sadd.s32 s30, s25  }
0x192: {  	[sflag:s9] =	ssyncset.done $0x0;
	s11 =	sshrl.u32 s11, $0x3  }
0x193: {  	s28 =	simm.s32 $0x14180;
	[sflag:s9] =	ssyncadd.s32 $0xFFFFD800;
	s26 =	sadd.s32 s5, s11  }
0x194: {  	[tilespmem:s28], [sflag:$0xC] =	stream.linear.gather [hbm4b:s26+s16], $0x50, $0x38;
	[tilespmem:$0x1E800] =	vst v63  }
0x195: {  	s31 =	sadd.s32 $0x280, s31;
	s29 =	simm.s32 $0xA;
	s11 =	sadd.s32 s6, s11  }
0x196: {  	[tilespmem:s7], [sflag:$0xC] =	stream.linear.gather [hbm4b:s11+s16], $0x50, $0x38;
	[tilespmem:$0x1E800] =	vst v63  }
0x197: {  	p0 =	sne.s32 s31, $0x2580;
	_ =	swait.ge [sflag:s29], $0x50  }
.Ltmp1:
0x198: {  	[sflag:s29] =	ssyncset.done $0x0;
	(pc) =	sbr.rel @p0 .LBB2_4-.Ltmp1, $4  }
0x199: {  	[sflag:s29] =	ssyncadd.s32 $0xFFFFFFB0  }
0x19a: {  	_ =	swait.ge [sflag:s29], $0x50  }
0x19b: {  	p1 =	seq.s32 s10, $0x0;
	[sflag:s29] =	ssyncset.done $0x0  }
0x19c: {  	s18 =	sadd.s32 @!p1 $0x140, s10;
	s30 =	sadd.s32 @!p1 $0x190, s10;
	[sflag:s29] =	ssyncadd.s32 $0xFFFFFFB0  }
0x19d: {  	s25 =	simm.s32 $0x17000;
	s23 =	simm.s32 $0x4  }
0x19e: {  	[tilespmem:s25], [sflag:$0x2] =	stream.indirect.gather [hbm4b:s3+s15], $0x80, s24, s15, $0xb8;
	[tilespmem:$0x1E800] =	vst v63  }
0x19f: {  	s18 =	simm.s32 @p1 $0x140;
	_ =	swait.ge [sflag:s23], $0x2800  }
0x1a0: {  	s11 =	simm.s32 @!p1 $0x7;
	s22 =	simm.s32 $0x1C000;
	[sflag:s23] =	ssyncset.done $0x0  }
0x1a1: {  	s0 =	simm.s32 $0x14780;
	s19 =	rddreg [dreg:$0xa];
	[sflag:s23] =	ssyncadd.s32 $0xFFFFD800  }
0x1a2: {  	[spmem:s1] =	stream.indirect.scatter.add.f32 [tilespmem:s22], [sflag:$0x8], $0x80, s0, s15, $0xb8;
	[tilespmem:$0x1E800] =	vst v63  }
0x1a3: {  	s18 =	sadd.s32 s19, s18;
	_ =	swait.ge @!p1 [sflag:s11], $0x2800  }
0x1a4: {  	s18 =	sshrl.u32 s18, $0x3;
	[sflag:s11] =	ssyncset.done @!p1 $0x0  }
0x1a5: {  	s2 =	simm.s32 $0x14200;
	s26 =	sadd.s32 s5, s18;
	[sflag:s11] =	ssyncadd.s32 @!p1 $0xFFFFD800  }
0x1a6: {  	[tilespmem:s2], [sflag:$0xD] =	stream.linear.gather [hbm4b:s26+s16], $0x50, $0x38;
	[tilespmem:$0x1E800] =	vst v63  }
0x1a7: {  	s29 =	simm.s32 $0x14600;
	s28 =	sadd.s32 s6, s18  }
0x1a8: {  	[tilespmem:s29], [sflag:$0xD] =	stream.linear.gather [hbm4b:s28+s16], $0x50, $0x38;
	[tilespmem:$0x1E800] =	vst v63  }
0x1a9: {  	s28 =	simm.s32 $0xB  }
0x1aa: {  	_ =	swait.ge [sflag:s28], $0x50  }
0x1ab: {  	[sflag:s28] =	ssyncset.done $0x0  }
0x1ac: {  	[sflag:s28] =	ssyncadd.s32 $0xFFFFFFB0  }
0x1ad: {  	_ =	swait.ge [sflag:s28], $0x50  }
0x1ae: {  	s4 =	simm.s32 $0x14100;
	[sflag:s28] =	ssyncset.done $0x0  }
0x1af: {  	s21 =	simm.s32 $0x19800;
	s14 =	simm.s32 $0x1;
	[sflag:s28] =	ssyncadd.s32 $0xFFFFFFB0  }
0x1b0: {  	[tilespmem:s21], [sflag:$0x3] =	stream.indirect.gather [hbm4b:s3+s15], $0x80, s4, s15, $0xb8;
	[tilespmem:$0x1E800] =	vst v63  }
0x1b1: {  	_ =	swait.ge [sflag:s14], $0x2800  }
0x1b2: {  	s30 =	simm.s32 @p1 $0x190;
	s20 =	simm.s32 $0x14800;
	[sflag:s14] =	ssyncset.done $0x0  }
0x1b3: {  	s7 =	simm.s32 $0x14400;
	s11 =	simm.s32 @!p1 $0x8;
	[sflag:s14] =	ssyncadd.s32 $0xFFFFD800  }
0x1b4: {  	[spmem:s1] =	stream.indirect.scatter.add.f32 [tilespmem:s20], [sflag:$0x5], $0x80, s7, s15, $0xb8;
	[tilespmem:$0x1E800] =	vst v63  }
0x1b5: {  	s8 =	sadd.s32 s19, s30;
	_ =	swait.ge @!p1 [sflag:s11], $0x2800  }
0x1b6: {  	s18 =	sshrl.u32 s8, $0x3;
	[sflag:s11] =	ssyncset.done @!p1 $0x0  }
0x1b7: {  	s12 =	sadd.s32 s5, s18;
	s7 =	simm.s32 $0x14280;
	[sflag:s11] =	ssyncadd.s32 @!p1 $0xFFFFD800  }
0x1b8: {  	[tilespmem:s7], [sflag:$0xE] =	stream.linear.gather [hbm4b:s12+s16], $0x50, $0x38;
	[tilespmem:$0x1E800] =	vst v63  }
0x1b9: {  	s31 =	simm.s32 $0x14680;
	s18 =	sadd.s32 s6, s18;
	s2 =	simm.s32 $0xC  }
0x1ba: {  	[tilespmem:s31], [sflag:$0xE] =	stream.linear.gather [hbm4b:s18+s16], $0x50, $0x38;
	[tilespmem:$0x1E800] =	vst v63  }
0x1bb: {  	_ =	swait.ge [sflag:s2], $0x50  }
0x1bc: {  	[sflag:s2] =	ssyncset.done $0x0  }
0x1bd: {  	[sflag:s2] =	ssyncadd.s32 $0xFFFFFFB0  }
0x1be: {  	_ =	swait.ge [sflag:s2], $0x50  }
0x1bf: {  	[sflag:s2] =	ssyncset.done $0x0  }
0x1c0: {  	s19 =	simm.s32 $0x14180;
	s4 =	simm.s32 $0x2;
	[sflag:s2] =	ssyncadd.s32 $0xFFFFFFB0  }
0x1c1: {  	[tilespmem:s22], [sflag:$0x4] =	stream.indirect.gather [hbm4b:s3+s15], $0x80, s19, s15, $0xb8;
	[tilespmem:$0x1E800] =	vst v63  }
0x1c2: {  	_ =	swait.ge [sflag:s4], $0x2800  }
0x1c3: {  	[sflag:s4] =	ssyncset.done $0x0  }
0x1c4: {  	s8 =	simm.s32 $0x5;
	s26 =	simm.s32 $0x14480;
	[sflag:s4] =	ssyncadd.s32 $0xFFFFD800  }
0x1c5: {  	[spmem:s1] =	stream.indirect.scatter.add.f32 [tilespmem:s25], [sflag:$0x6], $0x80, s26, s15, $0xb8;
	[tilespmem:$0x1E800] =	vst v63  }
0x1c6: {  	_ =	swait.ge [sflag:s8], $0x2800  }
0x1c7: {  	s10 =	simm.s32 @p1 $0x0;
	s29 =	rddreg [dreg:$0x4]  }
0x1c8: {  	s11 =	sadd.s32 s10, s29  }
0x1c9: {  	[sflag:s8] =	ssyncset.done $0x0;
	s11 =	sshrl.u32 s11, $0x3  }
0x1ca: {  	s12 =	simm.s32 $0x14300;
	[sflag:s8] =	ssyncadd.s32 $0xFFFFD800;
	s0 =	sadd.s32 s5, s11  }
0x1cb: {  	[tilespmem:s12], [sflag:$0xF] =	stream.linear.gather [hbm4b:s0+s16], $0x50, $0x38;
	[tilespmem:$0x1E800] =	vst v63  }
0x1cc: {  	s30 =	simm.s32 $0x14700;
	s11 =	sadd.s32 s6, s11;
	s0 =	simm.s32 $0xD  }
0x1cd: {  	[tilespmem:s30], [sflag:$0xF] =	stream.linear.gather [hbm4b:s11+s16], $0x50, $0x38;
	[tilespmem:$0x1E800] =	vst v63  }
0x1ce: {  	_ =	swait.ge [sflag:s0], $0x50  }
0x1cf: {  	[sflag:s0] =	ssyncset.done $0x0  }
0x1d0: {  	[sflag:s0] =	ssyncadd.s32 $0xFFFFFFB0  }
0x1d1: {  	_ =	swait.ge [sflag:s0], $0x50  }
0x1d2: {  	[sflag:s0] =	ssyncset.done $0x0  }
0x1d3: {  	s9 =	simm.s32 $0x14200;
	s19 =	simm.s32 $0x3;
	[sflag:s0] =	ssyncadd.s32 $0xFFFFFFB0  }
0x1d4: {  	[tilespmem:s20], [sflag:$0x1] =	stream.indirect.gather [hbm4b:s3+s15], $0x80, s9, s15, $0xb8;
	[tilespmem:$0x1E800] =	vst v63  }
0x1d5: {  	_ =	swait.ge [sflag:s19], $0x2800  }
0x1d6: {  	[sflag:s19] =	ssyncset.done $0x0  }
0x1d7: {  	s11 =	simm.s32 $0x14500;
	s9 =	simm.s32 $0x6;
	[sflag:s19] =	ssyncadd.s32 $0xFFFFD800  }
0x1d8: {  	[spmem:s1] =	stream.indirect.scatter.add.f32 [tilespmem:s21], [sflag:$0x7], $0x80, s11, s15, $0xb8;
	[tilespmem:$0x1E800] =	vst v63  }
0x1d9: {  	_ =	swait.ge [sflag:s9], $0x2800  }
0x1da: {  	s18 =	rddreg [dreg:$0x5]  }
0x1db: {  	s11 =	sadd.s32 s10, s18  }
0x1dc: {  	[sflag:s9] =	ssyncset.done $0x0;
	s11 =	sshrl.u32 s11, $0x3  }
0x1dd: {  	s29 =	simm.s32 $0x14380;
	[sflag:s9] =	ssyncadd.s32 $0xFFFFD800;
	s26 =	sadd.s32 s5, s11  }
0x1de: {  	[tilespmem:s29], [sflag:$0x10] =	stream.linear.gather [hbm4b:s26+s16], $0x50, $0x38;
	[tilespmem:$0x1E800] =	vst v63  }
0x1df: {  	s13 =	simm.s32 $0x14780;
	s11 =	sadd.s32 s6, s11;
	s26 =	simm.s32 $0xE  }
0x1e0: {  	[tilespmem:s13], [sflag:$0x10] =	stream.linear.gather [hbm4b:s11+s16], $0x50, $0x38;
	[tilespmem:$0x1E800] =	vst v63  }
0x1e1: {  	_ =	swait.ge [sflag:s26], $0x50  }
0x1e2: {  	[sflag:s26] =	ssyncset.done $0x0  }
0x1e3: {  	[sflag:s26] =	ssyncadd.s32 $0xFFFFFFB0  }
0x1e4: {  	_ =	swait.ge [sflag:s26], $0x50  }
0x1e5: {  	[sflag:s26] =	ssyncset.done $0x0  }
0x1e6: {  	[sflag:s26] =	ssyncadd.s32 $0xFFFFFFB0  }
0x1e7: {  	[tilespmem:s25], [sflag:$0x2] =	stream.indirect.gather [hbm4b:s3+s15], $0x80, s7, s15, $0xb8;
	[tilespmem:$0x1E800] =	vst v63  }
0x1e8: {  	_ =	swait.ge [sflag:s23], $0x2800  }
0x1e9: {  	[sflag:s23] =	ssyncset.done $0x0  }
0x1ea: {  	s26 =	simm.s32 $0x14580;
	s7 =	simm.s32 $0x7;
	[sflag:s23] =	ssyncadd.s32 $0xFFFFD800  }
0x1eb: {  	[spmem:s1] =	stream.indirect.scatter.add.f32 [tilespmem:s22], [sflag:$0x8], $0x80, s26, s15, $0xb8;
	[tilespmem:$0x1E800] =	vst v63  }
0x1ec: {  	_ =	swait.ge [sflag:s7], $0x2800  }
0x1ed: {  	s13 =	rddreg [dreg:$0x6]  }
0x1ee: {  	s11 =	sadd.s32 s10, s13  }
0x1ef: {  	[sflag:s7] =	ssyncset.done $0x0;
	s11 =	sshrl.u32 s11, $0x3  }
0x1f0: {  	[sflag:s7] =	ssyncadd.s32 $0xFFFFD800;
	s13 =	simm.s32 $0x14000;
	s18 =	sadd.s32 s5, s11  }
0x1f1: {  	[tilespmem:s13], [sflag:$0x9] =	stream.linear.gather [hbm4b:s18+s16], $0x50, $0x38;
	[tilespmem:$0x1E800] =	vst v63  }
0x1f2: {  	s11 =	sadd.s32 s6, s11;
	s18 =	simm.s32 $0x14400  }
0x1f3: {  	[tilespmem:s18], [sflag:$0x9] =	stream.linear.gather [hbm4b:s11+s16], $0x50, $0x38;
	[tilespmem:$0x1E800] =	vst v63  }
0x1f4: {  	s18 =	simm.s32 $0xF  }
0x1f5: {  	_ =	swait.ge [sflag:s18], $0x50  }
0x1f6: {  	[sflag:s18] =	ssyncset.done $0x0  }
0x1f7: {  	[sflag:s18] =	ssyncadd.s32 $0xFFFFFFB0  }
0x1f8: {  	_ =	swait.ge [sflag:s18], $0x50  }
0x1f9: {  	[sflag:s18] =	ssyncset.done $0x0  }
0x1fa: {  	[sflag:s18] =	ssyncadd.s32 $0xFFFFFFB0  }
0x1fb: {  	[tilespmem:s21], [sflag:$0x3] =	stream.indirect.gather [hbm4b:s3+s15], $0x80, s12, s15, $0xb8;
	[tilespmem:$0x1E800] =	vst v63  }
0x1fc: {  	_ =	swait.ge [sflag:s14], $0x2800  }
0x1fd: {  	[sflag:s14] =	ssyncset.done $0x0  }
0x1fe: {  	s12 =	simm.s32 $0x14600;
	[sflag:s14] =	ssyncadd.s32 $0xFFFFD800  }
0x1ff: {  	[spmem:s1] =	stream.indirect.scatter.add.f32 [tilespmem:s20], [sflag:$0x5], $0x80, s12, s15, $0xb8;
	[tilespmem:$0x1E800] =	vst v63  }
0x200: {  	s12 =	simm.s32 $0x8  }
0x201: {  	_ =	swait.ge [sflag:s12], $0x2800  }
0x202: {  	s18 =	rddreg [dreg:$0x7]  }
0x203: {  	s11 =	sadd.s32 s10, s18  }
0x204: {  	[sflag:s12] =	ssyncset.done $0x0;
	s11 =	sshrl.u32 s11, $0x3  }
0x205: {  	[sflag:s12] =	ssyncadd.s32 $0xFFFFD800;
	s18 =	sadd.s32 s5, s11  }
0x206: {  	[tilespmem:s24], [sflag:$0xA] =	stream.linear.gather [hbm4b:s18+s16], $0x50, $0x38;
	[tilespmem:$0x1E800] =	vst v63  }
0x207: {  	s11 =	sadd.s32 s6, s11;
	s18 =	simm.s32 $0x14480  }
0x208: {  	[tilespmem:s18], [sflag:$0xA] =	stream.linear.gather [hbm4b:s11+s16], $0x50, $0x38;
	[tilespmem:$0x1E800] =	vst v63  }
0x209: {  	s18 =	simm.s32 $0x10  }
0x20a: {  	_ =	swait.ge [sflag:s18], $0x50  }
0x20b: {  	[sflag:s18] =	ssyncset.done $0x0  }
0x20c: {  	[sflag:s18] =	ssyncadd.s32 $0xFFFFFFB0  }
0x20d: {  	_ =	swait.ge [sflag:s18], $0x50  }
0x20e: {  	[sflag:s18] =	ssyncset.done $0x0  }
0x20f: {  	[sflag:s18] =	ssyncadd.s32 $0xFFFFFFB0  }
0x210: {  	[tilespmem:s22], [sflag:$0x4] =	stream.indirect.gather [hbm4b:s3+s15], $0x80, s29, s15, $0xb8;
	[tilespmem:$0x1E800] =	vst v63  }
0x211: {  	_ =	swait.ge [sflag:s4], $0x2800  }
0x212: {  	[sflag:s4] =	ssyncset.done $0x0  }
0x213: {  	[sflag:s4] =	ssyncadd.s32 $0xFFFFD800  }
0x214: {  	[spmem:s1] =	stream.indirect.scatter.add.f32 [tilespmem:s25], [sflag:$0x6], $0x80, s31, s15, $0xb8;
	[tilespmem:$0x1E800] =	vst v63  }
0x215: {  	_ =	swait.ge [sflag:s8], $0x2800  }
0x216: {  	s29 =	rddreg [dreg:$0x8]  }
0x217: {  	s11 =	sadd.s32 s10, s29  }
0x218: {  	[sflag:s8] =	ssyncset.done $0x0;
	s11 =	sshrl.u32 s11, $0x3  }
0x219: {  	[sflag:s8] =	ssyncadd.s32 $0xFFFFD800;
	s29 =	simm.s32 $0x14100;
	s18 =	sadd.s32 s5, s11  }
0x21a: {  	[tilespmem:s29], [sflag:$0xB] =	stream.linear.gather [hbm4b:s18+s16], $0x50, $0x38;
	[tilespmem:$0x1E800] =	vst v63  }
0x21b: {  	s11 =	sadd.s32 s6, s11;
	s18 =	simm.s32 $0x14500  }
0x21c: {  	[tilespmem:s18], [sflag:$0xB] =	stream.linear.gather [hbm4b:s11+s16], $0x50, $0x38;
	[tilespmem:$0x1E800] =	vst v63  }
0x21d: {  	_ =	swait.ge [sflag:s17], $0x50  }
0x21e: {  	[sflag:s17] =	ssyncset.done $0x0  }
0x21f: {  	[sflag:s17] =	ssyncadd.s32 $0xFFFFFFB0  }
0x220: {  	_ =	swait.ge [sflag:s17], $0x50  }
0x221: {  	[sflag:s17] =	ssyncset.done $0x0  }
0x222: {  	[sflag:s17] =	ssyncadd.s32 $0xFFFFFFB0  }
0x223: {  	[tilespmem:s20], [sflag:$0x1] =	stream.indirect.gather [hbm4b:s3+s15], $0x80, s13, s15, $0xb8;
	[tilespmem:$0x1E800] =	vst v63  }
0x224: {  	_ =	swait.ge [sflag:s19], $0x2800  }
0x225: {  	[sflag:s19] =	ssyncset.done $0x0  }
0x226: {  	[sflag:s19] =	ssyncadd.s32 $0xFFFFD800  }
0x227: {  	[spmem:s1] =	stream.indirect.scatter.add.f32 [tilespmem:s21], [sflag:$0x7], $0x80, s30, s15, $0xb8;
	[tilespmem:$0x1E800] =	vst v63  }
0x228: {  	_ =	swait.ge [sflag:s9], $0x2800  }
0x229: {  	s17 =	rddreg [dreg:$0x9]  }
0x22a: {  	s10 =	sadd.s32 s10, s17  }
0x22b: {  	[sflag:s9] =	ssyncset.done $0x0;
	s10 =	sshrl.u32 s10, $0x3  }
0x22c: {  	[sflag:s9] =	ssyncadd.s32 $0xFFFFD800;
	s17 =	simm.s32 $0x14180;
	s13 =	sadd.s32 s5, s10  }
0x22d: {  	[tilespmem:s17], [sflag:$0xC] =	stream.linear.gather [hbm4b:s13+s16], $0x50, $0x38;
	[tilespmem:$0x1E800] =	vst v63  }
0x22e: {  	s11 =	simm.s32 $0xA;
	s10 =	sadd.s32 s6, s10  }
0x22f: {  	[tilespmem:s26], [sflag:$0xC] =	stream.linear.gather [hbm4b:s10+s16], $0x50, $0x38;
	[tilespmem:$0x1E800] =	vst v63  }
0x230: {  	_ =	swait.ge [sflag:s11], $0x50  }
0x231: {  	[sflag:s11] =	ssyncset.done $0x0  }
0x232: {  	[sflag:s11] =	ssyncadd.s32 $0xFFFFFFB0  }
0x233: {  	_ =	swait.ge [sflag:s11], $0x50  }
0x234: {  	[sflag:s11] =	ssyncset.done $0x0  }
0x235: {  	[sflag:s11] =	ssyncadd.s32 $0xFFFFFFB0  }
0x236: {  	[tilespmem:s25], [sflag:$0x2] =	stream.indirect.gather [hbm4b:s3+s15], $0x80, s24, s15, $0xb8;
	[tilespmem:$0x1E800] =	vst v63  }
0x237: {  	_ =	swait.ge [sflag:s23], $0x2800  }
0x238: {  	[sflag:s23] =	ssyncset.done $0x0  }
0x239: {  	s13 =	simm.s32 $0x14780;
	[sflag:s23] =	ssyncadd.s32 $0xFFFFD800  }
0x23a: {  	[spmem:s1] =	stream.indirect.scatter.add.f32 [tilespmem:s22], [sflag:$0x8], $0x80, s13, s15, $0xb8;
	[tilespmem:$0x1E800] =	vst v63  }
0x23b: {  	_ =	swait.ge [sflag:s7], $0x2800  }
0x23c: {  	[sflag:s7] =	ssyncset.done $0x0  }
0x23d: {  	s13 =	simm.s32 $0x14200;
	s24 =	rddreg [dreg:$0x19];
	[sflag:s7] =	ssyncadd.s32 $0xFFFFD800  }
0x23e: {  	[tilespmem:s13], [sflag:$0xD] =	stream.linear.gather [hbm4b:s24+s16], $0x50, $0x38;
	[tilespmem:$0x1E800] =	vst v63  }
0x23f: {  	s11 =	rddreg [dreg:$0x1a];
	s24 =	simm.s32 $0x14600  }
0x240: {  	[tilespmem:s24], [sflag:$0xD] =	stream.linear.gather [hbm4b:s11+s16], $0x50, $0x38;
	[tilespmem:$0x1E800] =	vst v63  }
0x241: {  	_ =	swait.ge [sflag:s28], $0x50  }
0x242: {  	[sflag:s28] =	ssyncset.done $0x0  }
0x243: {  	[sflag:s28] =	ssyncadd.s32 $0xFFFFFFB0  }
0x244: {  	_ =	swait.ge [sflag:s28], $0x50  }
0x245: {  	[sflag:s28] =	ssyncset.done $0x0  }
0x246: {  	[sflag:s28] =	ssyncadd.s32 $0xFFFFFFB0  }
0x247: {  	[tilespmem:s21], [sflag:$0x3] =	stream.indirect.gather [hbm4b:s3+s15], $0x80, s29, s15, $0xb8;
	[tilespmem:$0x1E800] =	vst v63  }
0x248: {  	_ =	swait.ge [sflag:s14], $0x2800  }
0x249: {  	[sflag:s14] =	ssyncset.done $0x0  }
0x24a: {  	s29 =	simm.s32 $0x14400;
	[sflag:s14] =	ssyncadd.s32 $0xFFFFD800  }
0x24b: {  	[spmem:s1] =	stream.indirect.scatter.add.f32 [tilespmem:s20], [sflag:$0x5], $0x80, s29, s15, $0xb8;
	[tilespmem:$0x1E800] =	vst v63  }
0x24c: {  	_ =	swait.ge [sflag:s12], $0x2800  }
0x24d: {  	[sflag:s12] =	ssyncset.done $0x0  }
0x24e: {  	[sflag:s12] =	ssyncadd.s32 $0xFFFFD800  }
0x24f: {  	_ =	swait.ge [sflag:s2], $0x50  }
0x250: {  	[sflag:s2] =	ssyncset.done $0x0  }
0x251: {  	[sflag:s2] =	ssyncadd.s32 $0xFFFFFFB0  }
0x252: {  	_ =	swait.ge [sflag:s2], $0x50  }
0x253: {  	[sflag:s2] =	ssyncset.done $0x0  }
0x254: {  	[sflag:s2] =	ssyncadd.s32 $0xFFFFFFB0  }
0x255: {  	[tilespmem:s22], [sflag:$0x4] =	stream.indirect.gather [hbm4b:s3+s15], $0x80, s17, s15, $0xb8;
	[tilespmem:$0x1E800] =	vst v63  }
0x256: {  	_ =	swait.ge [sflag:s4], $0x2800  }
0x257: {  	[sflag:s4] =	ssyncset.done $0x0  }
0x258: {  	s17 =	simm.s32 $0x14480;
	[sflag:s4] =	ssyncadd.s32 $0xFFFFD800  }
0x259: {  	[spmem:s1] =	stream.indirect.scatter.add.f32 [tilespmem:s25], [sflag:$0x6], $0x80, s17, s15, $0xb8;
	[tilespmem:$0x1E800] =	vst v63  }
0x25a: {  	_ =	swait.ge [sflag:s8], $0x2800  }
0x25b: {  	[sflag:s8] =	ssyncset.done $0x0  }
0x25c: {  	[sflag:s8] =	ssyncadd.s32 $0xFFFFD800  }
0x25d: {  	_ =	swait.ge [sflag:s0], $0x50  }
0x25e: {  	[sflag:s0] =	ssyncset.done $0x0  }
0x25f: {  	[sflag:s0] =	ssyncadd.s32 $0xFFFFFFB0  }
0x260: {  	_ =	swait.ge [sflag:s0], $0x50  }
0x261: {  	[sflag:s0] =	ssyncset.done $0x0  }
0x262: {  	[sflag:s0] =	ssyncadd.s32 $0xFFFFFFB0  }
0x263: {  	[tilespmem:s20], [sflag:$0x1] =	stream.indirect.gather [hbm4b:s3+s15], $0x80, s13, s15, $0xb8;
	[tilespmem:$0x1E800] =	vst v63  }
0x264: {  	_ =	swait.ge [sflag:s19], $0x2800  }
0x265: {  	[sflag:s19] =	ssyncset.done $0x0  }
0x266: {  	[sflag:s19] =	ssyncadd.s32 $0xFFFFD800  }
0x267: {  	[spmem:s1] =	stream.indirect.scatter.add.f32 [tilespmem:s21], [sflag:$0x7], $0x80, s18, s15, $0xb8;
	[tilespmem:$0x1E800] =	vst v63  }
0x268: {  	_ =	swait.ge [sflag:s9], $0x2800  }
0x269: {  	[sflag:s9] =	ssyncset.done $0x0  }
0x26a: {  	[sflag:s9] =	ssyncadd.s32 $0xFFFFD800  }
0x26b: {  	_ =	swait.ge [sflag:s23], $0x2800  }
0x26c: {  	[sflag:s23] =	ssyncset.done $0x0  }
0x26d: {  	[sflag:s23] =	ssyncadd.s32 $0xFFFFD800  }
0x26e: {  	[spmem:s1] =	stream.indirect.scatter.add.f32 [tilespmem:s22], [sflag:$0x8], $0x80, s26, s15, $0xb8;
	[tilespmem:$0x1E800] =	vst v63  }
0x26f: {  	_ =	swait.ge [sflag:s7], $0x2800  }
0x270: {  	[sflag:s7] =	ssyncset.done $0x0  }
0x271: {  	[sflag:s7] =	ssyncadd.s32 $0xFFFFD800  }
0x272: {  	_ =	swait.ge [sflag:s14], $0x2800  }
0x273: {  	[sflag:s14] =	ssyncset.done $0x0  }
0x274: {  	[sflag:s14] =	ssyncadd.s32 $0xFFFFD800  }
0x275: {  	[spmem:s1] =	stream.indirect.scatter.add.f32 [tilespmem:s20], [sflag:$0x5], $0x80, s24, s15, $0xb8;
	[tilespmem:$0x1E800] =	vst v63  }
0x276: {  	_ =	swait.ge [sflag:s12], $0x2800  }
0x277: {  	[sflag:s12] =	ssyncset.done $0x0  }
0x278: {  	[sflag:s12] =	ssyncadd.s32 $0xFFFFD800  }
0x279: {  	_ =	swait.ge [sflag:s8], $0x2800  }
0x27a: {  	[sflag:s8] =	ssyncset.done $0x0  }
0x27b: {  	[sflag:s8] =	ssyncadd.s32 $0xFFFFD800  }
0x27c: {  	s24 =	stileid.u32;
	[bflag:$0x0] =	sbarrier.arrive $0xFFFF  }
0x27d: {  	s23 =	simm.s32 $0x11;
	s10 =	sshll.u32 s24, $0x6;
	s18 =	rddreg [dreg:$0xb]  }
0x27e: {  	s10 =	sor.u32 $0x1C11, s10;
	s26 =	rddreg [dreg:$0x1b];
	s25 =	sshrl.u32 s18, $0x3  }
0x27f: {  	[hbm:s26], [sflag:s10] =	dma.local [spmem:s25], $0x2800  }
0x280: {  	_ =	swait.ge [sflag:s23], $0x2800  }
0x281: {  	s28 =	rddreg [dreg:$0x1f]  }
0x282: {  	s29 =	rddreg [dreg:$0x1c];
	s11 =	sadd.s32 $0x1, s28  }
0x283: {  	p0 =	sne.s32 s11, s29  }
.Ltmp2:
0x284: {  	_ = 	snop;
	(pc) =	sbr.rel @p0 .LBB2_1-.Ltmp2, $4  }
0x285: {  	_ = 	snop  }
0x286: {  	s31 =	simm.s32 $0x14400  }
0x287: {  	s30 =	simm.s32 $0x14000;
	s17 =	simm.s32 $0x14800;
	[sflag:s23] =	ssyncset.done $0x0  }
0x288: {  	s9 =	smov.u32 s1;
	s7 =	simm.s32 $0x17000;
	[sflag:s23] =	ssyncadd.s32 $0xFFFFD800  }
0x289: {  	_ =	sfence.sel $0x180000  }
0x28a: {  	[bflag:$0x0] =	sbarrier.arrive $0xFFFF  }
0x28b: {  	_ =	strace $0x9000004A  }
0x28c: {  	s0 =	stileid.u32;
	[bflag:$0x2] =	sbarrier.arrive $0xFFFF  }
0x28d: {  	p0 =	sne.s32 s0, $0x0;
	s0 =	rddreg [dreg:$0x3]  }
0x28e: {  	s0 =	sadd.s32 @!p0 $0x100000, s0  }
0x28f: {  	[sflag:s0] =	ssyncadd.tile.s32 @!p0 $0x1;
	_ =	shalt  }
.Lfunc_end2:
_tile_overlayer_lowered:
.L_overlay_start_2:
0x290: {  	(tag) =	ssettag $0x2  }
0x291: {  	s0 =	rddreg [dreg:$0x0];
	s2 =	stileid.u32  }
0x292: {  	s1 =	rddreg [dreg:$0x1];
	p0 =	sne.s32 s2, $0x0  }
0x293: {  	s3 =	rddreg [dreg:$0x2];
	[bflag:$0x3] =	sbarrier.arrive $0xFFFF;
	s2 =	simm.s32 @!p0 $0x1C11  }
0x294: {  	[timem:s3], [sflag:s2] =	dma.local @!p0 [hbm:s0], s1  }
0x295: {  	s0 =	simm.s32 @!p0 $0x11  }
0x296: {  	_ =	swait.ge @!p0 [sflag:s0], s1  }
0x297: {  	s1 =	ssub.s32 @!p0 $0x0, s1;
	[sflag:s0] =	ssyncset.done @!p0 $0x0  }
0x298: {  	[sflag:s0] =	ssyncadd.s32 @!p0 s1  }
0x299: {  	[bflag:$0x3] =	sbarrier.arrive $0xFFFF  }
0x29a: {  	_ =	shalt  }

</sc_bundles>
